<compile_context>
chip_gen: v7x
topology: tpu7x:2x2x1
jax: 0.10.2.dev20260603
libtpu: 0.0.44.dev20260713+nightly
codegen_flags: <defaults>
</compile_context>

<pallas_src>
import functools

import jax
import jax.numpy as jnp
from jax import lax
from jax.experimental import pallas as pl
from jax.experimental.pallas import tpu as pltpu
from jax.experimental.pallas import tpu_sc as plsc

F32 = jnp.float32
I32 = jnp.int32

N = 50000
E = 800000
NODE_IN = 163
H = 64
HH = H // 2
G = 512

NPAD = 50176
EC = 400
E_PER_TILE = E // 16
E_CHUNKS = E_PER_TILE // EC
DEG_EC = 1000
NSLICE = NPAD // 16
PC = 784
P_CHUNKS = NSLICE // PC
GP = 520

_mesh = plsc.VectorSubcoreMesh(core_axis_name="c", subcore_axis_name="s")



@functools.partial(
    pl.kernel,
    out_type=jax.ShapeDtypeStruct((NPAD,), F32),
    mesh=_mesh,
    compiler_params=pltpu.CompilerParams(use_tc_tiling_on_sc=False),
    scratch_types=[
        pltpu.VMEM((DEG_EC,), I32),
        pltpu.VMEM((DEG_EC,), F32),
        pltpu.VMEM_SHARED((NPAD,), F32),
    ],
)
def _deg_kernel(ei_hbm, zeros1_hbm, ones_hbm, deg_hbm,
                didx_v, ones_v, acc_sh):
    cid = lax.axis_index("c")
    sid = lax.axis_index("s")

    @pl.when(cid == 0)
    def _():
        pltpu.sync_copy(zeros1_hbm, acc_sh.at[pl.ds(sid * NSLICE, NSLICE)])
        pltpu.sync_copy(ones_hbm, ones_v)

    plsc.subcore_barrier()

    @pl.when(cid == 0)
    def _():
        def body(i, carry):
            base = sid * E_PER_TILE + i * DEG_EC
            pltpu.sync_copy(ei_hbm.at[1, pl.ds(base, DEG_EC)], didx_v)
            pltpu.sync_copy(ones_v, acc_sh.at[didx_v], add=True)
            return carry

        lax.fori_loop(0, E_PER_TILE // DEG_EC, body, 0)

    plsc.subcore_barrier()

    @pl.when(cid == 0)
    def _():
        sl = pl.ds(sid * NSLICE, NSLICE)
        pltpu.sync_copy(acc_sh.at[sl], deg_hbm.at[sl])


@functools.partial(
    pl.kernel,
    out_type=(jax.ShapeDtypeStruct((NPAD, HH), F32),
              jax.ShapeDtypeStruct((NPAD, HH), F32)),
    mesh=_mesh,
    compiler_params=pltpu.CompilerParams(use_tc_tiling_on_sc=False),
    scratch_types=[
        pltpu.VMEM((EC,), I32),
        pltpu.VMEM((EC,), I32),
        pltpu.VMEM((EC,), I32),
        pltpu.VMEM((EC,), I32),
        pltpu.VMEM((EC,), I32),
        pltpu.VMEM((EC,), I32),
        pltpu.VMEM((EC,), I32),
        pltpu.VMEM((EC,), I32),
        pltpu.VMEM((EC, HH), F32),
        pltpu.VMEM((EC, HH), F32),
        pltpu.VMEM_SHARED((NPAD, HH), F32),
        pltpu.SemaphoreType.DMA,
        pltpu.SemaphoreType.DMA,
        pltpu.SemaphoreType.DMA,
        pltpu.SemaphoreType.DMA,
        pltpu.SemaphoreType.DMA,
        pltpu.SemaphoreType.DMA,
    ],
)
def _edge_kernel(ei_hbm, xsA_hbm, xsB_hbm, zeros2_hbm,
                 outA_hbm, outB_hbm,
                 sidx0, didx0, sidx1, didx1, sidx2, didx2, sidx3, didx3,
                 rows0, rows1, acc_sh,
                 isem0, isem1, isem2, isem3, gsem0, gsem1):
    cid = lax.axis_index("c")
    sid = lax.axis_index("s")
    pltpu.sync_copy(zeros2_hbm, acc_sh.at[pl.ds(sid * NSLICE, NSLICE)])
    plsc.subcore_barrier()

    sidx = (sidx0, sidx1, sidx2, sidx3)
    didx = (didx0, didx1, didx2, didx3)
    rows = (rows0, rows1)
    isem = (isem0, isem1, isem2, isem3)
    gsem = (gsem0, gsem1)

    def run(xs_hbm):
        def I(c, b):
            base = sid * E_PER_TILE + c * EC
            pltpu.async_copy(ei_hbm.at[0, pl.ds(base, EC)], sidx[b], isem[b])
            pltpu.async_copy(ei_hbm.at[1, pl.ds(base, EC)], didx[b], isem[b])

        def Iw(c, b):
            @pl.when(c < E_CHUNKS)
            def _():
                I(c, b)

        def Gstart(c, b, r):
            base = sid * E_PER_TILE + c * EC
            pltpu.make_async_copy(ei_hbm.at[0, pl.ds(base, EC)], sidx[b],
                                  isem[b]).wait()
            pltpu.make_async_copy(ei_hbm.at[1, pl.ds(base, EC)], didx[b],
                                  isem[b]).wait()
            pltpu.async_copy(xs_hbm.at[sidx[b]], rows[r], gsem[r])

        def S(c, b, r):
            pltpu.make_async_copy(xs_hbm.at[sidx[b]], rows[r],
                                  gsem[r]).wait()
            pltpu.sync_copy(rows[r], acc_sh.at[didx[b]], add=True)

        I(0, 0)
        I(1, 1)
        I(2, 2)
        Gstart(0, 0, 0)

        def body(p, carry):
            q = 4 * p
            I(q + 3, 3)
            Gstart(q + 1, 1, 1)
            S(q, 0, 0)
            I(q + 4, 0)
            Gstart(q + 2, 2, 0)
            S(q + 1, 1, 1)
            Iw(q + 5, 1)
            Gstart(q + 3, 3, 1)
            S(q + 2, 2, 0)
            Iw(q + 6, 2)
            Gstart(q + 4, 0, 0)
            S(q + 3, 3, 1)
            Iw(q + 7, 3)
            return carry

        lax.fori_loop(0, (E_CHUNKS - 1) // 4, body, 0)
        S(E_CHUNKS - 1, 0, 0)

    @pl.when(cid == 0)
    def _():
        run(xsA_hbm)

    @pl.when(cid == 1)
    def _():
        run(xsB_hbm)

    plsc.subcore_barrier()
    sl = pl.ds(sid * NSLICE, NSLICE)

    @pl.when(cid == 0)
    def _():
        pltpu.sync_copy(acc_sh.at[sl], outA_hbm.at[sl])

    @pl.when(cid == 1)
    def _():
        pltpu.sync_copy(acc_sh.at[sl], outB_hbm.at[sl])


@functools.partial(
    pl.kernel,
    out_type=(jax.ShapeDtypeStruct((G, HH), F32),
              jax.ShapeDtypeStruct((G, HH), F32),
              jax.ShapeDtypeStruct((G, HH), F32)),
    mesh=_mesh,
    compiler_params=pltpu.CompilerParams(use_tc_tiling_on_sc=False),
    scratch_types=[
        pltpu.VMEM((PC,), I32),
        pltpu.VMEM((PC, HH), F32),
        pltpu.VMEM((PC, HH), F32),
        pltpu.VMEM_SHARED((GP, HH), F32),
        pltpu.VMEM_SHARED((GP, HH), F32),
    ],
)
def _pool_kernel(hA_hbm, hB_hbm, batch_hbm, zeros2_hbm, ones_hbm,
                 sumsA_hbm, sumsB_hbm, cnt_hbm,
                 bidx_v, rows_v, ones_v, accP_sh, accC_sh):
    cid = lax.axis_index("c")
    sid = lax.axis_index("s")

    @pl.when(sid == 0)
    def _():
        pltpu.sync_copy(zeros2_hbm.at[pl.ds(0, GP)], accP_sh)
        pltpu.sync_copy(zeros2_hbm.at[pl.ds(0, GP)], accC_sh)

    pltpu.sync_copy(ones_hbm, ones_v)
    plsc.subcore_barrier()

    def run(h_hbm, do_cnt):
        def body(i, carry):
            r0 = sid * NSLICE + i * PC
            pltpu.sync_copy(batch_hbm.at[pl.ds(r0, PC)], bidx_v)
            pltpu.sync_copy(h_hbm.at[pl.ds(r0, PC)], rows_v)
            pltpu.sync_copy(rows_v, accP_sh.at[bidx_v], add=True)
            if do_cnt:
                pltpu.sync_copy(ones_v, accC_sh.at[bidx_v], add=True)
            return carry
        lax.fori_loop(0, P_CHUNKS, body, 0)

    @pl.when(cid == 0)
    def _():
        run(hA_hbm, True)

    @pl.when(cid == 1)
    def _():
        run(hB_hbm, False)

    plsc.subcore_barrier()

    @pl.when(sid == 0)
    def _():
        @pl.when(cid == 0)
        def _():
            pltpu.sync_copy(accP_sh.at[pl.ds(0, G)], sumsA_hbm)
            pltpu.sync_copy(accC_sh.at[pl.ds(0, G)], cnt_hbm)

        @pl.when(cid == 1)
        def _():
            pltpu.sync_copy(accP_sh.at[pl.ds(0, G)], sumsB_hbm)



RB = 1024
N_BLOCKS = NPAD // RB
PK = RB // 4
NP4 = NPAD // 4


def _leaky_tc(v):
    return jnp.where(v >= 0, v, 0.01 * v)


def _t0_body(xT_ref, W_ref, xwA_ref, xwB_ref):
    xw = lax.dot_general(xT_ref[...], W_ref[...], (((0,), (0,)), ((), ())),
                         preferred_element_type=F32)
    xwA_ref[...] = xw[:, :HH]
    xwB_ref[...] = xw[:, HH:]


_t0_call = pl.pallas_call(
    _t0_body,
    grid=(N_BLOCKS,),
    in_specs=[
        pl.BlockSpec((NODE_IN, RB), lambda i: (0, i)),
        pl.BlockSpec((NODE_IN, H), lambda i: (0, 0)),
    ],
    out_specs=[
        pl.BlockSpec((RB, HH), lambda i: (i, 0)),
        pl.BlockSpec((RB, HH), lambda i: (i, 0)),
    ],
    out_shape=[
        jax.ShapeDtypeStruct((NPAD, HH), F32),
        jax.ShapeDtypeStruct((NPAD, HH), F32),
    ],
)


def _t0b_body(xwA_ref, xwB_ref, dA4_ref, R_ref,
              xsA_ref, xsB_ref, dv_ref):
    degrep = jnp.dot(dA4_ref[...], R_ref[...],
                     preferred_element_type=F32)
    dv4 = lax.rsqrt(degrep + 1.0)
    xsA_ref[...] = xwA_ref[...] * dv4
    xsB_ref[...] = xwB_ref[...] * dv4
    dv_ref[...] = dv4


_t0b_call = pl.pallas_call(
    _t0b_body,
    grid=(N_BLOCKS,),
    in_specs=[pl.BlockSpec((PK, 128), lambda i: (i, 0))] * 2 + [
        pl.BlockSpec((PK, 4), lambda i: (i, 0)),
        pl.BlockSpec((4, 128), lambda i: (0, 0)),
    ],
    out_specs=[pl.BlockSpec((PK, 128), lambda i: (i, 0))] * 3,
    out_shape=[jax.ShapeDtypeStruct((NP4, 128), F32)] * 3,
)


def _t12_body(SA_ref, SB_ref, xA_ref, xB_ref, dv_ref,
              bA_ref, bB_ref, WAA_ref, WBA_ref, WAB_ref, WBB_ref,
              outA_ref, outB_ref):
    dv4 = dv_ref[...]
    hA = _leaky_tc(dv4 * (SA_ref[...] + xA_ref[...]) + bA_ref[...])
    hB = _leaky_tc(dv4 * (SB_ref[...] + xB_ref[...]) + bB_ref[...])
    xwA = (jnp.dot(hA, WAA_ref[...], preferred_element_type=F32)
           + jnp.dot(hB, WBA_ref[...], preferred_element_type=F32))
    xwB = (jnp.dot(hA, WAB_ref[...], preferred_element_type=F32)
           + jnp.dot(hB, WBB_ref[...], preferred_element_type=F32))
    outA_ref[...] = xwA * dv4
    outB_ref[...] = xwB * dv4


_t12_call = pl.pallas_call(
    _t12_body,
    grid=(N_BLOCKS,),
    in_specs=[pl.BlockSpec((PK, 128), lambda i: (i, 0))] * 5 + [
        pl.BlockSpec((1, 128), lambda i: (0, 0)),
        pl.BlockSpec((1, 128), lambda i: (0, 0)),
        pl.BlockSpec((128, 128), lambda i: (0, 0)),
        pl.BlockSpec((128, 128), lambda i: (0, 0)),
        pl.BlockSpec((128, 128), lambda i: (0, 0)),
        pl.BlockSpec((128, 128), lambda i: (0, 0)),
    ],
    out_specs=[pl.BlockSpec((PK, 128), lambda i: (i, 0))] * 2,
    out_shape=[jax.ShapeDtypeStruct((NP4, 128), F32)] * 2,
)


def _t3_body(SA_ref, SB_ref, xA_ref, xB_ref, dv_ref, bA_ref, bB_ref,
             hA_ref, hB_ref):
    dv4 = dv_ref[...]
    hA_ref[...] = _leaky_tc(dv4 * (SA_ref[...] + xA_ref[...]) + bA_ref[...])
    hB_ref[...] = _leaky_tc(dv4 * (SB_ref[...] + xB_ref[...]) + bB_ref[...])


_t3_call = pl.pallas_call(
    _t3_body,
    grid=(N_BLOCKS,),
    in_specs=[pl.BlockSpec((PK, 128), lambda i: (i, 0))] * 5 + [
        pl.BlockSpec((1, 128), lambda i: (0, 0)),
        pl.BlockSpec((1, 128), lambda i: (0, 0)),
    ],
    out_specs=[pl.BlockSpec((PK, 128), lambda i: (i, 0))] * 2,
    out_shape=[jax.ShapeDtypeStruct((NP4, 128), F32)] * 2,
)


def _head_body(sA_ref, sB_ref, cnt_ref,
               FAA_ref, FBA_ref, FAB_ref, FBB_ref, bfA_ref, bfB_ref,
               W2A_ref, W2B_ref, bf2_ref, out_ref):
    c = jnp.maximum(cnt_ref[...], 1.0)
    pA = sA_ref[...] / c
    pB = sB_ref[...] / c
    zA = _leaky_tc(jnp.dot(pA, FAA_ref[...], preferred_element_type=F32)
                   + jnp.dot(pB, FBA_ref[...], preferred_element_type=F32)
                   + bfA_ref[...])
    zB = _leaky_tc(jnp.dot(pA, FAB_ref[...], preferred_element_type=F32)
                   + jnp.dot(pB, FBB_ref[...], preferred_element_type=F32)
                   + bfB_ref[...])
    out_ref[...] = (jnp.dot(zA, W2A_ref[...], preferred_element_type=F32)
                    + jnp.dot(zB, W2B_ref[...], preferred_element_type=F32)
                    + bf2_ref[...])


_head_call = pl.pallas_call(
    _head_body,
    out_shape=jax.ShapeDtypeStruct((G // 4, 4), F32),
)



def kernel(x, edge_index, batch, W0, b0, W1, b1, W2, b2, Wf1, bf1, Wf2, bf2):
    xT = x.T
    batch_pad = jnp.concatenate(
        [batch, jnp.full((NPAD - N,), G, dtype=I32)])
    zeros2 = jnp.zeros((NSLICE, HH), dtype=F32)
    zeros1 = jnp.zeros((NSLICE,), dtype=F32)
    ones_d = jnp.ones((DEG_EC,), dtype=F32)
    ones_p = jnp.ones((PC, HH), dtype=F32)

    def pack(a):
        return a.reshape(NP4, 128)

    def unpack(a):
        return a.reshape(NPAD, HH)

    eye4 = jnp.eye(4, dtype=F32)

    def bd(M):
        return jnp.kron(eye4, M)

    def tile4(v):
        return jnp.tile(v, 4).reshape(1, 128)

    deg = _deg_kernel(edge_index, zeros1, ones_d)
    xwA, xwB = _t0_call(xT, W0)
    Rrep = jnp.kron(eye4, jnp.ones((1, HH), dtype=F32))
    xsA_p, xsB_p, dv_p = _t0b_call(pack(xwA), pack(xwB),
                                   deg.reshape(NP4, 4), Rrep)
    SA, SB = _edge_kernel(edge_index, unpack(xsA_p), unpack(xsB_p), zeros2)
    xsA_p, xsB_p = _t12_call(
        pack(SA), pack(SB), xsA_p, xsB_p, dv_p,
        tile4(b0[:HH]), tile4(b0[HH:]),
        bd(W1[:HH, :HH]), bd(W1[HH:, :HH]), bd(W1[:HH, HH:]), bd(W1[HH:, HH:]))
    SA, SB = _edge_kernel(edge_index, unpack(xsA_p), unpack(xsB_p), zeros2)
    xsA_p, xsB_p = _t12_call(
        pack(SA), pack(SB), xsA_p, xsB_p, dv_p,
        tile4(b1[:HH]), tile4(b1[HH:]),
        bd(W2[:HH, :HH]), bd(W2[HH:, :HH]), bd(W2[:HH, HH:]), bd(W2[HH:, HH:]))
    SA, SB = _edge_kernel(edge_index, unpack(xsA_p), unpack(xsB_p), zeros2)
    hA_p, hB_p = _t3_call(pack(SA), pack(SB), xsA_p, xsB_p, dv_p,
                          tile4(b2[:HH]), tile4(b2[HH:]))
    sumsA, sumsB, cntf = _pool_kernel(unpack(hA_p), unpack(hB_p), batch_pad,
                                      zeros2, ones_p)
    out4 = _head_call(
        sumsA.reshape(G // 4, 128), sumsB.reshape(G // 4, 128),
        cntf.reshape(G // 4, 128),
        bd(Wf1[:HH, :HH]), bd(Wf1[HH:, :HH]), bd(Wf1[:HH, HH:]),
        bd(Wf1[HH:, HH:]),
        tile4(bf1[:HH]), tile4(bf1[HH:]),
        bd(Wf2[:HH, :]), bd(Wf2[HH:, :]),
        bf2.reshape(1, 1))
    return out4.reshape(G)

# --- scband reference (transcript-rebuilt; emitter-appended) ---
"""Pipeline reference for scband-gcnnet-2370821947637 (READ-ONLY COPY).

The authoritative reference and input builder live on the scoring server;
editing this copy changes nothing except your own understanding.
"""

import jax, jax.numpy as jnp
import numpy as np

N = 50000
E = 800000
NODE_IN = 163
H = 64
G = 512


def setup_inputs(seed: int = 0) -> dict:
    key = jax.random.key(seed)
    ks = jax.random.split(key, 12)
    x = jax.random.normal(ks[0], (N, NODE_IN), dtype=jnp.float32)
    edge_index = jax.random.randint(ks[1], (2, E), 0, N, dtype=jnp.int32)
    batch = jnp.sort(jax.random.randint(ks[2], (N,), 0, G, dtype=jnp.int32))
    def lin(k, fan_in, fan_out):
        bound = 1.0 / np.sqrt(fan_in)
        kw, kb = jax.random.split(k)
        W = jax.random.uniform(kw, (fan_in, fan_out), minval=-bound, maxval=bound, dtype=jnp.float32)
        b = jax.random.uniform(kb, (fan_out,), minval=-bound, maxval=bound, dtype=jnp.float32)
        return W, b
    W0, b0 = lin(ks[3], NODE_IN, H)
    W1, b1 = lin(ks[4], H, H)
    W2, b2 = lin(ks[5], H, H)
    Wf1, bf1 = lin(ks[6], H, H)
    Wf2, bf2 = lin(ks[7], H, 1)
    return {"x": x, "edge_index": edge_index, "batch": batch,
            "W0": W0, "b0": b0, "W1": W1, "b1": b1, "W2": W2, "b2": b2,
            "Wf1": Wf1, "bf1": bf1, "Wf2": Wf2, "bf2": bf2}


def _leaky(v):
    return jnp.where(v >= 0, v, 0.01 * v)


def _gcn_layer(x, src, dst, norm, W, b, n):
    # GCNConv: x' = D^-1/2 (A+I) D^-1/2 (X W) + b
    xw = x @ W
    msg = jnp.take(xw, src, axis=0) * norm[:, None]
    out = jax.ops.segment_sum(msg, dst, num_segments=n)
    return out + b


def reference(x, edge_index, batch, W0, b0, W1, b1, W2, b2, Wf1, bf1, Wf2, bf2):
    n = x.shape[0]
    loops = jnp.arange(n, dtype=edge_index.dtype)
    src = jnp.concatenate([edge_index[0], loops])
    dst = jnp.concatenate([edge_index[1], loops])
    deg = jax.ops.segment_sum(jnp.ones_like(dst, dtype=x.dtype), dst, num_segments=n)
    dinv = jnp.where(deg > 0, jax.lax.rsqrt(deg), 0.0)
    norm = jnp.take(dinv, src) * jnp.take(dinv, dst)
    h = _leaky(_gcn_layer(x, src, dst, norm, W0, b0, n))
    h = _leaky(_gcn_layer(h, src, dst, norm, W1, b1, n))
    h = _leaky(_gcn_layer(h, src, dst, norm, W2, b2, n))
    # global mean pool over graphs
    sums = jax.ops.segment_sum(h, batch, num_segments=G)
    cnts = jax.ops.segment_sum(jnp.ones((n,), dtype=h.dtype), batch, num_segments=G)
    pooled = sums / jnp.maximum(cnts, 1.0)[:, None]
    z = _leaky(pooled @ Wf1 + bf1)
    out = (z @ Wf2 + bf2).squeeze(-1)
    return out

if __name__ == "__main__":
    import jax
    _d = setup_inputs()
    print(jax.jit(kernel)(*tuple(_d.values())))

</pallas_src>

<mosaic_0001>
#map = affine_map<(d0, d1) -> (0, 0)>
module attributes {stable_mosaic.version = 14 : i64} {
  func.func @_edge_kernel(%arg0: i32, %arg1: i32, %arg2: memref<2x800000xi32, #tpu.memory_space<hbm>>, %arg3: memref<50176x32xf32, #tpu.memory_space<hbm>>, %arg4: memref<50176x32xf32, #tpu.memory_space<hbm>>, %arg5: memref<3136x32xf32, #tpu.memory_space<hbm>>, %arg6: memref<50176x32xf32, #tpu.memory_space<hbm>>, %arg7: memref<50176x32xf32, #tpu.memory_space<hbm>>, %arg8: memref<400xi32, #tpu.memory_space<vmem>>, %arg9: memref<400xi32, #tpu.memory_space<vmem>>, %arg10: memref<400xi32, #tpu.memory_space<vmem>>, %arg11: memref<400xi32, #tpu.memory_space<vmem>>, %arg12: memref<400xi32, #tpu.memory_space<vmem>>, %arg13: memref<400xi32, #tpu.memory_space<vmem>>, %arg14: memref<400xi32, #tpu.memory_space<vmem>>, %arg15: memref<400xi32, #tpu.memory_space<vmem>>, %arg16: memref<400x32xf32, #tpu.memory_space<vmem>>, %arg17: memref<400x32xf32, #tpu.memory_space<vmem>>, %arg18: memref<50176x32xf32, #tpu.memory_space<vmem_shared>>, %arg19: memref<!tpu.dma_semaphore, #tpu.memory_space<semaphore_mem>>, %arg20: memref<!tpu.dma_semaphore, #tpu.memory_space<semaphore_mem>>, %arg21: memref<!tpu.dma_semaphore, #tpu.memory_space<semaphore_mem>>, %arg22: memref<!tpu.dma_semaphore, #tpu.memory_space<semaphore_mem>>, %arg23: memref<!tpu.dma_semaphore, #tpu.memory_space<semaphore_mem>>, %arg24: memref<!tpu.dma_semaphore, #tpu.memory_space<semaphore_mem>>) attributes {dimension_semantics = [#tpu.dimension_semantics<core_parallel>, #tpu.dimension_semantics<subcore_parallel>], iteration_bounds = array<i64: 2, 16>, scalar_prefetch = 0 : i64, scratch_operands = 17 : i64, tpu.core_type = #tpu.core_type<sc_vector_subcore>, window_params = [{transform_indices = #map}, {transform_indices = #map}, {transform_indices = #map}, {transform_indices = #map}, {transform_indices = #map}, {transform_indices = #map}]} {
    %mul3A = arith.constant 3136 : i32
    %mul3A_0 = arith.muli %arg1, %mul3A : i32
    "tpu.region"() ({
      %run_scoped3A = tpu.sem_alloc : memref<!tpu.dma_semaphore, #tpu.memory_space<semaphore_mem>>
      %dma_start3A = arith.constant 0 : i32
      %dma_start3A_21 = tpu.memref_slice %arg18[%mul3A_0, %dma_start3A] : memref<50176x32xf32, #tpu.memory_space<vmem_shared>> -> memref<3136x32xf32, #tpu.memory_space<vmem_shared>>
      tpu.enqueue_dma source(%arg5 : memref<3136x32xf32, #tpu.memory_space<hbm>>) target(%dma_start3A_21 : memref<3136x32xf32, #tpu.memory_space<vmem_shared>>) target_semaphore(%run_scoped3A : memref<!tpu.dma_semaphore, #tpu.memory_space<semaphore_mem>>)
      %dma_wait3A = arith.constant 0 : i32
      %dma_wait3A_22 = tpu.memref_slice %arg18[%mul3A_0, %dma_wait3A] : memref<50176x32xf32, #tpu.memory_space<vmem_shared>> -> memref<3136x32xf32, #tpu.memory_space<vmem_shared>>
      tpu.wait_dma2 semaphore(%run_scoped3A : memref<!tpu.dma_semaphore, #tpu.memory_space<semaphore_mem>>) src(%arg5 : memref<3136x32xf32, #tpu.memory_space<hbm>>) dst(%dma_wait3A_22 : memref<3136x32xf32, #tpu.memory_space<vmem_shared>>)
      tpu.yield
    }) : () -> ()
    %barrier3A = arith.constant 0 : index
    tpu.barrier barrier_id(%barrier3A)
    %eq3A = arith.constant 0 : i32
    %eq3A_1 = arith.cmpi eq, %arg0, %eq3A : i32
    %convert_element_type3A = arith.extui %eq3A_1 : i1 to i32
    %cond3A = arith.constant 0 : i32
    %cond3A_2 = arith.cmpi ne, %convert_element_type3A, %cond3A : i32
    scf.if %cond3A_2 {
      %mul3A_21 = arith.constant 50000 : i32
      %mul3A_22 = arith.muli %arg1, %mul3A_21 : i32
      %add3A = arith.constant 0 : i32
      %add3A_23 = arith.addi %mul3A_22, %add3A : i32
      %dma_start3A = arith.constant 0 : i32
      %dma_start3A_24 = tpu.memref_slice %arg2[%dma_start3A, %add3A_23] : memref<2x800000xi32, #tpu.memory_space<hbm>> -> memref<1x400xi32, #tpu.memory_space<hbm>>
      %dma_start3A_25 = tpu.memref_squeeze %dma_start3A_24 : memref<1x400xi32, #tpu.memory_space<hbm>> -> memref<400xi32, #tpu.memory_space<hbm>>
      %dma_start3A_26 = tpu.memref_slice %arg2[%dma_start3A, %add3A_23] : memref<2x800000xi32, #tpu.memory_space<hbm>> -> memref<1x400xi32, #tpu.memory_space<hbm>>
      %dma_start3A_27 = tpu.memref_squeeze %dma_start3A_26 : memref<1x400xi32, #tpu.memory_space<hbm>> -> memref<400xi32, #tpu.memory_space<hbm>>
      tpu.enqueue_dma source(%dma_start3A_27 : memref<400xi32, #tpu.memory_space<hbm>>) target(%arg8 : memref<400xi32, #tpu.memory_space<vmem>>) target_semaphore(%arg19 : memref<!tpu.dma_semaphore, #tpu.memory_space<semaphore_mem>>)
      %dma_start3A_28 = arith.constant 1 : i32
      %dma_start3A_29 = tpu.memref_slice %arg2[%dma_start3A_28, %add3A_23] : memref<2x800000xi32, #tpu.memory_space<hbm>> -> memref<1x400xi32, #tpu.memory_space<hbm>>
      %dma_start3A_30 = tpu.memref_squeeze %dma_start3A_29 : memref<1x400xi32, #tpu.memory_space<hbm>> -> memref<400xi32, #tpu.memory_space<hbm>>
      %dma_start3A_31 = tpu.memref_slice %arg2[%dma_start3A_28, %add3A_23] : memref<2x800000xi32, #tpu.memory_space<hbm>> -> memref<1x400xi32, #tpu.memory_space<hbm>>
      %dma_start3A_32 = tpu.memref_squeeze %dma_start3A_31 : memref<1x400xi32, #tpu.memory_space<hbm>> -> memref<400xi32, #tpu.memory_space<hbm>>
      tpu.enqueue_dma source(%dma_start3A_32 : memref<400xi32, #tpu.memory_space<hbm>>) target(%arg9 : memref<400xi32, #tpu.memory_space<vmem>>) target_semaphore(%arg19 : memref<!tpu.dma_semaphore, #tpu.memory_space<semaphore_mem>>)
      %mul3A_33 = arith.constant 50000 : i32
      %mul3A_34 = arith.muli %arg1, %mul3A_33 : i32
      %add3A_35 = arith.constant 400 : i32
      %add3A_36 = arith.addi %mul3A_34, %add3A_35 : i32
      %dma_start3A_37 = arith.constant 0 : i32
      %dma_start3A_38 = tpu.memref_slice %arg2[%dma_start3A_37, %add3A_36] : memref<2x800000xi32, #tpu.memory_space<hbm>> -> memref<1x400xi32, #tpu.memory_space<hbm>>
      %dma_start3A_39 = tpu.memref_squeeze %dma_start3A_38 : memref<1x400xi32, #tpu.memory_space<hbm>> -> memref<400xi32, #tpu.memory_space<hbm>>
      %dma_start3A_40 = tpu.memref_slice %arg2[%dma_start3A_37, %add3A_36] : memref<2x800000xi32, #tpu.memory_space<hbm>> -> memref<1x400xi32, #tpu.memory_space<hbm>>
      %dma_start3A_41 = tpu.memref_squeeze %dma_start3A_40 : memref<1x400xi32, #tpu.memory_space<hbm>> -> memref<400xi32, #tpu.memory_space<hbm>>
      tpu.enqueue_dma source(%dma_start3A_41 : memref<400xi32, #tpu.memory_space<hbm>>) target(%arg10 : memref<400xi32, #tpu.memory_space<vmem>>) target_semaphore(%arg20 : memref<!tpu.dma_semaphore, #tpu.memory_space<semaphore_mem>>)
      %dma_start3A_42 = arith.constant 1 : i32
      %dma_start3A_43 = tpu.memref_slice %arg2[%dma_start3A_42, %add3A_36] : memref<2x800000xi32, #tpu.memory_space<hbm>> -> memref<1x400xi32, #tpu.memory_space<hbm>>
      %dma_start3A_44 = tpu.memref_squeeze %dma_start3A_43 : memref<1x400xi32, #tpu.memory_space<hbm>> -> memref<400xi32, #tpu.memory_space<hbm>>
      %dma_start3A_45 = tpu.memref_slice %arg2[%dma_start3A_42, %add3A_36] : memref<2x800000xi32, #tpu.memory_space<hbm>> -> memref<1x400xi32, #tpu.memory_space<hbm>>
      %dma_start3A_46 = tpu.memref_squeeze %dma_start3A_45 : memref<1x400xi32, #tpu.memory_space<hbm>> -> memref<400xi32, #tpu.memory_space<hbm>>
      tpu.enqueue_dma source(%dma_start3A_46 : memref<400xi32, #tpu.memory_space<hbm>>) target(%arg11 : memref<400xi32, #tpu.memory_space<vmem>>) target_semaphore(%arg20 : memref<!tpu.dma_semaphore, #tpu.memory_space<semaphore_mem>>)
      %mul3A_47 = arith.constant 50000 : i32
      %mul3A_48 = arith.muli %arg1, %mul3A_47 : i32
      %add3A_49 = arith.constant 800 : i32
      %add3A_50 = arith.addi %mul3A_48, %add3A_49 : i32
      %dma_start3A_51 = arith.constant 0 : i32
      %dma_start3A_52 = tpu.memref_slice %arg2[%dma_start3A_51, %add3A_50] : memref<2x800000xi32, #tpu.memory_space<hbm>> -> memref<1x400xi32, #tpu.memory_space<hbm>>
      %dma_start3A_53 = tpu.memref_squeeze %dma_start3A_52 : memref<1x400xi32, #tpu.memory_space<hbm>> -> memref<400xi32, #tpu.memory_space<hbm>>
      %dma_start3A_54 = tpu.memref_slice %arg2[%dma_start3A_51, %add3A_50] : memref<2x800000xi32, #tpu.memory_space<hbm>> -> memref<1x400xi32, #tpu.memory_space<hbm>>
      %dma_start3A_55 = tpu.memref_squeeze %dma_start3A_54 : memref<1x400xi32, #tpu.memory_space<hbm>> -> memref<400xi32, #tpu.memory_space<hbm>>
      tpu.enqueue_dma source(%dma_start3A_55 : memref<400xi32, #tpu.memory_space<hbm>>) target(%arg12 : memref<400xi32, #tpu.memory_space<vmem>>) target_semaphore(%arg21 : memref<!tpu.dma_semaphore, #tpu.memory_space<semaphore_mem>>)
      %dma_start3A_56 = arith.constant 1 : i32
      %dma_start3A_57 = tpu.memref_slice %arg2[%dma_start3A_56, %add3A_50] : memref<2x800000xi32, #tpu.memory_space<hbm>> -> memref<1x400xi32, #tpu.memory_space<hbm>>
      %dma_start3A_58 = tpu.memref_squeeze %dma_start3A_57 : memref<1x400xi32, #tpu.memory_space<hbm>> -> memref<400xi32, #tpu.memory_space<hbm>>
      %dma_start3A_59 = tpu.memref_slice %arg2[%dma_start3A_56, %add3A_50] : memref<2x800000xi32, #tpu.memory_space<hbm>> -> memref<1x400xi32, #tpu.memory_space<hbm>>
      %dma_start3A_60 = tpu.memref_squeeze %dma_start3A_59 : memref<1x400xi32, #tpu.memory_space<hbm>> -> memref<400xi32, #tpu.memory_space<hbm>>
      tpu.enqueue_dma source(%dma_start3A_60 : memref<400xi32, #tpu.memory_space<hbm>>) target(%arg13 : memref<400xi32, #tpu.memory_space<vmem>>) target_semaphore(%arg21 : memref<!tpu.dma_semaphore, #tpu.memory_space<semaphore_mem>>)
      %mul3A_61 = arith.constant 50000 : i32
      %mul3A_62 = arith.muli %arg1, %mul3A_61 : i32
      %add3A_63 = arith.constant 0 : i32
      %add3A_64 = arith.addi %mul3A_62, %add3A_63 : i32
      %dma_wait3A = arith.constant 0 : i32
      %dma_wait3A_65 = tpu.memref_slice %arg2[%dma_wait3A, %add3A_64] : memref<2x800000xi32, #tpu.memory_space<hbm>> -> memref<1x400xi32, #tpu.memory_space<hbm>>
      %dma_wait3A_66 = tpu.memref_squeeze %dma_wait3A_65 : memref<1x400xi32, #tpu.memory_space<hbm>> -> memref<400xi32, #tpu.memory_space<hbm>>
      %dma_wait3A_67 = tpu.memref_slice %arg2[%dma_wait3A, %add3A_64] : memref<2x800000xi32, #tpu.memory_space<hbm>> -> memref<1x400xi32, #tpu.memory_space<hbm>>
      %dma_wait3A_68 = tpu.memref_squeeze %dma_wait3A_67 : memref<1x400xi32, #tpu.memory_space<hbm>> -> memref<400xi32, #tpu.memory_space<hbm>>
      tpu.wait_dma2 semaphore(%arg19 : memref<!tpu.dma_semaphore, #tpu.memory_space<semaphore_mem>>) src(%dma_wait3A_68 : memref<400xi32, #tpu.memory_space<hbm>>) dst(%arg8 : memref<400xi32, #tpu.memory_space<vmem>>)
      %dma_wait3A_69 = arith.constant 1 : i32
      %dma_wait3A_70 = tpu.memref_slice %arg2[%dma_wait3A_69, %add3A_64] : memref<2x800000xi32, #tpu.memory_space<hbm>> -> memref<1x400xi32, #tpu.memory_space<hbm>>
      %dma_wait3A_71 = tpu.memref_squeeze %dma_wait3A_70 : memref<1x400xi32, #tpu.memory_space<hbm>> -> memref<400xi32, #tpu.memory_space<hbm>>
      %dma_wait3A_72 = tpu.memref_slice %arg2[%dma_wait3A_69, %add3A_64] : memref<2x800000xi32, #tpu.memory_space<hbm>> -> memref<1x400xi32, #tpu.memory_space<hbm>>
      %dma_wait3A_73 = tpu.memref_squeeze %dma_wait3A_72 : memref<1x400xi32, #tpu.memory_space<hbm>> -> memref<400xi32, #tpu.memory_space<hbm>>
      tpu.wait_dma2 semaphore(%arg19 : memref<!tpu.dma_semaphore, #tpu.memory_space<semaphore_mem>>) src(%dma_wait3A_73 : memref<400xi32, #tpu.memory_space<hbm>>) dst(%arg9 : memref<400xi32, #tpu.memory_space<vmem>>)
      %dma_start3A_74 = arith.constant 0 : i32
      %dma_start3A_75 = arith.constant 0 : i32
      %dma_start3A_76 = tpu.memref_slice %arg3[%dma_start3A_74, %dma_start3A_75] : memref<50176x32xf32, #tpu.memory_space<hbm>> -> memref<50176x32xf32, #tpu.memory_space<hbm>>
      tpu.enqueue_indirect_dma source(%dma_start3A_76 : memref<50176x32xf32, #tpu.memory_space<hbm>>) target(%arg16 : memref<400x32xf32, #tpu.memory_space<vmem>>) offsets(%arg8 : memref<400xi32, #tpu.memory_space<vmem>>) semaphore(%arg23 : memref<!tpu.dma_semaphore, #tpu.memory_space<semaphore_mem>>)
      %scan3A = arith.constant 0 : i32
      %scan3A_77 = arith.constant 0 : i32
      %scan3A_78 = arith.constant 31 : i32
      %scan3A_79 = arith.addi %scan3A_77, %scan3A_78 : i32
      %scan3A_80 = arith.constant 1 : i32
      scf.for %scan3A_85 = %scan3A_77 to %scan3A_79 step %scan3A_80  : i32 {
        %mul3A_86 = arith.constant 4 : i32
        %mul3A_87 = arith.muli %mul3A_86, %scan3A_85 : i32
        %add3A_88 = arith.constant 3 : i32
        %add3A_89 = arith.addi %mul3A_87, %add3A_88 : i32
        %mul3A_90 = arith.constant 50000 : i32
        %mul3A_91 = arith.muli %arg1, %mul3A_90 : i32
        %mul3A_92 = arith.constant 400 : i32
        %mul3A_93 = arith.muli %add3A_89, %mul3A_92 : i32
        %add3A_94 = arith.addi %mul3A_91, %mul3A_93 : i32
        %dma_start3A_95 = arith.constant 0 : i32
        %dma_start3A_96 = tpu.memref_slice %arg2[%dma_start3A_95, %add3A_94] : memref<2x800000xi32, #tpu.memory_space<hbm>> -> memref<1x400xi32, #tpu.memory_space<hbm>>
        %dma_start3A_97 = tpu.memref_squeeze %dma_start3A_96 : memref<1x400xi32, #tpu.memory_space<hbm>> -> memref<400xi32, #tpu.memory_space<hbm>>
        %dma_start3A_98 = tpu.memref_slice %arg2[%dma_start3A_95, %add3A_94] : memref<2x800000xi32, #tpu.memory_space<hbm>> -> memref<1x400xi32, #tpu.memory_space<hbm>>
        %dma_start3A_99 = tpu.memref_squeeze %dma_start3A_98 : memref<1x400xi32, #tpu.memory_space<hbm>> -> memref<400xi32, #tpu.memory_space<hbm>>
        tpu.enqueue_dma source(%dma_start3A_99 : memref<400xi32, #tpu.memory_space<hbm>>) target(%arg14 : memref<400xi32, #tpu.memory_space<vmem>>) target_semaphore(%arg22 : memref<!tpu.dma_semaphore, #tpu.memory_space<semaphore_mem>>)
        %dma_start3A_100 = arith.constant 1 : i32
        %dma_start3A_101 = tpu.memref_slice %arg2[%dma_start3A_100, %add3A_94] : memref<2x800000xi32, #tpu.memory_space<hbm>> -> memref<1x400xi32, #tpu.memory_space<hbm>>
        %dma_start3A_102 = tpu.memref_squeeze %dma_start3A_101 : memref<1x400xi32, #tpu.memory_space<hbm>> -> memref<400xi32, #tpu.memory_space<hbm>>
        %dma_start3A_103 = tpu.memref_slice %arg2[%dma_start3A_100, %add3A_94] : memref<2x800000xi32, #tpu.memory_space<hbm>> -> memref<1x400xi32, #tpu.memory_space<hbm>>
        %dma_start3A_104 = tpu.memref_squeeze %dma_start3A_103 : memref<1x400xi32, #tpu.memory_space<hbm>> -> memref<400xi32, #tpu.memory_space<hbm>>
        tpu.enqueue_dma source(%dma_start3A_104 : memref<400xi32, #tpu.memory_space<hbm>>) target(%arg15 : memref<400xi32, #tpu.memory_space<vmem>>) target_semaphore(%arg22 : memref<!tpu.dma_semaphore, #tpu.memory_space<semaphore_mem>>)
        %add3A_105 = arith.constant 1 : i32
        %add3A_106 = arith.addi %mul3A_87, %add3A_105 : i32
        %mul3A_107 = arith.constant 50000 : i32
        %mul3A_108 = arith.muli %arg1, %mul3A_107 : i32
        %mul3A_109 = arith.constant 400 : i32
        %mul3A_110 = arith.muli %add3A_106, %mul3A_109 : i32
        %add3A_111 = arith.addi %mul3A_108, %mul3A_110 : i32
        %dma_wait3A_112 = arith.constant 0 : i32
        %dma_wait3A_113 = tpu.memref_slice %arg2[%dma_wait3A_112, %add3A_111] : memref<2x800000xi32, #tpu.memory_space<hbm>> -> memref<1x400xi32, #tpu.memory_space<hbm>>
        %dma_wait3A_114 = tpu.memref_squeeze %dma_wait3A_113 : memref<1x400xi32, #tpu.memory_space<hbm>> -> memref<400xi32, #tpu.memory_space<hbm>>
        %dma_wait3A_115 = tpu.memref_slice %arg2[%dma_wait3A_112, %add3A_111] : memref<2x800000xi32, #tpu.memory_space<hbm>> -> memref<1x400xi32, #tpu.memory_space<hbm>>
        %dma_wait3A_116 = tpu.memref_squeeze %dma_wait3A_115 : memref<1x400xi32, #tpu.memory_space<hbm>> -> memref<400xi32, #tpu.memory_space<hbm>>
        tpu.wait_dma2 semaphore(%arg20 : memref<!tpu.dma_semaphore, #tpu.memory_space<semaphore_mem>>) src(%dma_wait3A_116 : memref<400xi32, #tpu.memory_space<hbm>>) dst(%arg10 : memref<400xi32, #tpu.memory_space<vmem>>)
        %dma_wait3A_117 = arith.constant 1 : i32
        %dma_wait3A_118 = tpu.memref_slice %arg2[%dma_wait3A_117, %add3A_111] : memref<2x800000xi32, #tpu.memory_space<hbm>> -> memref<1x400xi32, #tpu.memory_space<hbm>>
        %dma_wait3A_119 = tpu.memref_squeeze %dma_wait3A_118 : memref<1x400xi32, #tpu.memory_space<hbm>> -> memref<400xi32, #tpu.memory_space<hbm>>
        %dma_wait3A_120 = tpu.memref_slice %arg2[%dma_wait3A_117, %add3A_111] : memref<2x800000xi32, #tpu.memory_space<hbm>> -> memref<1x400xi32, #tpu.memory_space<hbm>>
        %dma_wait3A_121 = tpu.memref_squeeze %dma_wait3A_120 : memref<1x400xi32, #tpu.memory_space<hbm>> -> memref<400xi32, #tpu.memory_space<hbm>>
        tpu.wait_dma2 semaphore(%arg20 : memref<!tpu.dma_semaphore, #tpu.memory_space<semaphore_mem>>) src(%dma_wait3A_121 : memref<400xi32, #tpu.memory_space<hbm>>) dst(%arg11 : memref<400xi32, #tpu.memory_space<vmem>>)
        %dma_start3A_122 = arith.constant 0 : i32
        %dma_start3A_123 = arith.constant 0 : i32
        %dma_start3A_124 = tpu.memref_slice %arg3[%dma_start3A_122, %dma_start3A_123] : memref<50176x32xf32, #tpu.memory_space<hbm>> -> memref<50176x32xf32, #tpu.memory_space<hbm>>
        tpu.enqueue_indirect_dma source(%dma_start3A_124 : memref<50176x32xf32, #tpu.memory_space<hbm>>) target(%arg17 : memref<400x32xf32, #tpu.memory_space<vmem>>) offsets(%arg10 : memref<400xi32, #tpu.memory_space<vmem>>) semaphore(%arg24 : memref<!tpu.dma_semaphore, #tpu.memory_space<semaphore_mem>>)
        %dma_wait3A_125 = arith.constant 0 : i32
        %dma_wait3A_126 = arith.constant 0 : i32
        %dma_wait3A_127 = tpu.memref_slice %arg3[%dma_wait3A_125, %dma_wait3A_126] : memref<50176x32xf32, #tpu.memory_space<hbm>> -> memref<50176x32xf32, #tpu.memory_space<hbm>>
        tpu.wait_indirect_dma semaphore(%arg23 : memref<!tpu.dma_semaphore, #tpu.memory_space<semaphore_mem>>) src(%dma_wait3A_127 : memref<50176x32xf32, #tpu.memory_space<hbm>>) dst(%arg16 : memref<400x32xf32, #tpu.memory_space<vmem>>)
        "tpu.region"() ({
          %run_scoped3A = tpu.sem_alloc : memref<!tpu.dma_semaphore, #tpu.memory_space<semaphore_mem>>
          %dma_start3A_240 = arith.constant 0 : i32
          %dma_start3A_241 = arith.constant 0 : i32
          %dma_start3A_242 = tpu.memref_slice %arg18[%dma_start3A_240, %dma_start3A_241] : memref<50176x32xf32, #tpu.memory_space<vmem_shared>> -> memref<50176x32xf32, #tpu.memory_space<vmem_shared>>
          tpu.enqueue_indirect_dma source(%arg16 : memref<400x32xf32, #tpu.memory_space<vmem>>) target(%dma_start3A_242 : memref<50176x32xf32, #tpu.memory_space<vmem_shared>>) offsets(%arg9 : memref<400xi32, #tpu.memory_space<vmem>>) semaphore(%run_scoped3A : memref<!tpu.dma_semaphore, #tpu.memory_space<semaphore_mem>>) {add = true}
          %dma_wait3A_243 = arith.constant 0 : i32
          %dma_wait3A_244 = arith.constant 0 : i32
          %dma_wait3A_245 = tpu.memref_slice %arg18[%dma_wait3A_243, %dma_wait3A_244] : memref<50176x32xf32, #tpu.memory_space<vmem_shared>> -> memref<50176x32xf32, #tpu.memory_space<vmem_shared>>
          tpu.wait_indirect_dma semaphore(%run_scoped3A : memref<!tpu.dma_semaphore, #tpu.memory_space<semaphore_mem>>) src(%arg16 : memref<400x32xf32, #tpu.memory_space<vmem>>) dst(%dma_wait3A_245 : memref<50176x32xf32, #tpu.memory_space<vmem_shared>>)
          tpu.yield
        }) : () -> ()
        %add3A_128 = arith.constant 4 : i32
        %add3A_129 = arith.addi %mul3A_87, %add3A_128 : i32
        %mul3A_130 = arith.constant 50000 : i32
        %mul3A_131 = arith.muli %arg1, %mul3A_130 : i32
        %mul3A_132 = arith.constant 400 : i32
        %mul3A_133 = arith.muli %add3A_129, %mul3A_132 : i32
        %add3A_134 = arith.addi %mul3A_131, %mul3A_133 : i32
        %dma_start3A_135 = arith.constant 0 : i32
        %dma_start3A_136 = tpu.memref_slice %arg2[%dma_start3A_135, %add3A_134] : memref<2x800000xi32, #tpu.memory_space<hbm>> -> memref<1x400xi32, #tpu.memory_space<hbm>>
        %dma_start3A_137 = tpu.memref_squeeze %dma_start3A_136 : memref<1x400xi32, #tpu.memory_space<hbm>> -> memref<400xi32, #tpu.memory_space<hbm>>
        %dma_start3A_138 = tpu.memref_slice %arg2[%dma_start3A_135, %add3A_134] : memref<2x800000xi32, #tpu.memory_space<hbm>> -> memref<1x400xi32, #tpu.memory_space<hbm>>
        %dma_start3A_139 = tpu.memref_squeeze %dma_start3A_138 : memref<1x400xi32, #tpu.memory_space<hbm>> -> memref<400xi32, #tpu.memory_space<hbm>>
        tpu.enqueue_dma source(%dma_start3A_139 : memref<400xi32, #tpu.memory_space<hbm>>) target(%arg8 : memref<400xi32, #tpu.memory_space<vmem>>) target_semaphore(%arg19 : memref<!tpu.dma_semaphore, #tpu.memory_space<semaphore_mem>>)
        %dma_start3A_140 = arith.constant 1 : i32
        %dma_start3A_141 = tpu.memref_slice %arg2[%dma_start3A_140, %add3A_134] : memref<2x800000xi32, #tpu.memory_space<hbm>> -> memref<1x400xi32, #tpu.memory_space<hbm>>
        %dma_start3A_142 = tpu.memref_squeeze %dma_start3A_141 : memref<1x400xi32, #tpu.memory_space<hbm>> -> memref<400xi32, #tpu.memory_space<hbm>>
        %dma_start3A_143 = tpu.memref_slice %arg2[%dma_start3A_140, %add3A_134] : memref<2x800000xi32, #tpu.memory_space<hbm>> -> memref<1x400xi32, #tpu.memory_space<hbm>>
        %dma_start3A_144 = tpu.memref_squeeze %dma_start3A_143 : memref<1x400xi32, #tpu.memory_space<hbm>> -> memref<400xi32, #tpu.memory_space<hbm>>
        tpu.enqueue_dma source(%dma_start3A_144 : memref<400xi32, #tpu.memory_space<hbm>>) target(%arg9 : memref<400xi32, #tpu.memory_space<vmem>>) target_semaphore(%arg19 : memref<!tpu.dma_semaphore, #tpu.memory_space<semaphore_mem>>)
        %add3A_145 = arith.constant 2 : i32
        %add3A_146 = arith.addi %mul3A_87, %add3A_145 : i32
        %mul3A_147 = arith.constant 50000 : i32
        %mul3A_148 = arith.muli %arg1, %mul3A_147 : i32
        %mul3A_149 = arith.constant 400 : i32
        %mul3A_150 = arith.muli %add3A_146, %mul3A_149 : i32
        %add3A_151 = arith.addi %mul3A_148, %mul3A_150 : i32
        %dma_wait3A_152 = arith.constant 0 : i32
        %dma_wait3A_153 = tpu.memref_slice %arg2[%dma_wait3A_152, %add3A_151] : memref<2x800000xi32, #tpu.memory_space<hbm>> -> memref<1x400xi32, #tpu.memory_space<hbm>>
        %dma_wait3A_154 = tpu.memref_squeeze %dma_wait3A_153 : memref<1x400xi32, #tpu.memory_space<hbm>> -> memref<400xi32, #tpu.memory_space<hbm>>
        %dma_wait3A_155 = tpu.memref_slice %arg2[%dma_wait3A_152, %add3A_151] : memref<2x800000xi32, #tpu.memory_space<hbm>> -> memref<1x400xi32, #tpu.memory_space<hbm>>
        %dma_wait3A_156 = tpu.memref_squeeze %dma_wait3A_155 : memref<1x400xi32, #tpu.memory_space<hbm>> -> memref<400xi32, #tpu.memory_space<hbm>>
        tpu.wait_dma2 semaphore(%arg21 : memref<!tpu.dma_semaphore, #tpu.memory_space<semaphore_mem>>) src(%dma_wait3A_156 : memref<400xi32, #tpu.memory_space<hbm>>) dst(%arg12 : memref<400xi32, #tpu.memory_space<vmem>>)
        %dma_wait3A_157 = arith.constant 1 : i32
        %dma_wait3A_158 = tpu.memref_slice %arg2[%dma_wait3A_157, %add3A_151] : memref<2x800000xi32, #tpu.memory_space<hbm>> -> memref<1x400xi32, #tpu.memory_space<hbm>>
        %dma_wait3A_159 = tpu.memref_squeeze %dma_wait3A_158 : memref<1x400xi32, #tpu.memory_space<hbm>> -> memref<400xi32, #tpu.memory_space<hbm>>
        %dma_wait3A_160 = tpu.memref_slice %arg2[%dma_wait3A_157, %add3A_151] : memref<2x800000xi32, #tpu.memory_space<hbm>> -> memref<1x400xi32, #tpu.memory_space<hbm>>
        %dma_wait3A_161 = tpu.memref_squeeze %dma_wait3A_160 : memref<1x400xi32, #tpu.memory_space<hbm>> -> memref<400xi32, #tpu.memory_space<hbm>>
        tpu.wait_dma2 semaphore(%arg21 : memref<!tpu.dma_semaphore, #tpu.memory_space<semaphore_mem>>) src(%dma_wait3A_161 : memref<400xi32, #tpu.memory_space<hbm>>) dst(%arg13 : memref<400xi32, #tpu.memory_space<vmem>>)
        %dma_start3A_162 = arith.constant 0 : i32
        %dma_start3A_163 = arith.constant 0 : i32
        %dma_start3A_164 = tpu.memref_slice %arg3[%dma_start3A_162, %dma_start3A_163] : memref<50176x32xf32, #tpu.memory_space<hbm>> -> memref<50176x32xf32, #tpu.memory_space<hbm>>
        tpu.enqueue_indirect_dma source(%dma_start3A_164 : memref<50176x32xf32, #tpu.memory_space<hbm>>) target(%arg16 : memref<400x32xf32, #tpu.memory_space<vmem>>) offsets(%arg12 : memref<400xi32, #tpu.memory_space<vmem>>) semaphore(%arg23 : memref<!tpu.dma_semaphore, #tpu.memory_space<semaphore_mem>>)
        %add3A_165 = arith.constant 1 : i32
        %add3A_166 = arith.addi %mul3A_87, %add3A_165 : i32
        %dma_wait3A_167 = arith.constant 0 : i32
        %dma_wait3A_168 = arith.constant 0 : i32
        %dma_wait3A_169 = tpu.memref_slice %arg3[%dma_wait3A_167, %dma_wait3A_168] : memref<50176x32xf32, #tpu.memory_space<hbm>> -> memref<50176x32xf32, #tpu.memory_space<hbm>>
        tpu.wait_indirect_dma semaphore(%arg24 : memref<!tpu.dma_semaphore, #tpu.memory_space<semaphore_mem>>) src(%dma_wait3A_169 : memref<50176x32xf32, #tpu.memory_space<hbm>>) dst(%arg17 : memref<400x32xf32, #tpu.memory_space<vmem>>)
        "tpu.region"() ({
          %run_scoped3A = tpu.sem_alloc : memref<!tpu.dma_semaphore, #tpu.memory_space<semaphore_mem>>
          %dma_start3A_240 = arith.constant 0 : i32
          %dma_start3A_241 = arith.constant 0 : i32
          %dma_start3A_242 = tpu.memref_slice %arg18[%dma_start3A_240, %dma_start3A_241] : memref<50176x32xf32, #tpu.memory_space<vmem_shared>> -> memref<50176x32xf32, #tpu.memory_space<vmem_shared>>
          tpu.enqueue_indirect_dma source(%arg17 : memref<400x32xf32, #tpu.memory_space<vmem>>) target(%dma_start3A_242 : memref<50176x32xf32, #tpu.memory_space<vmem_shared>>) offsets(%arg11 : memref<400xi32, #tpu.memory_space<vmem>>) semaphore(%run_scoped3A : memref<!tpu.dma_semaphore, #tpu.memory_space<semaphore_mem>>) {add = true}
          %dma_wait3A_243 = arith.constant 0 : i32
          %dma_wait3A_244 = arith.constant 0 : i32
          %dma_wait3A_245 = tpu.memref_slice %arg18[%dma_wait3A_243, %dma_wait3A_244] : memref<50176x32xf32, #tpu.memory_space<vmem_shared>> -> memref<50176x32xf32, #tpu.memory_space<vmem_shared>>
          tpu.wait_indirect_dma semaphore(%run_scoped3A : memref<!tpu.dma_semaphore, #tpu.memory_space<semaphore_mem>>) src(%arg17 : memref<400x32xf32, #tpu.memory_space<vmem>>) dst(%dma_wait3A_245 : memref<50176x32xf32, #tpu.memory_space<vmem_shared>>)
          tpu.yield
        }) : () -> ()
        %add3A_170 = arith.constant 5 : i32
        %add3A_171 = arith.addi %mul3A_87, %add3A_170 : i32
        %lt3A = arith.constant 125 : i32
        %lt3A_172 = arith.cmpi slt, %add3A_171, %lt3A : i32
        %convert_element_type3A_173 = arith.extui %lt3A_172 : i1 to i32
        %cond3A_174 = arith.constant 0 : i32
        %cond3A_175 = arith.cmpi ne, %convert_element_type3A_173, %cond3A_174 : i32
        scf.if %cond3A_175 {
          %mul3A_240 = arith.constant 50000 : i32
          %mul3A_241 = arith.muli %arg1, %mul3A_240 : i32
          %mul3A_242 = arith.constant 400 : i32
          %mul3A_243 = arith.muli %add3A_171, %mul3A_242 : i32
          %add3A_244 = arith.addi %mul3A_241, %mul3A_243 : i32
          %dma_start3A_245 = arith.constant 0 : i32
          %dma_start3A_246 = tpu.memref_slice %arg2[%dma_start3A_245, %add3A_244] : memref<2x800000xi32, #tpu.memory_space<hbm>> -> memref<1x400xi32, #tpu.memory_space<hbm>>
          %dma_start3A_247 = tpu.memref_squeeze %dma_start3A_246 : memref<1x400xi32, #tpu.memory_space<hbm>> -> memref<400xi32, #tpu.memory_space<hbm>>
          %dma_start3A_248 = tpu.memref_slice %arg2[%dma_start3A_245, %add3A_244] : memref<2x800000xi32, #tpu.memory_space<hbm>> -> memref<1x400xi32, #tpu.memory_space<hbm>>
          %dma_start3A_249 = tpu.memref_squeeze %dma_start3A_248 : memref<1x400xi32, #tpu.memory_space<hbm>> -> memref<400xi32, #tpu.memory_space<hbm>>
          tpu.enqueue_dma source(%dma_start3A_249 : memref<400xi32, #tpu.memory_space<hbm>>) target(%arg10 : memref<400xi32, #tpu.memory_space<vmem>>) target_semaphore(%arg20 : memref<!tpu.dma_semaphore, #tpu.memory_space<semaphore_mem>>)
          %dma_start3A_250 = arith.constant 1 : i32
          %dma_start3A_251 = tpu.memref_slice %arg2[%dma_start3A_250, %add3A_244] : memref<2x800000xi32, #tpu.memory_space<hbm>> -> memref<1x400xi32, #tpu.memory_space<hbm>>
          %dma_start3A_252 = tpu.memref_squeeze %dma_start3A_251 : memref<1x400xi32, #tpu.memory_space<hbm>> -> memref<400xi32, #tpu.memory_space<hbm>>
          %dma_start3A_253 = tpu.memref_slice %arg2[%dma_start3A_250, %add3A_244] : memref<2x800000xi32, #tpu.memory_space<hbm>> -> memref<1x400xi32, #tpu.memory_space<hbm>>
          %dma_start3A_254 = tpu.memref_squeeze %dma_start3A_253 : memref<1x400xi32, #tpu.memory_space<hbm>> -> memref<400xi32, #tpu.memory_space<hbm>>
          tpu.enqueue_dma source(%dma_start3A_254 : memref<400xi32, #tpu.memory_space<hbm>>) target(%arg11 : memref<400xi32, #tpu.memory_space<vmem>>) target_semaphore(%arg20 : memref<!tpu.dma_semaphore, #tpu.memory_space<semaphore_mem>>)
        } else {
        }
        %add3A_176 = arith.constant 3 : i32
        %add3A_177 = arith.addi %mul3A_87, %add3A_176 : i32
        %mul3A_178 = arith.constant 50000 : i32
        %mul3A_179 = arith.muli %arg1, %mul3A_178 : i32
        %mul3A_180 = arith.constant 400 : i32
        %mul3A_181 = arith.muli %add3A_177, %mul3A_180 : i32
        %add3A_182 = arith.addi %mul3A_179, %mul3A_181 : i32
        %dma_wait3A_183 = arith.constant 0 : i32
        %dma_wait3A_184 = tpu.memref_slice %arg2[%dma_wait3A_183, %add3A_182] : memref<2x800000xi32, #tpu.memory_space<hbm>> -> memref<1x400xi32, #tpu.memory_space<hbm>>
        %dma_wait3A_185 = tpu.memref_squeeze %dma_wait3A_184 : memref<1x400xi32, #tpu.memory_space<hbm>> -> memref<400xi32, #tpu.memory_space<hbm>>
        %dma_wait3A_186 = tpu.memref_slice %arg2[%dma_wait3A_183, %add3A_182] : memref<2x800000xi32, #tpu.memory_space<hbm>> -> memref<1x400xi32, #tpu.memory_space<hbm>>
        %dma_wait3A_187 = tpu.memref_squeeze %dma_wait3A_186 : memref<1x400xi32, #tpu.memory_space<hbm>> -> memref<400xi32, #tpu.memory_space<hbm>>
        tpu.wait_dma2 semaphore(%arg22 : memref<!tpu.dma_semaphore, #tpu.memory_space<semaphore_mem>>) src(%dma_wait3A_187 : memref<400xi32, #tpu.memory_space<hbm>>) dst(%arg14 : memref<400xi32, #tpu.memory_space<vmem>>)
        %dma_wait3A_188 = arith.constant 1 : i32
        %dma_wait3A_189 = tpu.memref_slice %arg2[%dma_wait3A_188, %add3A_182] : memref<2x800000xi32, #tpu.memory_space<hbm>> -> memref<1x400xi32, #tpu.memory_space<hbm>>
        %dma_wait3A_190 = tpu.memref_squeeze %dma_wait3A_189 : memref<1x400xi32, #tpu.memory_space<hbm>> -> memref<400xi32, #tpu.memory_space<hbm>>
        %dma_wait3A_191 = tpu.memref_slice %arg2[%dma_wait3A_188, %add3A_182] : memref<2x800000xi32, #tpu.memory_space<hbm>> -> memref<1x400xi32, #tpu.memory_space<hbm>>
        %dma_wait3A_192 = tpu.memref_squeeze %dma_wait3A_191 : memref<1x400xi32, #tpu.memory_space<hbm>> -> memref<400xi32, #tpu.memory_space<hbm>>
        tpu.wait_dma2 semaphore(%arg22 : memref<!tpu.dma_semaphore, #tpu.memory_space<semaphore_mem>>) src(%dma_wait3A_192 : memref<400xi32, #tpu.memory_space<hbm>>) dst(%arg15 : memref<400xi32, #tpu.memory_space<vmem>>)
        %dma_start3A_193 = arith.constant 0 : i32
        %dma_start3A_194 = arith.constant 0 : i32
        %dma_start3A_195 = tpu.memref_slice %arg3[%dma_start3A_193, %dma_start3A_194] : memref<50176x32xf32, #tpu.memory_space<hbm>> -> memref<50176x32xf32, #tpu.memory_space<hbm>>
        tpu.enqueue_indirect_dma source(%dma_start3A_195 : memref<50176x32xf32, #tpu.memory_space<hbm>>) target(%arg17 : memref<400x32xf32, #tpu.memory_space<vmem>>) offsets(%arg14 : memref<400xi32, #tpu.memory_space<vmem>>) semaphore(%arg24 : memref<!tpu.dma_semaphore, #tpu.memory_space<semaphore_mem>>)
        %add3A_196 = arith.constant 2 : i32
        %add3A_197 = arith.addi %mul3A_87, %add3A_196 : i32
        %dma_wait3A_198 = arith.constant 0 : i32
        %dma_wait3A_199 = arith.constant 0 : i32
        %dma_wait3A_200 = tpu.memref_slice %arg3[%dma_wait3A_198, %dma_wait3A_199] : memref<50176x32xf32, #tpu.memory_space<hbm>> -> memref<50176x32xf32, #tpu.memory_space<hbm>>
        tpu.wait_indirect_dma semaphore(%arg23 : memref<!tpu.dma_semaphore, #tpu.memory_space<semaphore_mem>>) src(%dma_wait3A_200 : memref<50176x32xf32, #tpu.memory_space<hbm>>) dst(%arg16 : memref<400x32xf32, #tpu.memory_space<vmem>>)
        "tpu.region"() ({
          %run_scoped3A = tpu.sem_alloc : memref<!tpu.dma_semaphore, #tpu.memory_space<semaphore_mem>>
          %dma_start3A_240 = arith.constant 0 : i32
          %dma_start3A_241 = arith.constant 0 : i32
          %dma_start3A_242 = tpu.memref_slice %arg18[%dma_start3A_240, %dma_start3A_241] : memref<50176x32xf32, #tpu.memory_space<vmem_shared>> -> memref<50176x32xf32, #tpu.memory_space<vmem_shared>>
          tpu.enqueue_indirect_dma source(%arg16 : memref<400x32xf32, #tpu.memory_space<vmem>>) target(%dma_start3A_242 : memref<50176x32xf32, #tpu.memory_space<vmem_shared>>) offsets(%arg13 : memref<400xi32, #tpu.memory_space<vmem>>) semaphore(%run_scoped3A : memref<!tpu.dma_semaphore, #tpu.memory_space<semaphore_mem>>) {add = true}
          %dma_wait3A_243 = arith.constant 0 : i32
          %dma_wait3A_244 = arith.constant 0 : i32
          %dma_wait3A_245 = tpu.memref_slice %arg18[%dma_wait3A_243, %dma_wait3A_244] : memref<50176x32xf32, #tpu.memory_space<vmem_shared>> -> memref<50176x32xf32, #tpu.memory_space<vmem_shared>>
          tpu.wait_indirect_dma semaphore(%run_scoped3A : memref<!tpu.dma_semaphore, #tpu.memory_space<semaphore_mem>>) src(%arg16 : memref<400x32xf32, #tpu.memory_space<vmem>>) dst(%dma_wait3A_245 : memref<50176x32xf32, #tpu.memory_space<vmem_shared>>)
          tpu.yield
        }) : () -> ()
        %add3A_201 = arith.constant 6 : i32
        %add3A_202 = arith.addi %mul3A_87, %add3A_201 : i32
        %lt3A_203 = arith.constant 125 : i32
        %lt3A_204 = arith.cmpi slt, %add3A_202, %lt3A_203 : i32
        %convert_element_type3A_205 = arith.extui %lt3A_204 : i1 to i32
        %cond3A_206 = arith.constant 0 : i32
        %cond3A_207 = arith.cmpi ne, %convert_element_type3A_205, %cond3A_206 : i32
        scf.if %cond3A_207 {
          %mul3A_240 = arith.constant 50000 : i32
          %mul3A_241 = arith.muli %arg1, %mul3A_240 : i32
          %mul3A_242 = arith.constant 400 : i32
          %mul3A_243 = arith.muli %add3A_202, %mul3A_242 : i32
          %add3A_244 = arith.addi %mul3A_241, %mul3A_243 : i32
          %dma_start3A_245 = arith.constant 0 : i32
          %dma_start3A_246 = tpu.memref_slice %arg2[%dma_start3A_245, %add3A_244] : memref<2x800000xi32, #tpu.memory_space<hbm>> -> memref<1x400xi32, #tpu.memory_space<hbm>>
          %dma_start3A_247 = tpu.memref_squeeze %dma_start3A_246 : memref<1x400xi32, #tpu.memory_space<hbm>> -> memref<400xi32, #tpu.memory_space<hbm>>
          %dma_start3A_248 = tpu.memref_slice %arg2[%dma_start3A_245, %add3A_244] : memref<2x800000xi32, #tpu.memory_space<hbm>> -> memref<1x400xi32, #tpu.memory_space<hbm>>
          %dma_start3A_249 = tpu.memref_squeeze %dma_start3A_248 : memref<1x400xi32, #tpu.memory_space<hbm>> -> memref<400xi32, #tpu.memory_space<hbm>>
          tpu.enqueue_dma source(%dma_start3A_249 : memref<400xi32, #tpu.memory_space<hbm>>) target(%arg12 : memref<400xi32, #tpu.memory_space<vmem>>) target_semaphore(%arg21 : memref<!tpu.dma_semaphore, #tpu.memory_space<semaphore_mem>>)
          %dma_start3A_250 = arith.constant 1 : i32
          %dma_start3A_251 = tpu.memref_slice %arg2[%dma_start3A_250, %add3A_244] : memref<2x800000xi32, #tpu.memory_space<hbm>> -> memref<1x400xi32, #tpu.memory_space<hbm>>
          %dma_start3A_252 = tpu.memref_squeeze %dma_start3A_251 : memref<1x400xi32, #tpu.memory_space<hbm>> -> memref<400xi32, #tpu.memory_space<hbm>>
          %dma_start3A_253 = tpu.memref_slice %arg2[%dma_start3A_250, %add3A_244] : memref<2x800000xi32, #tpu.memory_space<hbm>> -> memref<1x400xi32, #tpu.memory_space<hbm>>
          %dma_start3A_254 = tpu.memref_squeeze %dma_start3A_253 : memref<1x400xi32, #tpu.memory_space<hbm>> -> memref<400xi32, #tpu.memory_space<hbm>>
          tpu.enqueue_dma source(%dma_start3A_254 : memref<400xi32, #tpu.memory_space<hbm>>) target(%arg13 : memref<400xi32, #tpu.memory_space<vmem>>) target_semaphore(%arg21 : memref<!tpu.dma_semaphore, #tpu.memory_space<semaphore_mem>>)
        } else {
        }
        %add3A_208 = arith.constant 4 : i32
        %add3A_209 = arith.addi %mul3A_87, %add3A_208 : i32
        %mul3A_210 = arith.constant 50000 : i32
        %mul3A_211 = arith.muli %arg1, %mul3A_210 : i32
        %mul3A_212 = arith.constant 400 : i32
        %mul3A_213 = arith.muli %add3A_209, %mul3A_212 : i32
        %add3A_214 = arith.addi %mul3A_211, %mul3A_213 : i32
        %dma_wait3A_215 = arith.constant 0 : i32
        %dma_wait3A_216 = tpu.memref_slice %arg2[%dma_wait3A_215, %add3A_214] : memref<2x800000xi32, #tpu.memory_space<hbm>> -> memref<1x400xi32, #tpu.memory_space<hbm>>
        %dma_wait3A_217 = tpu.memref_squeeze %dma_wait3A_216 : memref<1x400xi32, #tpu.memory_space<hbm>> -> memref<400xi32, #tpu.memory_space<hbm>>
        %dma_wait3A_218 = tpu.memref_slice %arg2[%dma_wait3A_215, %add3A_214] : memref<2x800000xi32, #tpu.memory_space<hbm>> -> memref<1x400xi32, #tpu.memory_space<hbm>>
        %dma_wait3A_219 = tpu.memref_squeeze %dma_wait3A_218 : memref<1x400xi32, #tpu.memory_space<hbm>> -> memref<400xi32, #tpu.memory_space<hbm>>
        tpu.wait_dma2 semaphore(%arg19 : memref<!tpu.dma_semaphore, #tpu.memory_space<semaphore_mem>>) src(%dma_wait3A_219 : memref<400xi32, #tpu.memory_space<hbm>>) dst(%arg8 : memref<400xi32, #tpu.memory_space<vmem>>)
        %dma_wait3A_220 = arith.constant 1 : i32
        %dma_wait3A_221 = tpu.memref_slice %arg2[%dma_wait3A_220, %add3A_214] : memref<2x800000xi32, #tpu.memory_space<hbm>> -> memref<1x400xi32, #tpu.memory_space<hbm>>
        %dma_wait3A_222 = tpu.memref_squeeze %dma_wait3A_221 : memref<1x400xi32, #tpu.memory_space<hbm>> -> memref<400xi32, #tpu.memory_space<hbm>>
        %dma_wait3A_223 = tpu.memref_slice %arg2[%dma_wait3A_220, %add3A_214] : memref<2x800000xi32, #tpu.memory_space<hbm>> -> memref<1x400xi32, #tpu.memory_space<hbm>>
        %dma_wait3A_224 = tpu.memref_squeeze %dma_wait3A_223 : memref<1x400xi32, #tpu.memory_space<hbm>> -> memref<400xi32, #tpu.memory_space<hbm>>
        tpu.wait_dma2 semaphore(%arg19 : memref<!tpu.dma_semaphore, #tpu.memory_space<semaphore_mem>>) src(%dma_wait3A_224 : memref<400xi32, #tpu.memory_space<hbm>>) dst(%arg9 : memref<400xi32, #tpu.memory_space<vmem>>)
        %dma_start3A_225 = arith.constant 0 : i32
        %dma_start3A_226 = arith.constant 0 : i32
        %dma_start3A_227 = tpu.memref_slice %arg3[%dma_start3A_225, %dma_start3A_226] : memref<50176x32xf32, #tpu.memory_space<hbm>> -> memref<50176x32xf32, #tpu.memory_space<hbm>>
        tpu.enqueue_indirect_dma source(%dma_start3A_227 : memref<50176x32xf32, #tpu.memory_space<hbm>>) target(%arg16 : memref<400x32xf32, #tpu.memory_space<vmem>>) offsets(%arg8 : memref<400xi32, #tpu.memory_space<vmem>>) semaphore(%arg23 : memref<!tpu.dma_semaphore, #tpu.memory_space<semaphore_mem>>)
        %add3A_228 = arith.constant 3 : i32
        %add3A_229 = arith.addi %mul3A_87, %add3A_228 : i32
        %dma_wait3A_230 = arith.constant 0 : i32
        %dma_wait3A_231 = arith.constant 0 : i32
        %dma_wait3A_232 = tpu.memref_slice %arg3[%dma_wait3A_230, %dma_wait3A_231] : memref<50176x32xf32, #tpu.memory_space<hbm>> -> memref<50176x32xf32, #tpu.memory_space<hbm>>
        tpu.wait_indirect_dma semaphore(%arg24 : memref<!tpu.dma_semaphore, #tpu.memory_space<semaphore_mem>>) src(%dma_wait3A_232 : memref<50176x32xf32, #tpu.memory_space<hbm>>) dst(%arg17 : memref<400x32xf32, #tpu.memory_space<vmem>>)
        "tpu.region"() ({
          %run_scoped3A = tpu.sem_alloc : memref<!tpu.dma_semaphore, #tpu.memory_space<semaphore_mem>>
          %dma_start3A_240 = arith.constant 0 : i32
          %dma_start3A_241 = arith.constant 0 : i32
          %dma_start3A_242 = tpu.memref_slice %arg18[%dma_start3A_240, %dma_start3A_241] : memref<50176x32xf32, #tpu.memory_space<vmem_shared>> -> memref<50176x32xf32, #tpu.memory_space<vmem_shared>>
          tpu.enqueue_indirect_dma source(%arg17 : memref<400x32xf32, #tpu.memory_space<vmem>>) target(%dma_start3A_242 : memref<50176x32xf32, #tpu.memory_space<vmem_shared>>) offsets(%arg15 : memref<400xi32, #tpu.memory_space<vmem>>) semaphore(%run_scoped3A : memref<!tpu.dma_semaphore, #tpu.memory_space<semaphore_mem>>) {add = true}
          %dma_wait3A_243 = arith.constant 0 : i32
          %dma_wait3A_244 = arith.constant 0 : i32
          %dma_wait3A_245 = tpu.memref_slice %arg18[%dma_wait3A_243, %dma_wait3A_244] : memref<50176x32xf32, #tpu.memory_space<vmem_shared>> -> memref<50176x32xf32, #tpu.memory_space<vmem_shared>>
          tpu.wait_indirect_dma semaphore(%run_scoped3A : memref<!tpu.dma_semaphore, #tpu.memory_space<semaphore_mem>>) src(%arg17 : memref<400x32xf32, #tpu.memory_space<vmem>>) dst(%dma_wait3A_245 : memref<50176x32xf32, #tpu.memory_space<vmem_shared>>)
          tpu.yield
        }) : () -> ()
        %add3A_233 = arith.constant 7 : i32
        %add3A_234 = arith.addi %mul3A_87, %add3A_233 : i32
        %lt3A_235 = arith.constant 125 : i32
        %lt3A_236 = arith.cmpi slt, %add3A_234, %lt3A_235 : i32
        %convert_element_type3A_237 = arith.extui %lt3A_236 : i1 to i32
        %cond3A_238 = arith.constant 0 : i32
        %cond3A_239 = arith.cmpi ne, %convert_element_type3A_237, %cond3A_238 : i32
        scf.if %cond3A_239 {
          %mul3A_240 = arith.constant 50000 : i32
          %mul3A_241 = arith.muli %arg1, %mul3A_240 : i32
          %mul3A_242 = arith.constant 400 : i32
          %mul3A_243 = arith.muli %add3A_234, %mul3A_242 : i32
          %add3A_244 = arith.addi %mul3A_241, %mul3A_243 : i32
          %dma_start3A_245 = arith.constant 0 : i32
          %dma_start3A_246 = tpu.memref_slice %arg2[%dma_start3A_245, %add3A_244] : memref<2x800000xi32, #tpu.memory_space<hbm>> -> memref<1x400xi32, #tpu.memory_space<hbm>>
          %dma_start3A_247 = tpu.memref_squeeze %dma_start3A_246 : memref<1x400xi32, #tpu.memory_space<hbm>> -> memref<400xi32, #tpu.memory_space<hbm>>
          %dma_start3A_248 = tpu.memref_slice %arg2[%dma_start3A_245, %add3A_244] : memref<2x800000xi32, #tpu.memory_space<hbm>> -> memref<1x400xi32, #tpu.memory_space<hbm>>
          %dma_start3A_249 = tpu.memref_squeeze %dma_start3A_248 : memref<1x400xi32, #tpu.memory_space<hbm>> -> memref<400xi32, #tpu.memory_space<hbm>>
          tpu.enqueue_dma source(%dma_start3A_249 : memref<400xi32, #tpu.memory_space<hbm>>) target(%arg14 : memref<400xi32, #tpu.memory_space<vmem>>) target_semaphore(%arg22 : memref<!tpu.dma_semaphore, #tpu.memory_space<semaphore_mem>>)
          %dma_start3A_250 = arith.constant 1 : i32
          %dma_start3A_251 = tpu.memref_slice %arg2[%dma_start3A_250, %add3A_244] : memref<2x800000xi32, #tpu.memory_space<hbm>> -> memref<1x400xi32, #tpu.memory_space<hbm>>
          %dma_start3A_252 = tpu.memref_squeeze %dma_start3A_251 : memref<1x400xi32, #tpu.memory_space<hbm>> -> memref<400xi32, #tpu.memory_space<hbm>>
          %dma_start3A_253 = tpu.memref_slice %arg2[%dma_start3A_250, %add3A_244] : memref<2x800000xi32, #tpu.memory_space<hbm>> -> memref<1x400xi32, #tpu.memory_space<hbm>>
          %dma_start3A_254 = tpu.memref_squeeze %dma_start3A_253 : memref<1x400xi32, #tpu.memory_space<hbm>> -> memref<400xi32, #tpu.memory_space<hbm>>
          tpu.enqueue_dma source(%dma_start3A_254 : memref<400xi32, #tpu.memory_space<hbm>>) target(%arg15 : memref<400xi32, #tpu.memory_space<vmem>>) target_semaphore(%arg22 : memref<!tpu.dma_semaphore, #tpu.memory_space<semaphore_mem>>)
        } else {
        }
      }
      %scan3A_81 = arith.constant 31 : i32
      %dma_wait3A_82 = arith.constant 0 : i32
      %dma_wait3A_83 = arith.constant 0 : i32
      %dma_wait3A_84 = tpu.memref_slice %arg3[%dma_wait3A_82, %dma_wait3A_83] : memref<50176x32xf32, #tpu.memory_space<hbm>> -> memref<50176x32xf32, #tpu.memory_space<hbm>>
      tpu.wait_indirect_dma semaphore(%arg23 : memref<!tpu.dma_semaphore, #tpu.memory_space<semaphore_mem>>) src(%dma_wait3A_84 : memref<50176x32xf32, #tpu.memory_space<hbm>>) dst(%arg16 : memref<400x32xf32, #tpu.memory_space<vmem>>)
      "tpu.region"() ({
        %run_scoped3A = tpu.sem_alloc : memref<!tpu.dma_semaphore, #tpu.memory_space<semaphore_mem>>
        %dma_start3A_85 = arith.constant 0 : i32
        %dma_start3A_86 = arith.constant 0 : i32
        %dma_start3A_87 = tpu.memref_slice %arg18[%dma_start3A_85, %dma_start3A_86] : memref<50176x32xf32, #tpu.memory_space<vmem_shared>> -> memref<50176x32xf32, #tpu.memory_space<vmem_shared>>
        tpu.enqueue_indirect_dma source(%arg16 : memref<400x32xf32, #tpu.memory_space<vmem>>) target(%dma_start3A_87 : memref<50176x32xf32, #tpu.memory_space<vmem_shared>>) offsets(%arg9 : memref<400xi32, #tpu.memory_space<vmem>>) semaphore(%run_scoped3A : memref<!tpu.dma_semaphore, #tpu.memory_space<semaphore_mem>>) {add = true}
        %dma_wait3A_88 = arith.constant 0 : i32
        %dma_wait3A_89 = arith.constant 0 : i32
        %dma_wait3A_90 = tpu.memref_slice %arg18[%dma_wait3A_88, %dma_wait3A_89] : memref<50176x32xf32, #tpu.memory_space<vmem_shared>> -> memref<50176x32xf32, #tpu.memory_space<vmem_shared>>
        tpu.wait_indirect_dma semaphore(%run_scoped3A : memref<!tpu.dma_semaphore, #tpu.memory_space<semaphore_mem>>) src(%arg16 : memref<400x32xf32, #tpu.memory_space<vmem>>) dst(%dma_wait3A_90 : memref<50176x32xf32, #tpu.memory_space<vmem_shared>>)
        tpu.yield
      }) : () -> ()
    } else {
    }
    %eq3A_3 = arith.constant 1 : i32
    %eq3A_4 = arith.cmpi eq, %arg0, %eq3A_3 : i32
    %convert_element_type3A_5 = arith.extui %eq3A_4 : i1 to i32
    %cond3A_6 = arith.constant 0 : i32
    %cond3A_7 = arith.cmpi ne, %convert_element_type3A_5, %cond3A_6 : i32
    scf.if %cond3A_7 {
      %mul3A_21 = arith.constant 50000 : i32
      %mul3A_22 = arith.muli %arg1, %mul3A_21 : i32
      %add3A = arith.constant 0 : i32
      %add3A_23 = arith.addi %mul3A_22, %add3A : i32
      %dma_start3A = arith.constant 0 : i32
      %dma_start3A_24 = tpu.memref_slice %arg2[%dma_start3A, %add3A_23] : memref<2x800000xi32, #tpu.memory_space<hbm>> -> memref<1x400xi32, #tpu.memory_space<hbm>>
      %dma_start3A_25 = tpu.memref_squeeze %dma_start3A_24 : memref<1x400xi32, #tpu.memory_space<hbm>> -> memref<400xi32, #tpu.memory_space<hbm>>
      %dma_start3A_26 = tpu.memref_slice %arg2[%dma_start3A, %add3A_23] : memref<2x800000xi32, #tpu.memory_space<hbm>> -> memref<1x400xi32, #tpu.memory_space<hbm>>
      %dma_start3A_27 = tpu.memref_squeeze %dma_start3A_26 : memref<1x400xi32, #tpu.memory_space<hbm>> -> memref<400xi32, #tpu.memory_space<hbm>>
      tpu.enqueue_dma source(%dma_start3A_27 : memref<400xi32, #tpu.memory_space<hbm>>) target(%arg8 : memref<400xi32, #tpu.memory_space<vmem>>) target_semaphore(%arg19 : memref<!tpu.dma_semaphore, #tpu.memory_space<semaphore_mem>>)
      %dma_start3A_28 = arith.constant 1 : i32
      %dma_start3A_29 = tpu.memref_slice %arg2[%dma_start3A_28, %add3A_23] : memref<2x800000xi32, #tpu.memory_space<hbm>> -> memref<1x400xi32, #tpu.memory_space<hbm>>
      %dma_start3A_30 = tpu.memref_squeeze %dma_start3A_29 : memref<1x400xi32, #tpu.memory_space<hbm>> -> memref<400xi32, #tpu.memory_space<hbm>>
      %dma_start3A_31 = tpu.memref_slice %arg2[%dma_start3A_28, %add3A_23] : memref<2x800000xi32, #tpu.memory_space<hbm>> -> memref<1x400xi32, #tpu.memory_space<hbm>>
      %dma_start3A_32 = tpu.memref_squeeze %dma_start3A_31 : memref<1x400xi32, #tpu.memory_space<hbm>> -> memref<400xi32, #tpu.memory_space<hbm>>
      tpu.enqueue_dma source(%dma_start3A_32 : memref<400xi32, #tpu.memory_space<hbm>>) target(%arg9 : memref<400xi32, #tpu.memory_space<vmem>>) target_semaphore(%arg19 : memref<!tpu.dma_semaphore, #tpu.memory_space<semaphore_mem>>)
      %mul3A_33 = arith.constant 50000 : i32
      %mul3A_34 = arith.muli %arg1, %mul3A_33 : i32
      %add3A_35 = arith.constant 400 : i32
      %add3A_36 = arith.addi %mul3A_34, %add3A_35 : i32
      %dma_start3A_37 = arith.constant 0 : i32
      %dma_start3A_38 = tpu.memref_slice %arg2[%dma_start3A_37, %add3A_36] : memref<2x800000xi32, #tpu.memory_space<hbm>> -> memref<1x400xi32, #tpu.memory_space<hbm>>
      %dma_start3A_39 = tpu.memref_squeeze %dma_start3A_38 : memref<1x400xi32, #tpu.memory_space<hbm>> -> memref<400xi32, #tpu.memory_space<hbm>>
      %dma_start3A_40 = tpu.memref_slice %arg2[%dma_start3A_37, %add3A_36] : memref<2x800000xi32, #tpu.memory_space<hbm>> -> memref<1x400xi32, #tpu.memory_space<hbm>>
      %dma_start3A_41 = tpu.memref_squeeze %dma_start3A_40 : memref<1x400xi32, #tpu.memory_space<hbm>> -> memref<400xi32, #tpu.memory_space<hbm>>
      tpu.enqueue_dma source(%dma_start3A_41 : memref<400xi32, #tpu.memory_space<hbm>>) target(%arg10 : memref<400xi32, #tpu.memory_space<vmem>>) target_semaphore(%arg20 : memref<!tpu.dma_semaphore, #tpu.memory_space<semaphore_mem>>)
      %dma_start3A_42 = arith.constant 1 : i32
      %dma_start3A_43 = tpu.memref_slice %arg2[%dma_start3A_42, %add3A_36] : memref<2x800000xi32, #tpu.memory_space<hbm>> -> memref<1x400xi32, #tpu.memory_space<hbm>>
      %dma_start3A_44 = tpu.memref_squeeze %dma_start3A_43 : memref<1x400xi32, #tpu.memory_space<hbm>> -> memref<400xi32, #tpu.memory_space<hbm>>
      %dma_start3A_45 = tpu.memref_slice %arg2[%dma_start3A_42, %add3A_36] : memref<2x800000xi32, #tpu.memory_space<hbm>> -> memref<1x400xi32, #tpu.memory_space<hbm>>
      %dma_start3A_46 = tpu.memref_squeeze %dma_start3A_45 : memref<1x400xi32, #tpu.memory_space<hbm>> -> memref<400xi32, #tpu.memory_space<hbm>>
      tpu.enqueue_dma source(%dma_start3A_46 : memref<400xi32, #tpu.memory_space<hbm>>) target(%arg11 : memref<400xi32, #tpu.memory_space<vmem>>) target_semaphore(%arg20 : memref<!tpu.dma_semaphore, #tpu.memory_space<semaphore_mem>>)
      %mul3A_47 = arith.constant 50000 : i32
      %mul3A_48 = arith.muli %arg1, %mul3A_47 : i32
      %add3A_49 = arith.constant 800 : i32
      %add3A_50 = arith.addi %mul3A_48, %add3A_49 : i32
      %dma_start3A_51 = arith.constant 0 : i32
      %dma_start3A_52 = tpu.memref_slice %arg2[%dma_start3A_51, %add3A_50] : memref<2x800000xi32, #tpu.memory_space<hbm>> -> memref<1x400xi32, #tpu.memory_space<hbm>>
      %dma_start3A_53 = tpu.memref_squeeze %dma_start3A_52 : memref<1x400xi32, #tpu.memory_space<hbm>> -> memref<400xi32, #tpu.memory_space<hbm>>
      %dma_start3A_54 = tpu.memref_slice %arg2[%dma_start3A_51, %add3A_50] : memref<2x800000xi32, #tpu.memory_space<hbm>> -> memref<1x400xi32, #tpu.memory_space<hbm>>
      %dma_start3A_55 = tpu.memref_squeeze %dma_start3A_54 : memref<1x400xi32, #tpu.memory_space<hbm>> -> memref<400xi32, #tpu.memory_space<hbm>>
      tpu.enqueue_dma source(%dma_start3A_55 : memref<400xi32, #tpu.memory_space<hbm>>) target(%arg12 : memref<400xi32, #tpu.memory_space<vmem>>) target_semaphore(%arg21 : memref<!tpu.dma_semaphore, #tpu.memory_space<semaphore_mem>>)
      %dma_start3A_56 = arith.constant 1 : i32
      %dma_start3A_57 = tpu.memref_slice %arg2[%dma_start3A_56, %add3A_50] : memref<2x800000xi32, #tpu.memory_space<hbm>> -> memref<1x400xi32, #tpu.memory_space<hbm>>
      %dma_start3A_58 = tpu.memref_squeeze %dma_start3A_57 : memref<1x400xi32, #tpu.memory_space<hbm>> -> memref<400xi32, #tpu.memory_space<hbm>>
      %dma_start3A_59 = tpu.memref_slice %arg2[%dma_start3A_56, %add3A_50] : memref<2x800000xi32, #tpu.memory_space<hbm>> -> memref<1x400xi32, #tpu.memory_space<hbm>>
      %dma_start3A_60 = tpu.memref_squeeze %dma_start3A_59 : memref<1x400xi32, #tpu.memory_space<hbm>> -> memref<400xi32, #tpu.memory_space<hbm>>
      tpu.enqueue_dma source(%dma_start3A_60 : memref<400xi32, #tpu.memory_space<hbm>>) target(%arg13 : memref<400xi32, #tpu.memory_space<vmem>>) target_semaphore(%arg21 : memref<!tpu.dma_semaphore, #tpu.memory_space<semaphore_mem>>)
      %mul3A_61 = arith.constant 50000 : i32
      %mul3A_62 = arith.muli %arg1, %mul3A_61 : i32
      %add3A_63 = arith.constant 0 : i32
      %add3A_64 = arith.addi %mul3A_62, %add3A_63 : i32
      %dma_wait3A = arith.constant 0 : i32
      %dma_wait3A_65 = tpu.memref_slice %arg2[%dma_wait3A, %add3A_64] : memref<2x800000xi32, #tpu.memory_space<hbm>> -> memref<1x400xi32, #tpu.memory_space<hbm>>
      %dma_wait3A_66 = tpu.memref_squeeze %dma_wait3A_65 : memref<1x400xi32, #tpu.memory_space<hbm>> -> memref<400xi32, #tpu.memory_space<hbm>>
      %dma_wait3A_67 = tpu.memref_slice %arg2[%dma_wait3A, %add3A_64] : memref<2x800000xi32, #tpu.memory_space<hbm>> -> memref<1x400xi32, #tpu.memory_space<hbm>>
      %dma_wait3A_68 = tpu.memref_squeeze %dma_wait3A_67 : memref<1x400xi32, #tpu.memory_space<hbm>> -> memref<400xi32, #tpu.memory_space<hbm>>
      tpu.wait_dma2 semaphore(%arg19 : memref<!tpu.dma_semaphore, #tpu.memory_space<semaphore_mem>>) src(%dma_wait3A_68 : memref<400xi32, #tpu.memory_space<hbm>>) dst(%arg8 : memref<400xi32, #tpu.memory_space<vmem>>)
      %dma_wait3A_69 = arith.constant 1 : i32
      %dma_wait3A_70 = tpu.memref_slice %arg2[%dma_wait3A_69, %add3A_64] : memref<2x800000xi32, #tpu.memory_space<hbm>> -> memref<1x400xi32, #tpu.memory_space<hbm>>
      %dma_wait3A_71 = tpu.memref_squeeze %dma_wait3A_70 : memref<1x400xi32, #tpu.memory_space<hbm>> -> memref<400xi32, #tpu.memory_space<hbm>>
      %dma_wait3A_72 = tpu.memref_slice %arg2[%dma_wait3A_69, %add3A_64] : memref<2x800000xi32, #tpu.memory_space<hbm>> -> memref<1x400xi32, #tpu.memory_space<hbm>>
      %dma_wait3A_73 = tpu.memref_squeeze %dma_wait3A_72 : memref<1x400xi32, #tpu.memory_space<hbm>> -> memref<400xi32, #tpu.memory_space<hbm>>
      tpu.wait_dma2 semaphore(%arg19 : memref<!tpu.dma_semaphore, #tpu.memory_space<semaphore_mem>>) src(%dma_wait3A_73 : memref<400xi32, #tpu.memory_space<hbm>>) dst(%arg9 : memref<400xi32, #tpu.memory_space<vmem>>)
      %dma_start3A_74 = arith.constant 0 : i32
      %dma_start3A_75 = arith.constant 0 : i32
      %dma_start3A_76 = tpu.memref_slice %arg4[%dma_start3A_74, %dma_start3A_75] : memref<50176x32xf32, #tpu.memory_space<hbm>> -> memref<50176x32xf32, #tpu.memory_space<hbm>>
      tpu.enqueue_indirect_dma source(%dma_start3A_76 : memref<50176x32xf32, #tpu.memory_space<hbm>>) target(%arg16 : memref<400x32xf32, #tpu.memory_space<vmem>>) offsets(%arg8 : memref<400xi32, #tpu.memory_space<vmem>>) semaphore(%arg23 : memref<!tpu.dma_semaphore, #tpu.memory_space<semaphore_mem>>)
      %scan3A = arith.constant 0 : i32
      %scan3A_77 = arith.constant 0 : i32
      %scan3A_78 = arith.constant 31 : i32
      %scan3A_79 = arith.addi %scan3A_77, %scan3A_78 : i32
      %scan3A_80 = arith.constant 1 : i32
      scf.for %scan3A_85 = %scan3A_77 to %scan3A_79 step %scan3A_80  : i32 {
        %mul3A_86 = arith.constant 4 : i32
        %mul3A_87 = arith.muli %mul3A_86, %scan3A_85 : i32
        %add3A_88 = arith.constant 3 : i32
        %add3A_89 = arith.addi %mul3A_87, %add3A_88 : i32
        %mul3A_90 = arith.constant 50000 : i32
        %mul3A_91 = arith.muli %arg1, %mul3A_90 : i32
        %mul3A_92 = arith.constant 400 : i32
        %mul3A_93 = arith.muli %add3A_89, %mul3A_92 : i32
        %add3A_94 = arith.addi %mul3A_91, %mul3A_93 : i32
        %dma_start3A_95 = arith.constant 0 : i32
        %dma_start3A_96 = tpu.memref_slice %arg2[%dma_start3A_95, %add3A_94] : memref<2x800000xi32, #tpu.memory_space<hbm>> -> memref<1x400xi32, #tpu.memory_space<hbm>>
        %dma_start3A_97 = tpu.memref_squeeze %dma_start3A_96 : memref<1x400xi32, #tpu.memory_space<hbm>> -> memref<400xi32, #tpu.memory_space<hbm>>
        %dma_start3A_98 = tpu.memref_slice %arg2[%dma_start3A_95, %add3A_94] : memref<2x800000xi32, #tpu.memory_space<hbm>> -> memref<1x400xi32, #tpu.memory_space<hbm>>
        %dma_start3A_99 = tpu.memref_squeeze %dma_start3A_98 : memref<1x400xi32, #tpu.memory_space<hbm>> -> memref<400xi32, #tpu.memory_space<hbm>>
        tpu.enqueue_dma source(%dma_start3A_99 : memref<400xi32, #tpu.memory_space<hbm>>) target(%arg14 : memref<400xi32, #tpu.memory_space<vmem>>) target_semaphore(%arg22 : memref<!tpu.dma_semaphore, #tpu.memory_space<semaphore_mem>>)
        %dma_start3A_100 = arith.constant 1 : i32
        %dma_start3A_101 = tpu.memref_slice %arg2[%dma_start3A_100, %add3A_94] : memref<2x800000xi32, #tpu.memory_space<hbm>> -> memref<1x400xi32, #tpu.memory_space<hbm>>
        %dma_start3A_102 = tpu.memref_squeeze %dma_start3A_101 : memref<1x400xi32, #tpu.memory_space<hbm>> -> memref<400xi32, #tpu.memory_space<hbm>>
        %dma_start3A_103 = tpu.memref_slice %arg2[%dma_start3A_100, %add3A_94] : memref<2x800000xi32, #tpu.memory_space<hbm>> -> memref<1x400xi32, #tpu.memory_space<hbm>>
        %dma_start3A_104 = tpu.memref_squeeze %dma_start3A_103 : memref<1x400xi32, #tpu.memory_space<hbm>> -> memref<400xi32, #tpu.memory_space<hbm>>
        tpu.enqueue_dma source(%dma_start3A_104 : memref<400xi32, #tpu.memory_space<hbm>>) target(%arg15 : memref<400xi32, #tpu.memory_space<vmem>>) target_semaphore(%arg22 : memref<!tpu.dma_semaphore, #tpu.memory_space<semaphore_mem>>)
        %add3A_105 = arith.constant 1 : i32
        %add3A_106 = arith.addi %mul3A_87, %add3A_105 : i32
        %mul3A_107 = arith.constant 50000 : i32
        %mul3A_108 = arith.muli %arg1, %mul3A_107 : i32
        %mul3A_109 = arith.constant 400 : i32
        %mul3A_110 = arith.muli %add3A_106, %mul3A_109 : i32
        %add3A_111 = arith.addi %mul3A_108, %mul3A_110 : i32
        %dma_wait3A_112 = arith.constant 0 : i32
        %dma_wait3A_113 = tpu.memref_slice %arg2[%dma_wait3A_112, %add3A_111] : memref<2x800000xi32, #tpu.memory_space<hbm>> -> memref<1x400xi32, #tpu.memory_space<hbm>>
        %dma_wait3A_114 = tpu.memref_squeeze %dma_wait3A_113 : memref<1x400xi32, #tpu.memory_space<hbm>> -> memref<400xi32, #tpu.memory_space<hbm>>
        %dma_wait3A_115 = tpu.memref_slice %arg2[%dma_wait3A_112, %add3A_111] : memref<2x800000xi32, #tpu.memory_space<hbm>> -> memref<1x400xi32, #tpu.memory_space<hbm>>
        %dma_wait3A_116 = tpu.memref_squeeze %dma_wait3A_115 : memref<1x400xi32, #tpu.memory_space<hbm>> -> memref<400xi32, #tpu.memory_space<hbm>>
        tpu.wait_dma2 semaphore(%arg20 : memref<!tpu.dma_semaphore, #tpu.memory_space<semaphore_mem>>) src(%dma_wait3A_116 : memref<400xi32, #tpu.memory_space<hbm>>) dst(%arg10 : memref<400xi32, #tpu.memory_space<vmem>>)
        %dma_wait3A_117 = arith.constant 1 : i32
        %dma_wait3A_118 = tpu.memref_slice %arg2[%dma_wait3A_117, %add3A_111] : memref<2x800000xi32, #tpu.memory_space<hbm>> -> memref<1x400xi32, #tpu.memory_space<hbm>>
        %dma_wait3A_119 = tpu.memref_squeeze %dma_wait3A_118 : memref<1x400xi32, #tpu.memory_space<hbm>> -> memref<400xi32, #tpu.memory_space<hbm>>
        %dma_wait3A_120 = tpu.memref_slice %arg2[%dma_wait3A_117, %add3A_111] : memref<2x800000xi32, #tpu.memory_space<hbm>> -> memref<1x400xi32, #tpu.memory_space<hbm>>
        %dma_wait3A_121 = tpu.memref_squeeze %dma_wait3A_120 : memref<1x400xi32, #tpu.memory_space<hbm>> -> memref<400xi32, #tpu.memory_space<hbm>>
        tpu.wait_dma2 semaphore(%arg20 : memref<!tpu.dma_semaphore, #tpu.memory_space<semaphore_mem>>) src(%dma_wait3A_121 : memref<400xi32, #tpu.memory_space<hbm>>) dst(%arg11 : memref<400xi32, #tpu.memory_space<vmem>>)
        %dma_start3A_122 = arith.constant 0 : i32
        %dma_start3A_123 = arith.constant 0 : i32
        %dma_start3A_124 = tpu.memref_slice %arg4[%dma_start3A_122, %dma_start3A_123] : memref<50176x32xf32, #tpu.memory_space<hbm>> -> memref<50176x32xf32, #tpu.memory_space<hbm>>
        tpu.enqueue_indirect_dma source(%dma_start3A_124 : memref<50176x32xf32, #tpu.memory_space<hbm>>) target(%arg17 : memref<400x32xf32, #tpu.memory_space<vmem>>) offsets(%arg10 : memref<400xi32, #tpu.memory_space<vmem>>) semaphore(%arg24 : memref<!tpu.dma_semaphore, #tpu.memory_space<semaphore_mem>>)
        %dma_wait3A_125 = arith.constant 0 : i32
        %dma_wait3A_126 = arith.constant 0 : i32
        %dma_wait3A_127 = tpu.memref_slice %arg4[%dma_wait3A_125, %dma_wait3A_126] : memref<50176x32xf32, #tpu.memory_space<hbm>> -> memref<50176x32xf32, #tpu.memory_space<hbm>>
        tpu.wait_indirect_dma semaphore(%arg23 : memref<!tpu.dma_semaphore, #tpu.memory_space<semaphore_mem>>) src(%dma_wait3A_127 : memref<50176x32xf32, #tpu.memory_space<hbm>>) dst(%arg16 : memref<400x32xf32, #tpu.memory_space<vmem>>)
        "tpu.region"() ({
          %run_scoped3A = tpu.sem_alloc : memref<!tpu.dma_semaphore, #tpu.memory_space<semaphore_mem>>
          %dma_start3A_240 = arith.constant 0 : i32
          %dma_start3A_241 = arith.constant 0 : i32
          %dma_start3A_242 = tpu.memref_slice %arg18[%dma_start3A_240, %dma_start3A_241] : memref<50176x32xf32, #tpu.memory_space<vmem_shared>> -> memref<50176x32xf32, #tpu.memory_space<vmem_shared>>
          tpu.enqueue_indirect_dma source(%arg16 : memref<400x32xf32, #tpu.memory_space<vmem>>) target(%dma_start3A_242 : memref<50176x32xf32, #tpu.memory_space<vmem_shared>>) offsets(%arg9 : memref<400xi32, #tpu.memory_space<vmem>>) semaphore(%run_scoped3A : memref<!tpu.dma_semaphore, #tpu.memory_space<semaphore_mem>>) {add = true}
          %dma_wait3A_243 = arith.constant 0 : i32
          %dma_wait3A_244 = arith.constant 0 : i32
          %dma_wait3A_245 = tpu.memref_slice %arg18[%dma_wait3A_243, %dma_wait3A_244] : memref<50176x32xf32, #tpu.memory_space<vmem_shared>> -> memref<50176x32xf32, #tpu.memory_space<vmem_shared>>
          tpu.wait_indirect_dma semaphore(%run_scoped3A : memref<!tpu.dma_semaphore, #tpu.memory_space<semaphore_mem>>) src(%arg16 : memref<400x32xf32, #tpu.memory_space<vmem>>) dst(%dma_wait3A_245 : memref<50176x32xf32, #tpu.memory_space<vmem_shared>>)
          tpu.yield
        }) : () -> ()
        %add3A_128 = arith.constant 4 : i32
        %add3A_129 = arith.addi %mul3A_87, %add3A_128 : i32
        %mul3A_130 = arith.constant 50000 : i32
        %mul3A_131 = arith.muli %arg1, %mul3A_130 : i32
        %mul3A_132 = arith.constant 400 : i32
        %mul3A_133 = arith.muli %add3A_129, %mul3A_132 : i32
        %add3A_134 = arith.addi %mul3A_131, %mul3A_133 : i32
        %dma_start3A_135 = arith.constant 0 : i32
        %dma_start3A_136 = tpu.memref_slice %arg2[%dma_start3A_135, %add3A_134] : memref<2x800000xi32, #tpu.memory_space<hbm>> -> memref<1x400xi32, #tpu.memory_space<hbm>>
        %dma_start3A_137 = tpu.memref_squeeze %dma_start3A_136 : memref<1x400xi32, #tpu.memory_space<hbm>> -> memref<400xi32, #tpu.memory_space<hbm>>
        %dma_start3A_138 = tpu.memref_slice %arg2[%dma_start3A_135, %add3A_134] : memref<2x800000xi32, #tpu.memory_space<hbm>> -> memref<1x400xi32, #tpu.memory_space<hbm>>
        %dma_start3A_139 = tpu.memref_squeeze %dma_start3A_138 : memref<1x400xi32, #tpu.memory_space<hbm>> -> memref<400xi32, #tpu.memory_space<hbm>>
        tpu.enqueue_dma source(%dma_start3A_139 : memref<400xi32, #tpu.memory_space<hbm>>) target(%arg8 : memref<400xi32, #tpu.memory_space<vmem>>) target_semaphore(%arg19 : memref<!tpu.dma_semaphore, #tpu.memory_space<semaphore_mem>>)
        %dma_start3A_140 = arith.constant 1 : i32
        %dma_start3A_141 = tpu.memref_slice %arg2[%dma_start3A_140, %add3A_134] : memref<2x800000xi32, #tpu.memory_space<hbm>> -> memref<1x400xi32, #tpu.memory_space<hbm>>
        %dma_start3A_142 = tpu.memref_squeeze %dma_start3A_141 : memref<1x400xi32, #tpu.memory_space<hbm>> -> memref<400xi32, #tpu.memory_space<hbm>>
        %dma_start3A_143 = tpu.memref_slice %arg2[%dma_start3A_140, %add3A_134] : memref<2x800000xi32, #tpu.memory_space<hbm>> -> memref<1x400xi32, #tpu.memory_space<hbm>>
        %dma_start3A_144 = tpu.memref_squeeze %dma_start3A_143 : memref<1x400xi32, #tpu.memory_space<hbm>> -> memref<400xi32, #tpu.memory_space<hbm>>
        tpu.enqueue_dma source(%dma_start3A_144 : memref<400xi32, #tpu.memory_space<hbm>>) target(%arg9 : memref<400xi32, #tpu.memory_space<vmem>>) target_semaphore(%arg19 : memref<!tpu.dma_semaphore, #tpu.memory_space<semaphore_mem>>)
        %add3A_145 = arith.constant 2 : i32
        %add3A_146 = arith.addi %mul3A_87, %add3A_145 : i32
        %mul3A_147 = arith.constant 50000 : i32
        %mul3A_148 = arith.muli %arg1, %mul3A_147 : i32
        %mul3A_149 = arith.constant 400 : i32
        %mul3A_150 = arith.muli %add3A_146, %mul3A_149 : i32
        %add3A_151 = arith.addi %mul3A_148, %mul3A_150 : i32
        %dma_wait3A_152 = arith.constant 0 : i32
        %dma_wait3A_153 = tpu.memref_slice %arg2[%dma_wait3A_152, %add3A_151] : memref<2x800000xi32, #tpu.memory_space<hbm>> -> memref<1x400xi32, #tpu.memory_space<hbm>>
        %dma_wait3A_154 = tpu.memref_squeeze %dma_wait3A_153 : memref<1x400xi32, #tpu.memory_space<hbm>> -> memref<400xi32, #tpu.memory_space<hbm>>
        %dma_wait3A_155 = tpu.memref_slice %arg2[%dma_wait3A_152, %add3A_151] : memref<2x800000xi32, #tpu.memory_space<hbm>> -> memref<1x400xi32, #tpu.memory_space<hbm>>
        %dma_wait3A_156 = tpu.memref_squeeze %dma_wait3A_155 : memref<1x400xi32, #tpu.memory_space<hbm>> -> memref<400xi32, #tpu.memory_space<hbm>>
        tpu.wait_dma2 semaphore(%arg21 : memref<!tpu.dma_semaphore, #tpu.memory_space<semaphore_mem>>) src(%dma_wait3A_156 : memref<400xi32, #tpu.memory_space<hbm>>) dst(%arg12 : memref<400xi32, #tpu.memory_space<vmem>>)
        %dma_wait3A_157 = arith.constant 1 : i32
        %dma_wait3A_158 = tpu.memref_slice %arg2[%dma_wait3A_157, %add3A_151] : memref<2x800000xi32, #tpu.memory_space<hbm>> -> memref<1x400xi32, #tpu.memory_space<hbm>>
        %dma_wait3A_159 = tpu.memref_squeeze %dma_wait3A_158 : memref<1x400xi32, #tpu.memory_space<hbm>> -> memref<400xi32, #tpu.memory_space<hbm>>
        %dma_wait3A_160 = tpu.memref_slice %arg2[%dma_wait3A_157, %add3A_151] : memref<2x800000xi32, #tpu.memory_space<hbm>> -> memref<1x400xi32, #tpu.memory_space<hbm>>
        %dma_wait3A_161 = tpu.memref_squeeze %dma_wait3A_160 : memref<1x400xi32, #tpu.memory_space<hbm>> -> memref<400xi32, #tpu.memory_space<hbm>>
        tpu.wait_dma2 semaphore(%arg21 : memref<!tpu.dma_semaphore, #tpu.memory_space<semaphore_mem>>) src(%dma_wait3A_161 : memref<400xi32, #tpu.memory_space<hbm>>) dst(%arg13 : memref<400xi32, #tpu.memory_space<vmem>>)
        %dma_start3A_162 = arith.constant 0 : i32
        %dma_start3A_163 = arith.constant 0 : i32
        %dma_start3A_164 = tpu.memref_slice %arg4[%dma_start3A_162, %dma_start3A_163] : memref<50176x32xf32, #tpu.memory_space<hbm>> -> memref<50176x32xf32, #tpu.memory_space<hbm>>
        tpu.enqueue_indirect_dma source(%dma_start3A_164 : memref<50176x32xf32, #tpu.memory_space<hbm>>) target(%arg16 : memref<400x32xf32, #tpu.memory_space<vmem>>) offsets(%arg12 : memref<400xi32, #tpu.memory_space<vmem>>) semaphore(%arg23 : memref<!tpu.dma_semaphore, #tpu.memory_space<semaphore_mem>>)
        %add3A_165 = arith.constant 1 : i32
        %add3A_166 = arith.addi %mul3A_87, %add3A_165 : i32
        %dma_wait3A_167 = arith.constant 0 : i32
        %dma_wait3A_168 = arith.constant 0 : i32
        %dma_wait3A_169 = tpu.memref_slice %arg4[%dma_wait3A_167, %dma_wait3A_168] : memref<50176x32xf32, #tpu.memory_space<hbm>> -> memref<50176x32xf32, #tpu.memory_space<hbm>>
        tpu.wait_indirect_dma semaphore(%arg24 : memref<!tpu.dma_semaphore, #tpu.memory_space<semaphore_mem>>) src(%dma_wait3A_169 : memref<50176x32xf32, #tpu.memory_space<hbm>>) dst(%arg17 : memref<400x32xf32, #tpu.memory_space<vmem>>)
        "tpu.region"() ({
          %run_scoped3A = tpu.sem_alloc : memref<!tpu.dma_semaphore, #tpu.memory_space<semaphore_mem>>
          %dma_start3A_240 = arith.constant 0 : i32
          %dma_start3A_241 = arith.constant 0 : i32
          %dma_start3A_242 = tpu.memref_slice %arg18[%dma_start3A_240, %dma_start3A_241] : memref<50176x32xf32, #tpu.memory_space<vmem_shared>> -> memref<50176x32xf32, #tpu.memory_space<vmem_shared>>
          tpu.enqueue_indirect_dma source(%arg17 : memref<400x32xf32, #tpu.memory_space<vmem>>) target(%dma_start3A_242 : memref<50176x32xf32, #tpu.memory_space<vmem_shared>>) offsets(%arg11 : memref<400xi32, #tpu.memory_space<vmem>>) semaphore(%run_scoped3A : memref<!tpu.dma_semaphore, #tpu.memory_space<semaphore_mem>>) {add = true}
          %dma_wait3A_243 = arith.constant 0 : i32
          %dma_wait3A_244 = arith.constant 0 : i32
          %dma_wait3A_245 = tpu.memref_slice %arg18[%dma_wait3A_243, %dma_wait3A_244] : memref<50176x32xf32, #tpu.memory_space<vmem_shared>> -> memref<50176x32xf32, #tpu.memory_space<vmem_shared>>
          tpu.wait_indirect_dma semaphore(%run_scoped3A : memref<!tpu.dma_semaphore, #tpu.memory_space<semaphore_mem>>) src(%arg17 : memref<400x32xf32, #tpu.memory_space<vmem>>) dst(%dma_wait3A_245 : memref<50176x32xf32, #tpu.memory_space<vmem_shared>>)
          tpu.yield
        }) : () -> ()
        %add3A_170 = arith.constant 5 : i32
        %add3A_171 = arith.addi %mul3A_87, %add3A_170 : i32
        %lt3A = arith.constant 125 : i32
        %lt3A_172 = arith.cmpi slt, %add3A_171, %lt3A : i32
        %convert_element_type3A_173 = arith.extui %lt3A_172 : i1 to i32
        %cond3A_174 = arith.constant 0 : i32
        %cond3A_175 = arith.cmpi ne, %convert_element_type3A_173, %cond3A_174 : i32
        scf.if %cond3A_175 {
          %mul3A_240 = arith.constant 50000 : i32
          %mul3A_241 = arith.muli %arg1, %mul3A_240 : i32
          %mul3A_242 = arith.constant 400 : i32
          %mul3A_243 = arith.muli %add3A_171, %mul3A_242 : i32
          %add3A_244 = arith.addi %mul3A_241, %mul3A_243 : i32
          %dma_start3A_245 = arith.constant 0 : i32
          %dma_start3A_246 = tpu.memref_slice %arg2[%dma_start3A_245, %add3A_244] : memref<2x800000xi32, #tpu.memory_space<hbm>> -> memref<1x400xi32, #tpu.memory_space<hbm>>
          %dma_start3A_247 = tpu.memref_squeeze %dma_start3A_246 : memref<1x400xi32, #tpu.memory_space<hbm>> -> memref<400xi32, #tpu.memory_space<hbm>>
          %dma_start3A_248 = tpu.memref_slice %arg2[%dma_start3A_245, %add3A_244] : memref<2x800000xi32, #tpu.memory_space<hbm>> -> memref<1x400xi32, #tpu.memory_space<hbm>>
          %dma_start3A_249 = tpu.memref_squeeze %dma_start3A_248 : memref<1x400xi32, #tpu.memory_space<hbm>> -> memref<400xi32, #tpu.memory_space<hbm>>
          tpu.enqueue_dma source(%dma_start3A_249 : memref<400xi32, #tpu.memory_space<hbm>>) target(%arg10 : memref<400xi32, #tpu.memory_space<vmem>>) target_semaphore(%arg20 : memref<!tpu.dma_semaphore, #tpu.memory_space<semaphore_mem>>)
          %dma_start3A_250 = arith.constant 1 : i32
          %dma_start3A_251 = tpu.memref_slice %arg2[%dma_start3A_250, %add3A_244] : memref<2x800000xi32, #tpu.memory_space<hbm>> -> memref<1x400xi32, #tpu.memory_space<hbm>>
          %dma_start3A_252 = tpu.memref_squeeze %dma_start3A_251 : memref<1x400xi32, #tpu.memory_space<hbm>> -> memref<400xi32, #tpu.memory_space<hbm>>
          %dma_start3A_253 = tpu.memref_slice %arg2[%dma_start3A_250, %add3A_244] : memref<2x800000xi32, #tpu.memory_space<hbm>> -> memref<1x400xi32, #tpu.memory_space<hbm>>
          %dma_start3A_254 = tpu.memref_squeeze %dma_start3A_253 : memref<1x400xi32, #tpu.memory_space<hbm>> -> memref<400xi32, #tpu.memory_space<hbm>>
          tpu.enqueue_dma source(%dma_start3A_254 : memref<400xi32, #tpu.memory_space<hbm>>) target(%arg11 : memref<400xi32, #tpu.memory_space<vmem>>) target_semaphore(%arg20 : memref<!tpu.dma_semaphore, #tpu.memory_space<semaphore_mem>>)
        } else {
        }
        %add3A_176 = arith.constant 3 : i32
        %add3A_177 = arith.addi %mul3A_87, %add3A_176 : i32
        %mul3A_178 = arith.constant 50000 : i32
        %mul3A_179 = arith.muli %arg1, %mul3A_178 : i32
        %mul3A_180 = arith.constant 400 : i32
        %mul3A_181 = arith.muli %add3A_177, %mul3A_180 : i32
        %add3A_182 = arith.addi %mul3A_179, %mul3A_181 : i32
        %dma_wait3A_183 = arith.constant 0 : i32
        %dma_wait3A_184 = tpu.memref_slice %arg2[%dma_wait3A_183, %add3A_182] : memref<2x800000xi32, #tpu.memory_space<hbm>> -> memref<1x400xi32, #tpu.memory_space<hbm>>
        %dma_wait3A_185 = tpu.memref_squeeze %dma_wait3A_184 : memref<1x400xi32, #tpu.memory_space<hbm>> -> memref<400xi32, #tpu.memory_space<hbm>>
        %dma_wait3A_186 = tpu.memref_slice %arg2[%dma_wait3A_183, %add3A_182] : memref<2x800000xi32, #tpu.memory_space<hbm>> -> memref<1x400xi32, #tpu.memory_space<hbm>>
        %dma_wait3A_187 = tpu.memref_squeeze %dma_wait3A_186 : memref<1x400xi32, #tpu.memory_space<hbm>> -> memref<400xi32, #tpu.memory_space<hbm>>
        tpu.wait_dma2 semaphore(%arg22 : memref<!tpu.dma_semaphore, #tpu.memory_space<semaphore_mem>>) src(%dma_wait3A_187 : memref<400xi32, #tpu.memory_space<hbm>>) dst(%arg14 : memref<400xi32, #tpu.memory_space<vmem>>)
        %dma_wait3A_188 = arith.constant 1 : i32
        %dma_wait3A_189 = tpu.memref_slice %arg2[%dma_wait3A_188, %add3A_182] : memref<2x800000xi32, #tpu.memory_space<hbm>> -> memref<1x400xi32, #tpu.memory_space<hbm>>
        %dma_wait3A_190 = tpu.memref_squeeze %dma_wait3A_189 : memref<1x400xi32, #tpu.memory_space<hbm>> -> memref<400xi32, #tpu.memory_space<hbm>>
        %dma_wait3A_191 = tpu.memref_slice %arg2[%dma_wait3A_188, %add3A_182] : memref<2x800000xi32, #tpu.memory_space<hbm>> -> memref<1x400xi32, #tpu.memory_space<hbm>>
        %dma_wait3A_192 = tpu.memref_squeeze %dma_wait3A_191 : memref<1x400xi32, #tpu.memory_space<hbm>> -> memref<400xi32, #tpu.memory_space<hbm>>
        tpu.wait_dma2 semaphore(%arg22 : memref<!tpu.dma_semaphore, #tpu.memory_space<semaphore_mem>>) src(%dma_wait3A_192 : memref<400xi32, #tpu.memory_space<hbm>>) dst(%arg15 : memref<400xi32, #tpu.memory_space<vmem>>)
        %dma_start3A_193 = arith.constant 0 : i32
        %dma_start3A_194 = arith.constant 0 : i32
        %dma_start3A_195 = tpu.memref_slice %arg4[%dma_start3A_193, %dma_start3A_194] : memref<50176x32xf32, #tpu.memory_space<hbm>> -> memref<50176x32xf32, #tpu.memory_space<hbm>>
        tpu.enqueue_indirect_dma source(%dma_start3A_195 : memref<50176x32xf32, #tpu.memory_space<hbm>>) target(%arg17 : memref<400x32xf32, #tpu.memory_space<vmem>>) offsets(%arg14 : memref<400xi32, #tpu.memory_space<vmem>>) semaphore(%arg24 : memref<!tpu.dma_semaphore, #tpu.memory_space<semaphore_mem>>)
        %add3A_196 = arith.constant 2 : i32
        %add3A_197 = arith.addi %mul3A_87, %add3A_196 : i32
        %dma_wait3A_198 = arith.constant 0 : i32
        %dma_wait3A_199 = arith.constant 0 : i32
        %dma_wait3A_200 = tpu.memref_slice %arg4[%dma_wait3A_198, %dma_wait3A_199] : memref<50176x32xf32, #tpu.memory_space<hbm>> -> memref<50176x32xf32, #tpu.memory_space<hbm>>
        tpu.wait_indirect_dma semaphore(%arg23 : memref<!tpu.dma_semaphore, #tpu.memory_space<semaphore_mem>>) src(%dma_wait3A_200 : memref<50176x32xf32, #tpu.memory_space<hbm>>) dst(%arg16 : memref<400x32xf32, #tpu.memory_space<vmem>>)
        "tpu.region"() ({
          %run_scoped3A = tpu.sem_alloc : memref<!tpu.dma_semaphore, #tpu.memory_space<semaphore_mem>>
          %dma_start3A_240 = arith.constant 0 : i32
          %dma_start3A_241 = arith.constant 0 : i32
          %dma_start3A_242 = tpu.memref_slice %arg18[%dma_start3A_240, %dma_start3A_241] : memref<50176x32xf32, #tpu.memory_space<vmem_shared>> -> memref<50176x32xf32, #tpu.memory_space<vmem_shared>>
          tpu.enqueue_indirect_dma source(%arg16 : memref<400x32xf32, #tpu.memory_space<vmem>>) target(%dma_start3A_242 : memref<50176x32xf32, #tpu.memory_space<vmem_shared>>) offsets(%arg13 : memref<400xi32, #tpu.memory_space<vmem>>) semaphore(%run_scoped3A : memref<!tpu.dma_semaphore, #tpu.memory_space<semaphore_mem>>) {add = true}
          %dma_wait3A_243 = arith.constant 0 : i32
          %dma_wait3A_244 = arith.constant 0 : i32
          %dma_wait3A_245 = tpu.memref_slice %arg18[%dma_wait3A_243, %dma_wait3A_244] : memref<50176x32xf32, #tpu.memory_space<vmem_shared>> -> memref<50176x32xf32, #tpu.memory_space<vmem_shared>>
          tpu.wait_indirect_dma semaphore(%run_scoped3A : memref<!tpu.dma_semaphore, #tpu.memory_space<semaphore_mem>>) src(%arg16 : memref<400x32xf32, #tpu.memory_space<vmem>>) dst(%dma_wait3A_245 : memref<50176x32xf32, #tpu.memory_space<vmem_shared>>)
          tpu.yield
        }) : () -> ()
        %add3A_201 = arith.constant 6 : i32
        %add3A_202 = arith.addi %mul3A_87, %add3A_201 : i32
        %lt3A_203 = arith.constant 125 : i32
        %lt3A_204 = arith.cmpi slt, %add3A_202, %lt3A_203 : i32
        %convert_element_type3A_205 = arith.extui %lt3A_204 : i1 to i32
        %cond3A_206 = arith.constant 0 : i32
        %cond3A_207 = arith.cmpi ne, %convert_element_type3A_205, %cond3A_206 : i32
        scf.if %cond3A_207 {
          %mul3A_240 = arith.constant 50000 : i32
          %mul3A_241 = arith.muli %arg1, %mul3A_240 : i32
          %mul3A_242 = arith.constant 400 : i32
          %mul3A_243 = arith.muli %add3A_202, %mul3A_242 : i32
          %add3A_244 = arith.addi %mul3A_241, %mul3A_243 : i32
          %dma_start3A_245 = arith.constant 0 : i32
          %dma_start3A_246 = tpu.memref_slice %arg2[%dma_start3A_245, %add3A_244] : memref<2x800000xi32, #tpu.memory_space<hbm>> -> memref<1x400xi32, #tpu.memory_space<hbm>>
          %dma_start3A_247 = tpu.memref_squeeze %dma_start3A_246 : memref<1x400xi32, #tpu.memory_space<hbm>> -> memref<400xi32, #tpu.memory_space<hbm>>
          %dma_start3A_248 = tpu.memref_slice %arg2[%dma_start3A_245, %add3A_244] : memref<2x800000xi32, #tpu.memory_space<hbm>> -> memref<1x400xi32, #tpu.memory_space<hbm>>
          %dma_start3A_249 = tpu.memref_squeeze %dma_start3A_248 : memref<1x400xi32, #tpu.memory_space<hbm>> -> memref<400xi32, #tpu.memory_space<hbm>>
          tpu.enqueue_dma source(%dma_start3A_249 : memref<400xi32, #tpu.memory_space<hbm>>) target(%arg12 : memref<400xi32, #tpu.memory_space<vmem>>) target_semaphore(%arg21 : memref<!tpu.dma_semaphore, #tpu.memory_space<semaphore_mem>>)
          %dma_start3A_250 = arith.constant 1 : i32
          %dma_start3A_251 = tpu.memref_slice %arg2[%dma_start3A_250, %add3A_244] : memref<2x800000xi32, #tpu.memory_space<hbm>> -> memref<1x400xi32, #tpu.memory_space<hbm>>
          %dma_start3A_252 = tpu.memref_squeeze %dma_start3A_251 : memref<1x400xi32, #tpu.memory_space<hbm>> -> memref<400xi32, #tpu.memory_space<hbm>>
          %dma_start3A_253 = tpu.memref_slice %arg2[%dma_start3A_250, %add3A_244] : memref<2x800000xi32, #tpu.memory_space<hbm>> -> memref<1x400xi32, #tpu.memory_space<hbm>>
          %dma_start3A_254 = tpu.memref_squeeze %dma_start3A_253 : memref<1x400xi32, #tpu.memory_space<hbm>> -> memref<400xi32, #tpu.memory_space<hbm>>
          tpu.enqueue_dma source(%dma_start3A_254 : memref<400xi32, #tpu.memory_space<hbm>>) target(%arg13 : memref<400xi32, #tpu.memory_space<vmem>>) target_semaphore(%arg21 : memref<!tpu.dma_semaphore, #tpu.memory_space<semaphore_mem>>)
        } else {
        }
        %add3A_208 = arith.constant 4 : i32
        %add3A_209 = arith.addi %mul3A_87, %add3A_208 : i32
        %mul3A_210 = arith.constant 50000 : i32
        %mul3A_211 = arith.muli %arg1, %mul3A_210 : i32
        %mul3A_212 = arith.constant 400 : i32
        %mul3A_213 = arith.muli %add3A_209, %mul3A_212 : i32
        %add3A_214 = arith.addi %mul3A_211, %mul3A_213 : i32
        %dma_wait3A_215 = arith.constant 0 : i32
        %dma_wait3A_216 = tpu.memref_slice %arg2[%dma_wait3A_215, %add3A_214] : memref<2x800000xi32, #tpu.memory_space<hbm>> -> memref<1x400xi32, #tpu.memory_space<hbm>>
        %dma_wait3A_217 = tpu.memref_squeeze %dma_wait3A_216 : memref<1x400xi32, #tpu.memory_space<hbm>> -> memref<400xi32, #tpu.memory_space<hbm>>
        %dma_wait3A_218 = tpu.memref_slice %arg2[%dma_wait3A_215, %add3A_214] : memref<2x800000xi32, #tpu.memory_space<hbm>> -> memref<1x400xi32, #tpu.memory_space<hbm>>
        %dma_wait3A_219 = tpu.memref_squeeze %dma_wait3A_218 : memref<1x400xi32, #tpu.memory_space<hbm>> -> memref<400xi32, #tpu.memory_space<hbm>>
        tpu.wait_dma2 semaphore(%arg19 : memref<!tpu.dma_semaphore, #tpu.memory_space<semaphore_mem>>) src(%dma_wait3A_219 : memref<400xi32, #tpu.memory_space<hbm>>) dst(%arg8 : memref<400xi32, #tpu.memory_space<vmem>>)
        %dma_wait3A_220 = arith.constant 1 : i32
        %dma_wait3A_221 = tpu.memref_slice %arg2[%dma_wait3A_220, %add3A_214] : memref<2x800000xi32, #tpu.memory_space<hbm>> -> memref<1x400xi32, #tpu.memory_space<hbm>>
        %dma_wait3A_222 = tpu.memref_squeeze %dma_wait3A_221 : memref<1x400xi32, #tpu.memory_space<hbm>> -> memref<400xi32, #tpu.memory_space<hbm>>
        %dma_wait3A_223 = tpu.memref_slice %arg2[%dma_wait3A_220, %add3A_214] : memref<2x800000xi32, #tpu.memory_space<hbm>> -> memref<1x400xi32, #tpu.memory_space<hbm>>
        %dma_wait3A_224 = tpu.memref_squeeze %dma_wait3A_223 : memref<1x400xi32, #tpu.memory_space<hbm>> -> memref<400xi32, #tpu.memory_space<hbm>>
        tpu.wait_dma2 semaphore(%arg19 : memref<!tpu.dma_semaphore, #tpu.memory_space<semaphore_mem>>) src(%dma_wait3A_224 : memref<400xi32, #tpu.memory_space<hbm>>) dst(%arg9 : memref<400xi32, #tpu.memory_space<vmem>>)
        %dma_start3A_225 = arith.constant 0 : i32
        %dma_start3A_226 = arith.constant 0 : i32
        %dma_start3A_227 = tpu.memref_slice %arg4[%dma_start3A_225, %dma_start3A_226] : memref<50176x32xf32, #tpu.memory_space<hbm>> -> memref<50176x32xf32, #tpu.memory_space<hbm>>
        tpu.enqueue_indirect_dma source(%dma_start3A_227 : memref<50176x32xf32, #tpu.memory_space<hbm>>) target(%arg16 : memref<400x32xf32, #tpu.memory_space<vmem>>) offsets(%arg8 : memref<400xi32, #tpu.memory_space<vmem>>) semaphore(%arg23 : memref<!tpu.dma_semaphore, #tpu.memory_space<semaphore_mem>>)
        %add3A_228 = arith.constant 3 : i32
        %add3A_229 = arith.addi %mul3A_87, %add3A_228 : i32
        %dma_wait3A_230 = arith.constant 0 : i32
        %dma_wait3A_231 = arith.constant 0 : i32
        %dma_wait3A_232 = tpu.memref_slice %arg4[%dma_wait3A_230, %dma_wait3A_231] : memref<50176x32xf32, #tpu.memory_space<hbm>> -> memref<50176x32xf32, #tpu.memory_space<hbm>>
        tpu.wait_indirect_dma semaphore(%arg24 : memref<!tpu.dma_semaphore, #tpu.memory_space<semaphore_mem>>) src(%dma_wait3A_232 : memref<50176x32xf32, #tpu.memory_space<hbm>>) dst(%arg17 : memref<400x32xf32, #tpu.memory_space<vmem>>)
        "tpu.region"() ({
          %run_scoped3A = tpu.sem_alloc : memref<!tpu.dma_semaphore, #tpu.memory_space<semaphore_mem>>
          %dma_start3A_240 = arith.constant 0 : i32
          %dma_start3A_241 = arith.constant 0 : i32
          %dma_start3A_242 = tpu.memref_slice %arg18[%dma_start3A_240, %dma_start3A_241] : memref<50176x32xf32, #tpu.memory_space<vmem_shared>> -> memref<50176x32xf32, #tpu.memory_space<vmem_shared>>
          tpu.enqueue_indirect_dma source(%arg17 : memref<400x32xf32, #tpu.memory_space<vmem>>) target(%dma_start3A_242 : memref<50176x32xf32, #tpu.memory_space<vmem_shared>>) offsets(%arg15 : memref<400xi32, #tpu.memory_space<vmem>>) semaphore(%run_scoped3A : memref<!tpu.dma_semaphore, #tpu.memory_space<semaphore_mem>>) {add = true}
          %dma_wait3A_243 = arith.constant 0 : i32
          %dma_wait3A_244 = arith.constant 0 : i32
          %dma_wait3A_245 = tpu.memref_slice %arg18[%dma_wait3A_243, %dma_wait3A_244] : memref<50176x32xf32, #tpu.memory_space<vmem_shared>> -> memref<50176x32xf32, #tpu.memory_space<vmem_shared>>
          tpu.wait_indirect_dma semaphore(%run_scoped3A : memref<!tpu.dma_semaphore, #tpu.memory_space<semaphore_mem>>) src(%arg17 : memref<400x32xf32, #tpu.memory_space<vmem>>) dst(%dma_wait3A_245 : memref<50176x32xf32, #tpu.memory_space<vmem_shared>>)
          tpu.yield
        }) : () -> ()
        %add3A_233 = arith.constant 7 : i32
        %add3A_234 = arith.addi %mul3A_87, %add3A_233 : i32
        %lt3A_235 = arith.constant 125 : i32
        %lt3A_236 = arith.cmpi slt, %add3A_234, %lt3A_235 : i32
        %convert_element_type3A_237 = arith.extui %lt3A_236 : i1 to i32
        %cond3A_238 = arith.constant 0 : i32
        %cond3A_239 = arith.cmpi ne, %convert_element_type3A_237, %cond3A_238 : i32
        scf.if %cond3A_239 {
          %mul3A_240 = arith.constant 50000 : i32
          %mul3A_241 = arith.muli %arg1, %mul3A_240 : i32
          %mul3A_242 = arith.constant 400 : i32
          %mul3A_243 = arith.muli %add3A_234, %mul3A_242 : i32
          %add3A_244 = arith.addi %mul3A_241, %mul3A_243 : i32
          %dma_start3A_245 = arith.constant 0 : i32
          %dma_start3A_246 = tpu.memref_slice %arg2[%dma_start3A_245, %add3A_244] : memref<2x800000xi32, #tpu.memory_space<hbm>> -> memref<1x400xi32, #tpu.memory_space<hbm>>
          %dma_start3A_247 = tpu.memref_squeeze %dma_start3A_246 : memref<1x400xi32, #tpu.memory_space<hbm>> -> memref<400xi32, #tpu.memory_space<hbm>>
          %dma_start3A_248 = tpu.memref_slice %arg2[%dma_start3A_245, %add3A_244] : memref<2x800000xi32, #tpu.memory_space<hbm>> -> memref<1x400xi32, #tpu.memory_space<hbm>>
          %dma_start3A_249 = tpu.memref_squeeze %dma_start3A_248 : memref<1x400xi32, #tpu.memory_space<hbm>> -> memref<400xi32, #tpu.memory_space<hbm>>
          tpu.enqueue_dma source(%dma_start3A_249 : memref<400xi32, #tpu.memory_space<hbm>>) target(%arg14 : memref<400xi32, #tpu.memory_space<vmem>>) target_semaphore(%arg22 : memref<!tpu.dma_semaphore, #tpu.memory_space<semaphore_mem>>)
          %dma_start3A_250 = arith.constant 1 : i32
          %dma_start3A_251 = tpu.memref_slice %arg2[%dma_start3A_250, %add3A_244] : memref<2x800000xi32, #tpu.memory_space<hbm>> -> memref<1x400xi32, #tpu.memory_space<hbm>>
          %dma_start3A_252 = tpu.memref_squeeze %dma_start3A_251 : memref<1x400xi32, #tpu.memory_space<hbm>> -> memref<400xi32, #tpu.memory_space<hbm>>
          %dma_start3A_253 = tpu.memref_slice %arg2[%dma_start3A_250, %add3A_244] : memref<2x800000xi32, #tpu.memory_space<hbm>> -> memref<1x400xi32, #tpu.memory_space<hbm>>
          %dma_start3A_254 = tpu.memref_squeeze %dma_start3A_253 : memref<1x400xi32, #tpu.memory_space<hbm>> -> memref<400xi32, #tpu.memory_space<hbm>>
          tpu.enqueue_dma source(%dma_start3A_254 : memref<400xi32, #tpu.memory_space<hbm>>) target(%arg15 : memref<400xi32, #tpu.memory_space<vmem>>) target_semaphore(%arg22 : memref<!tpu.dma_semaphore, #tpu.memory_space<semaphore_mem>>)
        } else {
        }
      }
      %scan3A_81 = arith.constant 31 : i32
      %dma_wait3A_82 = arith.constant 0 : i32
      %dma_wait3A_83 = arith.constant 0 : i32
      %dma_wait3A_84 = tpu.memref_slice %arg4[%dma_wait3A_82, %dma_wait3A_83] : memref<50176x32xf32, #tpu.memory_space<hbm>> -> memref<50176x32xf32, #tpu.memory_space<hbm>>
      tpu.wait_indirect_dma semaphore(%arg23 : memref<!tpu.dma_semaphore, #tpu.memory_space<semaphore_mem>>) src(%dma_wait3A_84 : memref<50176x32xf32, #tpu.memory_space<hbm>>) dst(%arg16 : memref<400x32xf32, #tpu.memory_space<vmem>>)
      "tpu.region"() ({
        %run_scoped3A = tpu.sem_alloc : memref<!tpu.dma_semaphore, #tpu.memory_space<semaphore_mem>>
        %dma_start3A_85 = arith.constant 0 : i32
        %dma_start3A_86 = arith.constant 0 : i32
        %dma_start3A_87 = tpu.memref_slice %arg18[%dma_start3A_85, %dma_start3A_86] : memref<50176x32xf32, #tpu.memory_space<vmem_shared>> -> memref<50176x32xf32, #tpu.memory_space<vmem_shared>>
        tpu.enqueue_indirect_dma source(%arg16 : memref<400x32xf32, #tpu.memory_space<vmem>>) target(%dma_start3A_87 : memref<50176x32xf32, #tpu.memory_space<vmem_shared>>) offsets(%arg9 : memref<400xi32, #tpu.memory_space<vmem>>) semaphore(%run_scoped3A : memref<!tpu.dma_semaphore, #tpu.memory_space<semaphore_mem>>) {add = true}
        %dma_wait3A_88 = arith.constant 0 : i32
        %dma_wait3A_89 = arith.constant 0 : i32
        %dma_wait3A_90 = tpu.memref_slice %arg18[%dma_wait3A_88, %dma_wait3A_89] : memref<50176x32xf32, #tpu.memory_space<vmem_shared>> -> memref<50176x32xf32, #tpu.memory_space<vmem_shared>>
        tpu.wait_indirect_dma semaphore(%run_scoped3A : memref<!tpu.dma_semaphore, #tpu.memory_space<semaphore_mem>>) src(%arg16 : memref<400x32xf32, #tpu.memory_space<vmem>>) dst(%dma_wait3A_90 : memref<50176x32xf32, #tpu.memory_space<vmem_shared>>)
        tpu.yield
      }) : () -> ()
    } else {
    }
    %barrier3A_8 = arith.constant 0 : index
    tpu.barrier barrier_id(%barrier3A_8)
    %mul3A_9 = arith.constant 3136 : i32
    %mul3A_10 = arith.muli %arg1, %mul3A_9 : i32
    %eq3A_11 = arith.constant 0 : i32
    %eq3A_12 = arith.cmpi eq, %arg0, %eq3A_11 : i32
    %convert_element_type3A_13 = arith.extui %eq3A_12 : i1 to i32
    %cond3A_14 = arith.constant 0 : i32
    %cond3A_15 = arith.cmpi ne, %convert_element_type3A_13, %cond3A_14 : i32
    scf.if %cond3A_15 {
      "tpu.region"() ({
        %run_scoped3A = tpu.sem_alloc : memref<!tpu.dma_semaphore, #tpu.memory_space<semaphore_mem>>
        %dma_start3A = arith.constant 0 : i32
        %dma_start3A_21 = tpu.memref_slice %arg6[%mul3A_10, %dma_start3A] : memref<50176x32xf32, #tpu.memory_space<hbm>> -> memref<3136x32xf32, #tpu.memory_space<hbm>>
        %dma_start3A_22 = arith.constant 0 : i32
        %dma_start3A_23 = tpu.memref_slice %arg18[%mul3A_10, %dma_start3A_22] : memref<50176x32xf32, #tpu.memory_space<vmem_shared>> -> memref<3136x32xf32, #tpu.memory_space<vmem_shared>>
        tpu.enqueue_dma source(%dma_start3A_23 : memref<3136x32xf32, #tpu.memory_space<vmem_shared>>) target(%dma_start3A_21 : memref<3136x32xf32, #tpu.memory_space<hbm>>) target_semaphore(%run_scoped3A : memref<!tpu.dma_semaphore, #tpu.memory_space<semaphore_mem>>)
        %dma_wait3A = arith.constant 0 : i32
        %dma_wait3A_24 = tpu.memref_slice %arg6[%mul3A_10, %dma_wait3A] : memref<50176x32xf32, #tpu.memory_space<hbm>> -> memref<3136x32xf32, #tpu.memory_space<hbm>>
        %dma_wait3A_25 = arith.constant 0 : i32
        %dma_wait3A_26 = tpu.memref_slice %arg18[%mul3A_10, %dma_wait3A_25] : memref<50176x32xf32, #tpu.memory_space<vmem_shared>> -> memref<3136x32xf32, #tpu.memory_space<vmem_shared>>
        tpu.wait_dma2 semaphore(%run_scoped3A : memref<!tpu.dma_semaphore, #tpu.memory_space<semaphore_mem>>) src(%dma_wait3A_26 : memref<3136x32xf32, #tpu.memory_space<vmem_shared>>) dst(%dma_wait3A_24 : memref<3136x32xf32, #tpu.memory_space<hbm>>)
        tpu.yield
      }) : () -> ()
    } else {
    }
    %eq3A_16 = arith.constant 1 : i32
    %eq3A_17 = arith.cmpi eq, %arg0, %eq3A_16 : i32
    %convert_element_type3A_18 = arith.extui %eq3A_17 : i1 to i32
    %cond3A_19 = arith.constant 0 : i32
    %cond3A_20 = arith.cmpi ne, %convert_element_type3A_18, %cond3A_19 : i32
    scf.if %cond3A_20 {
      "tpu.region"() ({
        %run_scoped3A = tpu.sem_alloc : memref<!tpu.dma_semaphore, #tpu.memory_space<semaphore_mem>>
        %dma_start3A = arith.constant 0 : i32
        %dma_start3A_21 = tpu.memref_slice %arg7[%mul3A_10, %dma_start3A] : memref<50176x32xf32, #tpu.memory_space<hbm>> -> memref<3136x32xf32, #tpu.memory_space<hbm>>
        %dma_start3A_22 = arith.constant 0 : i32
        %dma_start3A_23 = tpu.memref_slice %arg18[%mul3A_10, %dma_start3A_22] : memref<50176x32xf32, #tpu.memory_space<vmem_shared>> -> memref<3136x32xf32, #tpu.memory_space<vmem_shared>>
        tpu.enqueue_dma source(%dma_start3A_23 : memref<3136x32xf32, #tpu.memory_space<vmem_shared>>) target(%dma_start3A_21 : memref<3136x32xf32, #tpu.memory_space<hbm>>) target_semaphore(%run_scoped3A : memref<!tpu.dma_semaphore, #tpu.memory_space<semaphore_mem>>)
        %dma_wait3A = arith.constant 0 : i32
        %dma_wait3A_24 = tpu.memref_slice %arg7[%mul3A_10, %dma_wait3A] : memref<50176x32xf32, #tpu.memory_space<hbm>> -> memref<3136x32xf32, #tpu.memory_space<hbm>>
        %dma_wait3A_25 = arith.constant 0 : i32
        %dma_wait3A_26 = tpu.memref_slice %arg18[%mul3A_10, %dma_wait3A_25] : memref<50176x32xf32, #tpu.memory_space<vmem_shared>> -> memref<3136x32xf32, #tpu.memory_space<vmem_shared>>
        tpu.wait_dma2 semaphore(%run_scoped3A : memref<!tpu.dma_semaphore, #tpu.memory_space<semaphore_mem>>) src(%dma_wait3A_26 : memref<3136x32xf32, #tpu.memory_space<vmem_shared>>) dst(%dma_wait3A_24 : memref<3136x32xf32, #tpu.memory_space<hbm>>)
        tpu.yield
      }) : () -> ()
    } else {
    }
    return
  }
}

#map = affine_map<(d0, d1) -> (0, 0)>
#map1 = affine_map<(d0, d1) -> (0)>
module attributes {stable_mosaic.version = 14 : i64} {
  func.func @_deg_kernel(%arg0: i32, %arg1: i32, %arg2: memref<2x800000xi32, #tpu.memory_space<hbm>>, %arg3: memref<3136xf32, #tpu.memory_space<hbm>>, %arg4: memref<1000xf32, #tpu.memory_space<hbm>>, %arg5: memref<50176xf32, #tpu.memory_space<hbm>>, %arg6: memref<1000xi32, #tpu.memory_space<vmem>>, %arg7: memref<1000xf32, #tpu.memory_space<vmem>>, %arg8: memref<50176xf32, #tpu.memory_space<vmem_shared>>) attributes {dimension_semantics = [#tpu.dimension_semantics<core_parallel>, #tpu.dimension_semantics<subcore_parallel>], iteration_bounds = array<i64: 2, 16>, scalar_prefetch = 0 : i64, scratch_operands = 3 : i64, tpu.core_type = #tpu.core_type<sc_vector_subcore>, window_params = [{transform_indices = #map}, {transform_indices = #map1}, {transform_indices = #map1}, {transform_indices = #map1}]} {
    %eq3A = arith.constant 0 : i32
    %eq3A_0 = arith.cmpi eq, %arg0, %eq3A : i32
    %convert_element_type3A = arith.extui %eq3A_0 : i1 to i32
    %cond3A = arith.constant 0 : i32
    %cond3A_1 = arith.cmpi ne, %convert_element_type3A, %cond3A : i32
    scf.if %cond3A_1 {
      %mul3A = arith.constant 3136 : i32
      %mul3A_13 = arith.muli %arg1, %mul3A : i32
      "tpu.region"() ({
        %run_scoped3A = tpu.sem_alloc : memref<!tpu.dma_semaphore, #tpu.memory_space<semaphore_mem>>
        %dma_start3A = tpu.memref_slice %arg8[%mul3A_13] : memref<50176xf32, #tpu.memory_space<vmem_shared>> -> memref<3136xf32, #tpu.memory_space<vmem_shared>>
        tpu.enqueue_dma source(%arg3 : memref<3136xf32, #tpu.memory_space<hbm>>) target(%dma_start3A : memref<3136xf32, #tpu.memory_space<vmem_shared>>) target_semaphore(%run_scoped3A : memref<!tpu.dma_semaphore, #tpu.memory_space<semaphore_mem>>)
        %dma_wait3A = tpu.memref_slice %arg8[%mul3A_13] : memref<50176xf32, #tpu.memory_space<vmem_shared>> -> memref<3136xf32, #tpu.memory_space<vmem_shared>>
        tpu.wait_dma2 semaphore(%run_scoped3A : memref<!tpu.dma_semaphore, #tpu.memory_space<semaphore_mem>>) src(%arg3 : memref<3136xf32, #tpu.memory_space<hbm>>) dst(%dma_wait3A : memref<3136xf32, #tpu.memory_space<vmem_shared>>)
        tpu.yield
      }) : () -> ()
      "tpu.region"() ({
        %run_scoped3A = tpu.sem_alloc : memref<!tpu.dma_semaphore, #tpu.memory_space<semaphore_mem>>
        tpu.enqueue_dma source(%arg4 : memref<1000xf32, #tpu.memory_space<hbm>>) target(%arg7 : memref<1000xf32, #tpu.memory_space<vmem>>) target_semaphore(%run_scoped3A : memref<!tpu.dma_semaphore, #tpu.memory_space<semaphore_mem>>)
        tpu.wait_dma2 semaphore(%run_scoped3A : memref<!tpu.dma_semaphore, #tpu.memory_space<semaphore_mem>>) src(%arg4 : memref<1000xf32, #tpu.memory_space<hbm>>) dst(%arg7 : memref<1000xf32, #tpu.memory_space<vmem>>)
        tpu.yield
      }) : () -> ()
    } else {
    }
    %barrier3A = arith.constant 0 : index
    tpu.barrier barrier_id(%barrier3A)
    %eq3A_2 = arith.constant 0 : i32
    %eq3A_3 = arith.cmpi eq, %arg0, %eq3A_2 : i32
    %convert_element_type3A_4 = arith.extui %eq3A_3 : i1 to i32
    %cond3A_5 = arith.constant 0 : i32
    %cond3A_6 = arith.cmpi ne, %convert_element_type3A_4, %cond3A_5 : i32
    scf.if %cond3A_6 {
      %scan3A = arith.constant 0 : i32
      %scan3A_13 = arith.constant 0 : i32
      %scan3A_14 = arith.constant 50 : i32
      %scan3A_15 = arith.addi %scan3A_13, %scan3A_14 : i32
      %scan3A_16 = arith.constant 1 : i32
      scf.for %scan3A_18 = %scan3A_13 to %scan3A_15 step %scan3A_16  : i32 {
        %mul3A = arith.constant 50000 : i32
        %mul3A_19 = arith.muli %arg1, %mul3A : i32
        %mul3A_20 = arith.constant 1000 : i32
        %mul3A_21 = arith.muli %scan3A_18, %mul3A_20 : i32
        %add3A = arith.addi %mul3A_19, %mul3A_21 : i32
        %run_scoped3A = arith.constant 1 : i32
        "tpu.region"() ({
          %run_scoped3A_22 = tpu.sem_alloc : memref<!tpu.dma_semaphore, #tpu.memory_space<semaphore_mem>>
          %dma_start3A = tpu.memref_slice %arg2[%run_scoped3A, %add3A] : memref<2x800000xi32, #tpu.memory_space<hbm>> -> memref<1x1000xi32, #tpu.memory_space<hbm>>
          %dma_start3A_23 = tpu.memref_squeeze %dma_start3A : memref<1x1000xi32, #tpu.memory_space<hbm>> -> memref<1000xi32, #tpu.memory_space<hbm>>
          %dma_start3A_24 = tpu.memref_slice %arg2[%run_scoped3A, %add3A] : memref<2x800000xi32, #tpu.memory_space<hbm>> -> memref<1x1000xi32, #tpu.memory_space<hbm>>
          %dma_start3A_25 = tpu.memref_squeeze %dma_start3A_24 : memref<1x1000xi32, #tpu.memory_space<hbm>> -> memref<1000xi32, #tpu.memory_space<hbm>>
          tpu.enqueue_dma source(%dma_start3A_25 : memref<1000xi32, #tpu.memory_space<hbm>>) target(%arg6 : memref<1000xi32, #tpu.memory_space<vmem>>) target_semaphore(%run_scoped3A_22 : memref<!tpu.dma_semaphore, #tpu.memory_space<semaphore_mem>>)
          %dma_wait3A = tpu.memref_slice %arg2[%run_scoped3A, %add3A] : memref<2x800000xi32, #tpu.memory_space<hbm>> -> memref<1x1000xi32, #tpu.memory_space<hbm>>
          %dma_wait3A_26 = tpu.memref_squeeze %dma_wait3A : memref<1x1000xi32, #tpu.memory_space<hbm>> -> memref<1000xi32, #tpu.memory_space<hbm>>
          %dma_wait3A_27 = tpu.memref_slice %arg2[%run_scoped3A, %add3A] : memref<2x800000xi32, #tpu.memory_space<hbm>> -> memref<1x1000xi32, #tpu.memory_space<hbm>>
          %dma_wait3A_28 = tpu.memref_squeeze %dma_wait3A_27 : memref<1x1000xi32, #tpu.memory_space<hbm>> -> memref<1000xi32, #tpu.memory_space<hbm>>
          tpu.wait_dma2 semaphore(%run_scoped3A_22 : memref<!tpu.dma_semaphore, #tpu.memory_space<semaphore_mem>>) src(%dma_wait3A_28 : memref<1000xi32, #tpu.memory_space<hbm>>) dst(%arg6 : memref<1000xi32, #tpu.memory_space<vmem>>)
          tpu.yield
        }) : () -> ()
        "tpu.region"() ({
          %run_scoped3A_22 = tpu.sem_alloc : memref<!tpu.dma_semaphore, #tpu.memory_space<semaphore_mem>>
          %dma_start3A = arith.constant 0 : i32
          %dma_start3A_23 = tpu.memref_slice %arg8[%dma_start3A] : memref<50176xf32, #tpu.memory_space<vmem_shared>> -> memref<50176xf32, #tpu.memory_space<vmem_shared>>
          tpu.enqueue_indirect_dma source(%arg7 : memref<1000xf32, #tpu.memory_space<vmem>>) target(%dma_start3A_23 : memref<50176xf32, #tpu.memory_space<vmem_shared>>) offsets(%arg6 : memref<1000xi32, #tpu.memory_space<vmem>>) semaphore(%run_scoped3A_22 : memref<!tpu.dma_semaphore, #tpu.memory_space<semaphore_mem>>) {add = true}
          %dma_wait3A = arith.constant 0 : i32
          %dma_wait3A_24 = tpu.memref_slice %arg8[%dma_wait3A] : memref<50176xf32, #tpu.memory_space<vmem_shared>> -> memref<50176xf32, #tpu.memory_space<vmem_shared>>
          tpu.wait_indirect_dma semaphore(%run_scoped3A_22 : memref<!tpu.dma_semaphore, #tpu.memory_space<semaphore_mem>>) src(%arg7 : memref<1000xf32, #tpu.memory_space<vmem>>) dst(%dma_wait3A_24 : memref<50176xf32, #tpu.memory_space<vmem_shared>>)
          tpu.yield
        }) : () -> ()
      }
      %scan3A_17 = arith.constant 50 : i32
    } else {
    }
    %barrier3A_7 = arith.constant 0 : index
    tpu.barrier barrier_id(%barrier3A_7)
    %eq3A_8 = arith.constant 0 : i32
    %eq3A_9 = arith.cmpi eq, %arg0, %eq3A_8 : i32
    %convert_element_type3A_10 = arith.extui %eq3A_9 : i1 to i32
    %cond3A_11 = arith.constant 0 : i32
    %cond3A_12 = arith.cmpi ne, %convert_element_type3A_10, %cond3A_11 : i32
    scf.if %cond3A_12 {
      %mul3A = arith.constant 3136 : i32
      %mul3A_13 = arith.muli %arg1, %mul3A : i32
      "tpu.region"() ({
        %run_scoped3A = tpu.sem_alloc : memref<!tpu.dma_semaphore, #tpu.memory_space<semaphore_mem>>
        %dma_start3A = tpu.memref_slice %arg5[%mul3A_13] : memref<50176xf32, #tpu.memory_space<hbm>> -> memref<3136xf32, #tpu.memory_space<hbm>>
        %dma_start3A_14 = tpu.memref_slice %arg8[%mul3A_13] : memref<50176xf32, #tpu.memory_space<vmem_shared>> -> memref<3136xf32, #tpu.memory_space<vmem_shared>>
        tpu.enqueue_dma source(%dma_start3A_14 : memref<3136xf32, #tpu.memory_space<vmem_shared>>) target(%dma_start3A : memref<3136xf32, #tpu.memory_space<hbm>>) target_semaphore(%run_scoped3A : memref<!tpu.dma_semaphore, #tpu.memory_space<semaphore_mem>>)
        %dma_wait3A = tpu.memref_slice %arg5[%mul3A_13] : memref<50176xf32, #tpu.memory_space<hbm>> -> memref<3136xf32, #tpu.memory_space<hbm>>
        %dma_wait3A_15 = tpu.memref_slice %arg8[%mul3A_13] : memref<50176xf32, #tpu.memory_space<vmem_shared>> -> memref<3136xf32, #tpu.memory_space<vmem_shared>>
        tpu.wait_dma2 semaphore(%run_scoped3A : memref<!tpu.dma_semaphore, #tpu.memory_space<semaphore_mem>>) src(%dma_wait3A_15 : memref<3136xf32, #tpu.memory_space<vmem_shared>>) dst(%dma_wait3A : memref<3136xf32, #tpu.memory_space<hbm>>)
        tpu.yield
      }) : () -> ()
    } else {
    }
    return
  }
}

#map = affine_map<(d0, d1) -> (0, 0)>
module attributes {stable_mosaic.version = 14 : i64} {
  func.func @_edge_kernel(%arg0: i32, %arg1: i32, %arg2: memref<2x800000xi32, #tpu.memory_space<hbm>>, %arg3: memref<50176x32xf32, #tpu.memory_space<hbm>>, %arg4: memref<50176x32xf32, #tpu.memory_space<hbm>>, %arg5: memref<3136x32xf32, #tpu.memory_space<hbm>>, %arg6: memref<50176x32xf32, #tpu.memory_space<hbm>>, %arg7: memref<50176x32xf32, #tpu.memory_space<hbm>>, %arg8: memref<400xi32, #tpu.memory_space<vmem>>, %arg9: memref<400xi32, #tpu.memory_space<vmem>>, %arg10: memref<400xi32, #tpu.memory_space<vmem>>, %arg11: memref<400xi32, #tpu.memory_space<vmem>>, %arg12: memref<400xi32, #tpu.memory_space<vmem>>, %arg13: memref<400xi32, #tpu.memory_space<vmem>>, %arg14: memref<400xi32, #tpu.memory_space<vmem>>, %arg15: memref<400xi32, #tpu.memory_space<vmem>>, %arg16: memref<400x32xf32, #tpu.memory_space<vmem>>, %arg17: memref<400x32xf32, #tpu.memory_space<vmem>>, %arg18: memref<50176x32xf32, #tpu.memory_space<vmem_shared>>, %arg19: memref<!tpu.dma_semaphore, #tpu.memory_space<semaphore_mem>>, %arg20: memref<!tpu.dma_semaphore, #tpu.memory_space<semaphore_mem>>, %arg21: memref<!tpu.dma_semaphore, #tpu.memory_space<semaphore_mem>>, %arg22: memref<!tpu.dma_semaphore, #tpu.memory_space<semaphore_mem>>, %arg23: memref<!tpu.dma_semaphore, #tpu.memory_space<semaphore_mem>>, %arg24: memref<!tpu.dma_semaphore, #tpu.memory_space<semaphore_mem>>) attributes {dimension_semantics = [#tpu.dimension_semantics<core_parallel>, #tpu.dimension_semantics<subcore_parallel>], iteration_bounds = array<i64: 2, 16>, scalar_prefetch = 0 : i64, scratch_operands = 17 : i64, tpu.core_type = #tpu.core_type<sc_vector_subcore>, window_params = [{transform_indices = #map}, {transform_indices = #map}, {transform_indices = #map}, {transform_indices = #map}, {transform_indices = #map}, {transform_indices = #map}]} {
    %mul3A = arith.constant 3136 : i32
    %mul3A_0 = arith.muli %arg1, %mul3A : i32
    "tpu.region"() ({
      %run_scoped3A = tpu.sem_alloc : memref<!tpu.dma_semaphore, #tpu.memory_space<semaphore_mem>>
      %dma_start3A = arith.constant 0 : i32
      %dma_start3A_21 = tpu.memref_slice %arg18[%mul3A_0, %dma_start3A] : memref<50176x32xf32, #tpu.memory_space<vmem_shared>> -> memref<3136x32xf32, #tpu.memory_space<vmem_shared>>
      tpu.enqueue_dma source(%arg5 : memref<3136x32xf32, #tpu.memory_space<hbm>>) target(%dma_start3A_21 : memref<3136x32xf32, #tpu.memory_space<vmem_shared>>) target_semaphore(%run_scoped3A : memref<!tpu.dma_semaphore, #tpu.memory_space<semaphore_mem>>)
      %dma_wait3A = arith.constant 0 : i32
      %dma_wait3A_22 = tpu.memref_slice %arg18[%mul3A_0, %dma_wait3A] : memref<50176x32xf32, #tpu.memory_space<vmem_shared>> -> memref<3136x32xf32, #tpu.memory_space<vmem_shared>>
      tpu.wait_dma2 semaphore(%run_scoped3A : memref<!tpu.dma_semaphore, #tpu.memory_space<semaphore_mem>>) src(%arg5 : memref<3136x32xf32, #tpu.memory_space<hbm>>) dst(%dma_wait3A_22 : memref<3136x32xf32, #tpu.memory_space<vmem_shared>>)
      tpu.yield
    }) : () -> ()
    %barrier3A = arith.constant 0 : index
    tpu.barrier barrier_id(%barrier3A)
    %eq3A = arith.constant 0 : i32
    %eq3A_1 = arith.cmpi eq, %arg0, %eq3A : i32
    %convert_element_type3A = arith.extui %eq3A_1 : i1 to i32
    %cond3A = arith.constant 0 : i32
    %cond3A_2 = arith.cmpi ne, %convert_element_type3A, %cond3A : i32
    scf.if %cond3A_2 {
      %mul3A_21 = arith.constant 50000 : i32
      %mul3A_22 = arith.muli %arg1, %mul3A_21 : i32
      %add3A = arith.constant 0 : i32
      %add3A_23 = arith.addi %mul3A_22, %add3A : i32
      %dma_start3A = arith.constant 0 : i32
      %dma_start3A_24 = tpu.memref_slice %arg2[%dma_start3A, %add3A_23] : memref<2x800000xi32, #tpu.memory_space<hbm>> -> memref<1x400xi32, #tpu.memory_space<hbm>>
      %dma_start3A_25 = tpu.memref_squeeze %dma_start3A_24 : memref<1x400xi32, #tpu.memory_space<hbm>> -> memref<400xi32, #tpu.memory_space<hbm>>
      %dma_start3A_26 = tpu.memref_slice %arg2[%dma_start3A, %add3A_23] : memref<2x800000xi32, #tpu.memory_space<hbm>> -> memref<1x400xi32, #tpu.memory_space<hbm>>
      %dma_start3A_27 = tpu.memref_squeeze %dma_start3A_26 : memref<1x400xi32, #tpu.memory_space<hbm>> -> memref<400xi32, #tpu.memory_space<hbm>>
      tpu.enqueue_dma source(%dma_start3A_27 : memref<400xi32, #tpu.memory_space<hbm>>) target(%arg8 : memref<400xi32, #tpu.memory_space<vmem>>) target_semaphore(%arg19 : memref<!tpu.dma_semaphore, #tpu.memory_space<semaphore_mem>>)
      %dma_start3A_28 = arith.constant 1 : i32
      %dma_start3A_29 = tpu.memref_slice %arg2[%dma_start3A_28, %add3A_23] : memref<2x800000xi32, #tpu.memory_space<hbm>> -> memref<1x400xi32, #tpu.memory_space<hbm>>
      %dma_start3A_30 = tpu.memref_squeeze %dma_start3A_29 : memref<1x400xi32, #tpu.memory_space<hbm>> -> memref<400xi32, #tpu.memory_space<hbm>>
      %dma_start3A_31 = tpu.memref_slice %arg2[%dma_start3A_28, %add3A_23] : memref<2x800000xi32, #tpu.memory_space<hbm>> -> memref<1x400xi32, #tpu.memory_space<hbm>>
      %dma_start3A_32 = tpu.memref_squeeze %dma_start3A_31 : memref<1x400xi32, #tpu.memory_space<hbm>> -> memref<400xi32, #tpu.memory_space<hbm>>
      tpu.enqueue_dma source(%dma_start3A_32 : memref<400xi32, #tpu.memory_space<hbm>>) target(%arg9 : memref<400xi32, #tpu.memory_space<vmem>>) target_semaphore(%arg19 : memref<!tpu.dma_semaphore, #tpu.memory_space<semaphore_mem>>)
      %mul3A_33 = arith.constant 50000 : i32
      %mul3A_34 = arith.muli %arg1, %mul3A_33 : i32
      %add3A_35 = arith.constant 400 : i32
      %add3A_36 = arith.addi %mul3A_34, %add3A_35 : i32
      %dma_start3A_37 = arith.constant 0 : i32
      %dma_start3A_38 = tpu.memref_slice %arg2[%dma_start3A_37, %add3A_36] : memref<2x800000xi32, #tpu.memory_space<hbm>> -> memref<1x400xi32, #tpu.memory_space<hbm>>
      %dma_start3A_39 = tpu.memref_squeeze %dma_start3A_38 : memref<1x400xi32, #tpu.memory_space<hbm>> -> memref<400xi32, #tpu.memory_space<hbm>>
      %dma_start3A_40 = tpu.memref_slice %arg2[%dma_start3A_37, %add3A_36] : memref<2x800000xi32, #tpu.memory_space<hbm>> -> memref<1x400xi32, #tpu.memory_space<hbm>>
      %dma_start3A_41 = tpu.memref_squeeze %dma_start3A_40 : memref<1x400xi32, #tpu.memory_space<hbm>> -> memref<400xi32, #tpu.memory_space<hbm>>
      tpu.enqueue_dma source(%dma_start3A_41 : memref<400xi32, #tpu.memory_space<hbm>>) target(%arg10 : memref<400xi32, #tpu.memory_space<vmem>>) target_semaphore(%arg20 : memref<!tpu.dma_semaphore, #tpu.memory_space<semaphore_mem>>)
      %dma_start3A_42 = arith.constant 1 : i32
      %dma_start3A_43 = tpu.memref_slice %arg2[%dma_start3A_42, %add3A_36] : memref<2x800000xi32, #tpu.memory_space<hbm>> -> memref<1x400xi32, #tpu.memory_space<hbm>>
      %dma_start3A_44 = tpu.memref_squeeze %dma_start3A_43 : memref<1x400xi32, #tpu.memory_space<hbm>> -> memref<400xi32, #tpu.memory_space<hbm>>
      %dma_start3A_45 = tpu.memref_slice %arg2[%dma_start3A_42, %add3A_36] : memref<2x800000xi32, #tpu.memory_space<hbm>> -> memref<1x400xi32, #tpu.memory_space<hbm>>
      %dma_start3A_46 = tpu.memref_squeeze %dma_start3A_45 : memref<1x400xi32, #tpu.memory_space<hbm>> -> memref<400xi32, #tpu.memory_space<hbm>>
      tpu.enqueue_dma source(%dma_start3A_46 : memref<400xi32, #tpu.memory_space<hbm>>) target(%arg11 : memref<400xi32, #tpu.memory_space<vmem>>) target_semaphore(%arg20 : memref<!tpu.dma_semaphore, #tpu.memory_space<semaphore_mem>>)
      %mul3A_47 = arith.constant 50000 : i32
      %mul3A_48 = arith.muli %arg1, %mul3A_47 : i32
      %add3A_49 = arith.constant 800 : i32
      %add3A_50 = arith.addi %mul3A_48, %add3A_49 : i32
      %dma_start3A_51 = arith.constant 0 : i32
      %dma_start3A_52 = tpu.memref_slice %arg2[%dma_start3A_51, %add3A_50] : memref<2x800000xi32, #tpu.memory_space<hbm>> -> memref<1x400xi32, #tpu.memory_space<hbm>>
      %dma_start3A_53 = tpu.memref_squeeze %dma_start3A_52 : memref<1x400xi32, #tpu.memory_space<hbm>> -> memref<400xi32, #tpu.memory_space<hbm>>
      %dma_start3A_54 = tpu.memref_slice %arg2[%dma_start3A_51, %add3A_50] : memref<2x800000xi32, #tpu.memory_space<hbm>> -> memref<1x400xi32, #tpu.memory_space<hbm>>
      %dma_start3A_55 = tpu.memref_squeeze %dma_start3A_54 : memref<1x400xi32, #tpu.memory_space<hbm>> -> memref<400xi32, #tpu.memory_space<hbm>>
      tpu.enqueue_dma source(%dma_start3A_55 : memref<400xi32, #tpu.memory_space<hbm>>) target(%arg12 : memref<400xi32, #tpu.memory_space<vmem>>) target_semaphore(%arg21 : memref<!tpu.dma_semaphore, #tpu.memory_space<semaphore_mem>>)
      %dma_start3A_56 = arith.constant 1 : i32
      %dma_start3A_57 = tpu.memref_slice %arg2[%dma_start3A_56, %add3A_50] : memref<2x800000xi32, #tpu.memory_space<hbm>> -> memref<1x400xi32, #tpu.memory_space<hbm>>
      %dma_start3A_58 = tpu.memref_squeeze %dma_start3A_57 : memref<1x400xi32, #tpu.memory_space<hbm>> -> memref<400xi32, #tpu.memory_space<hbm>>
      %dma_start3A_59 = tpu.memref_slice %arg2[%dma_start3A_56, %add3A_50] : memref<2x800000xi32, #tpu.memory_space<hbm>> -> memref<1x400xi32, #tpu.memory_space<hbm>>
      %dma_start3A_60 = tpu.memref_squeeze %dma_start3A_59 : memref<1x400xi32, #tpu.memory_space<hbm>> -> memref<400xi32, #tpu.memory_space<hbm>>
      tpu.enqueue_dma source(%dma_start3A_60 : memref<400xi32, #tpu.memory_space<hbm>>) target(%arg13 : memref<400xi32, #tpu.memory_space<vmem>>) target_semaphore(%arg21 : memref<!tpu.dma_semaphore, #tpu.memory_space<semaphore_mem>>)
      %mul3A_61 = arith.constant 50000 : i32
      %mul3A_62 = arith.muli %arg1, %mul3A_61 : i32
      %add3A_63 = arith.constant 0 : i32
      %add3A_64 = arith.addi %mul3A_62, %add3A_63 : i32
      %dma_wait3A = arith.constant 0 : i32
      %dma_wait3A_65 = tpu.memref_slice %arg2[%dma_wait3A, %add3A_64] : memref<2x800000xi32, #tpu.memory_space<hbm>> -> memref<1x400xi32, #tpu.memory_space<hbm>>
      %dma_wait3A_66 = tpu.memref_squeeze %dma_wait3A_65 : memref<1x400xi32, #tpu.memory_space<hbm>> -> memref<400xi32, #tpu.memory_space<hbm>>
      %dma_wait3A_67 = tpu.memref_slice %arg2[%dma_wait3A, %add3A_64] : memref<2x800000xi32, #tpu.memory_space<hbm>> -> memref<1x400xi32, #tpu.memory_space<hbm>>
      %dma_wait3A_68 = tpu.memref_squeeze %dma_wait3A_67 : memref<1x400xi32, #tpu.memory_space<hbm>> -> memref<400xi32, #tpu.memory_space<hbm>>
      tpu.wait_dma2 semaphore(%arg19 : memref<!tpu.dma_semaphore, #tpu.memory_space<semaphore_mem>>) src(%dma_wait3A_68 : memref<400xi32, #tpu.memory_space<hbm>>) dst(%arg8 : memref<400xi32, #tpu.memory_space<vmem>>)
      %dma_wait3A_69 = arith.constant 1 : i32
      %dma_wait3A_70 = tpu.memref_slice %arg2[%dma_wait3A_69, %add3A_64] : memref<2x800000xi32, #tpu.memory_space<hbm>> -> memref<1x400xi32, #tpu.memory_space<hbm>>
      %dma_wait3A_71 = tpu.memref_squeeze %dma_wait3A_70 : memref<1x400xi32, #tpu.memory_space<hbm>> -> memref<400xi32, #tpu.memory_space<hbm>>
      %dma_wait3A_72 = tpu.memref_slice %arg2[%dma_wait3A_69, %add3A_64] : memref<2x800000xi32, #tpu.memory_space<hbm>> -> memref<1x400xi32, #tpu.memory_space<hbm>>
      %dma_wait3A_73 = tpu.memref_squeeze %dma_wait3A_72 : memref<1x400xi32, #tpu.memory_space<hbm>> -> memref<400xi32, #tpu.memory_space<hbm>>
      tpu.wait_dma2 semaphore(%arg19 : memref<!tpu.dma_semaphore, #tpu.memory_space<semaphore_mem>>) src(%dma_wait3A_73 : memref<400xi32, #tpu.memory_space<hbm>>) dst(%arg9 : memref<400xi32, #tpu.memory_space<vmem>>)
      %dma_start3A_74 = arith.constant 0 : i32
      %dma_start3A_75 = arith.constant 0 : i32
      %dma_start3A_76 = tpu.memref_slice %arg3[%dma_start3A_74, %dma_start3A_75] : memref<50176x32xf32, #tpu.memory_space<hbm>> -> memref<50176x32xf32, #tpu.memory_space<hbm>>
      tpu.enqueue_indirect_dma source(%dma_start3A_76 : memref<50176x32xf32, #tpu.memory_space<hbm>>) target(%arg16 : memref<400x32xf32, #tpu.memory_space<vmem>>) offsets(%arg8 : memref<400xi32, #tpu.memory_space<vmem>>) semaphore(%arg23 : memref<!tpu.dma_semaphore, #tpu.memory_space<semaphore_mem>>)
      %scan3A = arith.constant 0 : i32
      %scan3A_77 = arith.constant 0 : i32
      %scan3A_78 = arith.constant 31 : i32
      %scan3A_79 = arith.addi %scan3A_77, %scan3A_78 : i32
      %scan3A_80 = arith.constant 1 : i32
      scf.for %scan3A_85 = %scan3A_77 to %scan3A_79 step %scan3A_80  : i32 {
        %mul3A_86 = arith.constant 4 : i32
        %mul3A_87 = arith.muli %mul3A_86, %scan3A_85 : i32
        %add3A_88 = arith.constant 3 : i32
        %add3A_89 = arith.addi %mul3A_87, %add3A_88 : i32
        %mul3A_90 = arith.constant 50000 : i32
        %mul3A_91 = arith.muli %arg1, %mul3A_90 : i32
        %mul3A_92 = arith.constant 400 : i32
        %mul3A_93 = arith.muli %add3A_89, %mul3A_92 : i32
        %add3A_94 = arith.addi %mul3A_91, %mul3A_93 : i32
        %dma_start3A_95 = arith.constant 0 : i32
        %dma_start3A_96 = tpu.memref_slice %arg2[%dma_start3A_95, %add3A_94] : memref<2x800000xi32, #tpu.memory_space<hbm>> -> memref<1x400xi32, #tpu.memory_space<hbm>>
        %dma_start3A_97 = tpu.memref_squeeze %dma_start3A_96 : memref<1x400xi32, #tpu.memory_space<hbm>> -> memref<400xi32, #tpu.memory_space<hbm>>
        %dma_start3A_98 = tpu.memref_slice %arg2[%dma_start3A_95, %add3A_94] : memref<2x800000xi32, #tpu.memory_space<hbm>> -> memref<1x400xi32, #tpu.memory_space<hbm>>
        %dma_start3A_99 = tpu.memref_squeeze %dma_start3A_98 : memref<1x400xi32, #tpu.memory_space<hbm>> -> memref<400xi32, #tpu.memory_space<hbm>>
        tpu.enqueue_dma source(%dma_start3A_99 : memref<400xi32, #tpu.memory_space<hbm>>) target(%arg14 : memref<400xi32, #tpu.memory_space<vmem>>) target_semaphore(%arg22 : memref<!tpu.dma_semaphore, #tpu.memory_space<semaphore_mem>>)
        %dma_start3A_100 = arith.constant 1 : i32
        %dma_start3A_101 = tpu.memref_slice %arg2[%dma_start3A_100, %add3A_94] : memref<2x800000xi32, #tpu.memory_space<hbm>> -> memref<1x400xi32, #tpu.memory_space<hbm>>
        %dma_start3A_102 = tpu.memref_squeeze %dma_start3A_101 : memref<1x400xi32, #tpu.memory_space<hbm>> -> memref<400xi32, #tpu.memory_space<hbm>>
        %dma_start3A_103 = tpu.memref_slice %arg2[%dma_start3A_100, %add3A_94] : memref<2x800000xi32, #tpu.memory_space<hbm>> -> memref<1x400xi32, #tpu.memory_space<hbm>>
        %dma_start3A_104 = tpu.memref_squeeze %dma_start3A_103 : memref<1x400xi32, #tpu.memory_space<hbm>> -> memref<400xi32, #tpu.memory_space<hbm>>
        tpu.enqueue_dma source(%dma_start3A_104 : memref<400xi32, #tpu.memory_space<hbm>>) target(%arg15 : memref<400xi32, #tpu.memory_space<vmem>>) target_semaphore(%arg22 : memref<!tpu.dma_semaphore, #tpu.memory_space<semaphore_mem>>)
        %add3A_105 = arith.constant 1 : i32
        %add3A_106 = arith.addi %mul3A_87, %add3A_105 : i32
        %mul3A_107 = arith.constant 50000 : i32
        %mul3A_108 = arith.muli %arg1, %mul3A_107 : i32
        %mul3A_109 = arith.constant 400 : i32
        %mul3A_110 = arith.muli %add3A_106, %mul3A_109 : i32
        %add3A_111 = arith.addi %mul3A_108, %mul3A_110 : i32
        %dma_wait3A_112 = arith.constant 0 : i32
        %dma_wait3A_113 = tpu.memref_slice %arg2[%dma_wait3A_112, %add3A_111] : memref<2x800000xi32, #tpu.memory_space<hbm>> -> memref<1x400xi32, #tpu.memory_space<hbm>>
        %dma_wait3A_114 = tpu.memref_squeeze %dma_wait3A_113 : memref<1x400xi32, #tpu.memory_space<hbm>> -> memref<400xi32, #tpu.memory_space<hbm>>
        %dma_wait3A_115 = tpu.memref_slice %arg2[%dma_wait3A_112, %add3A_111] : memref<2x800000xi32, #tpu.memory_space<hbm>> -> memref<1x400xi32, #tpu.memory_space<hbm>>
        %dma_wait3A_116 = tpu.memref_squeeze %dma_wait3A_115 : memref<1x400xi32, #tpu.memory_space<hbm>> -> memref<400xi32, #tpu.memory_space<hbm>>
        tpu.wait_dma2 semaphore(%arg20 : memref<!tpu.dma_semaphore, #tpu.memory_space<semaphore_mem>>) src(%dma_wait3A_116 : memref<400xi32, #tpu.memory_space<hbm>>) dst(%arg10 : memref<400xi32, #tpu.memory_space<vmem>>)
        %dma_wait3A_117 = arith.constant 1 : i32
        %dma_wait3A_118 = tpu.memref_slice %arg2[%dma_wait3A_117, %add3A_111] : memref<2x800000xi32, #tpu.memory_space<hbm>> -> memref<1x400xi32, #tpu.memory_space<hbm>>
        %dma_wait3A_119 = tpu.memref_squeeze %dma_wait3A_118 : memref<1x400xi32, #tpu.memory_space<hbm>> -> memref<400xi32, #tpu.memory_space<hbm>>
        %dma_wait3A_120 = tpu.memref_slice %arg2[%dma_wait3A_117, %add3A_111] : memref<2x800000xi32, #tpu.memory_space<hbm>> -> memref<1x400xi32, #tpu.memory_space<hbm>>
        %dma_wait3A_121 = tpu.memref_squeeze %dma_wait3A_120 : memref<1x400xi32, #tpu.memory_space<hbm>> -> memref<400xi32, #tpu.memory_space<hbm>>
        tpu.wait_dma2 semaphore(%arg20 : memref<!tpu.dma_semaphore, #tpu.memory_space<semaphore_mem>>) src(%dma_wait3A_121 : memref<400xi32, #tpu.memory_space<hbm>>) dst(%arg11 : memref<400xi32, #tpu.memory_space<vmem>>)
        %dma_start3A_122 = arith.constant 0 : i32
        %dma_start3A_123 = arith.constant 0 : i32
        %dma_start3A_124 = tpu.memref_slice %arg3[%dma_start3A_122, %dma_start3A_123] : memref<50176x32xf32, #tpu.memory_space<hbm>> -> memref<50176x32xf32, #tpu.memory_space<hbm>>
        tpu.enqueue_indirect_dma source(%dma_start3A_124 : memref<50176x32xf32, #tpu.memory_space<hbm>>) target(%arg17 : memref<400x32xf32, #tpu.memory_space<vmem>>) offsets(%arg10 : memref<400xi32, #tpu.memory_space<vmem>>) semaphore(%arg24 : memref<!tpu.dma_semaphore, #tpu.memory_space<semaphore_mem>>)
        %dma_wait3A_125 = arith.constant 0 : i32
        %dma_wait3A_126 = arith.constant 0 : i32
        %dma_wait3A_127 = tpu.memref_slice %arg3[%dma_wait3A_125, %dma_wait3A_126] : memref<50176x32xf32, #tpu.memory_space<hbm>> -> memref<50176x32xf32, #tpu.memory_space<hbm>>
        tpu.wait_indirect_dma semaphore(%arg23 : memref<!tpu.dma_semaphore, #tpu.memory_space<semaphore_mem>>) src(%dma_wait3A_127 : memref<50176x32xf32, #tpu.memory_space<hbm>>) dst(%arg16 : memref<400x32xf32, #tpu.memory_space<vmem>>)
        "tpu.region"() ({
          %run_scoped3A = tpu.sem_alloc : memref<!tpu.dma_semaphore, #tpu.memory_space<semaphore_mem>>
          %dma_start3A_240 = arith.constant 0 : i32
          %dma_start3A_241 = arith.constant 0 : i32
          %dma_start3A_242 = tpu.memref_slice %arg18[%dma_start3A_240, %dma_start3A_241] : memref<50176x32xf32, #tpu.memory_space<vmem_shared>> -> memref<50176x32xf32, #tpu.memory_space<vmem_shared>>
          tpu.enqueue_indirect_dma source(%arg16 : memref<400x32xf32, #tpu.memory_space<vmem>>) target(%dma_start3A_242 : memref<50176x32xf32, #tpu.memory_space<vmem_shared>>) offsets(%arg9 : memref<400xi32, #tpu.memory_space<vmem>>) semaphore(%run_scoped3A : memref<!tpu.dma_semaphore, #tpu.memory_space<semaphore_mem>>) {add = true}
          %dma_wait3A_243 = arith.constant 0 : i32
          %dma_wait3A_244 = arith.constant 0 : i32
          %dma_wait3A_245 = tpu.memref_slice %arg18[%dma_wait3A_243, %dma_wait3A_244] : memref<50176x32xf32, #tpu.memory_space<vmem_shared>> -> memref<50176x32xf32, #tpu.memory_space<vmem_shared>>
          tpu.wait_indirect_dma semaphore(%run_scoped3A : memref<!tpu.dma_semaphore, #tpu.memory_space<semaphore_mem>>) src(%arg16 : memref<400x32xf32, #tpu.memory_space<vmem>>) dst(%dma_wait3A_245 : memref<50176x32xf32, #tpu.memory_space<vmem_shared>>)
          tpu.yield
        }) : () -> ()
        %add3A_128 = arith.constant 4 : i32
        %add3A_129 = arith.addi %mul3A_87, %add3A_128 : i32
        %mul3A_130 = arith.constant 50000 : i32
        %mul3A_131 = arith.muli %arg1, %mul3A_130 : i32
        %mul3A_132 = arith.constant 400 : i32
        %mul3A_133 = arith.muli %add3A_129, %mul3A_132 : i32
        %add3A_134 = arith.addi %mul3A_131, %mul3A_133 : i32
        %dma_start3A_135 = arith.constant 0 : i32
        %dma_start3A_136 = tpu.memref_slice %arg2[%dma_start3A_135, %add3A_134] : memref<2x800000xi32, #tpu.memory_space<hbm>> -> memref<1x400xi32, #tpu.memory_space<hbm>>
        %dma_start3A_137 = tpu.memref_squeeze %dma_start3A_136 : memref<1x400xi32, #tpu.memory_space<hbm>> -> memref<400xi32, #tpu.memory_space<hbm>>
        %dma_start3A_138 = tpu.memref_slice %arg2[%dma_start3A_135, %add3A_134] : memref<2x800000xi32, #tpu.memory_space<hbm>> -> memref<1x400xi32, #tpu.memory_space<hbm>>
        %dma_start3A_139 = tpu.memref_squeeze %dma_start3A_138 : memref<1x400xi32, #tpu.memory_space<hbm>> -> memref<400xi32, #tpu.memory_space<hbm>>
        tpu.enqueue_dma source(%dma_start3A_139 : memref<400xi32, #tpu.memory_space<hbm>>) target(%arg8 : memref<400xi32, #tpu.memory_space<vmem>>) target_semaphore(%arg19 : memref<!tpu.dma_semaphore, #tpu.memory_space<semaphore_mem>>)
        %dma_start3A_140 = arith.constant 1 : i32
        %dma_start3A_141 = tpu.memref_slice %arg2[%dma_start3A_140, %add3A_134] : memref<2x800000xi32, #tpu.memory_space<hbm>> -> memref<1x400xi32, #tpu.memory_space<hbm>>
        %dma_start3A_142 = tpu.memref_squeeze %dma_start3A_141 : memref<1x400xi32, #tpu.memory_space<hbm>> -> memref<400xi32, #tpu.memory_space<hbm>>
        %dma_start3A_143 = tpu.memref_slice %arg2[%dma_start3A_140, %add3A_134] : memref<2x800000xi32, #tpu.memory_space<hbm>> -> memref<1x400xi32, #tpu.memory_space<hbm>>
        %dma_start3A_144 = tpu.memref_squeeze %dma_start3A_143 : memref<1x400xi32, #tpu.memory_space<hbm>> -> memref<400xi32, #tpu.memory_space<hbm>>
        tpu.enqueue_dma source(%dma_start3A_144 : memref<400xi32, #tpu.memory_space<hbm>>) target(%arg9 : memref<400xi32, #tpu.memory_space<vmem>>) target_semaphore(%arg19 : memref<!tpu.dma_semaphore, #tpu.memory_space<semaphore_mem>>)
        %add3A_145 = arith.constant 2 : i32
        %add3A_146 = arith.addi %mul3A_87, %add3A_145 : i32
        %mul3A_147 = arith.constant 50000 : i32
        %mul3A_148 = arith.muli %arg1, %mul3A_147 : i32
        %mul3A_149 = arith.constant 400 : i32
        %mul3A_150 = arith.muli %add3A_146, %mul3A_149 : i32
        %add3A_151 = arith.addi %mul3A_148, %mul3A_150 : i32
        %dma_wait3A_152 = arith.constant 0 : i32
        %dma_wait3A_153 = tpu.memref_slice %arg2[%dma_wait3A_152, %add3A_151] : memref<2x800000xi32, #tpu.memory_space<hbm>> -> memref<1x400xi32, #tpu.memory_space<hbm>>
        %dma_wait3A_154 = tpu.memref_squeeze %dma_wait3A_153 : memref<1x400xi32, #tpu.memory_space<hbm>> -> memref<400xi32, #tpu.memory_space<hbm>>
        %dma_wait3A_155 = tpu.memref_slice %arg2[%dma_wait3A_152, %add3A_151] : memref<2x800000xi32, #tpu.memory_space<hbm>> -> memref<1x400xi32, #tpu.memory_space<hbm>>
        %dma_wait3A_156 = tpu.memref_squeeze %dma_wait3A_155 : memref<1x400xi32, #tpu.memory_space<hbm>> -> memref<400xi32, #tpu.memory_space<hbm>>
        tpu.wait_dma2 semaphore(%arg21 : memref<!tpu.dma_semaphore, #tpu.memory_space<semaphore_mem>>) src(%dma_wait3A_156 : memref<400xi32, #tpu.memory_space<hbm>>) dst(%arg12 : memref<400xi32, #tpu.memory_space<vmem>>)
        %dma_wait3A_157 = arith.constant 1 : i32
        %dma_wait3A_158 = tpu.memref_slice %arg2[%dma_wait3A_157, %add3A_151] : memref<2x800000xi32, #tpu.memory_space<hbm>> -> memref<1x400xi32, #tpu.memory_space<hbm>>
        %dma_wait3A_159 = tpu.memref_squeeze %dma_wait3A_158 : memref<1x400xi32, #tpu.memory_space<hbm>> -> memref<400xi32, #tpu.memory_space<hbm>>
        %dma_wait3A_160 = tpu.memref_slice %arg2[%dma_wait3A_157, %add3A_151] : memref<2x800000xi32, #tpu.memory_space<hbm>> -> memref<1x400xi32, #tpu.memory_space<hbm>>
        %dma_wait3A_161 = tpu.memref_squeeze %dma_wait3A_160 : memref<1x400xi32, #tpu.memory_space<hbm>> -> memref<400xi32, #tpu.memory_space<hbm>>
        tpu.wait_dma2 semaphore(%arg21 : memref<!tpu.dma_semaphore, #tpu.memory_space<semaphore_mem>>) src(%dma_wait3A_161 : memref<400xi32, #tpu.memory_space<hbm>>) dst(%arg13 : memref<400xi32, #tpu.memory_space<vmem>>)
        %dma_start3A_162 = arith.constant 0 : i32
        %dma_start3A_163 = arith.constant 0 : i32
        %dma_start3A_164 = tpu.memref_slice %arg3[%dma_start3A_162, %dma_start3A_163] : memref<50176x32xf32, #tpu.memory_space<hbm>> -> memref<50176x32xf32, #tpu.memory_space<hbm>>
        tpu.enqueue_indirect_dma source(%dma_start3A_164 : memref<50176x32xf32, #tpu.memory_space<hbm>>) target(%arg16 : memref<400x32xf32, #tpu.memory_space<vmem>>) offsets(%arg12 : memref<400xi32, #tpu.memory_space<vmem>>) semaphore(%arg23 : memref<!tpu.dma_semaphore, #tpu.memory_space<semaphore_mem>>)
        %add3A_165 = arith.constant 1 : i32
        %add3A_166 = arith.addi %mul3A_87, %add3A_165 : i32
        %dma_wait3A_167 = arith.constant 0 : i32
        %dma_wait3A_168 = arith.constant 0 : i32
        %dma_wait3A_169 = tpu.memref_slice %arg3[%dma_wait3A_167, %dma_wait3A_168] : memref<50176x32xf32, #tpu.memory_space<hbm>> -> memref<50176x32xf32, #tpu.memory_space<hbm>>
        tpu.wait_indirect_dma semaphore(%arg24 : memref<!tpu.dma_semaphore, #tpu.memory_space<semaphore_mem>>) src(%dma_wait3A_169 : memref<50176x32xf32, #tpu.memory_space<hbm>>) dst(%arg17 : memref<400x32xf32, #tpu.memory_space<vmem>>)
        "tpu.region"() ({
          %run_scoped3A = tpu.sem_alloc : memref<!tpu.dma_semaphore, #tpu.memory_space<semaphore_mem>>
          %dma_start3A_240 = arith.constant 0 : i32
          %dma_start3A_241 = arith.constant 0 : i32
          %dma_start3A_242 = tpu.memref_slice %arg18[%dma_start3A_240, %dma_start3A_241] : memref<50176x32xf32, #tpu.memory_space<vmem_shared>> -> memref<50176x32xf32, #tpu.memory_space<vmem_shared>>
          tpu.enqueue_indirect_dma source(%arg17 : memref<400x32xf32, #tpu.memory_space<vmem>>) target(%dma_start3A_242 : memref<50176x32xf32, #tpu.memory_space<vmem_shared>>) offsets(%arg11 : memref<400xi32, #tpu.memory_space<vmem>>) semaphore(%run_scoped3A : memref<!tpu.dma_semaphore, #tpu.memory_space<semaphore_mem>>) {add = true}
          %dma_wait3A_243 = arith.constant 0 : i32
          %dma_wait3A_244 = arith.constant 0 : i32
          %dma_wait3A_245 = tpu.memref_slice %arg18[%dma_wait3A_243, %dma_wait3A_244] : memref<50176x32xf32, #tpu.memory_space<vmem_shared>> -> memref<50176x32xf32, #tpu.memory_space<vmem_shared>>
          tpu.wait_indirect_dma semaphore(%run_scoped3A : memref<!tpu.dma_semaphore, #tpu.memory_space<semaphore_mem>>) src(%arg17 : memref<400x32xf32, #tpu.memory_space<vmem>>) dst(%dma_wait3A_245 : memref<50176x32xf32, #tpu.memory_space<vmem_shared>>)
          tpu.yield
        }) : () -> ()
        %add3A_170 = arith.constant 5 : i32
        %add3A_171 = arith.addi %mul3A_87, %add3A_170 : i32
        %lt3A = arith.constant 125 : i32
        %lt3A_172 = arith.cmpi slt, %add3A_171, %lt3A : i32
        %convert_element_type3A_173 = arith.extui %lt3A_172 : i1 to i32
        %cond3A_174 = arith.constant 0 : i32
        %cond3A_175 = arith.cmpi ne, %convert_element_type3A_173, %cond3A_174 : i32
        scf.if %cond3A_175 {
          %mul3A_240 = arith.constant 50000 : i32
          %mul3A_241 = arith.muli %arg1, %mul3A_240 : i32
          %mul3A_242 = arith.constant 400 : i32
          %mul3A_243 = arith.muli %add3A_171, %mul3A_242 : i32
          %add3A_244 = arith.addi %mul3A_241, %mul3A_243 : i32
          %dma_start3A_245 = arith.constant 0 : i32
          %dma_start3A_246 = tpu.memref_slice %arg2[%dma_start3A_245, %add3A_244] : memref<2x800000xi32, #tpu.memory_space<hbm>> -> memref<1x400xi32, #tpu.memory_space<hbm>>
          %dma_start3A_247 = tpu.memref_squeeze %dma_start3A_246 : memref<1x400xi32, #tpu.memory_space<hbm>> -> memref<400xi32, #tpu.memory_space<hbm>>
          %dma_start3A_248 = tpu.memref_slice %arg2[%dma_start3A_245, %add3A_244] : memref<2x800000xi32, #tpu.memory_space<hbm>> -> memref<1x400xi32, #tpu.memory_space<hbm>>
          %dma_start3A_249 = tpu.memref_squeeze %dma_start3A_248 : memref<1x400xi32, #tpu.memory_space<hbm>> -> memref<400xi32, #tpu.memory_space<hbm>>
          tpu.enqueue_dma source(%dma_start3A_249 : memref<400xi32, #tpu.memory_space<hbm>>) target(%arg10 : memref<400xi32, #tpu.memory_space<vmem>>) target_semaphore(%arg20 : memref<!tpu.dma_semaphore, #tpu.memory_space<semaphore_mem>>)
          %dma_start3A_250 = arith.constant 1 : i32
          %dma_start3A_251 = tpu.memref_slice %arg2[%dma_start3A_250, %add3A_244] : memref<2x800000xi32, #tpu.memory_space<hbm>> -> memref<1x400xi32, #tpu.memory_space<hbm>>
          %dma_start3A_252 = tpu.memref_squeeze %dma_start3A_251 : memref<1x400xi32, #tpu.memory_space<hbm>> -> memref<400xi32, #tpu.memory_space<hbm>>
          %dma_start3A_253 = tpu.memref_slice %arg2[%dma_start3A_250, %add3A_244] : memref<2x800000xi32, #tpu.memory_space<hbm>> -> memref<1x400xi32, #tpu.memory_space<hbm>>
          %dma_start3A_254 = tpu.memref_squeeze %dma_start3A_253 : memref<1x400xi32, #tpu.memory_space<hbm>> -> memref<400xi32, #tpu.memory_space<hbm>>
          tpu.enqueue_dma source(%dma_start3A_254 : memref<400xi32, #tpu.memory_space<hbm>>) target(%arg11 : memref<400xi32, #tpu.memory_space<vmem>>) target_semaphore(%arg20 : memref<!tpu.dma_semaphore, #tpu.memory_space<semaphore_mem>>)
        } else {
        }
        %add3A_176 = arith.constant 3 : i32
        %add3A_177 = arith.addi %mul3A_87, %add3A_176 : i32
        %mul3A_178 = arith.constant 50000 : i32
        %mul3A_179 = arith.muli %arg1, %mul3A_178 : i32
        %mul3A_180 = arith.constant 400 : i32
        %mul3A_181 = arith.muli %add3A_177, %mul3A_180 : i32
        %add3A_182 = arith.addi %mul3A_179, %mul3A_181 : i32
        %dma_wait3A_183 = arith.constant 0 : i32
        %dma_wait3A_184 = tpu.memref_slice %arg2[%dma_wait3A_183, %add3A_182] : memref<2x800000xi32, #tpu.memory_space<hbm>> -> memref<1x400xi32, #tpu.memory_space<hbm>>
        %dma_wait3A_185 = tpu.memref_squeeze %dma_wait3A_184 : memref<1x400xi32, #tpu.memory_space<hbm>> -> memref<400xi32, #tpu.memory_space<hbm>>
        %dma_wait3A_186 = tpu.memref_slice %arg2[%dma_wait3A_183, %add3A_182] : memref<2x800000xi32, #tpu.memory_space<hbm>> -> memref<1x400xi32, #tpu.memory_space<hbm>>
        %dma_wait3A_187 = tpu.memref_squeeze %dma_wait3A_186 : memref<1x400xi32, #tpu.memory_space<hbm>> -> memref<400xi32, #tpu.memory_space<hbm>>
        tpu.wait_dma2 semaphore(%arg22 : memref<!tpu.dma_semaphore, #tpu.memory_space<semaphore_mem>>) src(%dma_wait3A_187 : memref<400xi32, #tpu.memory_space<hbm>>) dst(%arg14 : memref<400xi32, #tpu.memory_space<vmem>>)
        %dma_wait3A_188 = arith.constant 1 : i32
        %dma_wait3A_189 = tpu.memref_slice %arg2[%dma_wait3A_188, %add3A_182] : memref<2x800000xi32, #tpu.memory_space<hbm>> -> memref<1x400xi32, #tpu.memory_space<hbm>>
        %dma_wait3A_190 = tpu.memref_squeeze %dma_wait3A_189 : memref<1x400xi32, #tpu.memory_space<hbm>> -> memref<400xi32, #tpu.memory_space<hbm>>
        %dma_wait3A_191 = tpu.memref_slice %arg2[%dma_wait3A_188, %add3A_182] : memref<2x800000xi32, #tpu.memory_space<hbm>> -> memref<1x400xi32, #tpu.memory_space<hbm>>
        %dma_wait3A_192 = tpu.memref_squeeze %dma_wait3A_191 : memref<1x400xi32, #tpu.memory_space<hbm>> -> memref<400xi32, #tpu.memory_space<hbm>>
        tpu.wait_dma2 semaphore(%arg22 : memref<!tpu.dma_semaphore, #tpu.memory_space<semaphore_mem>>) src(%dma_wait3A_192 : memref<400xi32, #tpu.memory_space<hbm>>) dst(%arg15 : memref<400xi32, #tpu.memory_space<vmem>>)
        %dma_start3A_193 = arith.constant 0 : i32
        %dma_start3A_194 = arith.constant 0 : i32
        %dma_start3A_195 = tpu.memref_slice %arg3[%dma_start3A_193, %dma_start3A_194] : memref<50176x32xf32, #tpu.memory_space<hbm>> -> memref<50176x32xf32, #tpu.memory_space<hbm>>
        tpu.enqueue_indirect_dma source(%dma_start3A_195 : memref<50176x32xf32, #tpu.memory_space<hbm>>) target(%arg17 : memref<400x32xf32, #tpu.memory_space<vmem>>) offsets(%arg14 : memref<400xi32, #tpu.memory_space<vmem>>) semaphore(%arg24 : memref<!tpu.dma_semaphore, #tpu.memory_space<semaphore_mem>>)
        %add3A_196 = arith.constant 2 : i32
        %add3A_197 = arith.addi %mul3A_87, %add3A_196 : i32
        %dma_wait3A_198 = arith.constant 0 : i32
        %dma_wait3A_199 = arith.constant 0 : i32
        %dma_wait3A_200 = tpu.memref_slice %arg3[%dma_wait3A_198, %dma_wait3A_199] : memref<50176x32xf32, #tpu.memory_space<hbm>> -> memref<50176x32xf32, #tpu.memory_space<hbm>>
        tpu.wait_indirect_dma semaphore(%arg23 : memref<!tpu.dma_semaphore, #tpu.memory_space<semaphore_mem>>) src(%dma_wait3A_200 : memref<50176x32xf32, #tpu.memory_space<hbm>>) dst(%arg16 : memref<400x32xf32, #tpu.memory_space<vmem>>)
        "tpu.region"() ({
          %run_scoped3A = tpu.sem_alloc : memref<!tpu.dma_semaphore, #tpu.memory_space<semaphore_mem>>
          %dma_start3A_240 = arith.constant 0 : i32
          %dma_start3A_241 = arith.constant 0 : i32
          %dma_start3A_242 = tpu.memref_slice %arg18[%dma_start3A_240, %dma_start3A_241] : memref<50176x32xf32, #tpu.memory_space<vmem_shared>> -> memref<50176x32xf32, #tpu.memory_space<vmem_shared>>
          tpu.enqueue_indirect_dma source(%arg16 : memref<400x32xf32, #tpu.memory_space<vmem>>) target(%dma_start3A_242 : memref<50176x32xf32, #tpu.memory_space<vmem_shared>>) offsets(%arg13 : memref<400xi32, #tpu.memory_space<vmem>>) semaphore(%run_scoped3A : memref<!tpu.dma_semaphore, #tpu.memory_space<semaphore_mem>>) {add = true}
          %dma_wait3A_243 = arith.constant 0 : i32
          %dma_wait3A_244 = arith.constant 0 : i32
          %dma_wait3A_245 = tpu.memref_slice %arg18[%dma_wait3A_243, %dma_wait3A_244] : memref<50176x32xf32, #tpu.memory_space<vmem_shared>> -> memref<50176x32xf32, #tpu.memory_space<vmem_shared>>
          tpu.wait_indirect_dma semaphore(%run_scoped3A : memref<!tpu.dma_semaphore, #tpu.memory_space<semaphore_mem>>) src(%arg16 : memref<400x32xf32, #tpu.memory_space<vmem>>) dst(%dma_wait3A_245 : memref<50176x32xf32, #tpu.memory_space<vmem_shared>>)
          tpu.yield
        }) : () -> ()
        %add3A_201 = arith.constant 6 : i32
        %add3A_202 = arith.addi %mul3A_87, %add3A_201 : i32
        %lt3A_203 = arith.constant 125 : i32
        %lt3A_204 = arith.cmpi slt, %add3A_202, %lt3A_203 : i32
        %convert_element_type3A_205 = arith.extui %lt3A_204 : i1 to i32
        %cond3A_206 = arith.constant 0 : i32
        %cond3A_207 = arith.cmpi ne, %convert_element_type3A_205, %cond3A_206 : i32
        scf.if %cond3A_207 {
          %mul3A_240 = arith.constant 50000 : i32
          %mul3A_241 = arith.muli %arg1, %mul3A_240 : i32
          %mul3A_242 = arith.constant 400 : i32
          %mul3A_243 = arith.muli %add3A_202, %mul3A_242 : i32
          %add3A_244 = arith.addi %mul3A_241, %mul3A_243 : i32
          %dma_start3A_245 = arith.constant 0 : i32
          %dma_start3A_246 = tpu.memref_slice %arg2[%dma_start3A_245, %add3A_244] : memref<2x800000xi32, #tpu.memory_space<hbm>> -> memref<1x400xi32, #tpu.memory_space<hbm>>
          %dma_start3A_247 = tpu.memref_squeeze %dma_start3A_246 : memref<1x400xi32, #tpu.memory_space<hbm>> -> memref<400xi32, #tpu.memory_space<hbm>>
          %dma_start3A_248 = tpu.memref_slice %arg2[%dma_start3A_245, %add3A_244] : memref<2x800000xi32, #tpu.memory_space<hbm>> -> memref<1x400xi32, #tpu.memory_space<hbm>>
          %dma_start3A_249 = tpu.memref_squeeze %dma_start3A_248 : memref<1x400xi32, #tpu.memory_space<hbm>> -> memref<400xi32, #tpu.memory_space<hbm>>
          tpu.enqueue_dma source(%dma_start3A_249 : memref<400xi32, #tpu.memory_space<hbm>>) target(%arg12 : memref<400xi32, #tpu.memory_space<vmem>>) target_semaphore(%arg21 : memref<!tpu.dma_semaphore, #tpu.memory_space<semaphore_mem>>)
          %dma_start3A_250 = arith.constant 1 : i32
          %dma_start3A_251 = tpu.memref_slice %arg2[%dma_start3A_250, %add3A_244] : memref<2x800000xi32, #tpu.memory_space<hbm>> -> memref<1x400xi32, #tpu.memory_space<hbm>>
          %dma_start3A_252 = tpu.memref_squeeze %dma_start3A_251 : memref<1x400xi32, #tpu.memory_space<hbm>> -> memref<400xi32, #tpu.memory_space<hbm>>
          %dma_start3A_253 = tpu.memref_slice %arg2[%dma_start3A_250, %add3A_244] : memref<2x800000xi32, #tpu.memory_space<hbm>> -> memref<1x400xi32, #tpu.memory_space<hbm>>
          %dma_start3A_254 = tpu.memref_squeeze %dma_start3A_253 : memref<1x400xi32, #tpu.memory_space<hbm>> -> memref<400xi32, #tpu.memory_space<hbm>>
          tpu.enqueue_dma source(%dma_start3A_254 : memref<400xi32, #tpu.memory_space<hbm>>) target(%arg13 : memref<400xi32, #tpu.memory_space<vmem>>) target_semaphore(%arg21 : memref<!tpu.dma_semaphore, #tpu.memory_space<semaphore_mem>>)
        } else {
        }
        %add3A_208 = arith.constant 4 : i32
        %add3A_209 = arith.addi %mul3A_87, %add3A_208 : i32
        %mul3A_210 = arith.constant 50000 : i32
        %mul3A_211 = arith.muli %arg1, %mul3A_210 : i32
        %mul3A_212 = arith.constant 400 : i32
        %mul3A_213 = arith.muli %add3A_209, %mul3A_212 : i32
        %add3A_214 = arith.addi %mul3A_211, %mul3A_213 : i32
        %dma_wait3A_215 = arith.constant 0 : i32
        %dma_wait3A_216 = tpu.memref_slice %arg2[%dma_wait3A_215, %add3A_214] : memref<2x800000xi32, #tpu.memory_space<hbm>> -> memref<1x400xi32, #tpu.memory_space<hbm>>
        %dma_wait3A_217 = tpu.memref_squeeze %dma_wait3A_216 : memref<1x400xi32, #tpu.memory_space<hbm>> -> memref<400xi32, #tpu.memory_space<hbm>>
        %dma_wait3A_218 = tpu.memref_slice %arg2[%dma_wait3A_215, %add3A_214] : memref<2x800000xi32, #tpu.memory_space<hbm>> -> memref<1x400xi32, #tpu.memory_space<hbm>>
        %dma_wait3A_219 = tpu.memref_squeeze %dma_wait3A_218 : memref<1x400xi32, #tpu.memory_space<hbm>> -> memref<400xi32, #tpu.memory_space<hbm>>
        tpu.wait_dma2 semaphore(%arg19 : memref<!tpu.dma_semaphore, #tpu.memory_space<semaphore_mem>>) src(%dma_wait3A_219 : memref<400xi32, #tpu.memory_space<hbm>>) dst(%arg8 : memref<400xi32, #tpu.memory_space<vmem>>)
        %dma_wait3A_220 = arith.constant 1 : i32
        %dma_wait3A_221 = tpu.memref_slice %arg2[%dma_wait3A_220, %add3A_214] : memref<2x800000xi32, #tpu.memory_space<hbm>> -> memref<1x400xi32, #tpu.memory_space<hbm>>
        %dma_wait3A_222 = tpu.memref_squeeze %dma_wait3A_221 : memref<1x400xi32, #tpu.memory_space<hbm>> -> memref<400xi32, #tpu.memory_space<hbm>>
        %dma_wait3A_223 = tpu.memref_slice %arg2[%dma_wait3A_220, %add3A_214] : memref<2x800000xi32, #tpu.memory_space<hbm>> -> memref<1x400xi32, #tpu.memory_space<hbm>>
        %dma_wait3A_224 = tpu.memref_squeeze %dma_wait3A_223 : memref<1x400xi32, #tpu.memory_space<hbm>> -> memref<400xi32, #tpu.memory_space<hbm>>
        tpu.wait_dma2 semaphore(%arg19 : memref<!tpu.dma_semaphore, #tpu.memory_space<semaphore_mem>>) src(%dma_wait3A_224 : memref<400xi32, #tpu.memory_space<hbm>>) dst(%arg9 : memref<400xi32, #tpu.memory_space<vmem>>)
        %dma_start3A_225 = arith.constant 0 : i32
        %dma_start3A_226 = arith.constant 0 : i32
        %dma_start3A_227 = tpu.memref_slice %arg3[%dma_start3A_225, %dma_start3A_226] : memref<50176x32xf32, #tpu.memory_space<hbm>> -> memref<50176x32xf32, #tpu.memory_space<hbm>>
        tpu.enqueue_indirect_dma source(%dma_start3A_227 : memref<50176x32xf32, #tpu.memory_space<hbm>>) target(%arg16 : memref<400x32xf32, #tpu.memory_space<vmem>>) offsets(%arg8 : memref<400xi32, #tpu.memory_space<vmem>>) semaphore(%arg23 : memref<!tpu.dma_semaphore, #tpu.memory_space<semaphore_mem>>)
        %add3A_228 = arith.constant 3 : i32
        %add3A_229 = arith.addi %mul3A_87, %add3A_228 : i32
        %dma_wait3A_230 = arith.constant 0 : i32
        %dma_wait3A_231 = arith.constant 0 : i32
        %dma_wait3A_232 = tpu.memref_slice %arg3[%dma_wait3A_230, %dma_wait3A_231] : memref<50176x32xf32, #tpu.memory_space<hbm>> -> memref<50176x32xf32, #tpu.memory_space<hbm>>
        tpu.wait_indirect_dma semaphore(%arg24 : memref<!tpu.dma_semaphore, #tpu.memory_space<semaphore_mem>>) src(%dma_wait3A_232 : memref<50176x32xf32, #tpu.memory_space<hbm>>) dst(%arg17 : memref<400x32xf32, #tpu.memory_space<vmem>>)
        "tpu.region"() ({
          %run_scoped3A = tpu.sem_alloc : memref<!tpu.dma_semaphore, #tpu.memory_space<semaphore_mem>>
          %dma_start3A_240 = arith.constant 0 : i32
          %dma_start3A_241 = arith.constant 0 : i32
          %dma_start3A_242 = tpu.memref_slice %arg18[%dma_start3A_240, %dma_start3A_241] : memref<50176x32xf32, #tpu.memory_space<vmem_shared>> -> memref<50176x32xf32, #tpu.memory_space<vmem_shared>>
          tpu.enqueue_indirect_dma source(%arg17 : memref<400x32xf32, #tpu.memory_space<vmem>>) target(%dma_start3A_242 : memref<50176x32xf32, #tpu.memory_space<vmem_shared>>) offsets(%arg15 : memref<400xi32, #tpu.memory_space<vmem>>) semaphore(%run_scoped3A : memref<!tpu.dma_semaphore, #tpu.memory_space<semaphore_mem>>) {add = true}
          %dma_wait3A_243 = arith.constant 0 : i32
          %dma_wait3A_244 = arith.constant 0 : i32
          %dma_wait3A_245 = tpu.memref_slice %arg18[%dma_wait3A_243, %dma_wait3A_244] : memref<50176x32xf32, #tpu.memory_space<vmem_shared>> -> memref<50176x32xf32, #tpu.memory_space<vmem_shared>>
          tpu.wait_indirect_dma semaphore(%run_scoped3A : memref<!tpu.dma_semaphore, #tpu.memory_space<semaphore_mem>>) src(%arg17 : memref<400x32xf32, #tpu.memory_space<vmem>>) dst(%dma_wait3A_245 : memref<50176x32xf32, #tpu.memory_space<vmem_shared>>)
          tpu.yield
        }) : () -> ()
        %add3A_233 = arith.constant 7 : i32
        %add3A_234 = arith.addi %mul3A_87, %add3A_233 : i32
        %lt3A_235 = arith.constant 125 : i32
        %lt3A_236 = arith.cmpi slt, %add3A_234, %lt3A_235 : i32
        %convert_element_type3A_237 = arith.extui %lt3A_236 : i1 to i32
        %cond3A_238 = arith.constant 0 : i32
        %cond3A_239 = arith.cmpi ne, %convert_element_type3A_237, %cond3A_238 : i32
        scf.if %cond3A_239 {
          %mul3A_240 = arith.constant 50000 : i32
          %mul3A_241 = arith.muli %arg1, %mul3A_240 : i32
          %mul3A_242 = arith.constant 400 : i32
          %mul3A_243 = arith.muli %add3A_234, %mul3A_242 : i32
          %add3A_244 = arith.addi %mul3A_241, %mul3A_243 : i32
          %dma_start3A_245 = arith.constant 0 : i32
          %dma_start3A_246 = tpu.memref_slice %arg2[%dma_start3A_245, %add3A_244] : memref<2x800000xi32, #tpu.memory_space<hbm>> -> memref<1x400xi32, #tpu.memory_space<hbm>>
          %dma_start3A_247 = tpu.memref_squeeze %dma_start3A_246 : memref<1x400xi32, #tpu.memory_space<hbm>> -> memref<400xi32, #tpu.memory_space<hbm>>
          %dma_start3A_248 = tpu.memref_slice %arg2[%dma_start3A_245, %add3A_244] : memref<2x800000xi32, #tpu.memory_space<hbm>> -> memref<1x400xi32, #tpu.memory_space<hbm>>
          %dma_start3A_249 = tpu.memref_squeeze %dma_start3A_248 : memref<1x400xi32, #tpu.memory_space<hbm>> -> memref<400xi32, #tpu.memory_space<hbm>>
          tpu.enqueue_dma source(%dma_start3A_249 : memref<400xi32, #tpu.memory_space<hbm>>) target(%arg14 : memref<400xi32, #tpu.memory_space<vmem>>) target_semaphore(%arg22 : memref<!tpu.dma_semaphore, #tpu.memory_space<semaphore_mem>>)
          %dma_start3A_250 = arith.constant 1 : i32
          %dma_start3A_251 = tpu.memref_slice %arg2[%dma_start3A_250, %add3A_244] : memref<2x800000xi32, #tpu.memory_space<hbm>> -> memref<1x400xi32, #tpu.memory_space<hbm>>
          %dma_start3A_252 = tpu.memref_squeeze %dma_start3A_251 : memref<1x400xi32, #tpu.memory_space<hbm>> -> memref<400xi32, #tpu.memory_space<hbm>>
          %dma_start3A_253 = tpu.memref_slice %arg2[%dma_start3A_250, %add3A_244] : memref<2x800000xi32, #tpu.memory_space<hbm>> -> memref<1x400xi32, #tpu.memory_space<hbm>>
          %dma_start3A_254 = tpu.memref_squeeze %dma_start3A_253 : memref<1x400xi32, #tpu.memory_space<hbm>> -> memref<400xi32, #tpu.memory_space<hbm>>
          tpu.enqueue_dma source(%dma_start3A_254 : memref<400xi32, #tpu.memory_space<hbm>>) target(%arg15 : memref<400xi32, #tpu.memory_space<vmem>>) target_semaphore(%arg22 : memref<!tpu.dma_semaphore, #tpu.memory_space<semaphore_mem>>)
        } else {
        }
      }
      %scan3A_81 = arith.constant 31 : i32
      %dma_wait3A_82 = arith.constant 0 : i32
      %dma_wait3A_83 = arith.constant 0 : i32
      %dma_wait3A_84 = tpu.memref_slice %arg3[%dma_wait3A_82, %dma_wait3A_83] : memref<50176x32xf32, #tpu.memory_space<hbm>> -> memref<50176x32xf32, #tpu.memory_space<hbm>>
      tpu.wait_indirect_dma semaphore(%arg23 : memref<!tpu.dma_semaphore, #tpu.memory_space<semaphore_mem>>) src(%dma_wait3A_84 : memref<50176x32xf32, #tpu.memory_space<hbm>>) dst(%arg16 : memref<400x32xf32, #tpu.memory_space<vmem>>)
      "tpu.region"() ({
        %run_scoped3A = tpu.sem_alloc : memref<!tpu.dma_semaphore, #tpu.memory_space<semaphore_mem>>
        %dma_start3A_85 = arith.constant 0 : i32
        %dma_start3A_86 = arith.constant 0 : i32
        %dma_start3A_87 = tpu.memref_slice %arg18[%dma_start3A_85, %dma_start3A_86] : memref<50176x32xf32, #tpu.memory_space<vmem_shared>> -> memref<50176x32xf32, #tpu.memory_space<vmem_shared>>
        tpu.enqueue_indirect_dma source(%arg16 : memref<400x32xf32, #tpu.memory_space<vmem>>) target(%dma_start3A_87 : memref<50176x32xf32, #tpu.memory_space<vmem_shared>>) offsets(%arg9 : memref<400xi32, #tpu.memory_space<vmem>>) semaphore(%run_scoped3A : memref<!tpu.dma_semaphore, #tpu.memory_space<semaphore_mem>>) {add = true}
        %dma_wait3A_88 = arith.constant 0 : i32
        %dma_wait3A_89 = arith.constant 0 : i32
        %dma_wait3A_90 = tpu.memref_slice %arg18[%dma_wait3A_88, %dma_wait3A_89] : memref<50176x32xf32, #tpu.memory_space<vmem_shared>> -> memref<50176x32xf32, #tpu.memory_space<vmem_shared>>
        tpu.wait_indirect_dma semaphore(%run_scoped3A : memref<!tpu.dma_semaphore, #tpu.memory_space<semaphore_mem>>) src(%arg16 : memref<400x32xf32, #tpu.memory_space<vmem>>) dst(%dma_wait3A_90 : memref<50176x32xf32, #tpu.memory_space<vmem_shared>>)
        tpu.yield
      }) : () -> ()
    } else {
    }
    %eq3A_3 = arith.constant 1 : i32
    %eq3A_4 = arith.cmpi eq, %arg0, %eq3A_3 : i32
    %convert_element_type3A_5 = arith.extui %eq3A_4 : i1 to i32
    %cond3A_6 = arith.constant 0 : i32
    %cond3A_7 = arith.cmpi ne, %convert_element_type3A_5, %cond3A_6 : i32
    scf.if %cond3A_7 {
      %mul3A_21 = arith.constant 50000 : i32
      %mul3A_22 = arith.muli %arg1, %mul3A_21 : i32
      %add3A = arith.constant 0 : i32
      %add3A_23 = arith.addi %mul3A_22, %add3A : i32
      %dma_start3A = arith.constant 0 : i32
      %dma_start3A_24 = tpu.memref_slice %arg2[%dma_start3A, %add3A_23] : memref<2x800000xi32, #tpu.memory_space<hbm>> -> memref<1x400xi32, #tpu.memory_space<hbm>>
      %dma_start3A_25 = tpu.memref_squeeze %dma_start3A_24 : memref<1x400xi32, #tpu.memory_space<hbm>> -> memref<400xi32, #tpu.memory_space<hbm>>
      %dma_start3A_26 = tpu.memref_slice %arg2[%dma_start3A, %add3A_23] : memref<2x800000xi32, #tpu.memory_space<hbm>> -> memref<1x400xi32, #tpu.memory_space<hbm>>
      %dma_start3A_27 = tpu.memref_squeeze %dma_start3A_26 : memref<1x400xi32, #tpu.memory_space<hbm>> -> memref<400xi32, #tpu.memory_space<hbm>>
      tpu.enqueue_dma source(%dma_start3A_27 : memref<400xi32, #tpu.memory_space<hbm>>) target(%arg8 : memref<400xi32, #tpu.memory_space<vmem>>) target_semaphore(%arg19 : memref<!tpu.dma_semaphore, #tpu.memory_space<semaphore_mem>>)
      %dma_start3A_28 = arith.constant 1 : i32
      %dma_start3A_29 = tpu.memref_slice %arg2[%dma_start3A_28, %add3A_23] : memref<2x800000xi32, #tpu.memory_space<hbm>> -> memref<1x400xi32, #tpu.memory_space<hbm>>
      %dma_start3A_30 = tpu.memref_squeeze %dma_start3A_29 : memref<1x400xi32, #tpu.memory_space<hbm>> -> memref<400xi32, #tpu.memory_space<hbm>>
      %dma_start3A_31 = tpu.memref_slice %arg2[%dma_start3A_28, %add3A_23] : memref<2x800000xi32, #tpu.memory_space<hbm>> -> memref<1x400xi32, #tpu.memory_space<hbm>>
      %dma_start3A_32 = tpu.memref_squeeze %dma_start3A_31 : memref<1x400xi32, #tpu.memory_space<hbm>> -> memref<400xi32, #tpu.memory_space<hbm>>
      tpu.enqueue_dma source(%dma_start3A_32 : memref<400xi32, #tpu.memory_space<hbm>>) target(%arg9 : memref<400xi32, #tpu.memory_space<vmem>>) target_semaphore(%arg19 : memref<!tpu.dma_semaphore, #tpu.memory_space<semaphore_mem>>)
      %mul3A_33 = arith.constant 50000 : i32
      %mul3A_34 = arith.muli %arg1, %mul3A_33 : i32
      %add3A_35 = arith.constant 400 : i32
      %add3A_36 = arith.addi %mul3A_34, %add3A_35 : i32
      %dma_start3A_37 = arith.constant 0 : i32
      %dma_start3A_38 = tpu.memref_slice %arg2[%dma_start3A_37, %add3A_36] : memref<2x800000xi32, #tpu.memory_space<hbm>> -> memref<1x400xi32, #tpu.memory_space<hbm>>
      %dma_start3A_39 = tpu.memref_squeeze %dma_start3A_38 : memref<1x400xi32, #tpu.memory_space<hbm>> -> memref<400xi32, #tpu.memory_space<hbm>>
      %dma_start3A_40 = tpu.memref_slice %arg2[%dma_start3A_37, %add3A_36] : memref<2x800000xi32, #tpu.memory_space<hbm>> -> memref<1x400xi32, #tpu.memory_space<hbm>>
      %dma_start3A_41 = tpu.memref_squeeze %dma_start3A_40 : memref<1x400xi32, #tpu.memory_space<hbm>> -> memref<400xi32, #tpu.memory_space<hbm>>
      tpu.enqueue_dma source(%dma_start3A_41 : memref<400xi32, #tpu.memory_space<hbm>>) target(%arg10 : memref<400xi32, #tpu.memory_space<vmem>>) target_semaphore(%arg20 : memref<!tpu.dma_semaphore, #tpu.memory_space<semaphore_mem>>)
      %dma_start3A_42 = arith.constant 1 : i32
      %dma_start3A_43 = tpu.memref_slice %arg2[%dma_start3A_42, %add3A_36] : memref<2x800000xi32, #tpu.memory_space<hbm>> -> memref<1x400xi32, #tpu.memory_space<hbm>>
      %dma_start3A_44 = tpu.memref_squeeze %dma_start3A_43 : memref<1x400xi32, #tpu.memory_space<hbm>> -> memref<400xi32, #tpu.memory_space<hbm>>
      %dma_start3A_45 = tpu.memref_slice %arg2[%dma_start3A_42, %add3A_36] : memref<2x800000xi32, #tpu.memory_space<hbm>> -> memref<1x400xi32, #tpu.memory_space<hbm>>
      %dma_start3A_46 = tpu.memref_squeeze %dma_start3A_45 : memref<1x400xi32, #tpu.memory_space<hbm>> -> memref<400xi32, #tpu.memory_space<hbm>>
      tpu.enqueue_dma source(%dma_start3A_46 : memref<400xi32, #tpu.memory_space<hbm>>) target(%arg11 : memref<400xi32, #tpu.memory_space<vmem>>) target_semaphore(%arg20 : memref<!tpu.dma_semaphore, #tpu.memory_space<semaphore_mem>>)
      %mul3A_47 = arith.constant 50000 : i32
      %mul3A_48 = arith.muli %arg1, %mul3A_47 : i32
      %add3A_49 = arith.constant 800 : i32
      %add3A_50 = arith.addi %mul3A_48, %add3A_49 : i32
      %dma_start3A_51 = arith.constant 0 : i32
      %dma_start3A_52 = tpu.memref_slice %arg2[%dma_start3A_51, %add3A_50] : memref<2x800000xi32, #tpu.memory_space<hbm>> -> memref<1x400xi32, #tpu.memory_space<hbm>>
      %dma_start3A_53 = tpu.memref_squeeze %dma_start3A_52 : memref<1x400xi32, #tpu.memory_space<hbm>> -> memref<400xi32, #tpu.memory_space<hbm>>
      %dma_start3A_54 = tpu.memref_slice %arg2[%dma_start3A_51, %add3A_50] : memref<2x800000xi32, #tpu.memory_space<hbm>> -> memref<1x400xi32, #tpu.memory_space<hbm>>
      %dma_start3A_55 = tpu.memref_squeeze %dma_start3A_54 : memref<1x400xi32, #tpu.memory_space<hbm>> -> memref<400xi32, #tpu.memory_space<hbm>>
      tpu.enqueue_dma source(%dma_start3A_55 : memref<400xi32, #tpu.memory_space<hbm>>) target(%arg12 : memref<400xi32, #tpu.memory_space<vmem>>) target_semaphore(%arg21 : memref<!tpu.dma_semaphore, #tpu.memory_space<semaphore_mem>>)
      %dma_start3A_56 = arith.constant 1 : i32
      %dma_start3A_57 = tpu.memref_slice %arg2[%dma_start3A_56, %add3A_50] : memref<2x800000xi32, #tpu.memory_space<hbm>> -> memref<1x400xi32, #tpu.memory_space<hbm>>
      %dma_start3A_58 = tpu.memref_squeeze %dma_start3A_57 : memref<1x400xi32, #tpu.memory_space<hbm>> -> memref<400xi32, #tpu.memory_space<hbm>>
      %dma_start3A_59 = tpu.memref_slice %arg2[%dma_start3A_56, %add3A_50] : memref<2x800000xi32, #tpu.memory_space<hbm>> -> memref<1x400xi32, #tpu.memory_space<hbm>>
      %dma_start3A_60 = tpu.memref_squeeze %dma_start3A_59 : memref<1x400xi32, #tpu.memory_space<hbm>> -> memref<400xi32, #tpu.memory_space<hbm>>
      tpu.enqueue_dma source(%dma_start3A_60 : memref<400xi32, #tpu.memory_space<hbm>>) target(%arg13 : memref<400xi32, #tpu.memory_space<vmem>>) target_semaphore(%arg21 : memref<!tpu.dma_semaphore, #tpu.memory_space<semaphore_mem>>)
      %mul3A_61 = arith.constant 50000 : i32
      %mul3A_62 = arith.muli %arg1, %mul3A_61 : i32
      %add3A_63 = arith.constant 0 : i32
      %add3A_64 = arith.addi %mul3A_62, %add3A_63 : i32
      %dma_wait3A = arith.constant 0 : i32
      %dma_wait3A_65 = tpu.memref_slice %arg2[%dma_wait3A, %add3A_64] : memref<2x800000xi32, #tpu.memory_space<hbm>> -> memref<1x400xi32, #tpu.memory_space<hbm>>
      %dma_wait3A_66 = tpu.memref_squeeze %dma_wait3A_65 : memref<1x400xi32, #tpu.memory_space<hbm>> -> memref<400xi32, #tpu.memory_space<hbm>>
      %dma_wait3A_67 = tpu.memref_slice %arg2[%dma_wait3A, %add3A_64] : memref<2x800000xi32, #tpu.memory_space<hbm>> -> memref<1x400xi32, #tpu.memory_space<hbm>>
      %dma_wait3A_68 = tpu.memref_squeeze %dma_wait3A_67 : memref<1x400xi32, #tpu.memory_space<hbm>> -> memref<400xi32, #tpu.memory_space<hbm>>
      tpu.wait_dma2 semaphore(%arg19 : memref<!tpu.dma_semaphore, #tpu.memory_space<semaphore_mem>>) src(%dma_wait3A_68 : memref<400xi32, #tpu.memory_space<hbm>>) dst(%arg8 : memref<400xi32, #tpu.memory_space<vmem>>)
      %dma_wait3A_69 = arith.constant 1 : i32
      %dma_wait3A_70 = tpu.memref_slice %arg2[%dma_wait3A_69, %add3A_64] : memref<2x800000xi32, #tpu.memory_space<hbm>> -> memref<1x400xi32, #tpu.memory_space<hbm>>
      %dma_wait3A_71 = tpu.memref_squeeze %dma_wait3A_70 : memref<1x400xi32, #tpu.memory_space<hbm>> -> memref<400xi32, #tpu.memory_space<hbm>>
      %dma_wait3A_72 = tpu.memref_slice %arg2[%dma_wait3A_69, %add3A_64] : memref<2x800000xi32, #tpu.memory_space<hbm>> -> memref<1x400xi32, #tpu.memory_space<hbm>>
      %dma_wait3A_73 = tpu.memref_squeeze %dma_wait3A_72 : memref<1x400xi32, #tpu.memory_space<hbm>> -> memref<400xi32, #tpu.memory_space<hbm>>
      tpu.wait_dma2 semaphore(%arg19 : memref<!tpu.dma_semaphore, #tpu.memory_space<semaphore_mem>>) src(%dma_wait3A_73 : memref<400xi32, #tpu.memory_space<hbm>>) dst(%arg9 : memref<400xi32, #tpu.memory_space<vmem>>)
      %dma_start3A_74 = arith.constant 0 : i32
      %dma_start3A_75 = arith.constant 0 : i32
      %dma_start3A_76 = tpu.memref_slice %arg4[%dma_start3A_74, %dma_start3A_75] : memref<50176x32xf32, #tpu.memory_space<hbm>> -> memref<50176x32xf32, #tpu.memory_space<hbm>>
      tpu.enqueue_indirect_dma source(%dma_start3A_76 : memref<50176x32xf32, #tpu.memory_space<hbm>>) target(%arg16 : memref<400x32xf32, #tpu.memory_space<vmem>>) offsets(%arg8 : memref<400xi32, #tpu.memory_space<vmem>>) semaphore(%arg23 : memref<!tpu.dma_semaphore, #tpu.memory_space<semaphore_mem>>)
      %scan3A = arith.constant 0 : i32
      %scan3A_77 = arith.constant 0 : i32
      %scan3A_78 = arith.constant 31 : i32
      %scan3A_79 = arith.addi %scan3A_77, %scan3A_78 : i32
      %scan3A_80 = arith.constant 1 : i32
      scf.for %scan3A_85 = %scan3A_77 to %scan3A_79 step %scan3A_80  : i32 {
        %mul3A_86 = arith.constant 4 : i32
        %mul3A_87 = arith.muli %mul3A_86, %scan3A_85 : i32
        %add3A_88 = arith.constant 3 : i32
        %add3A_89 = arith.addi %mul3A_87, %add3A_88 : i32
        %mul3A_90 = arith.constant 50000 : i32
        %mul3A_91 = arith.muli %arg1, %mul3A_90 : i32
        %mul3A_92 = arith.constant 400 : i32
        %mul3A_93 = arith.muli %add3A_89, %mul3A_92 : i32
        %add3A_94 = arith.addi %mul3A_91, %mul3A_93 : i32
        %dma_start3A_95 = arith.constant 0 : i32
        %dma_start3A_96 = tpu.memref_slice %arg2[%dma_start3A_95, %add3A_94] : memref<2x800000xi32, #tpu.memory_space<hbm>> -> memref<1x400xi32, #tpu.memory_space<hbm>>
        %dma_start3A_97 = tpu.memref_squeeze %dma_start3A_96 : memref<1x400xi32, #tpu.memory_space<hbm>> -> memref<400xi32, #tpu.memory_space<hbm>>
        %dma_start3A_98 = tpu.memref_slice %arg2[%dma_start3A_95, %add3A_94] : memref<2x800000xi32, #tpu.memory_space<hbm>> -> memref<1x400xi32, #tpu.memory_space<hbm>>
        %dma_start3A_99 = tpu.memref_squeeze %dma_start3A_98 : memref<1x400xi32, #tpu.memory_space<hbm>> -> memref<400xi32, #tpu.memory_space<hbm>>
        tpu.enqueue_dma source(%dma_start3A_99 : memref<400xi32, #tpu.memory_space<hbm>>) target(%arg14 : memref<400xi32, #tpu.memory_space<vmem>>) target_semaphore(%arg22 : memref<!tpu.dma_semaphore, #tpu.memory_space<semaphore_mem>>)
        %dma_start3A_100 = arith.constant 1 : i32
        %dma_start3A_101 = tpu.memref_slice %arg2[%dma_start3A_100, %add3A_94] : memref<2x800000xi32, #tpu.memory_space<hbm>> -> memref<1x400xi32, #tpu.memory_space<hbm>>
        %dma_start3A_102 = tpu.memref_squeeze %dma_start3A_101 : memref<1x400xi32, #tpu.memory_space<hbm>> -> memref<400xi32, #tpu.memory_space<hbm>>
        %dma_start3A_103 = tpu.memref_slice %arg2[%dma_start3A_100, %add3A_94] : memref<2x800000xi32, #tpu.memory_space<hbm>> -> memref<1x400xi32, #tpu.memory_space<hbm>>
        %dma_start3A_104 = tpu.memref_squeeze %dma_start3A_103 : memref<1x400xi32, #tpu.memory_space<hbm>> -> memref<400xi32, #tpu.memory_space<hbm>>
        tpu.enqueue_dma source(%dma_start3A_104 : memref<400xi32, #tpu.memory_space<hbm>>) target(%arg15 : memref<400xi32, #tpu.memory_space<vmem>>) target_semaphore(%arg22 : memref<!tpu.dma_semaphore, #tpu.memory_space<semaphore_mem>>)
        %add3A_105 = arith.constant 1 : i32
        %add3A_106 = arith.addi %mul3A_87, %add3A_105 : i32
        %mul3A_107 = arith.constant 50000 : i32
        %mul3A_108 = arith.muli %arg1, %mul3A_107 : i32
        %mul3A_109 = arith.constant 400 : i32
        %mul3A_110 = arith.muli %add3A_106, %mul3A_109 : i32
        %add3A_111 = arith.addi %mul3A_108, %mul3A_110 : i32
        %dma_wait3A_112 = arith.constant 0 : i32
        %dma_wait3A_113 = tpu.memref_slice %arg2[%dma_wait3A_112, %add3A_111] : memref<2x800000xi32, #tpu.memory_space<hbm>> -> memref<1x400xi32, #tpu.memory_space<hbm>>
        %dma_wait3A_114 = tpu.memref_squeeze %dma_wait3A_113 : memref<1x400xi32, #tpu.memory_space<hbm>> -> memref<400xi32, #tpu.memory_space<hbm>>
        %dma_wait3A_115 = tpu.memref_slice %arg2[%dma_wait3A_112, %add3A_111] : memref<2x800000xi32, #tpu.memory_space<hbm>> -> memref<1x400xi32, #tpu.memory_space<hbm>>
        %dma_wait3A_116 = tpu.memref_squeeze %dma_wait3A_115 : memref<1x400xi32, #tpu.memory_space<hbm>> -> memref<400xi32, #tpu.memory_space<hbm>>
        tpu.wait_dma2 semaphore(%arg20 : memref<!tpu.dma_semaphore, #tpu.memory_space<semaphore_mem>>) src(%dma_wait3A_116 : memref<400xi32, #tpu.memory_space<hbm>>) dst(%arg10 : memref<400xi32, #tpu.memory_space<vmem>>)
        %dma_wait3A_117 = arith.constant 1 : i32
        %dma_wait3A_118 = tpu.memref_slice %arg2[%dma_wait3A_117, %add3A_111] : memref<2x800000xi32, #tpu.memory_space<hbm>> -> memref<1x400xi32, #tpu.memory_space<hbm>>
        %dma_wait3A_119 = tpu.memref_squeeze %dma_wait3A_118 : memref<1x400xi32, #tpu.memory_space<hbm>> -> memref<400xi32, #tpu.memory_space<hbm>>
        %dma_wait3A_120 = tpu.memref_slice %arg2[%dma_wait3A_117, %add3A_111] : memref<2x800000xi32, #tpu.memory_space<hbm>> -> memref<1x400xi32, #tpu.memory_space<hbm>>
        %dma_wait3A_121 = tpu.memref_squeeze %dma_wait3A_120 : memref<1x400xi32, #tpu.memory_space<hbm>> -> memref<400xi32, #tpu.memory_space<hbm>>
        tpu.wait_dma2 semaphore(%arg20 : memref<!tpu.dma_semaphore, #tpu.memory_space<semaphore_mem>>) src(%dma_wait3A_121 : memref<400xi32, #tpu.memory_space<hbm>>) dst(%arg11 : memref<400xi32, #tpu.memory_space<vmem>>)
        %dma_start3A_122 = arith.constant 0 : i32
        %dma_start3A_123 = arith.constant 0 : i32
        %dma_start3A_124 = tpu.memref_slice %arg4[%dma_start3A_122, %dma_start3A_123] : memref<50176x32xf32, #tpu.memory_space<hbm>> -> memref<50176x32xf32, #tpu.memory_space<hbm>>
        tpu.enqueue_indirect_dma source(%dma_start3A_124 : memref<50176x32xf32, #tpu.memory_space<hbm>>) target(%arg17 : memref<400x32xf32, #tpu.memory_space<vmem>>) offsets(%arg10 : memref<400xi32, #tpu.memory_space<vmem>>) semaphore(%arg24 : memref<!tpu.dma_semaphore, #tpu.memory_space<semaphore_mem>>)
        %dma_wait3A_125 = arith.constant 0 : i32
        %dma_wait3A_126 = arith.constant 0 : i32
        %dma_wait3A_127 = tpu.memref_slice %arg4[%dma_wait3A_125, %dma_wait3A_126] : memref<50176x32xf32, #tpu.memory_space<hbm>> -> memref<50176x32xf32, #tpu.memory_space<hbm>>
        tpu.wait_indirect_dma semaphore(%arg23 : memref<!tpu.dma_semaphore, #tpu.memory_space<semaphore_mem>>) src(%dma_wait3A_127 : memref<50176x32xf32, #tpu.memory_space<hbm>>) dst(%arg16 : memref<400x32xf32, #tpu.memory_space<vmem>>)
        "tpu.region"() ({
          %run_scoped3A = tpu.sem_alloc : memref<!tpu.dma_semaphore, #tpu.memory_space<semaphore_mem>>
          %dma_start3A_240 = arith.constant 0 : i32
          %dma_start3A_241 = arith.constant 0 : i32
          %dma_start3A_242 = tpu.memref_slice %arg18[%dma_start3A_240, %dma_start3A_241] : memref<50176x32xf32, #tpu.memory_space<vmem_shared>> -> memref<50176x32xf32, #tpu.memory_space<vmem_shared>>
          tpu.enqueue_indirect_dma source(%arg16 : memref<400x32xf32, #tpu.memory_space<vmem>>) target(%dma_start3A_242 : memref<50176x32xf32, #tpu.memory_space<vmem_shared>>) offsets(%arg9 : memref<400xi32, #tpu.memory_space<vmem>>) semaphore(%run_scoped3A : memref<!tpu.dma_semaphore, #tpu.memory_space<semaphore_mem>>) {add = true}
          %dma_wait3A_243 = arith.constant 0 : i32
          %dma_wait3A_244 = arith.constant 0 : i32
          %dma_wait3A_245 = tpu.memref_slice %arg18[%dma_wait3A_243, %dma_wait3A_244] : memref<50176x32xf32, #tpu.memory_space<vmem_shared>> -> memref<50176x32xf32, #tpu.memory_space<vmem_shared>>
          tpu.wait_indirect_dma semaphore(%run_scoped3A : memref<!tpu.dma_semaphore, #tpu.memory_space<semaphore_mem>>) src(%arg16 : memref<400x32xf32, #tpu.memory_space<vmem>>) dst(%dma_wait3A_245 : memref<50176x32xf32, #tpu.memory_space<vmem_shared>>)
          tpu.yield
        }) : () -> ()
        %add3A_128 = arith.constant 4 : i32
        %add3A_129 = arith.addi %mul3A_87, %add3A_128 : i32
        %mul3A_130 = arith.constant 50000 : i32
        %mul3A_131 = arith.muli %arg1, %mul3A_130 : i32
        %mul3A_132 = arith.constant 400 : i32
        %mul3A_133 = arith.muli %add3A_129, %mul3A_132 : i32
        %add3A_134 = arith.addi %mul3A_131, %mul3A_133 : i32
        %dma_start3A_135 = arith.constant 0 : i32
        %dma_start3A_136 = tpu.memref_slice %arg2[%dma_start3A_135, %add3A_134] : memref<2x800000xi32, #tpu.memory_space<hbm>> -> memref<1x400xi32, #tpu.memory_space<hbm>>
        %dma_start3A_137 = tpu.memref_squeeze %dma_start3A_136 : memref<1x400xi32, #tpu.memory_space<hbm>> -> memref<400xi32, #tpu.memory_space<hbm>>
        %dma_start3A_138 = tpu.memref_slice %arg2[%dma_start3A_135, %add3A_134] : memref<2x800000xi32, #tpu.memory_space<hbm>> -> memref<1x400xi32, #tpu.memory_space<hbm>>
        %dma_start3A_139 = tpu.memref_squeeze %dma_start3A_138 : memref<1x400xi32, #tpu.memory_space<hbm>> -> memref<400xi32, #tpu.memory_space<hbm>>
        tpu.enqueue_dma source(%dma_start3A_139 : memref<400xi32, #tpu.memory_space<hbm>>) target(%arg8 : memref<400xi32, #tpu.memory_space<vmem>>) target_semaphore(%arg19 : memref<!tpu.dma_semaphore, #tpu.memory_space<semaphore_mem>>)
        %dma_start3A_140 = arith.constant 1 : i32
        %dma_start3A_141 = tpu.memref_slice %arg2[%dma_start3A_140, %add3A_134] : memref<2x800000xi32, #tpu.memory_space<hbm>> -> memref<1x400xi32, #tpu.memory_space<hbm>>
        %dma_start3A_142 = tpu.memref_squeeze %dma_start3A_141 : memref<1x400xi32, #tpu.memory_space<hbm>> -> memref<400xi32, #tpu.memory_space<hbm>>
        %dma_start3A_143 = tpu.memref_slice %arg2[%dma_start3A_140, %add3A_134] : memref<2x800000xi32, #tpu.memory_space<hbm>> -> memref<1x400xi32, #tpu.memory_space<hbm>>
        %dma_start3A_144 = tpu.memref_squeeze %dma_start3A_143 : memref<1x400xi32, #tpu.memory_space<hbm>> -> memref<400xi32, #tpu.memory_space<hbm>>
        tpu.enqueue_dma source(%dma_start3A_144 : memref<400xi32, #tpu.memory_space<hbm>>) target(%arg9 : memref<400xi32, #tpu.memory_space<vmem>>) target_semaphore(%arg19 : memref<!tpu.dma_semaphore, #tpu.memory_space<semaphore_mem>>)
        %add3A_145 = arith.constant 2 : i32
        %add3A_146 = arith.addi %mul3A_87, %add3A_145 : i32
        %mul3A_147 = arith.constant 50000 : i32
        %mul3A_148 = arith.muli %arg1, %mul3A_147 : i32
        %mul3A_149 = arith.constant 400 : i32
        %mul3A_150 = arith.muli %add3A_146, %mul3A_149 : i32
        %add3A_151 = arith.addi %mul3A_148, %mul3A_150 : i32
        %dma_wait3A_152 = arith.constant 0 : i32
        %dma_wait3A_153 = tpu.memref_slice %arg2[%dma_wait3A_152, %add3A_151] : memref<2x800000xi32, #tpu.memory_space<hbm>> -> memref<1x400xi32, #tpu.memory_space<hbm>>
        %dma_wait3A_154 = tpu.memref_squeeze %dma_wait3A_153 : memref<1x400xi32, #tpu.memory_space<hbm>> -> memref<400xi32, #tpu.memory_space<hbm>>
        %dma_wait3A_155 = tpu.memref_slice %arg2[%dma_wait3A_152, %add3A_151] : memref<2x800000xi32, #tpu.memory_space<hbm>> -> memref<1x400xi32, #tpu.memory_space<hbm>>
        %dma_wait3A_156 = tpu.memref_squeeze %dma_wait3A_155 : memref<1x400xi32, #tpu.memory_space<hbm>> -> memref<400xi32, #tpu.memory_space<hbm>>
        tpu.wait_dma2 semaphore(%arg21 : memref<!tpu.dma_semaphore, #tpu.memory_space<semaphore_mem>>) src(%dma_wait3A_156 : memref<400xi32, #tpu.memory_space<hbm>>) dst(%arg12 : memref<400xi32, #tpu.memory_space<vmem>>)
        %dma_wait3A_157 = arith.constant 1 : i32
        %dma_wait3A_158 = tpu.memref_slice %arg2[%dma_wait3A_157, %add3A_151] : memref<2x800000xi32, #tpu.memory_space<hbm>> -> memref<1x400xi32, #tpu.memory_space<hbm>>
        %dma_wait3A_159 = tpu.memref_squeeze %dma_wait3A_158 : memref<1x400xi32, #tpu.memory_space<hbm>> -> memref<400xi32, #tpu.memory_space<hbm>>
        %dma_wait3A_160 = tpu.memref_slice %arg2[%dma_wait3A_157, %add3A_151] : memref<2x800000xi32, #tpu.memory_space<hbm>> -> memref<1x400xi32, #tpu.memory_space<hbm>>
        %dma_wait3A_161 = tpu.memref_squeeze %dma_wait3A_160 : memref<1x400xi32, #tpu.memory_space<hbm>> -> memref<400xi32, #tpu.memory_space<hbm>>
        tpu.wait_dma2 semaphore(%arg21 : memref<!tpu.dma_semaphore, #tpu.memory_space<semaphore_mem>>) src(%dma_wait3A_161 : memref<400xi32, #tpu.memory_space<hbm>>) dst(%arg13 : memref<400xi32, #tpu.memory_space<vmem>>)
        %dma_start3A_162 = arith.constant 0 : i32
        %dma_start3A_163 = arith.constant 0 : i32
        %dma_start3A_164 = tpu.memref_slice %arg4[%dma_start3A_162, %dma_start3A_163] : memref<50176x32xf32, #tpu.memory_space<hbm>> -> memref<50176x32xf32, #tpu.memory_space<hbm>>
        tpu.enqueue_indirect_dma source(%dma_start3A_164 : memref<50176x32xf32, #tpu.memory_space<hbm>>) target(%arg16 : memref<400x32xf32, #tpu.memory_space<vmem>>) offsets(%arg12 : memref<400xi32, #tpu.memory_space<vmem>>) semaphore(%arg23 : memref<!tpu.dma_semaphore, #tpu.memory_space<semaphore_mem>>)
        %add3A_165 = arith.constant 1 : i32
        %add3A_166 = arith.addi %mul3A_87, %add3A_165 : i32
        %dma_wait3A_167 = arith.constant 0 : i32
        %dma_wait3A_168 = arith.constant 0 : i32
        %dma_wait3A_169 = tpu.memref_slice %arg4[%dma_wait3A_167, %dma_wait3A_168] : memref<50176x32xf32, #tpu.memory_space<hbm>> -> memref<50176x32xf32, #tpu.memory_space<hbm>>
        tpu.wait_indirect_dma semaphore(%arg24 : memref<!tpu.dma_semaphore, #tpu.memory_space<semaphore_mem>>) src(%dma_wait3A_169 : memref<50176x32xf32, #tpu.memory_space<hbm>>) dst(%arg17 : memref<400x32xf32, #tpu.memory_space<vmem>>)
        "tpu.region"() ({
          %run_scoped3A = tpu.sem_alloc : memref<!tpu.dma_semaphore, #tpu.memory_space<semaphore_mem>>
          %dma_start3A_240 = arith.constant 0 : i32
          %dma_start3A_241 = arith.constant 0 : i32
          %dma_start3A_242 = tpu.memref_slice %arg18[%dma_start3A_240, %dma_start3A_241] : memref<50176x32xf32, #tpu.memory_space<vmem_shared>> -> memref<50176x32xf32, #tpu.memory_space<vmem_shared>>
          tpu.enqueue_indirect_dma source(%arg17 : memref<400x32xf32, #tpu.memory_space<vmem>>) target(%dma_start3A_242 : memref<50176x32xf32, #tpu.memory_space<vmem_shared>>) offsets(%arg11 : memref<400xi32, #tpu.memory_space<vmem>>) semaphore(%run_scoped3A : memref<!tpu.dma_semaphore, #tpu.memory_space<semaphore_mem>>) {add = true}
          %dma_wait3A_243 = arith.constant 0 : i32
          %dma_wait3A_244 = arith.constant 0 : i32
          %dma_wait3A_245 = tpu.memref_slice %arg18[%dma_wait3A_243, %dma_wait3A_244] : memref<50176x32xf32, #tpu.memory_space<vmem_shared>> -> memref<50176x32xf32, #tpu.memory_space<vmem_shared>>
          tpu.wait_indirect_dma semaphore(%run_scoped3A : memref<!tpu.dma_semaphore, #tpu.memory_space<semaphore_mem>>) src(%arg17 : memref<400x32xf32, #tpu.memory_space<vmem>>) dst(%dma_wait3A_245 : memref<50176x32xf32, #tpu.memory_space<vmem_shared>>)
          tpu.yield
        }) : () -> ()
        %add3A_170 = arith.constant 5 : i32
        %add3A_171 = arith.addi %mul3A_87, %add3A_170 : i32
        %lt3A = arith.constant 125 : i32
        %lt3A_172 = arith.cmpi slt, %add3A_171, %lt3A : i32
        %convert_element_type3A_173 = arith.extui %lt3A_172 : i1 to i32
        %cond3A_174 = arith.constant 0 : i32
        %cond3A_175 = arith.cmpi ne, %convert_element_type3A_173, %cond3A_174 : i32
        scf.if %cond3A_175 {
          %mul3A_240 = arith.constant 50000 : i32
          %mul3A_241 = arith.muli %arg1, %mul3A_240 : i32
          %mul3A_242 = arith.constant 400 : i32
          %mul3A_243 = arith.muli %add3A_171, %mul3A_242 : i32
          %add3A_244 = arith.addi %mul3A_241, %mul3A_243 : i32
          %dma_start3A_245 = arith.constant 0 : i32
          %dma_start3A_246 = tpu.memref_slice %arg2[%dma_start3A_245, %add3A_244] : memref<2x800000xi32, #tpu.memory_space<hbm>> -> memref<1x400xi32, #tpu.memory_space<hbm>>
          %dma_start3A_247 = tpu.memref_squeeze %dma_start3A_246 : memref<1x400xi32, #tpu.memory_space<hbm>> -> memref<400xi32, #tpu.memory_space<hbm>>
          %dma_start3A_248 = tpu.memref_slice %arg2[%dma_start3A_245, %add3A_244] : memref<2x800000xi32, #tpu.memory_space<hbm>> -> memref<1x400xi32, #tpu.memory_space<hbm>>
          %dma_start3A_249 = tpu.memref_squeeze %dma_start3A_248 : memref<1x400xi32, #tpu.memory_space<hbm>> -> memref<400xi32, #tpu.memory_space<hbm>>
          tpu.enqueue_dma source(%dma_start3A_249 : memref<400xi32, #tpu.memory_space<hbm>>) target(%arg10 : memref<400xi32, #tpu.memory_space<vmem>>) target_semaphore(%arg20 : memref<!tpu.dma_semaphore, #tpu.memory_space<semaphore_mem>>)
          %dma_start3A_250 = arith.constant 1 : i32
          %dma_start3A_251 = tpu.memref_slice %arg2[%dma_start3A_250, %add3A_244] : memref<2x800000xi32, #tpu.memory_space<hbm>> -> memref<1x400xi32, #tpu.memory_space<hbm>>
          %dma_start3A_252 = tpu.memref_squeeze %dma_start3A_251 : memref<1x400xi32, #tpu.memory_space<hbm>> -> memref<400xi32, #tpu.memory_space<hbm>>
          %dma_start3A_253 = tpu.memref_slice %arg2[%dma_start3A_250, %add3A_244] : memref<2x800000xi32, #tpu.memory_space<hbm>> -> memref<1x400xi32, #tpu.memory_space<hbm>>
          %dma_start3A_254 = tpu.memref_squeeze %dma_start3A_253 : memref<1x400xi32, #tpu.memory_space<hbm>> -> memref<400xi32, #tpu.memory_space<hbm>>
          tpu.enqueue_dma source(%dma_start3A_254 : memref<400xi32, #tpu.memory_space<hbm>>) target(%arg11 : memref<400xi32, #tpu.memory_space<vmem>>) target_semaphore(%arg20 : memref<!tpu.dma_semaphore, #tpu.memory_space<semaphore_mem>>)
        } else {
        }
        %add3A_176 = arith.constant 3 : i32
        %add3A_177 = arith.addi %mul3A_87, %add3A_176 : i32
        %mul3A_178 = arith.constant 50000 : i32
        %mul3A_179 = arith.muli %arg1, %mul3A_178 : i32
        %mul3A_180 = arith.constant 400 : i32
        %mul3A_181 = arith.muli %add3A_177, %mul3A_180 : i32
        %add3A_182 = arith.addi %mul3A_179, %mul3A_181 : i32
        %dma_wait3A_183 = arith.constant 0 : i32
        %dma_wait3A_184 = tpu.memref_slice %arg2[%dma_wait3A_183, %add3A_182] : memref<2x800000xi32, #tpu.memory_space<hbm>> -> memref<1x400xi32, #tpu.memory_space<hbm>>
        %dma_wait3A_185 = tpu.memref_squeeze %dma_wait3A_184 : memref<1x400xi32, #tpu.memory_space<hbm>> -> memref<400xi32, #tpu.memory_space<hbm>>
        %dma_wait3A_186 = tpu.memref_slice %arg2[%dma_wait3A_183, %add3A_182] : memref<2x800000xi32, #tpu.memory_space<hbm>> -> memref<1x400xi32, #tpu.memory_space<hbm>>
        %dma_wait3A_187 = tpu.memref_squeeze %dma_wait3A_186 : memref<1x400xi32, #tpu.memory_space<hbm>> -> memref<400xi32, #tpu.memory_space<hbm>>
        tpu.wait_dma2 semaphore(%arg22 : memref<!tpu.dma_semaphore, #tpu.memory_space<semaphore_mem>>) src(%dma_wait3A_187 : memref<400xi32, #tpu.memory_space<hbm>>) dst(%arg14 : memref<400xi32, #tpu.memory_space<vmem>>)
        %dma_wait3A_188 = arith.constant 1 : i32
        %dma_wait3A_189 = tpu.memref_slice %arg2[%dma_wait3A_188, %add3A_182] : memref<2x800000xi32, #tpu.memory_space<hbm>> -> memref<1x400xi32, #tpu.memory_space<hbm>>
        %dma_wait3A_190 = tpu.memref_squeeze %dma_wait3A_189 : memref<1x400xi32, #tpu.memory_space<hbm>> -> memref<400xi32, #tpu.memory_space<hbm>>
        %dma_wait3A_191 = tpu.memref_slice %arg2[%dma_wait3A_188, %add3A_182] : memref<2x800000xi32, #tpu.memory_space<hbm>> -> memref<1x400xi32, #tpu.memory_space<hbm>>
        %dma_wait3A_192 = tpu.memref_squeeze %dma_wait3A_191 : memref<1x400xi32, #tpu.memory_space<hbm>> -> memref<400xi32, #tpu.memory_space<hbm>>
        tpu.wait_dma2 semaphore(%arg22 : memref<!tpu.dma_semaphore, #tpu.memory_space<semaphore_mem>>) src(%dma_wait3A_192 : memref<400xi32, #tpu.memory_space<hbm>>) dst(%arg15 : memref<400xi32, #tpu.memory_space<vmem>>)
        %dma_start3A_193 = arith.constant 0 : i32
        %dma_start3A_194 = arith.constant 0 : i32
        %dma_start3A_195 = tpu.memref_slice %arg4[%dma_start3A_193, %dma_start3A_194] : memref<50176x32xf32, #tpu.memory_space<hbm>> -> memref<50176x32xf32, #tpu.memory_space<hbm>>
        tpu.enqueue_indirect_dma source(%dma_start3A_195 : memref<50176x32xf32, #tpu.memory_space<hbm>>) target(%arg17 : memref<400x32xf32, #tpu.memory_space<vmem>>) offsets(%arg14 : memref<400xi32, #tpu.memory_space<vmem>>) semaphore(%arg24 : memref<!tpu.dma_semaphore, #tpu.memory_space<semaphore_mem>>)
        %add3A_196 = arith.constant 2 : i32
        %add3A_197 = arith.addi %mul3A_87, %add3A_196 : i32
        %dma_wait3A_198 = arith.constant 0 : i32
        %dma_wait3A_199 = arith.constant 0 : i32
        %dma_wait3A_200 = tpu.memref_slice %arg4[%dma_wait3A_198, %dma_wait3A_199] : memref<50176x32xf32, #tpu.memory_space<hbm>> -> memref<50176x32xf32, #tpu.memory_space<hbm>>
        tpu.wait_indirect_dma semaphore(%arg23 : memref<!tpu.dma_semaphore, #tpu.memory_space<semaphore_mem>>) src(%dma_wait3A_200 : memref<50176x32xf32, #tpu.memory_space<hbm>>) dst(%arg16 : memref<400x32xf32, #tpu.memory_space<vmem>>)
        "tpu.region"() ({
          %run_scoped3A = tpu.sem_alloc : memref<!tpu.dma_semaphore, #tpu.memory_space<semaphore_mem>>
          %dma_start3A_240 = arith.constant 0 : i32
          %dma_start3A_241 = arith.constant 0 : i32
          %dma_start3A_242 = tpu.memref_slice %arg18[%dma_start3A_240, %dma_start3A_241] : memref<50176x32xf32, #tpu.memory_space<vmem_shared>> -> memref<50176x32xf32, #tpu.memory_space<vmem_shared>>
          tpu.enqueue_indirect_dma source(%arg16 : memref<400x32xf32, #tpu.memory_space<vmem>>) target(%dma_start3A_242 : memref<50176x32xf32, #tpu.memory_space<vmem_shared>>) offsets(%arg13 : memref<400xi32, #tpu.memory_space<vmem>>) semaphore(%run_scoped3A : memref<!tpu.dma_semaphore, #tpu.memory_space<semaphore_mem>>) {add = true}
          %dma_wait3A_243 = arith.constant 0 : i32
          %dma_wait3A_244 = arith.constant 0 : i32
          %dma_wait3A_245 = tpu.memref_slice %arg18[%dma_wait3A_243, %dma_wait3A_244] : memref<50176x32xf32, #tpu.memory_space<vmem_shared>> -> memref<50176x32xf32, #tpu.memory_space<vmem_shared>>
          tpu.wait_indirect_dma semaphore(%run_scoped3A : memref<!tpu.dma_semaphore, #tpu.memory_space<semaphore_mem>>) src(%arg16 : memref<400x32xf32, #tpu.memory_space<vmem>>) dst(%dma_wait3A_245 : memref<50176x32xf32, #tpu.memory_space<vmem_shared>>)
          tpu.yield
        }) : () -> ()
        %add3A_201 = arith.constant 6 : i32
        %add3A_202 = arith.addi %mul3A_87, %add3A_201 : i32
        %lt3A_203 = arith.constant 125 : i32
        %lt3A_204 = arith.cmpi slt, %add3A_202, %lt3A_203 : i32
        %convert_element_type3A_205 = arith.extui %lt3A_204 : i1 to i32
        %cond3A_206 = arith.constant 0 : i32
        %cond3A_207 = arith.cmpi ne, %convert_element_type3A_205, %cond3A_206 : i32
        scf.if %cond3A_207 {
          %mul3A_240 = arith.constant 50000 : i32
          %mul3A_241 = arith.muli %arg1, %mul3A_240 : i32
          %mul3A_242 = arith.constant 400 : i32
          %mul3A_243 = arith.muli %add3A_202, %mul3A_242 : i32
          %add3A_244 = arith.addi %mul3A_241, %mul3A_243 : i32
          %dma_start3A_245 = arith.constant 0 : i32
          %dma_start3A_246 = tpu.memref_slice %arg2[%dma_start3A_245, %add3A_244] : memref<2x800000xi32, #tpu.memory_space<hbm>> -> memref<1x400xi32, #tpu.memory_space<hbm>>
          %dma_start3A_247 = tpu.memref_squeeze %dma_start3A_246 : memref<1x400xi32, #tpu.memory_space<hbm>> -> memref<400xi32, #tpu.memory_space<hbm>>
          %dma_start3A_248 = tpu.memref_slice %arg2[%dma_start3A_245, %add3A_244] : memref<2x800000xi32, #tpu.memory_space<hbm>> -> memref<1x400xi32, #tpu.memory_space<hbm>>
          %dma_start3A_249 = tpu.memref_squeeze %dma_start3A_248 : memref<1x400xi32, #tpu.memory_space<hbm>> -> memref<400xi32, #tpu.memory_space<hbm>>
          tpu.enqueue_dma source(%dma_start3A_249 : memref<400xi32, #tpu.memory_space<hbm>>) target(%arg12 : memref<400xi32, #tpu.memory_space<vmem>>) target_semaphore(%arg21 : memref<!tpu.dma_semaphore, #tpu.memory_space<semaphore_mem>>)
          %dma_start3A_250 = arith.constant 1 : i32
          %dma_start3A_251 = tpu.memref_slice %arg2[%dma_start3A_250, %add3A_244] : memref<2x800000xi32, #tpu.memory_space<hbm>> -> memref<1x400xi32, #tpu.memory_space<hbm>>
          %dma_start3A_252 = tpu.memref_squeeze %dma_start3A_251 : memref<1x400xi32, #tpu.memory_space<hbm>> -> memref<400xi32, #tpu.memory_space<hbm>>
          %dma_start3A_253 = tpu.memref_slice %arg2[%dma_start3A_250, %add3A_244] : memref<2x800000xi32, #tpu.memory_space<hbm>> -> memref<1x400xi32, #tpu.memory_space<hbm>>
          %dma_start3A_254 = tpu.memref_squeeze %dma_start3A_253 : memref<1x400xi32, #tpu.memory_space<hbm>> -> memref<400xi32, #tpu.memory_space<hbm>>
          tpu.enqueue_dma source(%dma_start3A_254 : memref<400xi32, #tpu.memory_space<hbm>>) target(%arg13 : memref<400xi32, #tpu.memory_space<vmem>>) target_semaphore(%arg21 : memref<!tpu.dma_semaphore, #tpu.memory_space<semaphore_mem>>)
        } else {
        }
        %add3A_208 = arith.constant 4 : i32
        %add3A_209 = arith.addi %mul3A_87, %add3A_208 : i32
        %mul3A_210 = arith.constant 50000 : i32
        %mul3A_211 = arith.muli %arg1, %mul3A_210 : i32
        %mul3A_212 = arith.constant 400 : i32
        %mul3A_213 = arith.muli %add3A_209, %mul3A_212 : i32
        %add3A_214 = arith.addi %mul3A_211, %mul3A_213 : i32
        %dma_wait3A_215 = arith.constant 0 : i32
        %dma_wait3A_216 = tpu.memref_slice %arg2[%dma_wait3A_215, %add3A_214] : memref<2x800000xi32, #tpu.memory_space<hbm>> -> memref<1x400xi32, #tpu.memory_space<hbm>>
        %dma_wait3A_217 = tpu.memref_squeeze %dma_wait3A_216 : memref<1x400xi32, #tpu.memory_space<hbm>> -> memref<400xi32, #tpu.memory_space<hbm>>
        %dma_wait3A_218 = tpu.memref_slice %arg2[%dma_wait3A_215, %add3A_214] : memref<2x800000xi32, #tpu.memory_space<hbm>> -> memref<1x400xi32, #tpu.memory_space<hbm>>
        %dma_wait3A_219 = tpu.memref_squeeze %dma_wait3A_218 : memref<1x400xi32, #tpu.memory_space<hbm>> -> memref<400xi32, #tpu.memory_space<hbm>>
        tpu.wait_dma2 semaphore(%arg19 : memref<!tpu.dma_semaphore, #tpu.memory_space<semaphore_mem>>) src(%dma_wait3A_219 : memref<400xi32, #tpu.memory_space<hbm>>) dst(%arg8 : memref<400xi32, #tpu.memory_space<vmem>>)
        %dma_wait3A_220 = arith.constant 1 : i32
        %dma_wait3A_221 = tpu.memref_slice %arg2[%dma_wait3A_220, %add3A_214] : memref<2x800000xi32, #tpu.memory_space<hbm>> -> memref<1x400xi32, #tpu.memory_space<hbm>>
        %dma_wait3A_222 = tpu.memref_squeeze %dma_wait3A_221 : memref<1x400xi32, #tpu.memory_space<hbm>> -> memref<400xi32, #tpu.memory_space<hbm>>
        %dma_wait3A_223 = tpu.memref_slice %arg2[%dma_wait3A_220, %add3A_214] : memref<2x800000xi32, #tpu.memory_space<hbm>> -> memref<1x400xi32, #tpu.memory_space<hbm>>
        %dma_wait3A_224 = tpu.memref_squeeze %dma_wait3A_223 : memref<1x400xi32, #tpu.memory_space<hbm>> -> memref<400xi32, #tpu.memory_space<hbm>>
        tpu.wait_dma2 semaphore(%arg19 : memref<!tpu.dma_semaphore, #tpu.memory_space<semaphore_mem>>) src(%dma_wait3A_224 : memref<400xi32, #tpu.memory_space<hbm>>) dst(%arg9 : memref<400xi32, #tpu.memory_space<vmem>>)
        %dma_start3A_225 = arith.constant 0 : i32
        %dma_start3A_226 = arith.constant 0 : i32
        %dma_start3A_227 = tpu.memref_slice %arg4[%dma_start3A_225, %dma_start3A_226] : memref<50176x32xf32, #tpu.memory_space<hbm>> -> memref<50176x32xf32, #tpu.memory_space<hbm>>
        tpu.enqueue_indirect_dma source(%dma_start3A_227 : memref<50176x32xf32, #tpu.memory_space<hbm>>) target(%arg16 : memref<400x32xf32, #tpu.memory_space<vmem>>) offsets(%arg8 : memref<400xi32, #tpu.memory_space<vmem>>) semaphore(%arg23 : memref<!tpu.dma_semaphore, #tpu.memory_space<semaphore_mem>>)
        %add3A_228 = arith.constant 3 : i32
        %add3A_229 = arith.addi %mul3A_87, %add3A_228 : i32
        %dma_wait3A_230 = arith.constant 0 : i32
        %dma_wait3A_231 = arith.constant 0 : i32
        %dma_wait3A_232 = tpu.memref_slice %arg4[%dma_wait3A_230, %dma_wait3A_231] : memref<50176x32xf32, #tpu.memory_space<hbm>> -> memref<50176x32xf32, #tpu.memory_space<hbm>>
        tpu.wait_indirect_dma semaphore(%arg24 : memref<!tpu.dma_semaphore, #tpu.memory_space<semaphore_mem>>) src(%dma_wait3A_232 : memref<50176x32xf32, #tpu.memory_space<hbm>>) dst(%arg17 : memref<400x32xf32, #tpu.memory_space<vmem>>)
        "tpu.region"() ({
          %run_scoped3A = tpu.sem_alloc : memref<!tpu.dma_semaphore, #tpu.memory_space<semaphore_mem>>
          %dma_start3A_240 = arith.constant 0 : i32
          %dma_start3A_241 = arith.constant 0 : i32
          %dma_start3A_242 = tpu.memref_slice %arg18[%dma_start3A_240, %dma_start3A_241] : memref<50176x32xf32, #tpu.memory_space<vmem_shared>> -> memref<50176x32xf32, #tpu.memory_space<vmem_shared>>
          tpu.enqueue_indirect_dma source(%arg17 : memref<400x32xf32, #tpu.memory_space<vmem>>) target(%dma_start3A_242 : memref<50176x32xf32, #tpu.memory_space<vmem_shared>>) offsets(%arg15 : memref<400xi32, #tpu.memory_space<vmem>>) semaphore(%run_scoped3A : memref<!tpu.dma_semaphore, #tpu.memory_space<semaphore_mem>>) {add = true}
          %dma_wait3A_243 = arith.constant 0 : i32
          %dma_wait3A_244 = arith.constant 0 : i32
          %dma_wait3A_245 = tpu.memref_slice %arg18[%dma_wait3A_243, %dma_wait3A_244] : memref<50176x32xf32, #tpu.memory_space<vmem_shared>> -> memref<50176x32xf32, #tpu.memory_space<vmem_shared>>
          tpu.wait_indirect_dma semaphore(%run_scoped3A : memref<!tpu.dma_semaphore, #tpu.memory_space<semaphore_mem>>) src(%arg17 : memref<400x32xf32, #tpu.memory_space<vmem>>) dst(%dma_wait3A_245 : memref<50176x32xf32, #tpu.memory_space<vmem_shared>>)
          tpu.yield
        }) : () -> ()
        %add3A_233 = arith.constant 7 : i32
        %add3A_234 = arith.addi %mul3A_87, %add3A_233 : i32
        %lt3A_235 = arith.constant 125 : i32
        %lt3A_236 = arith.cmpi slt, %add3A_234, %lt3A_235 : i32
        %convert_element_type3A_237 = arith.extui %lt3A_236 : i1 to i32
        %cond3A_238 = arith.constant 0 : i32
        %cond3A_239 = arith.cmpi ne, %convert_element_type3A_237, %cond3A_238 : i32
        scf.if %cond3A_239 {
          %mul3A_240 = arith.constant 50000 : i32
          %mul3A_241 = arith.muli %arg1, %mul3A_240 : i32
          %mul3A_242 = arith.constant 400 : i32
          %mul3A_243 = arith.muli %add3A_234, %mul3A_242 : i32
          %add3A_244 = arith.addi %mul3A_241, %mul3A_243 : i32
          %dma_start3A_245 = arith.constant 0 : i32
          %dma_start3A_246 = tpu.memref_slice %arg2[%dma_start3A_245, %add3A_244] : memref<2x800000xi32, #tpu.memory_space<hbm>> -> memref<1x400xi32, #tpu.memory_space<hbm>>
          %dma_start3A_247 = tpu.memref_squeeze %dma_start3A_246 : memref<1x400xi32, #tpu.memory_space<hbm>> -> memref<400xi32, #tpu.memory_space<hbm>>
          %dma_start3A_248 = tpu.memref_slice %arg2[%dma_start3A_245, %add3A_244] : memref<2x800000xi32, #tpu.memory_space<hbm>> -> memref<1x400xi32, #tpu.memory_space<hbm>>
          %dma_start3A_249 = tpu.memref_squeeze %dma_start3A_248 : memref<1x400xi32, #tpu.memory_space<hbm>> -> memref<400xi32, #tpu.memory_space<hbm>>
          tpu.enqueue_dma source(%dma_start3A_249 : memref<400xi32, #tpu.memory_space<hbm>>) target(%arg14 : memref<400xi32, #tpu.memory_space<vmem>>) target_semaphore(%arg22 : memref<!tpu.dma_semaphore, #tpu.memory_space<semaphore_mem>>)
          %dma_start3A_250 = arith.constant 1 : i32
          %dma_start3A_251 = tpu.memref_slice %arg2[%dma_start3A_250, %add3A_244] : memref<2x800000xi32, #tpu.memory_space<hbm>> -> memref<1x400xi32, #tpu.memory_space<hbm>>
          %dma_start3A_252 = tpu.memref_squeeze %dma_start3A_251 : memref<1x400xi32, #tpu.memory_space<hbm>> -> memref<400xi32, #tpu.memory_space<hbm>>
          %dma_start3A_253 = tpu.memref_slice %arg2[%dma_start3A_250, %add3A_244] : memref<2x800000xi32, #tpu.memory_space<hbm>> -> memref<1x400xi32, #tpu.memory_space<hbm>>
          %dma_start3A_254 = tpu.memref_squeeze %dma_start3A_253 : memref<1x400xi32, #tpu.memory_space<hbm>> -> memref<400xi32, #tpu.memory_space<hbm>>
          tpu.enqueue_dma source(%dma_start3A_254 : memref<400xi32, #tpu.memory_space<hbm>>) target(%arg15 : memref<400xi32, #tpu.memory_space<vmem>>) target_semaphore(%arg22 : memref<!tpu.dma_semaphore, #tpu.memory_space<semaphore_mem>>)
        } else {
        }
      }
      %scan3A_81 = arith.constant 31 : i32
      %dma_wait3A_82 = arith.constant 0 : i32
      %dma_wait3A_83 = arith.constant 0 : i32
      %dma_wait3A_84 = tpu.memref_slice %arg4[%dma_wait3A_82, %dma_wait3A_83] : memref<50176x32xf32, #tpu.memory_space<hbm>> -> memref<50176x32xf32, #tpu.memory_space<hbm>>
      tpu.wait_indirect_dma semaphore(%arg23 : memref<!tpu.dma_semaphore, #tpu.memory_space<semaphore_mem>>) src(%dma_wait3A_84 : memref<50176x32xf32, #tpu.memory_space<hbm>>) dst(%arg16 : memref<400x32xf32, #tpu.memory_space<vmem>>)
      "tpu.region"() ({
        %run_scoped3A = tpu.sem_alloc : memref<!tpu.dma_semaphore, #tpu.memory_space<semaphore_mem>>
        %dma_start3A_85 = arith.constant 0 : i32
        %dma_start3A_86 = arith.constant 0 : i32
        %dma_start3A_87 = tpu.memref_slice %arg18[%dma_start3A_85, %dma_start3A_86] : memref<50176x32xf32, #tpu.memory_space<vmem_shared>> -> memref<50176x32xf32, #tpu.memory_space<vmem_shared>>
        tpu.enqueue_indirect_dma source(%arg16 : memref<400x32xf32, #tpu.memory_space<vmem>>) target(%dma_start3A_87 : memref<50176x32xf32, #tpu.memory_space<vmem_shared>>) offsets(%arg9 : memref<400xi32, #tpu.memory_space<vmem>>) semaphore(%run_scoped3A : memref<!tpu.dma_semaphore, #tpu.memory_space<semaphore_mem>>) {add = true}
        %dma_wait3A_88 = arith.constant 0 : i32
        %dma_wait3A_89 = arith.constant 0 : i32
        %dma_wait3A_90 = tpu.memref_slice %arg18[%dma_wait3A_88, %dma_wait3A_89] : memref<50176x32xf32, #tpu.memory_space<vmem_shared>> -> memref<50176x32xf32, #tpu.memory_space<vmem_shared>>
        tpu.wait_indirect_dma semaphore(%run_scoped3A : memref<!tpu.dma_semaphore, #tpu.memory_space<semaphore_mem>>) src(%arg16 : memref<400x32xf32, #tpu.memory_space<vmem>>) dst(%dma_wait3A_90 : memref<50176x32xf32, #tpu.memory_space<vmem_shared>>)
        tpu.yield
      }) : () -> ()
    } else {
    }
    %barrier3A_8 = arith.constant 0 : index
    tpu.barrier barrier_id(%barrier3A_8)
    %mul3A_9 = arith.constant 3136 : i32
    %mul3A_10 = arith.muli %arg1, %mul3A_9 : i32
    %eq3A_11 = arith.constant 0 : i32
    %eq3A_12 = arith.cmpi eq, %arg0, %eq3A_11 : i32
    %convert_element_type3A_13 = arith.extui %eq3A_12 : i1 to i32
    %cond3A_14 = arith.constant 0 : i32
    %cond3A_15 = arith.cmpi ne, %convert_element_type3A_13, %cond3A_14 : i32
    scf.if %cond3A_15 {
      "tpu.region"() ({
        %run_scoped3A = tpu.sem_alloc : memref<!tpu.dma_semaphore, #tpu.memory_space<semaphore_mem>>
        %dma_start3A = arith.constant 0 : i32
        %dma_start3A_21 = tpu.memref_slice %arg6[%mul3A_10, %dma_start3A] : memref<50176x32xf32, #tpu.memory_space<hbm>> -> memref<3136x32xf32, #tpu.memory_space<hbm>>
        %dma_start3A_22 = arith.constant 0 : i32
        %dma_start3A_23 = tpu.memref_slice %arg18[%mul3A_10, %dma_start3A_22] : memref<50176x32xf32, #tpu.memory_space<vmem_shared>> -> memref<3136x32xf32, #tpu.memory_space<vmem_shared>>
        tpu.enqueue_dma source(%dma_start3A_23 : memref<3136x32xf32, #tpu.memory_space<vmem_shared>>) target(%dma_start3A_21 : memref<3136x32xf32, #tpu.memory_space<hbm>>) target_semaphore(%run_scoped3A : memref<!tpu.dma_semaphore, #tpu.memory_space<semaphore_mem>>)
        %dma_wait3A = arith.constant 0 : i32
        %dma_wait3A_24 = tpu.memref_slice %arg6[%mul3A_10, %dma_wait3A] : memref<50176x32xf32, #tpu.memory_space<hbm>> -> memref<3136x32xf32, #tpu.memory_space<hbm>>
        %dma_wait3A_25 = arith.constant 0 : i32
        %dma_wait3A_26 = tpu.memref_slice %arg18[%mul3A_10, %dma_wait3A_25] : memref<50176x32xf32, #tpu.memory_space<vmem_shared>> -> memref<3136x32xf32, #tpu.memory_space<vmem_shared>>
        tpu.wait_dma2 semaphore(%run_scoped3A : memref<!tpu.dma_semaphore, #tpu.memory_space<semaphore_mem>>) src(%dma_wait3A_26 : memref<3136x32xf32, #tpu.memory_space<vmem_shared>>) dst(%dma_wait3A_24 : memref<3136x32xf32, #tpu.memory_space<hbm>>)
        tpu.yield
      }) : () -> ()
    } else {
    }
    %eq3A_16 = arith.constant 1 : i32
    %eq3A_17 = arith.cmpi eq, %arg0, %eq3A_16 : i32
    %convert_element_type3A_18 = arith.extui %eq3A_17 : i1 to i32
    %cond3A_19 = arith.constant 0 : i32
    %cond3A_20 = arith.cmpi ne, %convert_element_type3A_18, %cond3A_19 : i32
    scf.if %cond3A_20 {
      "tpu.region"() ({
        %run_scoped3A = tpu.sem_alloc : memref<!tpu.dma_semaphore, #tpu.memory_space<semaphore_mem>>
        %dma_start3A = arith.constant 0 : i32
        %dma_start3A_21 = tpu.memref_slice %arg7[%mul3A_10, %dma_start3A] : memref<50176x32xf32, #tpu.memory_space<hbm>> -> memref<3136x32xf32, #tpu.memory_space<hbm>>
        %dma_start3A_22 = arith.constant 0 : i32
        %dma_start3A_23 = tpu.memref_slice %arg18[%mul3A_10, %dma_start3A_22] : memref<50176x32xf32, #tpu.memory_space<vmem_shared>> -> memref<3136x32xf32, #tpu.memory_space<vmem_shared>>
        tpu.enqueue_dma source(%dma_start3A_23 : memref<3136x32xf32, #tpu.memory_space<vmem_shared>>) target(%dma_start3A_21 : memref<3136x32xf32, #tpu.memory_space<hbm>>) target_semaphore(%run_scoped3A : memref<!tpu.dma_semaphore, #tpu.memory_space<semaphore_mem>>)
        %dma_wait3A = arith.constant 0 : i32
        %dma_wait3A_24 = tpu.memref_slice %arg7[%mul3A_10, %dma_wait3A] : memref<50176x32xf32, #tpu.memory_space<hbm>> -> memref<3136x32xf32, #tpu.memory_space<hbm>>
        %dma_wait3A_25 = arith.constant 0 : i32
        %dma_wait3A_26 = tpu.memref_slice %arg18[%mul3A_10, %dma_wait3A_25] : memref<50176x32xf32, #tpu.memory_space<vmem_shared>> -> memref<3136x32xf32, #tpu.memory_space<vmem_shared>>
        tpu.wait_dma2 semaphore(%run_scoped3A : memref<!tpu.dma_semaphore, #tpu.memory_space<semaphore_mem>>) src(%dma_wait3A_26 : memref<3136x32xf32, #tpu.memory_space<vmem_shared>>) dst(%dma_wait3A_24 : memref<3136x32xf32, #tpu.memory_space<hbm>>)
        tpu.yield
      }) : () -> ()
    } else {
    }
    return
  }
}

#map = affine_map<(d0, d1) -> (0, 0)>
module attributes {stable_mosaic.version = 14 : i64} {
  func.func @_edge_kernel(%arg0: i32, %arg1: i32, %arg2: memref<2x800000xi32, #tpu.memory_space<hbm>>, %arg3: memref<50176x32xf32, #tpu.memory_space<hbm>>, %arg4: memref<50176x32xf32, #tpu.memory_space<hbm>>, %arg5: memref<3136x32xf32, #tpu.memory_space<hbm>>, %arg6: memref<50176x32xf32, #tpu.memory_space<hbm>>, %arg7: memref<50176x32xf32, #tpu.memory_space<hbm>>, %arg8: memref<400xi32, #tpu.memory_space<vmem>>, %arg9: memref<400xi32, #tpu.memory_space<vmem>>, %arg10: memref<400xi32, #tpu.memory_space<vmem>>, %arg11: memref<400xi32, #tpu.memory_space<vmem>>, %arg12: memref<400xi32, #tpu.memory_space<vmem>>, %arg13: memref<400xi32, #tpu.memory_space<vmem>>, %arg14: memref<400xi32, #tpu.memory_space<vmem>>, %arg15: memref<400xi32, #tpu.memory_space<vmem>>, %arg16: memref<400x32xf32, #tpu.memory_space<vmem>>, %arg17: memref<400x32xf32, #tpu.memory_space<vmem>>, %arg18: memref<50176x32xf32, #tpu.memory_space<vmem_shared>>, %arg19: memref<!tpu.dma_semaphore, #tpu.memory_space<semaphore_mem>>, %arg20: memref<!tpu.dma_semaphore, #tpu.memory_space<semaphore_mem>>, %arg21: memref<!tpu.dma_semaphore, #tpu.memory_space<semaphore_mem>>, %arg22: memref<!tpu.dma_semaphore, #tpu.memory_space<semaphore_mem>>, %arg23: memref<!tpu.dma_semaphore, #tpu.memory_space<semaphore_mem>>, %arg24: memref<!tpu.dma_semaphore, #tpu.memory_space<semaphore_mem>>) attributes {dimension_semantics = [#tpu.dimension_semantics<core_parallel>, #tpu.dimension_semantics<subcore_parallel>], iteration_bounds = array<i64: 2, 16>, scalar_prefetch = 0 : i64, scratch_operands = 17 : i64, tpu.core_type = #tpu.core_type<sc_vector_subcore>, window_params = [{transform_indices = #map}, {transform_indices = #map}, {transform_indices = #map}, {transform_indices = #map}, {transform_indices = #map}, {transform_indices = #map}]} {
    %mul3A = arith.constant 3136 : i32
    %mul3A_0 = arith.muli %arg1, %mul3A : i32
    "tpu.region"() ({
      %run_scoped3A = tpu.sem_alloc : memref<!tpu.dma_semaphore, #tpu.memory_space<semaphore_mem>>
      %dma_start3A = arith.constant 0 : i32
      %dma_start3A_21 = tpu.memref_slice %arg18[%mul3A_0, %dma_start3A] : memref<50176x32xf32, #tpu.memory_space<vmem_shared>> -> memref<3136x32xf32, #tpu.memory_space<vmem_shared>>
      tpu.enqueue_dma source(%arg5 : memref<3136x32xf32, #tpu.memory_space<hbm>>) target(%dma_start3A_21 : memref<3136x32xf32, #tpu.memory_space<vmem_shared>>) target_semaphore(%run_scoped3A : memref<!tpu.dma_semaphore, #tpu.memory_space<semaphore_mem>>)
      %dma_wait3A = arith.constant 0 : i32
      %dma_wait3A_22 = tpu.memref_slice %arg18[%mul3A_0, %dma_wait3A] : memref<50176x32xf32, #tpu.memory_space<vmem_shared>> -> memref<3136x32xf32, #tpu.memory_space<vmem_shared>>
      tpu.wait_dma2 semaphore(%run_scoped3A : memref<!tpu.dma_semaphore, #tpu.memory_space<semaphore_mem>>) src(%arg5 : memref<3136x32xf32, #tpu.memory_space<hbm>>) dst(%dma_wait3A_22 : memref<3136x32xf32, #tpu.memory_space<vmem_shared>>)
      tpu.yield
    }) : () -> ()
    %barrier3A = arith.constant 0 : index
    tpu.barrier barrier_id(%barrier3A)
    %eq3A = arith.constant 0 : i32
    %eq3A_1 = arith.cmpi eq, %arg0, %eq3A : i32
    %convert_element_type3A = arith.extui %eq3A_1 : i1 to i32
    %cond3A = arith.constant 0 : i32
    %cond3A_2 = arith.cmpi ne, %convert_element_type3A, %cond3A : i32
    scf.if %cond3A_2 {
      %mul3A_21 = arith.constant 50000 : i32
      %mul3A_22 = arith.muli %arg1, %mul3A_21 : i32
      %add3A = arith.constant 0 : i32
      %add3A_23 = arith.addi %mul3A_22, %add3A : i32
      %dma_start3A = arith.constant 0 : i32
      %dma_start3A_24 = tpu.memref_slice %arg2[%dma_start3A, %add3A_23] : memref<2x800000xi32, #tpu.memory_space<hbm>> -> memref<1x400xi32, #tpu.memory_space<hbm>>
      %dma_start3A_25 = tpu.memref_squeeze %dma_start3A_24 : memref<1x400xi32, #tpu.memory_space<hbm>> -> memref<400xi32, #tpu.memory_space<hbm>>
      %dma_start3A_26 = tpu.memref_slice %arg2[%dma_start3A, %add3A_23] : memref<2x800000xi32, #tpu.memory_space<hbm>> -> memref<1x400xi32, #tpu.memory_space<hbm>>
      %dma_start3A_27 = tpu.memref_squeeze %dma_start3A_26 : memref<1x400xi32, #tpu.memory_space<hbm>> -> memref<400xi32, #tpu.memory_space<hbm>>
      tpu.enqueue_dma source(%dma_start3A_27 : memref<400xi32, #tpu.memory_space<hbm>>) target(%arg8 : memref<400xi32, #tpu.memory_space<vmem>>) target_semaphore(%arg19 : memref<!tpu.dma_semaphore, #tpu.memory_space<semaphore_mem>>)
      %dma_start3A_28 = arith.constant 1 : i32
      %dma_start3A_29 = tpu.memref_slice %arg2[%dma_start3A_28, %add3A_23] : memref<2x800000xi32, #tpu.memory_space<hbm>> -> memref<1x400xi32, #tpu.memory_space<hbm>>
      %dma_start3A_30 = tpu.memref_squeeze %dma_start3A_29 : memref<1x400xi32, #tpu.memory_space<hbm>> -> memref<400xi32, #tpu.memory_space<hbm>>
      %dma_start3A_31 = tpu.memref_slice %arg2[%dma_start3A_28, %add3A_23] : memref<2x800000xi32, #tpu.memory_space<hbm>> -> memref<1x400xi32, #tpu.memory_space<hbm>>
      %dma_start3A_32 = tpu.memref_squeeze %dma_start3A_31 : memref<1x400xi32, #tpu.memory_space<hbm>> -> memref<400xi32, #tpu.memory_space<hbm>>
      tpu.enqueue_dma source(%dma_start3A_32 : memref<400xi32, #tpu.memory_space<hbm>>) target(%arg9 : memref<400xi32, #tpu.memory_space<vmem>>) target_semaphore(%arg19 : memref<!tpu.dma_semaphore, #tpu.memory_space<semaphore_mem>>)
      %mul3A_33 = arith.constant 50000 : i32
      %mul3A_34 = arith.muli %arg1, %mul3A_33 : i32
      %add3A_35 = arith.constant 400 : i32
      %add3A_36 = arith.addi %mul3A_34, %add3A_35 : i32
      %dma_start3A_37 = arith.constant 0 : i32
      %dma_start3A_38 = tpu.memref_slice %arg2[%dma_start3A_37, %add3A_36] : memref<2x800000xi32, #tpu.memory_space<hbm>> -> memref<1x400xi32, #tpu.memory_space<hbm>>
      %dma_start3A_39 = tpu.memref_squeeze %dma_start3A_38 : memref<1x400xi32, #tpu.memory_space<hbm>> -> memref<400xi32, #tpu.memory_space<hbm>>
      %dma_start3A_40 = tpu.memref_slice %arg2[%dma_start3A_37, %add3A_36] : memref<2x800000xi32, #tpu.memory_space<hbm>> -> memref<1x400xi32, #tpu.memory_space<hbm>>
      %dma_start3A_41 = tpu.memref_squeeze %dma_start3A_40 : memref<1x400xi32, #tpu.memory_space<hbm>> -> memref<400xi32, #tpu.memory_space<hbm>>
      tpu.enqueue_dma source(%dma_start3A_41 : memref<400xi32, #tpu.memory_space<hbm>>) target(%arg10 : memref<400xi32, #tpu.memory_space<vmem>>) target_semaphore(%arg20 : memref<!tpu.dma_semaphore, #tpu.memory_space<semaphore_mem>>)
      %dma_start3A_42 = arith.constant 1 : i32
      %dma_start3A_43 = tpu.memref_slice %arg2[%dma_start3A_42, %add3A_36] : memref<2x800000xi32, #tpu.memory_space<hbm>> -> memref<1x400xi32, #tpu.memory_space<hbm>>
      %dma_start3A_44 = tpu.memref_squeeze %dma_start3A_43 : memref<1x400xi32, #tpu.memory_space<hbm>> -> memref<400xi32, #tpu.memory_space<hbm>>
      %dma_start3A_45 = tpu.memref_slice %arg2[%dma_start3A_42, %add3A_36] : memref<2x800000xi32, #tpu.memory_space<hbm>> -> memref<1x400xi32, #tpu.memory_space<hbm>>
      %dma_start3A_46 = tpu.memref_squeeze %dma_start3A_45 : memref<1x400xi32, #tpu.memory_space<hbm>> -> memref<400xi32, #tpu.memory_space<hbm>>
      tpu.enqueue_dma source(%dma_start3A_46 : memref<400xi32, #tpu.memory_space<hbm>>) target(%arg11 : memref<400xi32, #tpu.memory_space<vmem>>) target_semaphore(%arg20 : memref<!tpu.dma_semaphore, #tpu.memory_space<semaphore_mem>>)
      %mul3A_47 = arith.constant 50000 : i32
      %mul3A_48 = arith.muli %arg1, %mul3A_47 : i32
      %add3A_49 = arith.constant 800 : i32
      %add3A_50 = arith.addi %mul3A_48, %add3A_49 : i32
      %dma_start3A_51 = arith.constant 0 : i32
      %dma_start3A_52 = tpu.memref_slice %arg2[%dma_start3A_51, %add3A_50] : memref<2x800000xi32, #tpu.memory_space<hbm>> -> memref<1x400xi32, #tpu.memory_space<hbm>>
      %dma_start3A_53 = tpu.memref_squeeze %dma_start3A_52 : memref<1x400xi32, #tpu.memory_space<hbm>> -> memref<400xi32, #tpu.memory_space<hbm>>
      %dma_start3A_54 = tpu.memref_slice %arg2[%dma_start3A_51, %add3A_50] : memref<2x800000xi32, #tpu.memory_space<hbm>> -> memref<1x400xi32, #tpu.memory_space<hbm>>
      %dma_start3A_55 = tpu.memref_squeeze %dma_start3A_54 : memref<1x400xi32, #tpu.memory_space<hbm>> -> memref<400xi32, #tpu.memory_space<hbm>>
      tpu.enqueue_dma source(%dma_start3A_55 : memref<400xi32, #tpu.memory_space<hbm>>) target(%arg12 : memref<400xi32, #tpu.memory_space<vmem>>) target_semaphore(%arg21 : memref<!tpu.dma_semaphore, #tpu.memory_space<semaphore_mem>>)
      %dma_start3A_56 = arith.constant 1 : i32
      %dma_start3A_57 = tpu.memref_slice %arg2[%dma_start3A_56, %add3A_50] : memref<2x800000xi32, #tpu.memory_space<hbm>> -> memref<1x400xi32, #tpu.memory_space<hbm>>
      %dma_start3A_58 = tpu.memref_squeeze %dma_start3A_57 : memref<1x400xi32, #tpu.memory_space<hbm>> -> memref<400xi32, #tpu.memory_space<hbm>>
      %dma_start3A_59 = tpu.memref_slice %arg2[%dma_start3A_56, %add3A_50] : memref<2x800000xi32, #tpu.memory_space<hbm>> -> memref<1x400xi32, #tpu.memory_space<hbm>>
      %dma_start3A_60 = tpu.memref_squeeze %dma_start3A_59 : memref<1x400xi32, #tpu.memory_space<hbm>> -> memref<400xi32, #tpu.memory_space<hbm>>
      tpu.enqueue_dma source(%dma_start3A_60 : memref<400xi32, #tpu.memory_space<hbm>>) target(%arg13 : memref<400xi32, #tpu.memory_space<vmem>>) target_semaphore(%arg21 : memref<!tpu.dma_semaphore, #tpu.memory_space<semaphore_mem>>)
      %mul3A_61 = arith.constant 50000 : i32
      %mul3A_62 = arith.muli %arg1, %mul3A_61 : i32
      %add3A_63 = arith.constant 0 : i32
      %add3A_64 = arith.addi %mul3A_62, %add3A_63 : i32
      %dma_wait3A = arith.constant 0 : i32
      %dma_wait3A_65 = tpu.memref_slice %arg2[%dma_wait3A, %add3A_64] : memref<2x800000xi32, #tpu.memory_space<hbm>> -> memref<1x400xi32, #tpu.memory_space<hbm>>
      %dma_wait3A_66 = tpu.memref_squeeze %dma_wait3A_65 : memref<1x400xi32, #tpu.memory_space<hbm>> -> memref<400xi32, #tpu.memory_space<hbm>>
      %dma_wait3A_67 = tpu.memref_slice %arg2[%dma_wait3A, %add3A_64] : memref<2x800000xi32, #tpu.memory_space<hbm>> -> memref<1x400xi32, #tpu.memory_space<hbm>>
      %dma_wait3A_68 = tpu.memref_squeeze %dma_wait3A_67 : memref<1x400xi32, #tpu.memory_space<hbm>> -> memref<400xi32, #tpu.memory_space<hbm>>
      tpu.wait_dma2 semaphore(%arg19 : memref<!tpu.dma_semaphore, #tpu.memory_space<semaphore_mem>>) src(%dma_wait3A_68 : memref<400xi32, #tpu.memory_space<hbm>>) dst(%arg8 : memref<400xi32, #tpu.memory_space<vmem>>)
      %dma_wait3A_69 = arith.constant 1 : i32
      %dma_wait3A_70 = tpu.memref_slice %arg2[%dma_wait3A_69, %add3A_64] : memref<2x800000xi32, #tpu.memory_space<hbm>> -> memref<1x400xi32, #tpu.memory_space<hbm>>
      %dma_wait3A_71 = tpu.memref_squeeze %dma_wait3A_70 : memref<1x400xi32, #tpu.memory_space<hbm>> -> memref<400xi32, #tpu.memory_space<hbm>>
      %dma_wait3A_72 = tpu.memref_slice %arg2[%dma_wait3A_69, %add3A_64] : memref<2x800000xi32, #tpu.memory_space<hbm>> -> memref<1x400xi32, #tpu.memory_space<hbm>>
      %dma_wait3A_73 = tpu.memref_squeeze %dma_wait3A_72 : memref<1x400xi32, #tpu.memory_space<hbm>> -> memref<400xi32, #tpu.memory_space<hbm>>
      tpu.wait_dma2 semaphore(%arg19 : memref<!tpu.dma_semaphore, #tpu.memory_space<semaphore_mem>>) src(%dma_wait3A_73 : memref<400xi32, #tpu.memory_space<hbm>>) dst(%arg9 : memref<400xi32, #tpu.memory_space<vmem>>)
      %dma_start3A_74 = arith.constant 0 : i32
      %dma_start3A_75 = arith.constant 0 : i32
      %dma_start3A_76 = tpu.memref_slice %arg3[%dma_start3A_74, %dma_start3A_75] : memref<50176x32xf32, #tpu.memory_space<hbm>> -> memref<50176x32xf32, #tpu.memory_space<hbm>>
      tpu.enqueue_indirect_dma source(%dma_start3A_76 : memref<50176x32xf32, #tpu.memory_space<hbm>>) target(%arg16 : memref<400x32xf32, #tpu.memory_space<vmem>>) offsets(%arg8 : memref<400xi32, #tpu.memory_space<vmem>>) semaphore(%arg23 : memref<!tpu.dma_semaphore, #tpu.memory_space<semaphore_mem>>)
      %scan3A = arith.constant 0 : i32
      %scan3A_77 = arith.constant 0 : i32
      %scan3A_78 = arith.constant 31 : i32
      %scan3A_79 = arith.addi %scan3A_77, %scan3A_78 : i32
      %scan3A_80 = arith.constant 1 : i32
      scf.for %scan3A_85 = %scan3A_77 to %scan3A_79 step %scan3A_80  : i32 {
        %mul3A_86 = arith.constant 4 : i32
        %mul3A_87 = arith.muli %mul3A_86, %scan3A_85 : i32
        %add3A_88 = arith.constant 3 : i32
        %add3A_89 = arith.addi %mul3A_87, %add3A_88 : i32
        %mul3A_90 = arith.constant 50000 : i32
        %mul3A_91 = arith.muli %arg1, %mul3A_90 : i32
        %mul3A_92 = arith.constant 400 : i32
        %mul3A_93 = arith.muli %add3A_89, %mul3A_92 : i32
        %add3A_94 = arith.addi %mul3A_91, %mul3A_93 : i32
        %dma_start3A_95 = arith.constant 0 : i32
        %dma_start3A_96 = tpu.memref_slice %arg2[%dma_start3A_95, %add3A_94] : memref<2x800000xi32, #tpu.memory_space<hbm>> -> memref<1x400xi32, #tpu.memory_space<hbm>>
        %dma_start3A_97 = tpu.memref_squeeze %dma_start3A_96 : memref<1x400xi32, #tpu.memory_space<hbm>> -> memref<400xi32, #tpu.memory_space<hbm>>
        %dma_start3A_98 = tpu.memref_slice %arg2[%dma_start3A_95, %add3A_94] : memref<2x800000xi32, #tpu.memory_space<hbm>> -> memref<1x400xi32, #tpu.memory_space<hbm>>
        %dma_start3A_99 = tpu.memref_squeeze %dma_start3A_98 : memref<1x400xi32, #tpu.memory_space<hbm>> -> memref<400xi32, #tpu.memory_space<hbm>>
        tpu.enqueue_dma source(%dma_start3A_99 : memref<400xi32, #tpu.memory_space<hbm>>) target(%arg14 : memref<400xi32, #tpu.memory_space<vmem>>) target_semaphore(%arg22 : memref<!tpu.dma_semaphore, #tpu.memory_space<semaphore_mem>>)
        %dma_start3A_100 = arith.constant 1 : i32
        %dma_start3A_101 = tpu.memref_slice %arg2[%dma_start3A_100, %add3A_94] : memref<2x800000xi32, #tpu.memory_space<hbm>> -> memref<1x400xi32, #tpu.memory_space<hbm>>
        %dma_start3A_102 = tpu.memref_squeeze %dma_start3A_101 : memref<1x400xi32, #tpu.memory_space<hbm>> -> memref<400xi32, #tpu.memory_space<hbm>>
        %dma_start3A_103 = tpu.memref_slice %arg2[%dma_start3A_100, %add3A_94] : memref<2x800000xi32, #tpu.memory_space<hbm>> -> memref<1x400xi32, #tpu.memory_space<hbm>>
        %dma_start3A_104 = tpu.memref_squeeze %dma_start3A_103 : memref<1x400xi32, #tpu.memory_space<hbm>> -> memref<400xi32, #tpu.memory_space<hbm>>
        tpu.enqueue_dma source(%dma_start3A_104 : memref<400xi32, #tpu.memory_space<hbm>>) target(%arg15 : memref<400xi32, #tpu.memory_space<vmem>>) target_semaphore(%arg22 : memref<!tpu.dma_semaphore, #tpu.memory_space<semaphore_mem>>)
        %add3A_105 = arith.constant 1 : i32
        %add3A_106 = arith.addi %mul3A_87, %add3A_105 : i32
        %mul3A_107 = arith.constant 50000 : i32
        %mul3A_108 = arith.muli %arg1, %mul3A_107 : i32
        %mul3A_109 = arith.constant 400 : i32
        %mul3A_110 = arith.muli %add3A_106, %mul3A_109 : i32
        %add3A_111 = arith.addi %mul3A_108, %mul3A_110 : i32
        %dma_wait3A_112 = arith.constant 0 : i32
        %dma_wait3A_113 = tpu.memref_slice %arg2[%dma_wait3A_112, %add3A_111] : memref<2x800000xi32, #tpu.memory_space<hbm>> -> memref<1x400xi32, #tpu.memory_space<hbm>>
        %dma_wait3A_114 = tpu.memref_squeeze %dma_wait3A_113 : memref<1x400xi32, #tpu.memory_space<hbm>> -> memref<400xi32, #tpu.memory_space<hbm>>
        %dma_wait3A_115 = tpu.memref_slice %arg2[%dma_wait3A_112, %add3A_111] : memref<2x800000xi32, #tpu.memory_space<hbm>> -> memref<1x400xi32, #tpu.memory_space<hbm>>
        %dma_wait3A_116 = tpu.memref_squeeze %dma_wait3A_115 : memref<1x400xi32, #tpu.memory_space<hbm>> -> memref<400xi32, #tpu.memory_space<hbm>>
        tpu.wait_dma2 semaphore(%arg20 : memref<!tpu.dma_semaphore, #tpu.memory_space<semaphore_mem>>) src(%dma_wait3A_116 : memref<400xi32, #tpu.memory_space<hbm>>) dst(%arg10 : memref<400xi32, #tpu.memory_space<vmem>>)
        %dma_wait3A_117 = arith.constant 1 : i32
        %dma_wait3A_118 = tpu.memref_slice %arg2[%dma_wait3A_117, %add3A_111] : memref<2x800000xi32, #tpu.memory_space<hbm>> -> memref<1x400xi32, #tpu.memory_space<hbm>>
        %dma_wait3A_119 = tpu.memref_squeeze %dma_wait3A_118 : memref<1x400xi32, #tpu.memory_space<hbm>> -> memref<400xi32, #tpu.memory_space<hbm>>
        %dma_wait3A_120 = tpu.memref_slice %arg2[%dma_wait3A_117, %add3A_111] : memref<2x800000xi32, #tpu.memory_space<hbm>> -> memref<1x400xi32, #tpu.memory_space<hbm>>
        %dma_wait3A_121 = tpu.memref_squeeze %dma_wait3A_120 : memref<1x400xi32, #tpu.memory_space<hbm>> -> memref<400xi32, #tpu.memory_space<hbm>>
        tpu.wait_dma2 semaphore(%arg20 : memref<!tpu.dma_semaphore, #tpu.memory_space<semaphore_mem>>) src(%dma_wait3A_121 : memref<400xi32, #tpu.memory_space<hbm>>) dst(%arg11 : memref<400xi32, #tpu.memory_space<vmem>>)
        %dma_start3A_122 = arith.constant 0 : i32
        %dma_start3A_123 = arith.constant 0 : i32
        %dma_start3A_124 = tpu.memref_slice %arg3[%dma_start3A_122, %dma_start3A_123] : memref<50176x32xf32, #tpu.memory_space<hbm>> -> memref<50176x32xf32, #tpu.memory_space<hbm>>
        tpu.enqueue_indirect_dma source(%dma_start3A_124 : memref<50176x32xf32, #tpu.memory_space<hbm>>) target(%arg17 : memref<400x32xf32, #tpu.memory_space<vmem>>) offsets(%arg10 : memref<400xi32, #tpu.memory_space<vmem>>) semaphore(%arg24 : memref<!tpu.dma_semaphore, #tpu.memory_space<semaphore_mem>>)
        %dma_wait3A_125 = arith.constant 0 : i32
        %dma_wait3A_126 = arith.constant 0 : i32
        %dma_wait3A_127 = tpu.memref_slice %arg3[%dma_wait3A_125, %dma_wait3A_126] : memref<50176x32xf32, #tpu.memory_space<hbm>> -> memref<50176x32xf32, #tpu.memory_space<hbm>>
        tpu.wait_indirect_dma semaphore(%arg23 : memref<!tpu.dma_semaphore, #tpu.memory_space<semaphore_mem>>) src(%dma_wait3A_127 : memref<50176x32xf32, #tpu.memory_space<hbm>>) dst(%arg16 : memref<400x32xf32, #tpu.memory_space<vmem>>)
        "tpu.region"() ({
          %run_scoped3A = tpu.sem_alloc : memref<!tpu.dma_semaphore, #tpu.memory_space<semaphore_mem>>
          %dma_start3A_240 = arith.constant 0 : i32
          %dma_start3A_241 = arith.constant 0 : i32
          %dma_start3A_242 = tpu.memref_slice %arg18[%dma_start3A_240, %dma_start3A_241] : memref<50176x32xf32, #tpu.memory_space<vmem_shared>> -> memref<50176x32xf32, #tpu.memory_space<vmem_shared>>
          tpu.enqueue_indirect_dma source(%arg16 : memref<400x32xf32, #tpu.memory_space<vmem>>) target(%dma_start3A_242 : memref<50176x32xf32, #tpu.memory_space<vmem_shared>>) offsets(%arg9 : memref<400xi32, #tpu.memory_space<vmem>>) semaphore(%run_scoped3A : memref<!tpu.dma_semaphore, #tpu.memory_space<semaphore_mem>>) {add = true}
          %dma_wait3A_243 = arith.constant 0 : i32
          %dma_wait3A_244 = arith.constant 0 : i32
          %dma_wait3A_245 = tpu.memref_slice %arg18[%dma_wait3A_243, %dma_wait3A_244] : memref<50176x32xf32, #tpu.memory_space<vmem_shared>> -> memref<50176x32xf32, #tpu.memory_space<vmem_shared>>
          tpu.wait_indirect_dma semaphore(%run_scoped3A : memref<!tpu.dma_semaphore, #tpu.memory_space<semaphore_mem>>) src(%arg16 : memref<400x32xf32, #tpu.memory_space<vmem>>) dst(%dma_wait3A_245 : memref<50176x32xf32, #tpu.memory_space<vmem_shared>>)
          tpu.yield
        }) : () -> ()
        %add3A_128 = arith.constant 4 : i32
        %add3A_129 = arith.addi %mul3A_87, %add3A_128 : i32
        %mul3A_130 = arith.constant 50000 : i32
        %mul3A_131 = arith.muli %arg1, %mul3A_130 : i32
        %mul3A_132 = arith.constant 400 : i32
        %mul3A_133 = arith.muli %add3A_129, %mul3A_132 : i32
        %add3A_134 = arith.addi %mul3A_131, %mul3A_133 : i32
        %dma_start3A_135 = arith.constant 0 : i32
        %dma_start3A_136 = tpu.memref_slice %arg2[%dma_start3A_135, %add3A_134] : memref<2x800000xi32, #tpu.memory_space<hbm>> -> memref<1x400xi32, #tpu.memory_space<hbm>>
        %dma_start3A_137 = tpu.memref_squeeze %dma_start3A_136 : memref<1x400xi32, #tpu.memory_space<hbm>> -> memref<400xi32, #tpu.memory_space<hbm>>
        %dma_start3A_138 = tpu.memref_slice %arg2[%dma_start3A_135, %add3A_134] : memref<2x800000xi32, #tpu.memory_space<hbm>> -> memref<1x400xi32, #tpu.memory_space<hbm>>
        %dma_start3A_139 = tpu.memref_squeeze %dma_start3A_138 : memref<1x400xi32, #tpu.memory_space<hbm>> -> memref<400xi32, #tpu.memory_space<hbm>>
        tpu.enqueue_dma source(%dma_start3A_139 : memref<400xi32, #tpu.memory_space<hbm>>) target(%arg8 : memref<400xi32, #tpu.memory_space<vmem>>) target_semaphore(%arg19 : memref<!tpu.dma_semaphore, #tpu.memory_space<semaphore_mem>>)
        %dma_start3A_140 = arith.constant 1 : i32
        %dma_start3A_141 = tpu.memref_slice %arg2[%dma_start3A_140, %add3A_134] : memref<2x800000xi32, #tpu.memory_space<hbm>> -> memref<1x400xi32, #tpu.memory_space<hbm>>
        %dma_start3A_142 = tpu.memref_squeeze %dma_start3A_141 : memref<1x400xi32, #tpu.memory_space<hbm>> -> memref<400xi32, #tpu.memory_space<hbm>>
        %dma_start3A_143 = tpu.memref_slice %arg2[%dma_start3A_140, %add3A_134] : memref<2x800000xi32, #tpu.memory_space<hbm>> -> memref<1x400xi32, #tpu.memory_space<hbm>>
        %dma_start3A_144 = tpu.memref_squeeze %dma_start3A_143 : memref<1x400xi32, #tpu.memory_space<hbm>> -> memref<400xi32, #tpu.memory_space<hbm>>
        tpu.enqueue_dma source(%dma_start3A_144 : memref<400xi32, #tpu.memory_space<hbm>>) target(%arg9 : memref<400xi32, #tpu.memory_space<vmem>>) target_semaphore(%arg19 : memref<!tpu.dma_semaphore, #tpu.memory_space<semaphore_mem>>)
        %add3A_145 = arith.constant 2 : i32
        %add3A_146 = arith.addi %mul3A_87, %add3A_145 : i32
        %mul3A_147 = arith.constant 50000 : i32
        %mul3A_148 = arith.muli %arg1, %mul3A_147 : i32
        %mul3A_149 = arith.constant 400 : i32
        %mul3A_150 = arith.muli %add3A_146, %mul3A_149 : i32
        %add3A_151 = arith.addi %mul3A_148, %mul3A_150 : i32
        %dma_wait3A_152 = arith.constant 0 : i32
        %dma_wait3A_153 = tpu.memref_slice %arg2[%dma_wait3A_152, %add3A_151] : memref<2x800000xi32, #tpu.memory_space<hbm>> -> memref<1x400xi32, #tpu.memory_space<hbm>>
        %dma_wait3A_154 = tpu.memref_squeeze %dma_wait3A_153 : memref<1x400xi32, #tpu.memory_space<hbm>> -> memref<400xi32, #tpu.memory_space<hbm>>
        %dma_wait3A_155 = tpu.memref_slice %arg2[%dma_wait3A_152, %add3A_151] : memref<2x800000xi32, #tpu.memory_space<hbm>> -> memref<1x400xi32, #tpu.memory_space<hbm>>
        %dma_wait3A_156 = tpu.memref_squeeze %dma_wait3A_155 : memref<1x400xi32, #tpu.memory_space<hbm>> -> memref<400xi32, #tpu.memory_space<hbm>>
        tpu.wait_dma2 semaphore(%arg21 : memref<!tpu.dma_semaphore, #tpu.memory_space<semaphore_mem>>) src(%dma_wait3A_156 : memref<400xi32, #tpu.memory_space<hbm>>) dst(%arg12 : memref<400xi32, #tpu.memory_space<vmem>>)
        %dma_wait3A_157 = arith.constant 1 : i32
        %dma_wait3A_158 = tpu.memref_slice %arg2[%dma_wait3A_157, %add3A_151] : memref<2x800000xi32, #tpu.memory_space<hbm>> -> memref<1x400xi32, #tpu.memory_space<hbm>>
        %dma_wait3A_159 = tpu.memref_squeeze %dma_wait3A_158 : memref<1x400xi32, #tpu.memory_space<hbm>> -> memref<400xi32, #tpu.memory_space<hbm>>
        %dma_wait3A_160 = tpu.memref_slice %arg2[%dma_wait3A_157, %add3A_151] : memref<2x800000xi32, #tpu.memory_space<hbm>> -> memref<1x400xi32, #tpu.memory_space<hbm>>
        %dma_wait3A_161 = tpu.memref_squeeze %dma_wait3A_160 : memref<1x400xi32, #tpu.memory_space<hbm>> -> memref<400xi32, #tpu.memory_space<hbm>>
        tpu.wait_dma2 semaphore(%arg21 : memref<!tpu.dma_semaphore, #tpu.memory_space<semaphore_mem>>) src(%dma_wait3A_161 : memref<400xi32, #tpu.memory_space<hbm>>) dst(%arg13 : memref<400xi32, #tpu.memory_space<vmem>>)
        %dma_start3A_162 = arith.constant 0 : i32
        %dma_start3A_163 = arith.constant 0 : i32
        %dma_start3A_164 = tpu.memref_slice %arg3[%dma_start3A_162, %dma_start3A_163] : memref<50176x32xf32, #tpu.memory_space<hbm>> -> memref<50176x32xf32, #tpu.memory_space<hbm>>
        tpu.enqueue_indirect_dma source(%dma_start3A_164 : memref<50176x32xf32, #tpu.memory_space<hbm>>) target(%arg16 : memref<400x32xf32, #tpu.memory_space<vmem>>) offsets(%arg12 : memref<400xi32, #tpu.memory_space<vmem>>) semaphore(%arg23 : memref<!tpu.dma_semaphore, #tpu.memory_space<semaphore_mem>>)
        %add3A_165 = arith.constant 1 : i32
        %add3A_166 = arith.addi %mul3A_87, %add3A_165 : i32
        %dma_wait3A_167 = arith.constant 0 : i32
        %dma_wait3A_168 = arith.constant 0 : i32
        %dma_wait3A_169 = tpu.memref_slice %arg3[%dma_wait3A_167, %dma_wait3A_168] : memref<50176x32xf32, #tpu.memory_space<hbm>> -> memref<50176x32xf32, #tpu.memory_space<hbm>>
        tpu.wait_indirect_dma semaphore(%arg24 : memref<!tpu.dma_semaphore, #tpu.memory_space<semaphore_mem>>) src(%dma_wait3A_169 : memref<50176x32xf32, #tpu.memory_space<hbm>>) dst(%arg17 : memref<400x32xf32, #tpu.memory_space<vmem>>)
        "tpu.region"() ({
          %run_scoped3A = tpu.sem_alloc : memref<!tpu.dma_semaphore, #tpu.memory_space<semaphore_mem>>
          %dma_start3A_240 = arith.constant 0 : i32
          %dma_start3A_241 = arith.constant 0 : i32
          %dma_start3A_242 = tpu.memref_slice %arg18[%dma_start3A_240, %dma_start3A_241] : memref<50176x32xf32, #tpu.memory_space<vmem_shared>> -> memref<50176x32xf32, #tpu.memory_space<vmem_shared>>
          tpu.enqueue_indirect_dma source(%arg17 : memref<400x32xf32, #tpu.memory_space<vmem>>) target(%dma_start3A_242 : memref<50176x32xf32, #tpu.memory_space<vmem_shared>>) offsets(%arg11 : memref<400xi32, #tpu.memory_space<vmem>>) semaphore(%run_scoped3A : memref<!tpu.dma_semaphore, #tpu.memory_space<semaphore_mem>>) {add = true}
          %dma_wait3A_243 = arith.constant 0 : i32
          %dma_wait3A_244 = arith.constant 0 : i32
          %dma_wait3A_245 = tpu.memref_slice %arg18[%dma_wait3A_243, %dma_wait3A_244] : memref<50176x32xf32, #tpu.memory_space<vmem_shared>> -> memref<50176x32xf32, #tpu.memory_space<vmem_shared>>
          tpu.wait_indirect_dma semaphore(%run_scoped3A : memref<!tpu.dma_semaphore, #tpu.memory_space<semaphore_mem>>) src(%arg17 : memref<400x32xf32, #tpu.memory_space<vmem>>) dst(%dma_wait3A_245 : memref<50176x32xf32, #tpu.memory_space<vmem_shared>>)
          tpu.yield
        }) : () -> ()
        %add3A_170 = arith.constant 5 : i32
        %add3A_171 = arith.addi %mul3A_87, %add3A_170 : i32
        %lt3A = arith.constant 125 : i32
        %lt3A_172 = arith.cmpi slt, %add3A_171, %lt3A : i32
        %convert_element_type3A_173 = arith.extui %lt3A_172 : i1 to i32
        %cond3A_174 = arith.constant 0 : i32
        %cond3A_175 = arith.cmpi ne, %convert_element_type3A_173, %cond3A_174 : i32
        scf.if %cond3A_175 {
          %mul3A_240 = arith.constant 50000 : i32
          %mul3A_241 = arith.muli %arg1, %mul3A_240 : i32
          %mul3A_242 = arith.constant 400 : i32
          %mul3A_243 = arith.muli %add3A_171, %mul3A_242 : i32
          %add3A_244 = arith.addi %mul3A_241, %mul3A_243 : i32
          %dma_start3A_245 = arith.constant 0 : i32
          %dma_start3A_246 = tpu.memref_slice %arg2[%dma_start3A_245, %add3A_244] : memref<2x800000xi32, #tpu.memory_space<hbm>> -> memref<1x400xi32, #tpu.memory_space<hbm>>
          %dma_start3A_247 = tpu.memref_squeeze %dma_start3A_246 : memref<1x400xi32, #tpu.memory_space<hbm>> -> memref<400xi32, #tpu.memory_space<hbm>>
          %dma_start3A_248 = tpu.memref_slice %arg2[%dma_start3A_245, %add3A_244] : memref<2x800000xi32, #tpu.memory_space<hbm>> -> memref<1x400xi32, #tpu.memory_space<hbm>>
          %dma_start3A_249 = tpu.memref_squeeze %dma_start3A_248 : memref<1x400xi32, #tpu.memory_space<hbm>> -> memref<400xi32, #tpu.memory_space<hbm>>
          tpu.enqueue_dma source(%dma_start3A_249 : memref<400xi32, #tpu.memory_space<hbm>>) target(%arg10 : memref<400xi32, #tpu.memory_space<vmem>>) target_semaphore(%arg20 : memref<!tpu.dma_semaphore, #tpu.memory_space<semaphore_mem>>)
          %dma_start3A_250 = arith.constant 1 : i32
          %dma_start3A_251 = tpu.memref_slice %arg2[%dma_start3A_250, %add3A_244] : memref<2x800000xi32, #tpu.memory_space<hbm>> -> memref<1x400xi32, #tpu.memory_space<hbm>>
          %dma_start3A_252 = tpu.memref_squeeze %dma_start3A_251 : memref<1x400xi32, #tpu.memory_space<hbm>> -> memref<400xi32, #tpu.memory_space<hbm>>
          %dma_start3A_253 = tpu.memref_slice %arg2[%dma_start3A_250, %add3A_244] : memref<2x800000xi32, #tpu.memory_space<hbm>> -> memref<1x400xi32, #tpu.memory_space<hbm>>
          %dma_start3A_254 = tpu.memref_squeeze %dma_start3A_253 : memref<1x400xi32, #tpu.memory_space<hbm>> -> memref<400xi32, #tpu.memory_space<hbm>>
          tpu.enqueue_dma source(%dma_start3A_254 : memref<400xi32, #tpu.memory_space<hbm>>) target(%arg11 : memref<400xi32, #tpu.memory_space<vmem>>) target_semaphore(%arg20 : memref<!tpu.dma_semaphore, #tpu.memory_space<semaphore_mem>>)
        } else {
        }
        %add3A_176 = arith.constant 3 : i32
        %add3A_177 = arith.addi %mul3A_87, %add3A_176 : i32
        %mul3A_178 = arith.constant 50000 : i32
        %mul3A_179 = arith.muli %arg1, %mul3A_178 : i32
        %mul3A_180 = arith.constant 400 : i32
        %mul3A_181 = arith.muli %add3A_177, %mul3A_180 : i32
        %add3A_182 = arith.addi %mul3A_179, %mul3A_181 : i32
        %dma_wait3A_183 = arith.constant 0 : i32
        %dma_wait3A_184 = tpu.memref_slice %arg2[%dma_wait3A_183, %add3A_182] : memref<2x800000xi32, #tpu.memory_space<hbm>> -> memref<1x400xi32, #tpu.memory_space<hbm>>
        %dma_wait3A_185 = tpu.memref_squeeze %dma_wait3A_184 : memref<1x400xi32, #tpu.memory_space<hbm>> -> memref<400xi32, #tpu.memory_space<hbm>>
        %dma_wait3A_186 = tpu.memref_slice %arg2[%dma_wait3A_183, %add3A_182] : memref<2x800000xi32, #tpu.memory_space<hbm>> -> memref<1x400xi32, #tpu.memory_space<hbm>>
        %dma_wait3A_187 = tpu.memref_squeeze %dma_wait3A_186 : memref<1x400xi32, #tpu.memory_space<hbm>> -> memref<400xi32, #tpu.memory_space<hbm>>
        tpu.wait_dma2 semaphore(%arg22 : memref<!tpu.dma_semaphore, #tpu.memory_space<semaphore_mem>>) src(%dma_wait3A_187 : memref<400xi32, #tpu.memory_space<hbm>>) dst(%arg14 : memref<400xi32, #tpu.memory_space<vmem>>)
        %dma_wait3A_188 = arith.constant 1 : i32
        %dma_wait3A_189 = tpu.memref_slice %arg2[%dma_wait3A_188, %add3A_182] : memref<2x800000xi32, #tpu.memory_space<hbm>> -> memref<1x400xi32, #tpu.memory_space<hbm>>
        %dma_wait3A_190 = tpu.memref_squeeze %dma_wait3A_189 : memref<1x400xi32, #tpu.memory_space<hbm>> -> memref<400xi32, #tpu.memory_space<hbm>>
        %dma_wait3A_191 = tpu.memref_slice %arg2[%dma_wait3A_188, %add3A_182] : memref<2x800000xi32, #tpu.memory_space<hbm>> -> memref<1x400xi32, #tpu.memory_space<hbm>>
        %dma_wait3A_192 = tpu.memref_squeeze %dma_wait3A_191 : memref<1x400xi32, #tpu.memory_space<hbm>> -> memref<400xi32, #tpu.memory_space<hbm>>
        tpu.wait_dma2 semaphore(%arg22 : memref<!tpu.dma_semaphore, #tpu.memory_space<semaphore_mem>>) src(%dma_wait3A_192 : memref<400xi32, #tpu.memory_space<hbm>>) dst(%arg15 : memref<400xi32, #tpu.memory_space<vmem>>)
        %dma_start3A_193 = arith.constant 0 : i32
        %dma_start3A_194 = arith.constant 0 : i32
        %dma_start3A_195 = tpu.memref_slice %arg3[%dma_start3A_193, %dma_start3A_194] : memref<50176x32xf32, #tpu.memory_space<hbm>> -> memref<50176x32xf32, #tpu.memory_space<hbm>>
        tpu.enqueue_indirect_dma source(%dma_start3A_195 : memref<50176x32xf32, #tpu.memory_space<hbm>>) target(%arg17 : memref<400x32xf32, #tpu.memory_space<vmem>>) offsets(%arg14 : memref<400xi32, #tpu.memory_space<vmem>>) semaphore(%arg24 : memref<!tpu.dma_semaphore, #tpu.memory_space<semaphore_mem>>)
        %add3A_196 = arith.constant 2 : i32
        %add3A_197 = arith.addi %mul3A_87, %add3A_196 : i32
        %dma_wait3A_198 = arith.constant 0 : i32
        %dma_wait3A_199 = arith.constant 0 : i32
        %dma_wait3A_200 = tpu.memref_slice %arg3[%dma_wait3A_198, %dma_wait3A_199] : memref<50176x32xf32, #tpu.memory_space<hbm>> -> memref<50176x32xf32, #tpu.memory_space<hbm>>
        tpu.wait_indirect_dma semaphore(%arg23 : memref<!tpu.dma_semaphore, #tpu.memory_space<semaphore_mem>>) src(%dma_wait3A_200 : memref<50176x32xf32, #tpu.memory_space<hbm>>) dst(%arg16 : memref<400x32xf32, #tpu.memory_space<vmem>>)
        "tpu.region"() ({
          %run_scoped3A = tpu.sem_alloc : memref<!tpu.dma_semaphore, #tpu.memory_space<semaphore_mem>>
          %dma_start3A_240 = arith.constant 0 : i32
          %dma_start3A_241 = arith.constant 0 : i32
          %dma_start3A_242 = tpu.memref_slice %arg18[%dma_start3A_240, %dma_start3A_241] : memref<50176x32xf32, #tpu.memory_space<vmem_shared>> -> memref<50176x32xf32, #tpu.memory_space<vmem_shared>>
          tpu.enqueue_indirect_dma source(%arg16 : memref<400x32xf32, #tpu.memory_space<vmem>>) target(%dma_start3A_242 : memref<50176x32xf32, #tpu.memory_space<vmem_shared>>) offsets(%arg13 : memref<400xi32, #tpu.memory_space<vmem>>) semaphore(%run_scoped3A : memref<!tpu.dma_semaphore, #tpu.memory_space<semaphore_mem>>) {add = true}
          %dma_wait3A_243 = arith.constant 0 : i32
          %dma_wait3A_244 = arith.constant 0 : i32
          %dma_wait3A_245 = tpu.memref_slice %arg18[%dma_wait3A_243, %dma_wait3A_244] : memref<50176x32xf32, #tpu.memory_space<vmem_shared>> -> memref<50176x32xf32, #tpu.memory_space<vmem_shared>>
          tpu.wait_indirect_dma semaphore(%run_scoped3A : memref<!tpu.dma_semaphore, #tpu.memory_space<semaphore_mem>>) src(%arg16 : memref<400x32xf32, #tpu.memory_space<vmem>>) dst(%dma_wait3A_245 : memref<50176x32xf32, #tpu.memory_space<vmem_shared>>)
          tpu.yield
        }) : () -> ()
        %add3A_201 = arith.constant 6 : i32
        %add3A_202 = arith.addi %mul3A_87, %add3A_201 : i32
        %lt3A_203 = arith.constant 125 : i32
        %lt3A_204 = arith.cmpi slt, %add3A_202, %lt3A_203 : i32
        %convert_element_type3A_205 = arith.extui %lt3A_204 : i1 to i32
        %cond3A_206 = arith.constant 0 : i32
        %cond3A_207 = arith.cmpi ne, %convert_element_type3A_205, %cond3A_206 : i32
        scf.if %cond3A_207 {
          %mul3A_240 = arith.constant 50000 : i32
          %mul3A_241 = arith.muli %arg1, %mul3A_240 : i32
          %mul3A_242 = arith.constant 400 : i32
          %mul3A_243 = arith.muli %add3A_202, %mul3A_242 : i32
          %add3A_244 = arith.addi %mul3A_241, %mul3A_243 : i32
          %dma_start3A_245 = arith.constant 0 : i32
          %dma_start3A_246 = tpu.memref_slice %arg2[%dma_start3A_245, %add3A_244] : memref<2x800000xi32, #tpu.memory_space<hbm>> -> memref<1x400xi32, #tpu.memory_space<hbm>>
          %dma_start3A_247 = tpu.memref_squeeze %dma_start3A_246 : memref<1x400xi32, #tpu.memory_space<hbm>> -> memref<400xi32, #tpu.memory_space<hbm>>
          %dma_start3A_248 = tpu.memref_slice %arg2[%dma_start3A_245, %add3A_244] : memref<2x800000xi32, #tpu.memory_space<hbm>> -> memref<1x400xi32, #tpu.memory_space<hbm>>
          %dma_start3A_249 = tpu.memref_squeeze %dma_start3A_248 : memref<1x400xi32, #tpu.memory_space<hbm>> -> memref<400xi32, #tpu.memory_space<hbm>>
          tpu.enqueue_dma source(%dma_start3A_249 : memref<400xi32, #tpu.memory_space<hbm>>) target(%arg12 : memref<400xi32, #tpu.memory_space<vmem>>) target_semaphore(%arg21 : memref<!tpu.dma_semaphore, #tpu.memory_space<semaphore_mem>>)
          %dma_start3A_250 = arith.constant 1 : i32
          %dma_start3A_251 = tpu.memref_slice %arg2[%dma_start3A_250, %add3A_244] : memref<2x800000xi32, #tpu.memory_space<hbm>> -> memref<1x400xi32, #tpu.memory_space<hbm>>
          %dma_start3A_252 = tpu.memref_squeeze %dma_start3A_251 : memref<1x400xi32, #tpu.memory_space<hbm>> -> memref<400xi32, #tpu.memory_space<hbm>>
          %dma_start3A_253 = tpu.memref_slice %arg2[%dma_start3A_250, %add3A_244] : memref<2x800000xi32, #tpu.memory_space<hbm>> -> memref<1x400xi32, #tpu.memory_space<hbm>>
          %dma_start3A_254 = tpu.memref_squeeze %dma_start3A_253 : memref<1x400xi32, #tpu.memory_space<hbm>> -> memref<400xi32, #tpu.memory_space<hbm>>
          tpu.enqueue_dma source(%dma_start3A_254 : memref<400xi32, #tpu.memory_space<hbm>>) target(%arg13 : memref<400xi32, #tpu.memory_space<vmem>>) target_semaphore(%arg21 : memref<!tpu.dma_semaphore, #tpu.memory_space<semaphore_mem>>)
        } else {
        }
        %add3A_208 = arith.constant 4 : i32
        %add3A_209 = arith.addi %mul3A_87, %add3A_208 : i32
        %mul3A_210 = arith.constant 50000 : i32
        %mul3A_211 = arith.muli %arg1, %mul3A_210 : i32
        %mul3A_212 = arith.constant 400 : i32
        %mul3A_213 = arith.muli %add3A_209, %mul3A_212 : i32
        %add3A_214 = arith.addi %mul3A_211, %mul3A_213 : i32
        %dma_wait3A_215 = arith.constant 0 : i32
        %dma_wait3A_216 = tpu.memref_slice %arg2[%dma_wait3A_215, %add3A_214] : memref<2x800000xi32, #tpu.memory_space<hbm>> -> memref<1x400xi32, #tpu.memory_space<hbm>>
        %dma_wait3A_217 = tpu.memref_squeeze %dma_wait3A_216 : memref<1x400xi32, #tpu.memory_space<hbm>> -> memref<400xi32, #tpu.memory_space<hbm>>
        %dma_wait3A_218 = tpu.memref_slice %arg2[%dma_wait3A_215, %add3A_214] : memref<2x800000xi32, #tpu.memory_space<hbm>> -> memref<1x400xi32, #tpu.memory_space<hbm>>
        %dma_wait3A_219 = tpu.memref_squeeze %dma_wait3A_218 : memref<1x400xi32, #tpu.memory_space<hbm>> -> memref<400xi32, #tpu.memory_space<hbm>>
        tpu.wait_dma2 semaphore(%arg19 : memref<!tpu.dma_semaphore, #tpu.memory_space<semaphore_mem>>) src(%dma_wait3A_219 : memref<400xi32, #tpu.memory_space<hbm>>) dst(%arg8 : memref<400xi32, #tpu.memory_space<vmem>>)
        %dma_wait3A_220 = arith.constant 1 : i32
        %dma_wait3A_221 = tpu.memref_slice %arg2[%dma_wait3A_220, %add3A_214] : memref<2x800000xi32, #tpu.memory_space<hbm>> -> memref<1x400xi32, #tpu.memory_space<hbm>>
        %dma_wait3A_222 = tpu.memref_squeeze %dma_wait3A_221 : memref<1x400xi32, #tpu.memory_space<hbm>> -> memref<400xi32, #tpu.memory_space<hbm>>
        %dma_wait3A_223 = tpu.memref_slice %arg2[%dma_wait3A_220, %add3A_214] : memref<2x800000xi32, #tpu.memory_space<hbm>> -> memref<1x400xi32, #tpu.memory_space<hbm>>
        %dma_wait3A_224 = tpu.memref_squeeze %dma_wait3A_223 : memref<1x400xi32, #tpu.memory_space<hbm>> -> memref<400xi32, #tpu.memory_space<hbm>>
        tpu.wait_dma2 semaphore(%arg19 : memref<!tpu.dma_semaphore, #tpu.memory_space<semaphore_mem>>) src(%dma_wait3A_224 : memref<400xi32, #tpu.memory_space<hbm>>) dst(%arg9 : memref<400xi32, #tpu.memory_space<vmem>>)
        %dma_start3A_225 = arith.constant 0 : i32
        %dma_start3A_226 = arith.constant 0 : i32
        %dma_start3A_227 = tpu.memref_slice %arg3[%dma_start3A_225, %dma_start3A_226] : memref<50176x32xf32, #tpu.memory_space<hbm>> -> memref<50176x32xf32, #tpu.memory_space<hbm>>
        tpu.enqueue_indirect_dma source(%dma_start3A_227 : memref<50176x32xf32, #tpu.memory_space<hbm>>) target(%arg16 : memref<400x32xf32, #tpu.memory_space<vmem>>) offsets(%arg8 : memref<400xi32, #tpu.memory_space<vmem>>) semaphore(%arg23 : memref<!tpu.dma_semaphore, #tpu.memory_space<semaphore_mem>>)
        %add3A_228 = arith.constant 3 : i32
        %add3A_229 = arith.addi %mul3A_87, %add3A_228 : i32
        %dma_wait3A_230 = arith.constant 0 : i32
        %dma_wait3A_231 = arith.constant 0 : i32
        %dma_wait3A_232 = tpu.memref_slice %arg3[%dma_wait3A_230, %dma_wait3A_231] : memref<50176x32xf32, #tpu.memory_space<hbm>> -> memref<50176x32xf32, #tpu.memory_space<hbm>>
        tpu.wait_indirect_dma semaphore(%arg24 : memref<!tpu.dma_semaphore, #tpu.memory_space<semaphore_mem>>) src(%dma_wait3A_232 : memref<50176x32xf32, #tpu.memory_space<hbm>>) dst(%arg17 : memref<400x32xf32, #tpu.memory_space<vmem>>)
        "tpu.region"() ({
          %run_scoped3A = tpu.sem_alloc : memref<!tpu.dma_semaphore, #tpu.memory_space<semaphore_mem>>
          %dma_start3A_240 = arith.constant 0 : i32
          %dma_start3A_241 = arith.constant 0 : i32
          %dma_start3A_242 = tpu.memref_slice %arg18[%dma_start3A_240, %dma_start3A_241] : memref<50176x32xf32, #tpu.memory_space<vmem_shared>> -> memref<50176x32xf32, #tpu.memory_space<vmem_shared>>
          tpu.enqueue_indirect_dma source(%arg17 : memref<400x32xf32, #tpu.memory_space<vmem>>) target(%dma_start3A_242 : memref<50176x32xf32, #tpu.memory_space<vmem_shared>>) offsets(%arg15 : memref<400xi32, #tpu.memory_space<vmem>>) semaphore(%run_scoped3A : memref<!tpu.dma_semaphore, #tpu.memory_space<semaphore_mem>>) {add = true}
          %dma_wait3A_243 = arith.constant 0 : i32
          %dma_wait3A_244 = arith.constant 0 : i32
          %dma_wait3A_245 = tpu.memref_slice %arg18[%dma_wait3A_243, %dma_wait3A_244] : memref<50176x32xf32, #tpu.memory_space<vmem_shared>> -> memref<50176x32xf32, #tpu.memory_space<vmem_shared>>
          tpu.wait_indirect_dma semaphore(%run_scoped3A : memref<!tpu.dma_semaphore, #tpu.memory_space<semaphore_mem>>) src(%arg17 : memref<400x32xf32, #tpu.memory_space<vmem>>) dst(%dma_wait3A_245 : memref<50176x32xf32, #tpu.memory_space<vmem_shared>>)
          tpu.yield
        }) : () -> ()
        %add3A_233 = arith.constant 7 : i32
        %add3A_234 = arith.addi %mul3A_87, %add3A_233 : i32
        %lt3A_235 = arith.constant 125 : i32
        %lt3A_236 = arith.cmpi slt, %add3A_234, %lt3A_235 : i32
        %convert_element_type3A_237 = arith.extui %lt3A_236 : i1 to i32
        %cond3A_238 = arith.constant 0 : i32
        %cond3A_239 = arith.cmpi ne, %convert_element_type3A_237, %cond3A_238 : i32
        scf.if %cond3A_239 {
          %mul3A_240 = arith.constant 50000 : i32
          %mul3A_241 = arith.muli %arg1, %mul3A_240 : i32
          %mul3A_242 = arith.constant 400 : i32
          %mul3A_243 = arith.muli %add3A_234, %mul3A_242 : i32
          %add3A_244 = arith.addi %mul3A_241, %mul3A_243 : i32
          %dma_start3A_245 = arith.constant 0 : i32
          %dma_start3A_246 = tpu.memref_slice %arg2[%dma_start3A_245, %add3A_244] : memref<2x800000xi32, #tpu.memory_space<hbm>> -> memref<1x400xi32, #tpu.memory_space<hbm>>
          %dma_start3A_247 = tpu.memref_squeeze %dma_start3A_246 : memref<1x400xi32, #tpu.memory_space<hbm>> -> memref<400xi32, #tpu.memory_space<hbm>>
          %dma_start3A_248 = tpu.memref_slice %arg2[%dma_start3A_245, %add3A_244] : memref<2x800000xi32, #tpu.memory_space<hbm>> -> memref<1x400xi32, #tpu.memory_space<hbm>>
          %dma_start3A_249 = tpu.memref_squeeze %dma_start3A_248 : memref<1x400xi32, #tpu.memory_space<hbm>> -> memref<400xi32, #tpu.memory_space<hbm>>
          tpu.enqueue_dma source(%dma_start3A_249 : memref<400xi32, #tpu.memory_space<hbm>>) target(%arg14 : memref<400xi32, #tpu.memory_space<vmem>>) target_semaphore(%arg22 : memref<!tpu.dma_semaphore, #tpu.memory_space<semaphore_mem>>)
          %dma_start3A_250 = arith.constant 1 : i32
          %dma_start3A_251 = tpu.memref_slice %arg2[%dma_start3A_250, %add3A_244] : memref<2x800000xi32, #tpu.memory_space<hbm>> -> memref<1x400xi32, #tpu.memory_space<hbm>>
          %dma_start3A_252 = tpu.memref_squeeze %dma_start3A_251 : memref<1x400xi32, #tpu.memory_space<hbm>> -> memref<400xi32, #tpu.memory_space<hbm>>
          %dma_start3A_253 = tpu.memref_slice %arg2[%dma_start3A_250, %add3A_244] : memref<2x800000xi32, #tpu.memory_space<hbm>> -> memref<1x400xi32, #tpu.memory_space<hbm>>
          %dma_start3A_254 = tpu.memref_squeeze %dma_start3A_253 : memref<1x400xi32, #tpu.memory_space<hbm>> -> memref<400xi32, #tpu.memory_space<hbm>>
          tpu.enqueue_dma source(%dma_start3A_254 : memref<400xi32, #tpu.memory_space<hbm>>) target(%arg15 : memref<400xi32, #tpu.memory_space<vmem>>) target_semaphore(%arg22 : memref<!tpu.dma_semaphore, #tpu.memory_space<semaphore_mem>>)
        } else {
        }
      }
      %scan3A_81 = arith.constant 31 : i32
      %dma_wait3A_82 = arith.constant 0 : i32
      %dma_wait3A_83 = arith.constant 0 : i32
      %dma_wait3A_84 = tpu.memref_slice %arg3[%dma_wait3A_82, %dma_wait3A_83] : memref<50176x32xf32, #tpu.memory_space<hbm>> -> memref<50176x32xf32, #tpu.memory_space<hbm>>
      tpu.wait_indirect_dma semaphore(%arg23 : memref<!tpu.dma_semaphore, #tpu.memory_space<semaphore_mem>>) src(%dma_wait3A_84 : memref<50176x32xf32, #tpu.memory_space<hbm>>) dst(%arg16 : memref<400x32xf32, #tpu.memory_space<vmem>>)
      "tpu.region"() ({
        %run_scoped3A = tpu.sem_alloc : memref<!tpu.dma_semaphore, #tpu.memory_space<semaphore_mem>>
        %dma_start3A_85 = arith.constant 0 : i32
        %dma_start3A_86 = arith.constant 0 : i32
        %dma_start3A_87 = tpu.memref_slice %arg18[%dma_start3A_85, %dma_start3A_86] : memref<50176x32xf32, #tpu.memory_space<vmem_shared>> -> memref<50176x32xf32, #tpu.memory_space<vmem_shared>>
        tpu.enqueue_indirect_dma source(%arg16 : memref<400x32xf32, #tpu.memory_space<vmem>>) target(%dma_start3A_87 : memref<50176x32xf32, #tpu.memory_space<vmem_shared>>) offsets(%arg9 : memref<400xi32, #tpu.memory_space<vmem>>) semaphore(%run_scoped3A : memref<!tpu.dma_semaphore, #tpu.memory_space<semaphore_mem>>) {add = true}
        %dma_wait3A_88 = arith.constant 0 : i32
        %dma_wait3A_89 = arith.constant 0 : i32
        %dma_wait3A_90 = tpu.memref_slice %arg18[%dma_wait3A_88, %dma_wait3A_89] : memref<50176x32xf32, #tpu.memory_space<vmem_shared>> -> memref<50176x32xf32, #tpu.memory_space<vmem_shared>>
        tpu.wait_indirect_dma semaphore(%run_scoped3A : memref<!tpu.dma_semaphore, #tpu.memory_space<semaphore_mem>>) src(%arg16 : memref<400x32xf32, #tpu.memory_space<vmem>>) dst(%dma_wait3A_90 : memref<50176x32xf32, #tpu.memory_space<vmem_shared>>)
        tpu.yield
      }) : () -> ()
    } else {
    }
    %eq3A_3 = arith.constant 1 : i32
    %eq3A_4 = arith.cmpi eq, %arg0, %eq3A_3 : i32
    %convert_element_type3A_5 = arith.extui %eq3A_4 : i1 to i32
    %cond3A_6 = arith.constant 0 : i32
    %cond3A_7 = arith.cmpi ne, %convert_element_type3A_5, %cond3A_6 : i32
    scf.if %cond3A_7 {
      %mul3A_21 = arith.constant 50000 : i32
      %mul3A_22 = arith.muli %arg1, %mul3A_21 : i32
      %add3A = arith.constant 0 : i32
      %add3A_23 = arith.addi %mul3A_22, %add3A : i32
      %dma_start3A = arith.constant 0 : i32
      %dma_start3A_24 = tpu.memref_slice %arg2[%dma_start3A, %add3A_23] : memref<2x800000xi32, #tpu.memory_space<hbm>> -> memref<1x400xi32, #tpu.memory_space<hbm>>
      %dma_start3A_25 = tpu.memref_squeeze %dma_start3A_24 : memref<1x400xi32, #tpu.memory_space<hbm>> -> memref<400xi32, #tpu.memory_space<hbm>>
      %dma_start3A_26 = tpu.memref_slice %arg2[%dma_start3A, %add3A_23] : memref<2x800000xi32, #tpu.memory_space<hbm>> -> memref<1x400xi32, #tpu.memory_space<hbm>>
      %dma_start3A_27 = tpu.memref_squeeze %dma_start3A_26 : memref<1x400xi32, #tpu.memory_space<hbm>> -> memref<400xi32, #tpu.memory_space<hbm>>
      tpu.enqueue_dma source(%dma_start3A_27 : memref<400xi32, #tpu.memory_space<hbm>>) target(%arg8 : memref<400xi32, #tpu.memory_space<vmem>>) target_semaphore(%arg19 : memref<!tpu.dma_semaphore, #tpu.memory_space<semaphore_mem>>)
      %dma_start3A_28 = arith.constant 1 : i32
      %dma_start3A_29 = tpu.memref_slice %arg2[%dma_start3A_28, %add3A_23] : memref<2x800000xi32, #tpu.memory_space<hbm>> -> memref<1x400xi32, #tpu.memory_space<hbm>>
      %dma_start3A_30 = tpu.memref_squeeze %dma_start3A_29 : memref<1x400xi32, #tpu.memory_space<hbm>> -> memref<400xi32, #tpu.memory_space<hbm>>
      %dma_start3A_31 = tpu.memref_slice %arg2[%dma_start3A_28, %add3A_23] : memref<2x800000xi32, #tpu.memory_space<hbm>> -> memref<1x400xi32, #tpu.memory_space<hbm>>
      %dma_start3A_32 = tpu.memref_squeeze %dma_start3A_31 : memref<1x400xi32, #tpu.memory_space<hbm>> -> memref<400xi32, #tpu.memory_space<hbm>>
      tpu.enqueue_dma source(%dma_start3A_32 : memref<400xi32, #tpu.memory_space<hbm>>) target(%arg9 : memref<400xi32, #tpu.memory_space<vmem>>) target_semaphore(%arg19 : memref<!tpu.dma_semaphore, #tpu.memory_space<semaphore_mem>>)
      %mul3A_33 = arith.constant 50000 : i32
      %mul3A_34 = arith.muli %arg1, %mul3A_33 : i32
      %add3A_35 = arith.constant 400 : i32
      %add3A_36 = arith.addi %mul3A_34, %add3A_35 : i32
      %dma_start3A_37 = arith.constant 0 : i32
      %dma_start3A_38 = tpu.memref_slice %arg2[%dma_start3A_37, %add3A_36] : memref<2x800000xi32, #tpu.memory_space<hbm>> -> memref<1x400xi32, #tpu.memory_space<hbm>>
      %dma_start3A_39 = tpu.memref_squeeze %dma_start3A_38 : memref<1x400xi32, #tpu.memory_space<hbm>> -> memref<400xi32, #tpu.memory_space<hbm>>
      %dma_start3A_40 = tpu.memref_slice %arg2[%dma_start3A_37, %add3A_36] : memref<2x800000xi32, #tpu.memory_space<hbm>> -> memref<1x400xi32, #tpu.memory_space<hbm>>
      %dma_start3A_41 = tpu.memref_squeeze %dma_start3A_40 : memref<1x400xi32, #tpu.memory_space<hbm>> -> memref<400xi32, #tpu.memory_space<hbm>>
      tpu.enqueue_dma source(%dma_start3A_41 : memref<400xi32, #tpu.memory_space<hbm>>) target(%arg10 : memref<400xi32, #tpu.memory_space<vmem>>) target_semaphore(%arg20 : memref<!tpu.dma_semaphore, #tpu.memory_space<semaphore_mem>>)
      %dma_start3A_42 = arith.constant 1 : i32
      %dma_start3A_43 = tpu.memref_slice %arg2[%dma_start3A_42, %add3A_36] : memref<2x800000xi32, #tpu.memory_space<hbm>> -> memref<1x400xi32, #tpu.memory_space<hbm>>
      %dma_start3A_44 = tpu.memref_squeeze %dma_start3A_43 : memref<1x400xi32, #tpu.memory_space<hbm>> -> memref<400xi32, #tpu.memory_space<hbm>>
      %dma_start3A_45 = tpu.memref_slice %arg2[%dma_start3A_42, %add3A_36] : memref<2x800000xi32, #tpu.memory_space<hbm>> -> memref<1x400xi32, #tpu.memory_space<hbm>>
      %dma_start3A_46 = tpu.memref_squeeze %dma_start3A_45 : memref<1x400xi32, #tpu.memory_space<hbm>> -> memref<400xi32, #tpu.memory_space<hbm>>
      tpu.enqueue_dma source(%dma_start3A_46 : memref<400xi32, #tpu.memory_space<hbm>>) target(%arg11 : memref<400xi32, #tpu.memory_space<vmem>>) target_semaphore(%arg20 : memref<!tpu.dma_semaphore, #tpu.memory_space<semaphore_mem>>)
      %mul3A_47 = arith.constant 50000 : i32
      %mul3A_48 = arith.muli %arg1, %mul3A_47 : i32
      %add3A_49 = arith.constant 800 : i32
      %add3A_50 = arith.addi %mul3A_48, %add3A_49 : i32
      %dma_start3A_51 = arith.constant 0 : i32
      %dma_start3A_52 = tpu.memref_slice %arg2[%dma_start3A_51, %add3A_50] : memref<2x800000xi32, #tpu.memory_space<hbm>> -> memref<1x400xi32, #tpu.memory_space<hbm>>
      %dma_start3A_53 = tpu.memref_squeeze %dma_start3A_52 : memref<1x400xi32, #tpu.memory_space<hbm>> -> memref<400xi32, #tpu.memory_space<hbm>>
      %dma_start3A_54 = tpu.memref_slice %arg2[%dma_start3A_51, %add3A_50] : memref<2x800000xi32, #tpu.memory_space<hbm>> -> memref<1x400xi32, #tpu.memory_space<hbm>>
      %dma_start3A_55 = tpu.memref_squeeze %dma_start3A_54 : memref<1x400xi32, #tpu.memory_space<hbm>> -> memref<400xi32, #tpu.memory_space<hbm>>
      tpu.enqueue_dma source(%dma_start3A_55 : memref<400xi32, #tpu.memory_space<hbm>>) target(%arg12 : memref<400xi32, #tpu.memory_space<vmem>>) target_semaphore(%arg21 : memref<!tpu.dma_semaphore, #tpu.memory_space<semaphore_mem>>)
      %dma_start3A_56 = arith.constant 1 : i32
      %dma_start3A_57 = tpu.memref_slice %arg2[%dma_start3A_56, %add3A_50] : memref<2x800000xi32, #tpu.memory_space<hbm>> -> memref<1x400xi32, #tpu.memory_space<hbm>>
      %dma_start3A_58 = tpu.memref_squeeze %dma_start3A_57 : memref<1x400xi32, #tpu.memory_space<hbm>> -> memref<400xi32, #tpu.memory_space<hbm>>
      %dma_start3A_59 = tpu.memref_slice %arg2[%dma_start3A_56, %add3A_50] : memref<2x800000xi32, #tpu.memory_space<hbm>> -> memref<1x400xi32, #tpu.memory_space<hbm>>
      %dma_start3A_60 = tpu.memref_squeeze %dma_start3A_59 : memref<1x400xi32, #tpu.memory_space<hbm>> -> memref<400xi32, #tpu.memory_space<hbm>>
      tpu.enqueue_dma source(%dma_start3A_60 : memref<400xi32, #tpu.memory_space<hbm>>) target(%arg13 : memref<400xi32, #tpu.memory_space<vmem>>) target_semaphore(%arg21 : memref<!tpu.dma_semaphore, #tpu.memory_space<semaphore_mem>>)
      %mul3A_61 = arith.constant 50000 : i32
      %mul3A_62 = arith.muli %arg1, %mul3A_61 : i32
      %add3A_63 = arith.constant 0 : i32
      %add3A_64 = arith.addi %mul3A_62, %add3A_63 : i32
      %dma_wait3A = arith.constant 0 : i32
      %dma_wait3A_65 = tpu.memref_slice %arg2[%dma_wait3A, %add3A_64] : memref<2x800000xi32, #tpu.memory_space<hbm>> -> memref<1x400xi32, #tpu.memory_space<hbm>>
      %dma_wait3A_66 = tpu.memref_squeeze %dma_wait3A_65 : memref<1x400xi32, #tpu.memory_space<hbm>> -> memref<400xi32, #tpu.memory_space<hbm>>
      %dma_wait3A_67 = tpu.memref_slice %arg2[%dma_wait3A, %add3A_64] : memref<2x800000xi32, #tpu.memory_space<hbm>> -> memref<1x400xi32, #tpu.memory_space<hbm>>
      %dma_wait3A_68 = tpu.memref_squeeze %dma_wait3A_67 : memref<1x400xi32, #tpu.memory_space<hbm>> -> memref<400xi32, #tpu.memory_space<hbm>>
      tpu.wait_dma2 semaphore(%arg19 : memref<!tpu.dma_semaphore, #tpu.memory_space<semaphore_mem>>) src(%dma_wait3A_68 : memref<400xi32, #tpu.memory_space<hbm>>) dst(%arg8 : memref<400xi32, #tpu.memory_space<vmem>>)
      %dma_wait3A_69 = arith.constant 1 : i32
      %dma_wait3A_70 = tpu.memref_slice %arg2[%dma_wait3A_69, %add3A_64] : memref<2x800000xi32, #tpu.memory_space<hbm>> -> memref<1x400xi32, #tpu.memory_space<hbm>>
      %dma_wait3A_71 = tpu.memref_squeeze %dma_wait3A_70 : memref<1x400xi32, #tpu.memory_space<hbm>> -> memref<400xi32, #tpu.memory_space<hbm>>
      %dma_wait3A_72 = tpu.memref_slice %arg2[%dma_wait3A_69, %add3A_64] : memref<2x800000xi32, #tpu.memory_space<hbm>> -> memref<1x400xi32, #tpu.memory_space<hbm>>
      %dma_wait3A_73 = tpu.memref_squeeze %dma_wait3A_72 : memref<1x400xi32, #tpu.memory_space<hbm>> -> memref<400xi32, #tpu.memory_space<hbm>>
      tpu.wait_dma2 semaphore(%arg19 : memref<!tpu.dma_semaphore, #tpu.memory_space<semaphore_mem>>) src(%dma_wait3A_73 : memref<400xi32, #tpu.memory_space<hbm>>) dst(%arg9 : memref<400xi32, #tpu.memory_space<vmem>>)
      %dma_start3A_74 = arith.constant 0 : i32
      %dma_start3A_75 = arith.constant 0 : i32
      %dma_start3A_76 = tpu.memref_slice %arg4[%dma_start3A_74, %dma_start3A_75] : memref<50176x32xf32, #tpu.memory_space<hbm>> -> memref<50176x32xf32, #tpu.memory_space<hbm>>
      tpu.enqueue_indirect_dma source(%dma_start3A_76 : memref<50176x32xf32, #tpu.memory_space<hbm>>) target(%arg16 : memref<400x32xf32, #tpu.memory_space<vmem>>) offsets(%arg8 : memref<400xi32, #tpu.memory_space<vmem>>) semaphore(%arg23 : memref<!tpu.dma_semaphore, #tpu.memory_space<semaphore_mem>>)
      %scan3A = arith.constant 0 : i32
      %scan3A_77 = arith.constant 0 : i32
      %scan3A_78 = arith.constant 31 : i32
      %scan3A_79 = arith.addi %scan3A_77, %scan3A_78 : i32
      %scan3A_80 = arith.constant 1 : i32
      scf.for %scan3A_85 = %scan3A_77 to %scan3A_79 step %scan3A_80  : i32 {
        %mul3A_86 = arith.constant 4 : i32
        %mul3A_87 = arith.muli %mul3A_86, %scan3A_85 : i32
        %add3A_88 = arith.constant 3 : i32
        %add3A_89 = arith.addi %mul3A_87, %add3A_88 : i32
        %mul3A_90 = arith.constant 50000 : i32
        %mul3A_91 = arith.muli %arg1, %mul3A_90 : i32
        %mul3A_92 = arith.constant 400 : i32
        %mul3A_93 = arith.muli %add3A_89, %mul3A_92 : i32
        %add3A_94 = arith.addi %mul3A_91, %mul3A_93 : i32
        %dma_start3A_95 = arith.constant 0 : i32
        %dma_start3A_96 = tpu.memref_slice %arg2[%dma_start3A_95, %add3A_94] : memref<2x800000xi32, #tpu.memory_space<hbm>> -> memref<1x400xi32, #tpu.memory_space<hbm>>
        %dma_start3A_97 = tpu.memref_squeeze %dma_start3A_96 : memref<1x400xi32, #tpu.memory_space<hbm>> -> memref<400xi32, #tpu.memory_space<hbm>>
        %dma_start3A_98 = tpu.memref_slice %arg2[%dma_start3A_95, %add3A_94] : memref<2x800000xi32, #tpu.memory_space<hbm>> -> memref<1x400xi32, #tpu.memory_space<hbm>>
        %dma_start3A_99 = tpu.memref_squeeze %dma_start3A_98 : memref<1x400xi32, #tpu.memory_space<hbm>> -> memref<400xi32, #tpu.memory_space<hbm>>
        tpu.enqueue_dma source(%dma_start3A_99 : memref<400xi32, #tpu.memory_space<hbm>>) target(%arg14 : memref<400xi32, #tpu.memory_space<vmem>>) target_semaphore(%arg22 : memref<!tpu.dma_semaphore, #tpu.memory_space<semaphore_mem>>)
        %dma_start3A_100 = arith.constant 1 : i32
        %dma_start3A_101 = tpu.memref_slice %arg2[%dma_start3A_100, %add3A_94] : memref<2x800000xi32, #tpu.memory_space<hbm>> -> memref<1x400xi32, #tpu.memory_space<hbm>>
        %dma_start3A_102 = tpu.memref_squeeze %dma_start3A_101 : memref<1x400xi32, #tpu.memory_space<hbm>> -> memref<400xi32, #tpu.memory_space<hbm>>
        %dma_start3A_103 = tpu.memref_slice %arg2[%dma_start3A_100, %add3A_94] : memref<2x800000xi32, #tpu.memory_space<hbm>> -> memref<1x400xi32, #tpu.memory_space<hbm>>
        %dma_start3A_104 = tpu.memref_squeeze %dma_start3A_103 : memref<1x400xi32, #tpu.memory_space<hbm>> -> memref<400xi32, #tpu.memory_space<hbm>>
        tpu.enqueue_dma source(%dma_start3A_104 : memref<400xi32, #tpu.memory_space<hbm>>) target(%arg15 : memref<400xi32, #tpu.memory_space<vmem>>) target_semaphore(%arg22 : memref<!tpu.dma_semaphore, #tpu.memory_space<semaphore_mem>>)
        %add3A_105 = arith.constant 1 : i32
        %add3A_106 = arith.addi %mul3A_87, %add3A_105 : i32
        %mul3A_107 = arith.constant 50000 : i32
        %mul3A_108 = arith.muli %arg1, %mul3A_107 : i32
        %mul3A_109 = arith.constant 400 : i32
        %mul3A_110 = arith.muli %add3A_106, %mul3A_109 : i32
        %add3A_111 = arith.addi %mul3A_108, %mul3A_110 : i32
        %dma_wait3A_112 = arith.constant 0 : i32
        %dma_wait3A_113 = tpu.memref_slice %arg2[%dma_wait3A_112, %add3A_111] : memref<2x800000xi32, #tpu.memory_space<hbm>> -> memref<1x400xi32, #tpu.memory_space<hbm>>
        %dma_wait3A_114 = tpu.memref_squeeze %dma_wait3A_113 : memref<1x400xi32, #tpu.memory_space<hbm>> -> memref<400xi32, #tpu.memory_space<hbm>>
        %dma_wait3A_115 = tpu.memref_slice %arg2[%dma_wait3A_112, %add3A_111] : memref<2x800000xi32, #tpu.memory_space<hbm>> -> memref<1x400xi32, #tpu.memory_space<hbm>>
        %dma_wait3A_116 = tpu.memref_squeeze %dma_wait3A_115 : memref<1x400xi32, #tpu.memory_space<hbm>> -> memref<400xi32, #tpu.memory_space<hbm>>
        tpu.wait_dma2 semaphore(%arg20 : memref<!tpu.dma_semaphore, #tpu.memory_space<semaphore_mem>>) src(%dma_wait3A_116 : memref<400xi32, #tpu.memory_space<hbm>>) dst(%arg10 : memref<400xi32, #tpu.memory_space<vmem>>)
        %dma_wait3A_117 = arith.constant 1 : i32
        %dma_wait3A_118 = tpu.memref_slice %arg2[%dma_wait3A_117, %add3A_111] : memref<2x800000xi32, #tpu.memory_space<hbm>> -> memref<1x400xi32, #tpu.memory_space<hbm>>
        %dma_wait3A_119 = tpu.memref_squeeze %dma_wait3A_118 : memref<1x400xi32, #tpu.memory_space<hbm>> -> memref<400xi32, #tpu.memory_space<hbm>>
        %dma_wait3A_120 = tpu.memref_slice %arg2[%dma_wait3A_117, %add3A_111] : memref<2x800000xi32, #tpu.memory_space<hbm>> -> memref<1x400xi32, #tpu.memory_space<hbm>>
        %dma_wait3A_121 = tpu.memref_squeeze %dma_wait3A_120 : memref<1x400xi32, #tpu.memory_space<hbm>> -> memref<400xi32, #tpu.memory_space<hbm>>
        tpu.wait_dma2 semaphore(%arg20 : memref<!tpu.dma_semaphore, #tpu.memory_space<semaphore_mem>>) src(%dma_wait3A_121 : memref<400xi32, #tpu.memory_space<hbm>>) dst(%arg11 : memref<400xi32, #tpu.memory_space<vmem>>)
        %dma_start3A_122 = arith.constant 0 : i32
        %dma_start3A_123 = arith.constant 0 : i32
        %dma_start3A_124 = tpu.memref_slice %arg4[%dma_start3A_122, %dma_start3A_123] : memref<50176x32xf32, #tpu.memory_space<hbm>> -> memref<50176x32xf32, #tpu.memory_space<hbm>>
        tpu.enqueue_indirect_dma source(%dma_start3A_124 : memref<50176x32xf32, #tpu.memory_space<hbm>>) target(%arg17 : memref<400x32xf32, #tpu.memory_space<vmem>>) offsets(%arg10 : memref<400xi32, #tpu.memory_space<vmem>>) semaphore(%arg24 : memref<!tpu.dma_semaphore, #tpu.memory_space<semaphore_mem>>)
        %dma_wait3A_125 = arith.constant 0 : i32
        %dma_wait3A_126 = arith.constant 0 : i32
        %dma_wait3A_127 = tpu.memref_slice %arg4[%dma_wait3A_125, %dma_wait3A_126] : memref<50176x32xf32, #tpu.memory_space<hbm>> -> memref<50176x32xf32, #tpu.memory_space<hbm>>
        tpu.wait_indirect_dma semaphore(%arg23 : memref<!tpu.dma_semaphore, #tpu.memory_space<semaphore_mem>>) src(%dma_wait3A_127 : memref<50176x32xf32, #tpu.memory_space<hbm>>) dst(%arg16 : memref<400x32xf32, #tpu.memory_space<vmem>>)
        "tpu.region"() ({
          %run_scoped3A = tpu.sem_alloc : memref<!tpu.dma_semaphore, #tpu.memory_space<semaphore_mem>>
          %dma_start3A_240 = arith.constant 0 : i32
          %dma_start3A_241 = arith.constant 0 : i32
          %dma_start3A_242 = tpu.memref_slice %arg18[%dma_start3A_240, %dma_start3A_241] : memref<50176x32xf32, #tpu.memory_space<vmem_shared>> -> memref<50176x32xf32, #tpu.memory_space<vmem_shared>>
          tpu.enqueue_indirect_dma source(%arg16 : memref<400x32xf32, #tpu.memory_space<vmem>>) target(%dma_start3A_242 : memref<50176x32xf32, #tpu.memory_space<vmem_shared>>) offsets(%arg9 : memref<400xi32, #tpu.memory_space<vmem>>) semaphore(%run_scoped3A : memref<!tpu.dma_semaphore, #tpu.memory_space<semaphore_mem>>) {add = true}
          %dma_wait3A_243 = arith.constant 0 : i32
          %dma_wait3A_244 = arith.constant 0 : i32
          %dma_wait3A_245 = tpu.memref_slice %arg18[%dma_wait3A_243, %dma_wait3A_244] : memref<50176x32xf32, #tpu.memory_space<vmem_shared>> -> memref<50176x32xf32, #tpu.memory_space<vmem_shared>>
          tpu.wait_indirect_dma semaphore(%run_scoped3A : memref<!tpu.dma_semaphore, #tpu.memory_space<semaphore_mem>>) src(%arg16 : memref<400x32xf32, #tpu.memory_space<vmem>>) dst(%dma_wait3A_245 : memref<50176x32xf32, #tpu.memory_space<vmem_shared>>)
          tpu.yield
        }) : () -> ()
        %add3A_128 = arith.constant 4 : i32
        %add3A_129 = arith.addi %mul3A_87, %add3A_128 : i32
        %mul3A_130 = arith.constant 50000 : i32
        %mul3A_131 = arith.muli %arg1, %mul3A_130 : i32
        %mul3A_132 = arith.constant 400 : i32
        %mul3A_133 = arith.muli %add3A_129, %mul3A_132 : i32
        %add3A_134 = arith.addi %mul3A_131, %mul3A_133 : i32
        %dma_start3A_135 = arith.constant 0 : i32
        %dma_start3A_136 = tpu.memref_slice %arg2[%dma_start3A_135, %add3A_134] : memref<2x800000xi32, #tpu.memory_space<hbm>> -> memref<1x400xi32, #tpu.memory_space<hbm>>
        %dma_start3A_137 = tpu.memref_squeeze %dma_start3A_136 : memref<1x400xi32, #tpu.memory_space<hbm>> -> memref<400xi32, #tpu.memory_space<hbm>>
        %dma_start3A_138 = tpu.memref_slice %arg2[%dma_start3A_135, %add3A_134] : memref<2x800000xi32, #tpu.memory_space<hbm>> -> memref<1x400xi32, #tpu.memory_space<hbm>>
        %dma_start3A_139 = tpu.memref_squeeze %dma_start3A_138 : memref<1x400xi32, #tpu.memory_space<hbm>> -> memref<400xi32, #tpu.memory_space<hbm>>
        tpu.enqueue_dma source(%dma_start3A_139 : memref<400xi32, #tpu.memory_space<hbm>>) target(%arg8 : memref<400xi32, #tpu.memory_space<vmem>>) target_semaphore(%arg19 : memref<!tpu.dma_semaphore, #tpu.memory_space<semaphore_mem>>)
        %dma_start3A_140 = arith.constant 1 : i32
        %dma_start3A_141 = tpu.memref_slice %arg2[%dma_start3A_140, %add3A_134] : memref<2x800000xi32, #tpu.memory_space<hbm>> -> memref<1x400xi32, #tpu.memory_space<hbm>>
        %dma_start3A_142 = tpu.memref_squeeze %dma_start3A_141 : memref<1x400xi32, #tpu.memory_space<hbm>> -> memref<400xi32, #tpu.memory_space<hbm>>
        %dma_start3A_143 = tpu.memref_slice %arg2[%dma_start3A_140, %add3A_134] : memref<2x800000xi32, #tpu.memory_space<hbm>> -> memref<1x400xi32, #tpu.memory_space<hbm>>
        %dma_start3A_144 = tpu.memref_squeeze %dma_start3A_143 : memref<1x400xi32, #tpu.memory_space<hbm>> -> memref<400xi32, #tpu.memory_space<hbm>>
        tpu.enqueue_dma source(%dma_start3A_144 : memref<400xi32, #tpu.memory_space<hbm>>) target(%arg9 : memref<400xi32, #tpu.memory_space<vmem>>) target_semaphore(%arg19 : memref<!tpu.dma_semaphore, #tpu.memory_space<semaphore_mem>>)
        %add3A_145 = arith.constant 2 : i32
        %add3A_146 = arith.addi %mul3A_87, %add3A_145 : i32
        %mul3A_147 = arith.constant 50000 : i32
        %mul3A_148 = arith.muli %arg1, %mul3A_147 : i32
        %mul3A_149 = arith.constant 400 : i32
        %mul3A_150 = arith.muli %add3A_146, %mul3A_149 : i32
        %add3A_151 = arith.addi %mul3A_148, %mul3A_150 : i32
        %dma_wait3A_152 = arith.constant 0 : i32
        %dma_wait3A_153 = tpu.memref_slice %arg2[%dma_wait3A_152, %add3A_151] : memref<2x800000xi32, #tpu.memory_space<hbm>> -> memref<1x400xi32, #tpu.memory_space<hbm>>
        %dma_wait3A_154 = tpu.memref_squeeze %dma_wait3A_153 : memref<1x400xi32, #tpu.memory_space<hbm>> -> memref<400xi32, #tpu.memory_space<hbm>>
        %dma_wait3A_155 = tpu.memref_slice %arg2[%dma_wait3A_152, %add3A_151] : memref<2x800000xi32, #tpu.memory_space<hbm>> -> memref<1x400xi32, #tpu.memory_space<hbm>>
        %dma_wait3A_156 = tpu.memref_squeeze %dma_wait3A_155 : memref<1x400xi32, #tpu.memory_space<hbm>> -> memref<400xi32, #tpu.memory_space<hbm>>
        tpu.wait_dma2 semaphore(%arg21 : memref<!tpu.dma_semaphore, #tpu.memory_space<semaphore_mem>>) src(%dma_wait3A_156 : memref<400xi32, #tpu.memory_space<hbm>>) dst(%arg12 : memref<400xi32, #tpu.memory_space<vmem>>)
        %dma_wait3A_157 = arith.constant 1 : i32
        %dma_wait3A_158 = tpu.memref_slice %arg2[%dma_wait3A_157, %add3A_151] : memref<2x800000xi32, #tpu.memory_space<hbm>> -> memref<1x400xi32, #tpu.memory_space<hbm>>
        %dma_wait3A_159 = tpu.memref_squeeze %dma_wait3A_158 : memref<1x400xi32, #tpu.memory_space<hbm>> -> memref<400xi32, #tpu.memory_space<hbm>>
        %dma_wait3A_160 = tpu.memref_slice %arg2[%dma_wait3A_157, %add3A_151] : memref<2x800000xi32, #tpu.memory_space<hbm>> -> memref<1x400xi32, #tpu.memory_space<hbm>>
        %dma_wait3A_161 = tpu.memref_squeeze %dma_wait3A_160 : memref<1x400xi32, #tpu.memory_space<hbm>> -> memref<400xi32, #tpu.memory_space<hbm>>
        tpu.wait_dma2 semaphore(%arg21 : memref<!tpu.dma_semaphore, #tpu.memory_space<semaphore_mem>>) src(%dma_wait3A_161 : memref<400xi32, #tpu.memory_space<hbm>>) dst(%arg13 : memref<400xi32, #tpu.memory_space<vmem>>)
        %dma_start3A_162 = arith.constant 0 : i32
        %dma_start3A_163 = arith.constant 0 : i32
        %dma_start3A_164 = tpu.memref_slice %arg4[%dma_start3A_162, %dma_start3A_163] : memref<50176x32xf32, #tpu.memory_space<hbm>> -> memref<50176x32xf32, #tpu.memory_space<hbm>>
        tpu.enqueue_indirect_dma source(%dma_start3A_164 : memref<50176x32xf32, #tpu.memory_space<hbm>>) target(%arg16 : memref<400x32xf32, #tpu.memory_space<vmem>>) offsets(%arg12 : memref<400xi32, #tpu.memory_space<vmem>>) semaphore(%arg23 : memref<!tpu.dma_semaphore, #tpu.memory_space<semaphore_mem>>)
        %add3A_165 = arith.constant 1 : i32
        %add3A_166 = arith.addi %mul3A_87, %add3A_165 : i32
        %dma_wait3A_167 = arith.constant 0 : i32
        %dma_wait3A_168 = arith.constant 0 : i32
        %dma_wait3A_169 = tpu.memref_slice %arg4[%dma_wait3A_167, %dma_wait3A_168] : memref<50176x32xf32, #tpu.memory_space<hbm>> -> memref<50176x32xf32, #tpu.memory_space<hbm>>
        tpu.wait_indirect_dma semaphore(%arg24 : memref<!tpu.dma_semaphore, #tpu.memory_space<semaphore_mem>>) src(%dma_wait3A_169 : memref<50176x32xf32, #tpu.memory_space<hbm>>) dst(%arg17 : memref<400x32xf32, #tpu.memory_space<vmem>>)
        "tpu.region"() ({
          %run_scoped3A = tpu.sem_alloc : memref<!tpu.dma_semaphore, #tpu.memory_space<semaphore_mem>>
          %dma_start3A_240 = arith.constant 0 : i32
          %dma_start3A_241 = arith.constant 0 : i32
          %dma_start3A_242 = tpu.memref_slice %arg18[%dma_start3A_240, %dma_start3A_241] : memref<50176x32xf32, #tpu.memory_space<vmem_shared>> -> memref<50176x32xf32, #tpu.memory_space<vmem_shared>>
          tpu.enqueue_indirect_dma source(%arg17 : memref<400x32xf32, #tpu.memory_space<vmem>>) target(%dma_start3A_242 : memref<50176x32xf32, #tpu.memory_space<vmem_shared>>) offsets(%arg11 : memref<400xi32, #tpu.memory_space<vmem>>) semaphore(%run_scoped3A : memref<!tpu.dma_semaphore, #tpu.memory_space<semaphore_mem>>) {add = true}
          %dma_wait3A_243 = arith.constant 0 : i32
          %dma_wait3A_244 = arith.constant 0 : i32
          %dma_wait3A_245 = tpu.memref_slice %arg18[%dma_wait3A_243, %dma_wait3A_244] : memref<50176x32xf32, #tpu.memory_space<vmem_shared>> -> memref<50176x32xf32, #tpu.memory_space<vmem_shared>>
          tpu.wait_indirect_dma semaphore(%run_scoped3A : memref<!tpu.dma_semaphore, #tpu.memory_space<semaphore_mem>>) src(%arg17 : memref<400x32xf32, #tpu.memory_space<vmem>>) dst(%dma_wait3A_245 : memref<50176x32xf32, #tpu.memory_space<vmem_shared>>)
          tpu.yield
        }) : () -> ()
        %add3A_170 = arith.constant 5 : i32
        %add3A_171 = arith.addi %mul3A_87, %add3A_170 : i32
        %lt3A = arith.constant 125 : i32
        %lt3A_172 = arith.cmpi slt, %add3A_171, %lt3A : i32
        %convert_element_type3A_173 = arith.extui %lt3A_172 : i1 to i32
        %cond3A_174 = arith.constant 0 : i32
        %cond3A_175 = arith.cmpi ne, %convert_element_type3A_173, %cond3A_174 : i32
        scf.if %cond3A_175 {
          %mul3A_240 = arith.constant 50000 : i32
          %mul3A_241 = arith.muli %arg1, %mul3A_240 : i32
          %mul3A_242 = arith.constant 400 : i32
          %mul3A_243 = arith.muli %add3A_171, %mul3A_242 : i32
          %add3A_244 = arith.addi %mul3A_241, %mul3A_243 : i32
          %dma_start3A_245 = arith.constant 0 : i32
          %dma_start3A_246 = tpu.memref_slice %arg2[%dma_start3A_245, %add3A_244] : memref<2x800000xi32, #tpu.memory_space<hbm>> -> memref<1x400xi32, #tpu.memory_space<hbm>>
          %dma_start3A_247 = tpu.memref_squeeze %dma_start3A_246 : memref<1x400xi32, #tpu.memory_space<hbm>> -> memref<400xi32, #tpu.memory_space<hbm>>
          %dma_start3A_248 = tpu.memref_slice %arg2[%dma_start3A_245, %add3A_244] : memref<2x800000xi32, #tpu.memory_space<hbm>> -> memref<1x400xi32, #tpu.memory_space<hbm>>
          %dma_start3A_249 = tpu.memref_squeeze %dma_start3A_248 : memref<1x400xi32, #tpu.memory_space<hbm>> -> memref<400xi32, #tpu.memory_space<hbm>>
          tpu.enqueue_dma source(%dma_start3A_249 : memref<400xi32, #tpu.memory_space<hbm>>) target(%arg10 : memref<400xi32, #tpu.memory_space<vmem>>) target_semaphore(%arg20 : memref<!tpu.dma_semaphore, #tpu.memory_space<semaphore_mem>>)
          %dma_start3A_250 = arith.constant 1 : i32
          %dma_start3A_251 = tpu.memref_slice %arg2[%dma_start3A_250, %add3A_244] : memref<2x800000xi32, #tpu.memory_space<hbm>> -> memref<1x400xi32, #tpu.memory_space<hbm>>
          %dma_start3A_252 = tpu.memref_squeeze %dma_start3A_251 : memref<1x400xi32, #tpu.memory_space<hbm>> -> memref<400xi32, #tpu.memory_space<hbm>>
          %dma_start3A_253 = tpu.memref_slice %arg2[%dma_start3A_250, %add3A_244] : memref<2x800000xi32, #tpu.memory_space<hbm>> -> memref<1x400xi32, #tpu.memory_space<hbm>>
          %dma_start3A_254 = tpu.memref_squeeze %dma_start3A_253 : memref<1x400xi32, #tpu.memory_space<hbm>> -> memref<400xi32, #tpu.memory_space<hbm>>
          tpu.enqueue_dma source(%dma_start3A_254 : memref<400xi32, #tpu.memory_space<hbm>>) target(%arg11 : memref<400xi32, #tpu.memory_space<vmem>>) target_semaphore(%arg20 : memref<!tpu.dma_semaphore, #tpu.memory_space<semaphore_mem>>)
        } else {
        }
        %add3A_176 = arith.constant 3 : i32
        %add3A_177 = arith.addi %mul3A_87, %add3A_176 : i32
        %mul3A_178 = arith.constant 50000 : i32
        %mul3A_179 = arith.muli %arg1, %mul3A_178 : i32
        %mul3A_180 = arith.constant 400 : i32
        %mul3A_181 = arith.muli %add3A_177, %mul3A_180 : i32
        %add3A_182 = arith.addi %mul3A_179, %mul3A_181 : i32
        %dma_wait3A_183 = arith.constant 0 : i32
        %dma_wait3A_184 = tpu.memref_slice %arg2[%dma_wait3A_183, %add3A_182] : memref<2x800000xi32, #tpu.memory_space<hbm>> -> memref<1x400xi32, #tpu.memory_space<hbm>>
        %dma_wait3A_185 = tpu.memref_squeeze %dma_wait3A_184 : memref<1x400xi32, #tpu.memory_space<hbm>> -> memref<400xi32, #tpu.memory_space<hbm>>
        %dma_wait3A_186 = tpu.memref_slice %arg2[%dma_wait3A_183, %add3A_182] : memref<2x800000xi32, #tpu.memory_space<hbm>> -> memref<1x400xi32, #tpu.memory_space<hbm>>
        %dma_wait3A_187 = tpu.memref_squeeze %dma_wait3A_186 : memref<1x400xi32, #tpu.memory_space<hbm>> -> memref<400xi32, #tpu.memory_space<hbm>>
        tpu.wait_dma2 semaphore(%arg22 : memref<!tpu.dma_semaphore, #tpu.memory_space<semaphore_mem>>) src(%dma_wait3A_187 : memref<400xi32, #tpu.memory_space<hbm>>) dst(%arg14 : memref<400xi32, #tpu.memory_space<vmem>>)
        %dma_wait3A_188 = arith.constant 1 : i32
        %dma_wait3A_189 = tpu.memref_slice %arg2[%dma_wait3A_188, %add3A_182] : memref<2x800000xi32, #tpu.memory_space<hbm>> -> memref<1x400xi32, #tpu.memory_space<hbm>>
        %dma_wait3A_190 = tpu.memref_squeeze %dma_wait3A_189 : memref<1x400xi32, #tpu.memory_space<hbm>> -> memref<400xi32, #tpu.memory_space<hbm>>
        %dma_wait3A_191 = tpu.memref_slice %arg2[%dma_wait3A_188, %add3A_182] : memref<2x800000xi32, #tpu.memory_space<hbm>> -> memref<1x400xi32, #tpu.memory_space<hbm>>
        %dma_wait3A_192 = tpu.memref_squeeze %dma_wait3A_191 : memref<1x400xi32, #tpu.memory_space<hbm>> -> memref<400xi32, #tpu.memory_space<hbm>>
        tpu.wait_dma2 semaphore(%arg22 : memref<!tpu.dma_semaphore, #tpu.memory_space<semaphore_mem>>) src(%dma_wait3A_192 : memref<400xi32, #tpu.memory_space<hbm>>) dst(%arg15 : memref<400xi32, #tpu.memory_space<vmem>>)
        %dma_start3A_193 = arith.constant 0 : i32
        %dma_start3A_194 = arith.constant 0 : i32
        %dma_start3A_195 = tpu.memref_slice %arg4[%dma_start3A_193, %dma_start3A_194] : memref<50176x32xf32, #tpu.memory_space<hbm>> -> memref<50176x32xf32, #tpu.memory_space<hbm>>
        tpu.enqueue_indirect_dma source(%dma_start3A_195 : memref<50176x32xf32, #tpu.memory_space<hbm>>) target(%arg17 : memref<400x32xf32, #tpu.memory_space<vmem>>) offsets(%arg14 : memref<400xi32, #tpu.memory_space<vmem>>) semaphore(%arg24 : memref<!tpu.dma_semaphore, #tpu.memory_space<semaphore_mem>>)
        %add3A_196 = arith.constant 2 : i32
        %add3A_197 = arith.addi %mul3A_87, %add3A_196 : i32
        %dma_wait3A_198 = arith.constant 0 : i32
        %dma_wait3A_199 = arith.constant 0 : i32
        %dma_wait3A_200 = tpu.memref_slice %arg4[%dma_wait3A_198, %dma_wait3A_199] : memref<50176x32xf32, #tpu.memory_space<hbm>> -> memref<50176x32xf32, #tpu.memory_space<hbm>>
        tpu.wait_indirect_dma semaphore(%arg23 : memref<!tpu.dma_semaphore, #tpu.memory_space<semaphore_mem>>) src(%dma_wait3A_200 : memref<50176x32xf32, #tpu.memory_space<hbm>>) dst(%arg16 : memref<400x32xf32, #tpu.memory_space<vmem>>)
        "tpu.region"() ({
          %run_scoped3A = tpu.sem_alloc : memref<!tpu.dma_semaphore, #tpu.memory_space<semaphore_mem>>
          %dma_start3A_240 = arith.constant 0 : i32
          %dma_start3A_241 = arith.constant 0 : i32
          %dma_start3A_242 = tpu.memref_slice %arg18[%dma_start3A_240, %dma_start3A_241] : memref<50176x32xf32, #tpu.memory_space<vmem_shared>> -> memref<50176x32xf32, #tpu.memory_space<vmem_shared>>
          tpu.enqueue_indirect_dma source(%arg16 : memref<400x32xf32, #tpu.memory_space<vmem>>) target(%dma_start3A_242 : memref<50176x32xf32, #tpu.memory_space<vmem_shared>>) offsets(%arg13 : memref<400xi32, #tpu.memory_space<vmem>>) semaphore(%run_scoped3A : memref<!tpu.dma_semaphore, #tpu.memory_space<semaphore_mem>>) {add = true}
          %dma_wait3A_243 = arith.constant 0 : i32
          %dma_wait3A_244 = arith.constant 0 : i32
          %dma_wait3A_245 = tpu.memref_slice %arg18[%dma_wait3A_243, %dma_wait3A_244] : memref<50176x32xf32, #tpu.memory_space<vmem_shared>> -> memref<50176x32xf32, #tpu.memory_space<vmem_shared>>
          tpu.wait_indirect_dma semaphore(%run_scoped3A : memref<!tpu.dma_semaphore, #tpu.memory_space<semaphore_mem>>) src(%arg16 : memref<400x32xf32, #tpu.memory_space<vmem>>) dst(%dma_wait3A_245 : memref<50176x32xf32, #tpu.memory_space<vmem_shared>>)
          tpu.yield
        }) : () -> ()
        %add3A_201 = arith.constant 6 : i32
        %add3A_202 = arith.addi %mul3A_87, %add3A_201 : i32
        %lt3A_203 = arith.constant 125 : i32
        %lt3A_204 = arith.cmpi slt, %add3A_202, %lt3A_203 : i32
        %convert_element_type3A_205 = arith.extui %lt3A_204 : i1 to i32
        %cond3A_206 = arith.constant 0 : i32
        %cond3A_207 = arith.cmpi ne, %convert_element_type3A_205, %cond3A_206 : i32
        scf.if %cond3A_207 {
          %mul3A_240 = arith.constant 50000 : i32
          %mul3A_241 = arith.muli %arg1, %mul3A_240 : i32
          %mul3A_242 = arith.constant 400 : i32
          %mul3A_243 = arith.muli %add3A_202, %mul3A_242 : i32
          %add3A_244 = arith.addi %mul3A_241, %mul3A_243 : i32
          %dma_start3A_245 = arith.constant 0 : i32
          %dma_start3A_246 = tpu.memref_slice %arg2[%dma_start3A_245, %add3A_244] : memref<2x800000xi32, #tpu.memory_space<hbm>> -> memref<1x400xi32, #tpu.memory_space<hbm>>
          %dma_start3A_247 = tpu.memref_squeeze %dma_start3A_246 : memref<1x400xi32, #tpu.memory_space<hbm>> -> memref<400xi32, #tpu.memory_space<hbm>>
          %dma_start3A_248 = tpu.memref_slice %arg2[%dma_start3A_245, %add3A_244] : memref<2x800000xi32, #tpu.memory_space<hbm>> -> memref<1x400xi32, #tpu.memory_space<hbm>>
          %dma_start3A_249 = tpu.memref_squeeze %dma_start3A_248 : memref<1x400xi32, #tpu.memory_space<hbm>> -> memref<400xi32, #tpu.memory_space<hbm>>
          tpu.enqueue_dma source(%dma_start3A_249 : memref<400xi32, #tpu.memory_space<hbm>>) target(%arg12 : memref<400xi32, #tpu.memory_space<vmem>>) target_semaphore(%arg21 : memref<!tpu.dma_semaphore, #tpu.memory_space<semaphore_mem>>)
          %dma_start3A_250 = arith.constant 1 : i32
          %dma_start3A_251 = tpu.memref_slice %arg2[%dma_start3A_250, %add3A_244] : memref<2x800000xi32, #tpu.memory_space<hbm>> -> memref<1x400xi32, #tpu.memory_space<hbm>>
          %dma_start3A_252 = tpu.memref_squeeze %dma_start3A_251 : memref<1x400xi32, #tpu.memory_space<hbm>> -> memref<400xi32, #tpu.memory_space<hbm>>
          %dma_start3A_253 = tpu.memref_slice %arg2[%dma_start3A_250, %add3A_244] : memref<2x800000xi32, #tpu.memory_space<hbm>> -> memref<1x400xi32, #tpu.memory_space<hbm>>
          %dma_start3A_254 = tpu.memref_squeeze %dma_start3A_253 : memref<1x400xi32, #tpu.memory_space<hbm>> -> memref<400xi32, #tpu.memory_space<hbm>>
          tpu.enqueue_dma source(%dma_start3A_254 : memref<400xi32, #tpu.memory_space<hbm>>) target(%arg13 : memref<400xi32, #tpu.memory_space<vmem>>) target_semaphore(%arg21 : memref<!tpu.dma_semaphore, #tpu.memory_space<semaphore_mem>>)
        } else {
        }
        %add3A_208 = arith.constant 4 : i32
        %add3A_209 = arith.addi %mul3A_87, %add3A_208 : i32
        %mul3A_210 = arith.constant 50000 : i32
        %mul3A_211 = arith.muli %arg1, %mul3A_210 : i32
        %mul3A_212 = arith.constant 400 : i32
        %mul3A_213 = arith.muli %add3A_209, %mul3A_212 : i32
        %add3A_214 = arith.addi %mul3A_211, %mul3A_213 : i32
        %dma_wait3A_215 = arith.constant 0 : i32
        %dma_wait3A_216 = tpu.memref_slice %arg2[%dma_wait3A_215, %add3A_214] : memref<2x800000xi32, #tpu.memory_space<hbm>> -> memref<1x400xi32, #tpu.memory_space<hbm>>
        %dma_wait3A_217 = tpu.memref_squeeze %dma_wait3A_216 : memref<1x400xi32, #tpu.memory_space<hbm>> -> memref<400xi32, #tpu.memory_space<hbm>>
        %dma_wait3A_218 = tpu.memref_slice %arg2[%dma_wait3A_215, %add3A_214] : memref<2x800000xi32, #tpu.memory_space<hbm>> -> memref<1x400xi32, #tpu.memory_space<hbm>>
        %dma_wait3A_219 = tpu.memref_squeeze %dma_wait3A_218 : memref<1x400xi32, #tpu.memory_space<hbm>> -> memref<400xi32, #tpu.memory_space<hbm>>
        tpu.wait_dma2 semaphore(%arg19 : memref<!tpu.dma_semaphore, #tpu.memory_space<semaphore_mem>>) src(%dma_wait3A_219 : memref<400xi32, #tpu.memory_space<hbm>>) dst(%arg8 : memref<400xi32, #tpu.memory_space<vmem>>)
        %dma_wait3A_220 = arith.constant 1 : i32
        %dma_wait3A_221 = tpu.memref_slice %arg2[%dma_wait3A_220, %add3A_214] : memref<2x800000xi32, #tpu.memory_space<hbm>> -> memref<1x400xi32, #tpu.memory_space<hbm>>
        %dma_wait3A_222 = tpu.memref_squeeze %dma_wait3A_221 : memref<1x400xi32, #tpu.memory_space<hbm>> -> memref<400xi32, #tpu.memory_space<hbm>>
        %dma_wait3A_223 = tpu.memref_slice %arg2[%dma_wait3A_220, %add3A_214] : memref<2x800000xi32, #tpu.memory_space<hbm>> -> memref<1x400xi32, #tpu.memory_space<hbm>>
        %dma_wait3A_224 = tpu.memref_squeeze %dma_wait3A_223 : memref<1x400xi32, #tpu.memory_space<hbm>> -> memref<400xi32, #tpu.memory_space<hbm>>
        tpu.wait_dma2 semaphore(%arg19 : memref<!tpu.dma_semaphore, #tpu.memory_space<semaphore_mem>>) src(%dma_wait3A_224 : memref<400xi32, #tpu.memory_space<hbm>>) dst(%arg9 : memref<400xi32, #tpu.memory_space<vmem>>)
        %dma_start3A_225 = arith.constant 0 : i32
        %dma_start3A_226 = arith.constant 0 : i32
        %dma_start3A_227 = tpu.memref_slice %arg4[%dma_start3A_225, %dma_start3A_226] : memref<50176x32xf32, #tpu.memory_space<hbm>> -> memref<50176x32xf32, #tpu.memory_space<hbm>>
        tpu.enqueue_indirect_dma source(%dma_start3A_227 : memref<50176x32xf32, #tpu.memory_space<hbm>>) target(%arg16 : memref<400x32xf32, #tpu.memory_space<vmem>>) offsets(%arg8 : memref<400xi32, #tpu.memory_space<vmem>>) semaphore(%arg23 : memref<!tpu.dma_semaphore, #tpu.memory_space<semaphore_mem>>)
        %add3A_228 = arith.constant 3 : i32
        %add3A_229 = arith.addi %mul3A_87, %add3A_228 : i32
        %dma_wait3A_230 = arith.constant 0 : i32
        %dma_wait3A_231 = arith.constant 0 : i32
        %dma_wait3A_232 = tpu.memref_slice %arg4[%dma_wait3A_230, %dma_wait3A_231] : memref<50176x32xf32, #tpu.memory_space<hbm>> -> memref<50176x32xf32, #tpu.memory_space<hbm>>
        tpu.wait_indirect_dma semaphore(%arg24 : memref<!tpu.dma_semaphore, #tpu.memory_space<semaphore_mem>>) src(%dma_wait3A_232 : memref<50176x32xf32, #tpu.memory_space<hbm>>) dst(%arg17 : memref<400x32xf32, #tpu.memory_space<vmem>>)
        "tpu.region"() ({
          %run_scoped3A = tpu.sem_alloc : memref<!tpu.dma_semaphore, #tpu.memory_space<semaphore_mem>>
          %dma_start3A_240 = arith.constant 0 : i32
          %dma_start3A_241 = arith.constant 0 : i32
          %dma_start3A_242 = tpu.memref_slice %arg18[%dma_start3A_240, %dma_start3A_241] : memref<50176x32xf32, #tpu.memory_space<vmem_shared>> -> memref<50176x32xf32, #tpu.memory_space<vmem_shared>>
          tpu.enqueue_indirect_dma source(%arg17 : memref<400x32xf32, #tpu.memory_space<vmem>>) target(%dma_start3A_242 : memref<50176x32xf32, #tpu.memory_space<vmem_shared>>) offsets(%arg15 : memref<400xi32, #tpu.memory_space<vmem>>) semaphore(%run_scoped3A : memref<!tpu.dma_semaphore, #tpu.memory_space<semaphore_mem>>) {add = true}
          %dma_wait3A_243 = arith.constant 0 : i32
          %dma_wait3A_244 = arith.constant 0 : i32
          %dma_wait3A_245 = tpu.memref_slice %arg18[%dma_wait3A_243, %dma_wait3A_244] : memref<50176x32xf32, #tpu.memory_space<vmem_shared>> -> memref<50176x32xf32, #tpu.memory_space<vmem_shared>>
          tpu.wait_indirect_dma semaphore(%run_scoped3A : memref<!tpu.dma_semaphore, #tpu.memory_space<semaphore_mem>>) src(%arg17 : memref<400x32xf32, #tpu.memory_space<vmem>>) dst(%dma_wait3A_245 : memref<50176x32xf32, #tpu.memory_space<vmem_shared>>)
          tpu.yield
        }) : () -> ()
        %add3A_233 = arith.constant 7 : i32
        %add3A_234 = arith.addi %mul3A_87, %add3A_233 : i32
        %lt3A_235 = arith.constant 125 : i32
        %lt3A_236 = arith.cmpi slt, %add3A_234, %lt3A_235 : i32
        %convert_element_type3A_237 = arith.extui %lt3A_236 : i1 to i32
        %cond3A_238 = arith.constant 0 : i32
        %cond3A_239 = arith.cmpi ne, %convert_element_type3A_237, %cond3A_238 : i32
        scf.if %cond3A_239 {
          %mul3A_240 = arith.constant 50000 : i32
          %mul3A_241 = arith.muli %arg1, %mul3A_240 : i32
          %mul3A_242 = arith.constant 400 : i32
          %mul3A_243 = arith.muli %add3A_234, %mul3A_242 : i32
          %add3A_244 = arith.addi %mul3A_241, %mul3A_243 : i32
          %dma_start3A_245 = arith.constant 0 : i32
          %dma_start3A_246 = tpu.memref_slice %arg2[%dma_start3A_245, %add3A_244] : memref<2x800000xi32, #tpu.memory_space<hbm>> -> memref<1x400xi32, #tpu.memory_space<hbm>>
          %dma_start3A_247 = tpu.memref_squeeze %dma_start3A_246 : memref<1x400xi32, #tpu.memory_space<hbm>> -> memref<400xi32, #tpu.memory_space<hbm>>
          %dma_start3A_248 = tpu.memref_slice %arg2[%dma_start3A_245, %add3A_244] : memref<2x800000xi32, #tpu.memory_space<hbm>> -> memref<1x400xi32, #tpu.memory_space<hbm>>
          %dma_start3A_249 = tpu.memref_squeeze %dma_start3A_248 : memref<1x400xi32, #tpu.memory_space<hbm>> -> memref<400xi32, #tpu.memory_space<hbm>>
          tpu.enqueue_dma source(%dma_start3A_249 : memref<400xi32, #tpu.memory_space<hbm>>) target(%arg14 : memref<400xi32, #tpu.memory_space<vmem>>) target_semaphore(%arg22 : memref<!tpu.dma_semaphore, #tpu.memory_space<semaphore_mem>>)
          %dma_start3A_250 = arith.constant 1 : i32
          %dma_start3A_251 = tpu.memref_slice %arg2[%dma_start3A_250, %add3A_244] : memref<2x800000xi32, #tpu.memory_space<hbm>> -> memref<1x400xi32, #tpu.memory_space<hbm>>
          %dma_start3A_252 = tpu.memref_squeeze %dma_start3A_251 : memref<1x400xi32, #tpu.memory_space<hbm>> -> memref<400xi32, #tpu.memory_space<hbm>>
          %dma_start3A_253 = tpu.memref_slice %arg2[%dma_start3A_250, %add3A_244] : memref<2x800000xi32, #tpu.memory_space<hbm>> -> memref<1x400xi32, #tpu.memory_space<hbm>>
          %dma_start3A_254 = tpu.memref_squeeze %dma_start3A_253 : memref<1x400xi32, #tpu.memory_space<hbm>> -> memref<400xi32, #tpu.memory_space<hbm>>
          tpu.enqueue_dma source(%dma_start3A_254 : memref<400xi32, #tpu.memory_space<hbm>>) target(%arg15 : memref<400xi32, #tpu.memory_space<vmem>>) target_semaphore(%arg22 : memref<!tpu.dma_semaphore, #tpu.memory_space<semaphore_mem>>)
        } else {
        }
      }
      %scan3A_81 = arith.constant 31 : i32
      %dma_wait3A_82 = arith.constant 0 : i32
      %dma_wait3A_83 = arith.constant 0 : i32
      %dma_wait3A_84 = tpu.memref_slice %arg4[%dma_wait3A_82, %dma_wait3A_83] : memref<50176x32xf32, #tpu.memory_space<hbm>> -> memref<50176x32xf32, #tpu.memory_space<hbm>>
      tpu.wait_indirect_dma semaphore(%arg23 : memref<!tpu.dma_semaphore, #tpu.memory_space<semaphore_mem>>) src(%dma_wait3A_84 : memref<50176x32xf32, #tpu.memory_space<hbm>>) dst(%arg16 : memref<400x32xf32, #tpu.memory_space<vmem>>)
      "tpu.region"() ({
        %run_scoped3A = tpu.sem_alloc : memref<!tpu.dma_semaphore, #tpu.memory_space<semaphore_mem>>
        %dma_start3A_85 = arith.constant 0 : i32
        %dma_start3A_86 = arith.constant 0 : i32
        %dma_start3A_87 = tpu.memref_slice %arg18[%dma_start3A_85, %dma_start3A_86] : memref<50176x32xf32, #tpu.memory_space<vmem_shared>> -> memref<50176x32xf32, #tpu.memory_space<vmem_shared>>
        tpu.enqueue_indirect_dma source(%arg16 : memref<400x32xf32, #tpu.memory_space<vmem>>) target(%dma_start3A_87 : memref<50176x32xf32, #tpu.memory_space<vmem_shared>>) offsets(%arg9 : memref<400xi32, #tpu.memory_space<vmem>>) semaphore(%run_scoped3A : memref<!tpu.dma_semaphore, #tpu.memory_space<semaphore_mem>>) {add = true}
        %dma_wait3A_88 = arith.constant 0 : i32
        %dma_wait3A_89 = arith.constant 0 : i32
        %dma_wait3A_90 = tpu.memref_slice %arg18[%dma_wait3A_88, %dma_wait3A_89] : memref<50176x32xf32, #tpu.memory_space<vmem_shared>> -> memref<50176x32xf32, #tpu.memory_space<vmem_shared>>
        tpu.wait_indirect_dma semaphore(%run_scoped3A : memref<!tpu.dma_semaphore, #tpu.memory_space<semaphore_mem>>) src(%arg16 : memref<400x32xf32, #tpu.memory_space<vmem>>) dst(%dma_wait3A_90 : memref<50176x32xf32, #tpu.memory_space<vmem_shared>>)
        tpu.yield
      }) : () -> ()
    } else {
    }
    %barrier3A_8 = arith.constant 0 : index
    tpu.barrier barrier_id(%barrier3A_8)
    %mul3A_9 = arith.constant 3136 : i32
    %mul3A_10 = arith.muli %arg1, %mul3A_9 : i32
    %eq3A_11 = arith.constant 0 : i32
    %eq3A_12 = arith.cmpi eq, %arg0, %eq3A_11 : i32
    %convert_element_type3A_13 = arith.extui %eq3A_12 : i1 to i32
    %cond3A_14 = arith.constant 0 : i32
    %cond3A_15 = arith.cmpi ne, %convert_element_type3A_13, %cond3A_14 : i32
    scf.if %cond3A_15 {
      "tpu.region"() ({
        %run_scoped3A = tpu.sem_alloc : memref<!tpu.dma_semaphore, #tpu.memory_space<semaphore_mem>>
        %dma_start3A = arith.constant 0 : i32
        %dma_start3A_21 = tpu.memref_slice %arg6[%mul3A_10, %dma_start3A] : memref<50176x32xf32, #tpu.memory_space<hbm>> -> memref<3136x32xf32, #tpu.memory_space<hbm>>
        %dma_start3A_22 = arith.constant 0 : i32
        %dma_start3A_23 = tpu.memref_slice %arg18[%mul3A_10, %dma_start3A_22] : memref<50176x32xf32, #tpu.memory_space<vmem_shared>> -> memref<3136x32xf32, #tpu.memory_space<vmem_shared>>
        tpu.enqueue_dma source(%dma_start3A_23 : memref<3136x32xf32, #tpu.memory_space<vmem_shared>>) target(%dma_start3A_21 : memref<3136x32xf32, #tpu.memory_space<hbm>>) target_semaphore(%run_scoped3A : memref<!tpu.dma_semaphore, #tpu.memory_space<semaphore_mem>>)
        %dma_wait3A = arith.constant 0 : i32
        %dma_wait3A_24 = tpu.memref_slice %arg6[%mul3A_10, %dma_wait3A] : memref<50176x32xf32, #tpu.memory_space<hbm>> -> memref<3136x32xf32, #tpu.memory_space<hbm>>
        %dma_wait3A_25 = arith.constant 0 : i32
        %dma_wait3A_26 = tpu.memref_slice %arg18[%mul3A_10, %dma_wait3A_25] : memref<50176x32xf32, #tpu.memory_space<vmem_shared>> -> memref<3136x32xf32, #tpu.memory_space<vmem_shared>>
        tpu.wait_dma2 semaphore(%run_scoped3A : memref<!tpu.dma_semaphore, #tpu.memory_space<semaphore_mem>>) src(%dma_wait3A_26 : memref<3136x32xf32, #tpu.memory_space<vmem_shared>>) dst(%dma_wait3A_24 : memref<3136x32xf32, #tpu.memory_space<hbm>>)
        tpu.yield
      }) : () -> ()
    } else {
    }
    %eq3A_16 = arith.constant 1 : i32
    %eq3A_17 = arith.cmpi eq, %arg0, %eq3A_16 : i32
    %convert_element_type3A_18 = arith.extui %eq3A_17 : i1 to i32
    %cond3A_19 = arith.constant 0 : i32
    %cond3A_20 = arith.cmpi ne, %convert_element_type3A_18, %cond3A_19 : i32
    scf.if %cond3A_20 {
      "tpu.region"() ({
        %run_scoped3A = tpu.sem_alloc : memref<!tpu.dma_semaphore, #tpu.memory_space<semaphore_mem>>
        %dma_start3A = arith.constant 0 : i32
        %dma_start3A_21 = tpu.memref_slice %arg7[%mul3A_10, %dma_start3A] : memref<50176x32xf32, #tpu.memory_space<hbm>> -> memref<3136x32xf32, #tpu.memory_space<hbm>>
        %dma_start3A_22 = arith.constant 0 : i32
        %dma_start3A_23 = tpu.memref_slice %arg18[%mul3A_10, %dma_start3A_22] : memref<50176x32xf32, #tpu.memory_space<vmem_shared>> -> memref<3136x32xf32, #tpu.memory_space<vmem_shared>>
        tpu.enqueue_dma source(%dma_start3A_23 : memref<3136x32xf32, #tpu.memory_space<vmem_shared>>) target(%dma_start3A_21 : memref<3136x32xf32, #tpu.memory_space<hbm>>) target_semaphore(%run_scoped3A : memref<!tpu.dma_semaphore, #tpu.memory_space<semaphore_mem>>)
        %dma_wait3A = arith.constant 0 : i32
        %dma_wait3A_24 = tpu.memref_slice %arg7[%mul3A_10, %dma_wait3A] : memref<50176x32xf32, #tpu.memory_space<hbm>> -> memref<3136x32xf32, #tpu.memory_space<hbm>>
        %dma_wait3A_25 = arith.constant 0 : i32
        %dma_wait3A_26 = tpu.memref_slice %arg18[%mul3A_10, %dma_wait3A_25] : memref<50176x32xf32, #tpu.memory_space<vmem_shared>> -> memref<3136x32xf32, #tpu.memory_space<vmem_shared>>
        tpu.wait_dma2 semaphore(%run_scoped3A : memref<!tpu.dma_semaphore, #tpu.memory_space<semaphore_mem>>) src(%dma_wait3A_26 : memref<3136x32xf32, #tpu.memory_space<vmem_shared>>) dst(%dma_wait3A_24 : memref<3136x32xf32, #tpu.memory_space<hbm>>)
        tpu.yield
      }) : () -> ()
    } else {
    }
    return
  }
}

#map = affine_map<(d0, d1) -> (0, 0)>
#map1 = affine_map<(d0, d1) -> (0)>
module attributes {stable_mosaic.version = 14 : i64} {
  func.func @_pool_kernel(%arg0: i32, %arg1: i32, %arg2: memref<50176x32xf32, #tpu.memory_space<hbm>>, %arg3: memref<50176x32xf32, #tpu.memory_space<hbm>>, %arg4: memref<50176xi32, #tpu.memory_space<hbm>>, %arg5: memref<3136x32xf32, #tpu.memory_space<hbm>>, %arg6: memref<784x32xf32, #tpu.memory_space<hbm>>, %arg7: memref<512x32xf32, #tpu.memory_space<hbm>>, %arg8: memref<512x32xf32, #tpu.memory_space<hbm>>, %arg9: memref<512x32xf32, #tpu.memory_space<hbm>>, %arg10: memref<784xi32, #tpu.memory_space<vmem>>, %arg11: memref<784x32xf32, #tpu.memory_space<vmem>>, %arg12: memref<784x32xf32, #tpu.memory_space<vmem>>, %arg13: memref<520x32xf32, #tpu.memory_space<vmem_shared>>, %arg14: memref<520x32xf32, #tpu.memory_space<vmem_shared>>) attributes {dimension_semantics = [#tpu.dimension_semantics<core_parallel>, #tpu.dimension_semantics<subcore_parallel>], iteration_bounds = array<i64: 2, 16>, scalar_prefetch = 0 : i64, scratch_operands = 5 : i64, tpu.core_type = #tpu.core_type<sc_vector_subcore>, window_params = [{transform_indices = #map}, {transform_indices = #map}, {transform_indices = #map1}, {transform_indices = #map}, {transform_indices = #map}, {transform_indices = #map}, {transform_indices = #map}, {transform_indices = #map}]} {
    %eq3A = arith.constant 0 : i32
    %eq3A_0 = arith.cmpi eq, %arg1, %eq3A : i32
    %convert_element_type3A = arith.extui %eq3A_0 : i1 to i32
    %cond3A = arith.constant 0 : i32
    %cond3A_1 = arith.cmpi ne, %convert_element_type3A, %cond3A : i32
    scf.if %cond3A_1 {
      "tpu.region"() ({
        %run_scoped3A = tpu.sem_alloc : memref<!tpu.dma_semaphore, #tpu.memory_space<semaphore_mem>>
        %dma_start3A = arith.constant 0 : i32
        %dma_start3A_18 = arith.constant 0 : i32
        %dma_start3A_19 = tpu.memref_slice %arg5[%dma_start3A, %dma_start3A_18] : memref<3136x32xf32, #tpu.memory_space<hbm>> -> memref<520x32xf32, #tpu.memory_space<hbm>>
        tpu.enqueue_dma source(%dma_start3A_19 : memref<520x32xf32, #tpu.memory_space<hbm>>) target(%arg13 : memref<520x32xf32, #tpu.memory_space<vmem_shared>>) target_semaphore(%run_scoped3A : memref<!tpu.dma_semaphore, #tpu.memory_space<semaphore_mem>>)
        %dma_wait3A = arith.constant 0 : i32
        %dma_wait3A_20 = arith.constant 0 : i32
        %dma_wait3A_21 = tpu.memref_slice %arg5[%dma_wait3A, %dma_wait3A_20] : memref<3136x32xf32, #tpu.memory_space<hbm>> -> memref<520x32xf32, #tpu.memory_space<hbm>>
        tpu.wait_dma2 semaphore(%run_scoped3A : memref<!tpu.dma_semaphore, #tpu.memory_space<semaphore_mem>>) src(%dma_wait3A_21 : memref<520x32xf32, #tpu.memory_space<hbm>>) dst(%arg13 : memref<520x32xf32, #tpu.memory_space<vmem_shared>>)
        tpu.yield
      }) : () -> ()
      "tpu.region"() ({
        %run_scoped3A = tpu.sem_alloc : memref<!tpu.dma_semaphore, #tpu.memory_space<semaphore_mem>>
        %dma_start3A = arith.constant 0 : i32
        %dma_start3A_18 = arith.constant 0 : i32
        %dma_start3A_19 = tpu.memref_slice %arg5[%dma_start3A, %dma_start3A_18] : memref<3136x32xf32, #tpu.memory_space<hbm>> -> memref<520x32xf32, #tpu.memory_space<hbm>>
        tpu.enqueue_dma source(%dma_start3A_19 : memref<520x32xf32, #tpu.memory_space<hbm>>) target(%arg14 : memref<520x32xf32, #tpu.memory_space<vmem_shared>>) target_semaphore(%run_scoped3A : memref<!tpu.dma_semaphore, #tpu.memory_space<semaphore_mem>>)
        %dma_wait3A = arith.constant 0 : i32
        %dma_wait3A_20 = arith.constant 0 : i32
        %dma_wait3A_21 = tpu.memref_slice %arg5[%dma_wait3A, %dma_wait3A_20] : memref<3136x32xf32, #tpu.memory_space<hbm>> -> memref<520x32xf32, #tpu.memory_space<hbm>>
        tpu.wait_dma2 semaphore(%run_scoped3A : memref<!tpu.dma_semaphore, #tpu.memory_space<semaphore_mem>>) src(%dma_wait3A_21 : memref<520x32xf32, #tpu.memory_space<hbm>>) dst(%arg14 : memref<520x32xf32, #tpu.memory_space<vmem_shared>>)
        tpu.yield
      }) : () -> ()
    } else {
    }
    "tpu.region"() ({
      %run_scoped3A = tpu.sem_alloc : memref<!tpu.dma_semaphore, #tpu.memory_space<semaphore_mem>>
      tpu.enqueue_dma source(%arg6 : memref<784x32xf32, #tpu.memory_space<hbm>>) target(%arg12 : memref<784x32xf32, #tpu.memory_space<vmem>>) target_semaphore(%run_scoped3A : memref<!tpu.dma_semaphore, #tpu.memory_space<semaphore_mem>>)
      tpu.wait_dma2 semaphore(%run_scoped3A : memref<!tpu.dma_semaphore, #tpu.memory_space<semaphore_mem>>) src(%arg6 : memref<784x32xf32, #tpu.memory_space<hbm>>) dst(%arg12 : memref<784x32xf32, #tpu.memory_space<vmem>>)
      tpu.yield
    }) : () -> ()
    %barrier3A = arith.constant 0 : index
    tpu.barrier barrier_id(%barrier3A)
    %eq3A_2 = arith.constant 0 : i32
    %eq3A_3 = arith.cmpi eq, %arg0, %eq3A_2 : i32
    %convert_element_type3A_4 = arith.extui %eq3A_3 : i1 to i32
    %cond3A_5 = arith.constant 0 : i32
    %cond3A_6 = arith.cmpi ne, %convert_element_type3A_4, %cond3A_5 : i32
    scf.if %cond3A_6 {
      %scan3A = arith.constant 0 : i32
      %scan3A_18 = arith.constant 0 : i32
      %scan3A_19 = arith.constant 4 : i32
      %scan3A_20 = arith.addi %scan3A_18, %scan3A_19 : i32
      %scan3A_21 = arith.constant 1 : i32
      scf.for %scan3A_23 = %scan3A_18 to %scan3A_20 step %scan3A_21  : i32 {
        %mul3A = arith.constant 3136 : i32
        %mul3A_24 = arith.muli %arg1, %mul3A : i32
        %mul3A_25 = arith.constant 784 : i32
        %mul3A_26 = arith.muli %scan3A_23, %mul3A_25 : i32
        %add3A = arith.addi %mul3A_24, %mul3A_26 : i32
        "tpu.region"() ({
          %run_scoped3A = tpu.sem_alloc : memref<!tpu.dma_semaphore, #tpu.memory_space<semaphore_mem>>
          %dma_start3A = tpu.memref_slice %arg4[%add3A] : memref<50176xi32, #tpu.memory_space<hbm>> -> memref<784xi32, #tpu.memory_space<hbm>>
          %dma_start3A_27 = tpu.memref_slice %arg4[%add3A] : memref<50176xi32, #tpu.memory_space<hbm>> -> memref<784xi32, #tpu.memory_space<hbm>>
          tpu.enqueue_dma source(%dma_start3A_27 : memref<784xi32, #tpu.memory_space<hbm>>) target(%arg10 : memref<784xi32, #tpu.memory_space<vmem>>) target_semaphore(%run_scoped3A : memref<!tpu.dma_semaphore, #tpu.memory_space<semaphore_mem>>)
          %dma_wait3A = tpu.memref_slice %arg4[%add3A] : memref<50176xi32, #tpu.memory_space<hbm>> -> memref<784xi32, #tpu.memory_space<hbm>>
          %dma_wait3A_28 = tpu.memref_slice %arg4[%add3A] : memref<50176xi32, #tpu.memory_space<hbm>> -> memref<784xi32, #tpu.memory_space<hbm>>
          tpu.wait_dma2 semaphore(%run_scoped3A : memref<!tpu.dma_semaphore, #tpu.memory_space<semaphore_mem>>) src(%dma_wait3A_28 : memref<784xi32, #tpu.memory_space<hbm>>) dst(%arg10 : memref<784xi32, #tpu.memory_space<vmem>>)
          tpu.yield
        }) : () -> ()
        "tpu.region"() ({
          %run_scoped3A = tpu.sem_alloc : memref<!tpu.dma_semaphore, #tpu.memory_space<semaphore_mem>>
          %dma_start3A = arith.constant 0 : i32
          %dma_start3A_27 = tpu.memref_slice %arg2[%add3A, %dma_start3A] : memref<50176x32xf32, #tpu.memory_space<hbm>> -> memref<784x32xf32, #tpu.memory_space<hbm>>
          %dma_start3A_28 = arith.constant 0 : i32
          %dma_start3A_29 = tpu.memref_slice %arg2[%add3A, %dma_start3A_28] : memref<50176x32xf32, #tpu.memory_space<hbm>> -> memref<784x32xf32, #tpu.memory_space<hbm>>
          tpu.enqueue_dma source(%dma_start3A_29 : memref<784x32xf32, #tpu.memory_space<hbm>>) target(%arg11 : memref<784x32xf32, #tpu.memory_space<vmem>>) target_semaphore(%run_scoped3A : memref<!tpu.dma_semaphore, #tpu.memory_space<semaphore_mem>>)
          %dma_wait3A = arith.constant 0 : i32
          %dma_wait3A_30 = tpu.memref_slice %arg2[%add3A, %dma_wait3A] : memref<50176x32xf32, #tpu.memory_space<hbm>> -> memref<784x32xf32, #tpu.memory_space<hbm>>
          %dma_wait3A_31 = arith.constant 0 : i32
          %dma_wait3A_32 = tpu.memref_slice %arg2[%add3A, %dma_wait3A_31] : memref<50176x32xf32, #tpu.memory_space<hbm>> -> memref<784x32xf32, #tpu.memory_space<hbm>>
          tpu.wait_dma2 semaphore(%run_scoped3A : memref<!tpu.dma_semaphore, #tpu.memory_space<semaphore_mem>>) src(%dma_wait3A_32 : memref<784x32xf32, #tpu.memory_space<hbm>>) dst(%arg11 : memref<784x32xf32, #tpu.memory_space<vmem>>)
          tpu.yield
        }) : () -> ()
        "tpu.region"() ({
          %run_scoped3A = tpu.sem_alloc : memref<!tpu.dma_semaphore, #tpu.memory_space<semaphore_mem>>
          %dma_start3A = arith.constant 0 : i32
          %dma_start3A_27 = arith.constant 0 : i32
          %dma_start3A_28 = tpu.memref_slice %arg13[%dma_start3A, %dma_start3A_27] : memref<520x32xf32, #tpu.memory_space<vmem_shared>> -> memref<520x32xf32, #tpu.memory_space<vmem_shared>>
          tpu.enqueue_indirect_dma source(%arg11 : memref<784x32xf32, #tpu.memory_space<vmem>>) target(%dma_start3A_28 : memref<520x32xf32, #tpu.memory_space<vmem_shared>>) offsets(%arg10 : memref<784xi32, #tpu.memory_space<vmem>>) semaphore(%run_scoped3A : memref<!tpu.dma_semaphore, #tpu.memory_space<semaphore_mem>>) {add = true}
          %dma_wait3A = arith.constant 0 : i32
          %dma_wait3A_29 = arith.constant 0 : i32
          %dma_wait3A_30 = tpu.memref_slice %arg13[%dma_wait3A, %dma_wait3A_29] : memref<520x32xf32, #tpu.memory_space<vmem_shared>> -> memref<520x32xf32, #tpu.memory_space<vmem_shared>>
          tpu.wait_indirect_dma semaphore(%run_scoped3A : memref<!tpu.dma_semaphore, #tpu.memory_space<semaphore_mem>>) src(%arg11 : memref<784x32xf32, #tpu.memory_space<vmem>>) dst(%dma_wait3A_30 : memref<520x32xf32, #tpu.memory_space<vmem_shared>>)
          tpu.yield
        }) : () -> ()
        "tpu.region"() ({
          %run_scoped3A = tpu.sem_alloc : memref<!tpu.dma_semaphore, #tpu.memory_space<semaphore_mem>>
          %dma_start3A = arith.constant 0 : i32
          %dma_start3A_27 = arith.constant 0 : i32
          %dma_start3A_28 = tpu.memref_slice %arg14[%dma_start3A, %dma_start3A_27] : memref<520x32xf32, #tpu.memory_space<vmem_shared>> -> memref<520x32xf32, #tpu.memory_space<vmem_shared>>
          tpu.enqueue_indirect_dma source(%arg12 : memref<784x32xf32, #tpu.memory_space<vmem>>) target(%dma_start3A_28 : memref<520x32xf32, #tpu.memory_space<vmem_shared>>) offsets(%arg10 : memref<784xi32, #tpu.memory_space<vmem>>) semaphore(%run_scoped3A : memref<!tpu.dma_semaphore, #tpu.memory_space<semaphore_mem>>) {add = true}
          %dma_wait3A = arith.constant 0 : i32
          %dma_wait3A_29 = arith.constant 0 : i32
          %dma_wait3A_30 = tpu.memref_slice %arg14[%dma_wait3A, %dma_wait3A_29] : memref<520x32xf32, #tpu.memory_space<vmem_shared>> -> memref<520x32xf32, #tpu.memory_space<vmem_shared>>
          tpu.wait_indirect_dma semaphore(%run_scoped3A : memref<!tpu.dma_semaphore, #tpu.memory_space<semaphore_mem>>) src(%arg12 : memref<784x32xf32, #tpu.memory_space<vmem>>) dst(%dma_wait3A_30 : memref<520x32xf32, #tpu.memory_space<vmem_shared>>)
          tpu.yield
        }) : () -> ()
      }
      %scan3A_22 = arith.constant 4 : i32
    } else {
    }
    %eq3A_7 = arith.constant 1 : i32
    %eq3A_8 = arith.cmpi eq, %arg0, %eq3A_7 : i32
    %convert_element_type3A_9 = arith.extui %eq3A_8 : i1 to i32
    %cond3A_10 = arith.constant 0 : i32
    %cond3A_11 = arith.cmpi ne, %convert_element_type3A_9, %cond3A_10 : i32
    scf.if %cond3A_11 {
      %scan3A = arith.constant 0 : i32
      %scan3A_18 = arith.constant 0 : i32
      %scan3A_19 = arith.constant 4 : i32
      %scan3A_20 = arith.addi %scan3A_18, %scan3A_19 : i32
      %scan3A_21 = arith.constant 1 : i32
      scf.for %scan3A_23 = %scan3A_18 to %scan3A_20 step %scan3A_21  : i32 {
        %mul3A = arith.constant 3136 : i32
        %mul3A_24 = arith.muli %arg1, %mul3A : i32
        %mul3A_25 = arith.constant 784 : i32
        %mul3A_26 = arith.muli %scan3A_23, %mul3A_25 : i32
        %add3A = arith.addi %mul3A_24, %mul3A_26 : i32
        "tpu.region"() ({
          %run_scoped3A = tpu.sem_alloc : memref<!tpu.dma_semaphore, #tpu.memory_space<semaphore_mem>>
          %dma_start3A = tpu.memref_slice %arg4[%add3A] : memref<50176xi32, #tpu.memory_space<hbm>> -> memref<784xi32, #tpu.memory_space<hbm>>
          %dma_start3A_27 = tpu.memref_slice %arg4[%add3A] : memref<50176xi32, #tpu.memory_space<hbm>> -> memref<784xi32, #tpu.memory_space<hbm>>
          tpu.enqueue_dma source(%dma_start3A_27 : memref<784xi32, #tpu.memory_space<hbm>>) target(%arg10 : memref<784xi32, #tpu.memory_space<vmem>>) target_semaphore(%run_scoped3A : memref<!tpu.dma_semaphore, #tpu.memory_space<semaphore_mem>>)
          %dma_wait3A = tpu.memref_slice %arg4[%add3A] : memref<50176xi32, #tpu.memory_space<hbm>> -> memref<784xi32, #tpu.memory_space<hbm>>
          %dma_wait3A_28 = tpu.memref_slice %arg4[%add3A] : memref<50176xi32, #tpu.memory_space<hbm>> -> memref<784xi32, #tpu.memory_space<hbm>>
          tpu.wait_dma2 semaphore(%run_scoped3A : memref<!tpu.dma_semaphore, #tpu.memory_space<semaphore_mem>>) src(%dma_wait3A_28 : memref<784xi32, #tpu.memory_space<hbm>>) dst(%arg10 : memref<784xi32, #tpu.memory_space<vmem>>)
          tpu.yield
        }) : () -> ()
        "tpu.region"() ({
          %run_scoped3A = tpu.sem_alloc : memref<!tpu.dma_semaphore, #tpu.memory_space<semaphore_mem>>
          %dma_start3A = arith.constant 0 : i32
          %dma_start3A_27 = tpu.memref_slice %arg3[%add3A, %dma_start3A] : memref<50176x32xf32, #tpu.memory_space<hbm>> -> memref<784x32xf32, #tpu.memory_space<hbm>>
          %dma_start3A_28 = arith.constant 0 : i32
          %dma_start3A_29 = tpu.memref_slice %arg3[%add3A, %dma_start3A_28] : memref<50176x32xf32, #tpu.memory_space<hbm>> -> memref<784x32xf32, #tpu.memory_space<hbm>>
          tpu.enqueue_dma source(%dma_start3A_29 : memref<784x32xf32, #tpu.memory_space<hbm>>) target(%arg11 : memref<784x32xf32, #tpu.memory_space<vmem>>) target_semaphore(%run_scoped3A : memref<!tpu.dma_semaphore, #tpu.memory_space<semaphore_mem>>)
          %dma_wait3A = arith.constant 0 : i32
          %dma_wait3A_30 = tpu.memref_slice %arg3[%add3A, %dma_wait3A] : memref<50176x32xf32, #tpu.memory_space<hbm>> -> memref<784x32xf32, #tpu.memory_space<hbm>>
          %dma_wait3A_31 = arith.constant 0 : i32
          %dma_wait3A_32 = tpu.memref_slice %arg3[%add3A, %dma_wait3A_31] : memref<50176x32xf32, #tpu.memory_space<hbm>> -> memref<784x32xf32, #tpu.memory_space<hbm>>
          tpu.wait_dma2 semaphore(%run_scoped3A : memref<!tpu.dma_semaphore, #tpu.memory_space<semaphore_mem>>) src(%dma_wait3A_32 : memref<784x32xf32, #tpu.memory_space<hbm>>) dst(%arg11 : memref<784x32xf32, #tpu.memory_space<vmem>>)
          tpu.yield
        }) : () -> ()
        "tpu.region"() ({
          %run_scoped3A = tpu.sem_alloc : memref<!tpu.dma_semaphore, #tpu.memory_space<semaphore_mem>>
          %dma_start3A = arith.constant 0 : i32
          %dma_start3A_27 = arith.constant 0 : i32
          %dma_start3A_28 = tpu.memref_slice %arg13[%dma_start3A, %dma_start3A_27] : memref<520x32xf32, #tpu.memory_space<vmem_shared>> -> memref<520x32xf32, #tpu.memory_space<vmem_shared>>
          tpu.enqueue_indirect_dma source(%arg11 : memref<784x32xf32, #tpu.memory_space<vmem>>) target(%dma_start3A_28 : memref<520x32xf32, #tpu.memory_space<vmem_shared>>) offsets(%arg10 : memref<784xi32, #tpu.memory_space<vmem>>) semaphore(%run_scoped3A : memref<!tpu.dma_semaphore, #tpu.memory_space<semaphore_mem>>) {add = true}
          %dma_wait3A = arith.constant 0 : i32
          %dma_wait3A_29 = arith.constant 0 : i32
          %dma_wait3A_30 = tpu.memref_slice %arg13[%dma_wait3A, %dma_wait3A_29] : memref<520x32xf32, #tpu.memory_space<vmem_shared>> -> memref<520x32xf32, #tpu.memory_space<vmem_shared>>
          tpu.wait_indirect_dma semaphore(%run_scoped3A : memref<!tpu.dma_semaphore, #tpu.memory_space<semaphore_mem>>) src(%arg11 : memref<784x32xf32, #tpu.memory_space<vmem>>) dst(%dma_wait3A_30 : memref<520x32xf32, #tpu.memory_space<vmem_shared>>)
          tpu.yield
        }) : () -> ()
      }
      %scan3A_22 = arith.constant 4 : i32
    } else {
    }
    %barrier3A_12 = arith.constant 0 : index
    tpu.barrier barrier_id(%barrier3A_12)
    %eq3A_13 = arith.constant 0 : i32
    %eq3A_14 = arith.cmpi eq, %arg1, %eq3A_13 : i32
    %convert_element_type3A_15 = arith.extui %eq3A_14 : i1 to i32
    %cond3A_16 = arith.constant 0 : i32
    %cond3A_17 = arith.cmpi ne, %convert_element_type3A_15, %cond3A_16 : i32
    scf.if %cond3A_17 {
      %eq3A_18 = arith.constant 0 : i32
      %eq3A_19 = arith.cmpi eq, %arg0, %eq3A_18 : i32
      %convert_element_type3A_20 = arith.extui %eq3A_19 : i1 to i32
      %cond3A_21 = arith.constant 0 : i32
      %cond3A_22 = arith.cmpi ne, %convert_element_type3A_20, %cond3A_21 : i32
      scf.if %cond3A_22 {
        "tpu.region"() ({
          %run_scoped3A = tpu.sem_alloc : memref<!tpu.dma_semaphore, #tpu.memory_space<semaphore_mem>>
          %dma_start3A = arith.constant 0 : i32
          %dma_start3A_28 = arith.constant 0 : i32
          %dma_start3A_29 = tpu.memref_slice %arg13[%dma_start3A, %dma_start3A_28] : memref<520x32xf32, #tpu.memory_space<vmem_shared>> -> memref<512x32xf32, #tpu.memory_space<vmem_shared>>
          tpu.enqueue_dma source(%dma_start3A_29 : memref<512x32xf32, #tpu.memory_space<vmem_shared>>) target(%arg7 : memref<512x32xf32, #tpu.memory_space<hbm>>) target_semaphore(%run_scoped3A : memref<!tpu.dma_semaphore, #tpu.memory_space<semaphore_mem>>)
          %dma_wait3A = arith.constant 0 : i32
          %dma_wait3A_30 = arith.constant 0 : i32
          %dma_wait3A_31 = tpu.memref_slice %arg13[%dma_wait3A, %dma_wait3A_30] : memref<520x32xf32, #tpu.memory_space<vmem_shared>> -> memref<512x32xf32, #tpu.memory_space<vmem_shared>>
          tpu.wait_dma2 semaphore(%run_scoped3A : memref<!tpu.dma_semaphore, #tpu.memory_space<semaphore_mem>>) src(%dma_wait3A_31 : memref<512x32xf32, #tpu.memory_space<vmem_shared>>) dst(%arg7 : memref<512x32xf32, #tpu.memory_space<hbm>>)
          tpu.yield
        }) : () -> ()
        "tpu.region"() ({
          %run_scoped3A = tpu.sem_alloc : memref<!tpu.dma_semaphore, #tpu.memory_space<semaphore_mem>>
          %dma_start3A = arith.constant 0 : i32
          %dma_start3A_28 = arith.constant 0 : i32
          %dma_start3A_29 = tpu.memref_slice %arg14[%dma_start3A, %dma_start3A_28] : memref<520x32xf32, #tpu.memory_space<vmem_shared>> -> memref<512x32xf32, #tpu.memory_space<vmem_shared>>
          tpu.enqueue_dma source(%dma_start3A_29 : memref<512x32xf32, #tpu.memory_space<vmem_shared>>) target(%arg9 : memref<512x32xf32, #tpu.memory_space<hbm>>) target_semaphore(%run_scoped3A : memref<!tpu.dma_semaphore, #tpu.memory_space<semaphore_mem>>)
          %dma_wait3A = arith.constant 0 : i32
          %dma_wait3A_30 = arith.constant 0 : i32
          %dma_wait3A_31 = tpu.memref_slice %arg14[%dma_wait3A, %dma_wait3A_30] : memref<520x32xf32, #tpu.memory_space<vmem_shared>> -> memref<512x32xf32, #tpu.memory_space<vmem_shared>>
          tpu.wait_dma2 semaphore(%run_scoped3A : memref<!tpu.dma_semaphore, #tpu.memory_space<semaphore_mem>>) src(%dma_wait3A_31 : memref<512x32xf32, #tpu.memory_space<vmem_shared>>) dst(%arg9 : memref<512x32xf32, #tpu.memory_space<hbm>>)
          tpu.yield
        }) : () -> ()
      } else {
      }
      %eq3A_23 = arith.constant 1 : i32
      %eq3A_24 = arith.cmpi eq, %arg0, %eq3A_23 : i32
      %convert_element_type3A_25 = arith.extui %eq3A_24 : i1 to i32
      %cond3A_26 = arith.constant 0 : i32
      %cond3A_27 = arith.cmpi ne, %convert_element_type3A_25, %cond3A_26 : i32
      scf.if %cond3A_27 {
        "tpu.region"() ({
          %run_scoped3A = tpu.sem_alloc : memref<!tpu.dma_semaphore, #tpu.memory_space<semaphore_mem>>
          %dma_start3A = arith.constant 0 : i32
          %dma_start3A_28 = arith.constant 0 : i32
          %dma_start3A_29 = tpu.memref_slice %arg13[%dma_start3A, %dma_start3A_28] : memref<520x32xf32, #tpu.memory_space<vmem_shared>> -> memref<512x32xf32, #tpu.memory_space<vmem_shared>>
          tpu.enqueue_dma source(%dma_start3A_29 : memref<512x32xf32, #tpu.memory_space<vmem_shared>>) target(%arg8 : memref<512x32xf32, #tpu.memory_space<hbm>>) target_semaphore(%run_scoped3A : memref<!tpu.dma_semaphore, #tpu.memory_space<semaphore_mem>>)
          %dma_wait3A = arith.constant 0 : i32
          %dma_wait3A_30 = arith.constant 0 : i32
          %dma_wait3A_31 = tpu.memref_slice %arg13[%dma_wait3A, %dma_wait3A_30] : memref<520x32xf32, #tpu.memory_space<vmem_shared>> -> memref<512x32xf32, #tpu.memory_space<vmem_shared>>
          tpu.wait_dma2 semaphore(%run_scoped3A : memref<!tpu.dma_semaphore, #tpu.memory_space<semaphore_mem>>) src(%dma_wait3A_31 : memref<512x32xf32, #tpu.memory_space<vmem_shared>>) dst(%arg8 : memref<512x32xf32, #tpu.memory_space<hbm>>)
          tpu.yield
        }) : () -> ()
      } else {
      }
    } else {
    }
    return
  }
}

module attributes {stable_mosaic.version = 14 : i64} {
  func.func @_t0_body(%arg0: i32, %arg1: memref<163x1024xf32, #tpu.memory_space<vmem>>, %arg2: memref<163x64xf32, #tpu.memory_space<vmem>>, %arg3: memref<1024x32xf32, #tpu.memory_space<vmem>>, %arg4: memref<1024x32xf32, #tpu.memory_space<vmem>>) attributes {dimension_semantics = [#tpu.dimension_semantics<arbitrary>], iteration_bounds = array<i64: 49>, scalar_prefetch = 0 : i64, scratch_operands = 0 : i64, tpu.core_type = #tpu.core_type<tc>, window_params = [{transform_indices = @transform_0, window_bounds = array<i64: 163, 1024>}, {pipeline_mode = #tpu.pipeline_mode<synchronous>, transform_indices = @transform_1, window_bounds = array<i64: 163, 64>}, {transform_indices = @transform_2, window_bounds = array<i64: 1024, 32>}, {transform_indices = @transform_3, window_bounds = array<i64: 1024, 32>}]} {
    %get3A = arith.constant 0 : index
    %get3A_0 = arith.constant 0 : index
    %get3A_1 = vector.load %arg1[%get3A, %get3A_0] : memref<163x1024xf32, #tpu.memory_space<vmem>>, vector<163x1024xf32>
    %get3A_2 = arith.constant 0 : index
    %get3A_3 = arith.constant 0 : index
    %get3A_4 = vector.load %arg2[%get3A_2, %get3A_3] : memref<163x64xf32, #tpu.memory_space<vmem>>, vector<163x64xf32>
    %dot_general3A = arith.constant dense<0.000000e+00> : vector<1024x64xf32>
    %dot_general3A_5 = tpu.matmul %get3A_1, %get3A_4, %dot_general3A {dimension_numbers = #tpu.dot_dimension_numbers<[0], [0], [1], [1], [0, 1, 1, 1], [], []>, transpose_lhs_hint = false} : vector<163x1024xf32>, vector<163x64xf32>, vector<1024x64xf32> -> vector<1024x64xf32>
    %slice3A = vector.extract_strided_slice %dot_general3A_5 {offsets = [0, 0], sizes = [1024, 32], strides = [1, 1]} : vector<1024x64xf32> to vector<1024x32xf32>
    %swap3A = arith.constant 0 : index
    %swap3A_6 = arith.constant 0 : index
    %swap3A_7 = vector.load %arg3[%swap3A, %swap3A_6] : memref<1024x32xf32, #tpu.memory_space<vmem>>, vector<1024x32xf32>
    tpu.vector_store %arg3[%swap3A, %swap3A_6], %slice3A {strides = array<i32>} : memref<1024x32xf32, #tpu.memory_space<vmem>>, vector<1024x32xf32>,
    %slice3A_8 = vector.extract_strided_slice %dot_general3A_5 {offsets = [0, 32], sizes = [1024, 32], strides = [1, 1]} : vector<1024x64xf32> to vector<1024x32xf32>
    %swap3A_9 = arith.constant 0 : index
    %swap3A_10 = arith.constant 0 : index
    %swap3A_11 = vector.load %arg4[%swap3A_9, %swap3A_10] : memref<1024x32xf32, #tpu.memory_space<vmem>>, vector<1024x32xf32>
    tpu.vector_store %arg4[%swap3A_9, %swap3A_10], %slice3A_8 {strides = array<i32>} : memref<1024x32xf32, #tpu.memory_space<vmem>>, vector<1024x32xf32>,
    return
  }
  func.func @transform_0(%arg0: i32) -> (i32, i32) {
    %c0_i32 = arith.constant 0 : i32
    %c0_i32_0 = arith.constant 0 : i32
    return %c0_i32, %arg0 : i32, i32
  }
  func.func @transform_1(%arg0: i32) -> (i32, i32) {
    %c0_i32 = arith.constant 0 : i32
    %c0_i32_0 = arith.constant 0 : i32
    %c0_i32_1 = arith.constant 0 : i32
    return %c0_i32, %c0_i32_0 : i32, i32
  }
  func.func @transform_2(%arg0: i32) -> (i32, i32) {
    %c0_i32 = arith.constant 0 : i32
    %c0_i32_0 = arith.constant 0 : i32
    return %arg0, %c0_i32 : i32, i32
  }
  func.func @transform_3(%arg0: i32) -> (i32, i32) {
    %c0_i32 = arith.constant 0 : i32
    %c0_i32_0 = arith.constant 0 : i32
    return %arg0, %c0_i32 : i32, i32
  }
}

module attributes {stable_mosaic.version = 14 : i64} {
  func.func @_t0b_body(%arg0: i32, %arg1: memref<256x128xf32, #tpu.memory_space<vmem>>, %arg2: memref<256x128xf32, #tpu.memory_space<vmem>>, %arg3: memref<256x4xf32, #tpu.memory_space<vmem>>, %arg4: memref<4x128xf32, #tpu.memory_space<vmem>>, %arg5: memref<256x128xf32, #tpu.memory_space<vmem>>, %arg6: memref<256x128xf32, #tpu.memory_space<vmem>>, %arg7: memref<256x128xf32, #tpu.memory_space<vmem>>) attributes {dimension_semantics = [#tpu.dimension_semantics<arbitrary>], iteration_bounds = array<i64: 49>, scalar_prefetch = 0 : i64, scratch_operands = 0 : i64, tpu.core_type = #tpu.core_type<tc>, window_params = [{transform_indices = @transform_0, window_bounds = array<i64: 256, 128>}, {transform_indices = @transform_1, window_bounds = array<i64: 256, 128>}, {transform_indices = @transform_2, window_bounds = array<i64: 256, 4>}, {pipeline_mode = #tpu.pipeline_mode<synchronous>, transform_indices = @transform_3, window_bounds = array<i64: 4, 128>}, {transform_indices = @transform_4, window_bounds = array<i64: 256, 128>}, {transform_indices = @transform_5, window_bounds = array<i64: 256, 128>}, {transform_indices = @transform_6, window_bounds = array<i64: 256, 128>}]} {
    %get3A = arith.constant 0 : index
    %get3A_0 = arith.constant 0 : index
    %get3A_1 = vector.load %arg3[%get3A, %get3A_0] : memref<256x4xf32, #tpu.memory_space<vmem>>, vector<256x4xf32>
    %get3A_2 = arith.constant 0 : index
    %get3A_3 = arith.constant 0 : index
    %get3A_4 = vector.load %arg4[%get3A_2, %get3A_3] : memref<4x128xf32, #tpu.memory_space<vmem>>, vector<4x128xf32>
    %dot_general3A = arith.constant dense<0.000000e+00> : vector<256x128xf32>
    %dot_general3A_5 = tpu.matmul %get3A_1, %get3A_4, %dot_general3A {dimension_numbers = #tpu.dot_dimension_numbers<[1], [0], [0], [1], [0, 0, 1, 1], [], []>, transpose_lhs_hint = false} : vector<256x4xf32>, vector<4x128xf32>, vector<256x128xf32> -> vector<256x128xf32>
    %add3A = arith.constant 1.000000e+00 : f32
    %add3A_6 = vector.broadcast %add3A : f32 to vector<256x128xf32>
    %add3A_7 = arith.addf %dot_general3A_5, %add3A_6 : vector<256x128xf32>
    %rsqrt3A = math.rsqrt %add3A_7 : vector<256x128xf32>
    %get3A_8 = arith.constant 0 : index
    %get3A_9 = arith.constant 0 : index
    %get3A_10 = vector.load %arg1[%get3A_8, %get3A_9] : memref<256x128xf32, #tpu.memory_space<vmem>>, vector<256x128xf32>
    %mul3A = arith.mulf %get3A_10, %rsqrt3A : vector<256x128xf32>
    %swap3A = arith.constant 0 : index
    %swap3A_11 = arith.constant 0 : index
    %swap3A_12 = vector.load %arg5[%swap3A, %swap3A_11] : memref<256x128xf32, #tpu.memory_space<vmem>>, vector<256x128xf32>
    tpu.vector_store %arg5[%swap3A, %swap3A_11], %mul3A {strides = array<i32>} : memref<256x128xf32, #tpu.memory_space<vmem>>, vector<256x128xf32>,
    %get3A_13 = arith.constant 0 : index
    %get3A_14 = arith.constant 0 : index
    %get3A_15 = vector.load %arg2[%get3A_13, %get3A_14] : memref<256x128xf32, #tpu.memory_space<vmem>>, vector<256x128xf32>
    %mul3A_16 = arith.mulf %get3A_15, %rsqrt3A : vector<256x128xf32>
    %swap3A_17 = arith.constant 0 : index
    %swap3A_18 = arith.constant 0 : index
    %swap3A_19 = vector.load %arg6[%swap3A_17, %swap3A_18] : memref<256x128xf32, #tpu.memory_space<vmem>>, vector<256x128xf32>
    tpu.vector_store %arg6[%swap3A_17, %swap3A_18], %mul3A_16 {strides = array<i32>} : memref<256x128xf32, #tpu.memory_space<vmem>>, vector<256x128xf32>,
    %swap3A_20 = arith.constant 0 : index
    %swap3A_21 = arith.constant 0 : index
    %swap3A_22 = vector.load %arg7[%swap3A_20, %swap3A_21] : memref<256x128xf32, #tpu.memory_space<vmem>>, vector<256x128xf32>
    tpu.vector_store %arg7[%swap3A_20, %swap3A_21], %rsqrt3A {strides = array<i32>} : memref<256x128xf32, #tpu.memory_space<vmem>>, vector<256x128xf32>,
    return
  }
  func.func @transform_0(%arg0: i32) -> (i32, i32) {
    %c0_i32 = arith.constant 0 : i32
    %c0_i32_0 = arith.constant 0 : i32
    return %arg0, %c0_i32 : i32, i32
  }
  func.func @transform_1(%arg0: i32) -> (i32, i32) {
    %c0_i32 = arith.constant 0 : i32
    %c0_i32_0 = arith.constant 0 : i32
    return %arg0, %c0_i32 : i32, i32
  }
  func.func @transform_2(%arg0: i32) -> (i32, i32) {
    %c0_i32 = arith.constant 0 : i32
    %c0_i32_0 = arith.constant 0 : i32
    return %arg0, %c0_i32 : i32, i32
  }
  func.func @transform_3(%arg0: i32) -> (i32, i32) {
    %c0_i32 = arith.constant 0 : i32
    %c0_i32_0 = arith.constant 0 : i32
    %c0_i32_1 = arith.constant 0 : i32
    return %c0_i32, %c0_i32_0 : i32, i32
  }
  func.func @transform_4(%arg0: i32) -> (i32, i32) {
    %c0_i32 = arith.constant 0 : i32
    %c0_i32_0 = arith.constant 0 : i32
    return %arg0, %c0_i32 : i32, i32
  }
  func.func @transform_5(%arg0: i32) -> (i32, i32) {
    %c0_i32 = arith.constant 0 : i32
    %c0_i32_0 = arith.constant 0 : i32
    return %arg0, %c0_i32 : i32, i32
  }
  func.func @transform_6(%arg0: i32) -> (i32, i32) {
    %c0_i32 = arith.constant 0 : i32
    %c0_i32_0 = arith.constant 0 : i32
    return %arg0, %c0_i32 : i32, i32
  }
}

module attributes {stable_mosaic.version = 14 : i64} {
  func.func @_t12_body(%arg0: i32, %arg1: memref<256x128xf32, #tpu.memory_space<vmem>>, %arg2: memref<256x128xf32, #tpu.memory_space<vmem>>, %arg3: memref<256x128xf32, #tpu.memory_space<vmem>>, %arg4: memref<256x128xf32, #tpu.memory_space<vmem>>, %arg5: memref<256x128xf32, #tpu.memory_space<vmem>>, %arg6: memref<1x128xf32, #tpu.memory_space<vmem>>, %arg7: memref<1x128xf32, #tpu.memory_space<vmem>>, %arg8: memref<128x128xf32, #tpu.memory_space<vmem>>, %arg9: memref<128x128xf32, #tpu.memory_space<vmem>>, %arg10: memref<128x128xf32, #tpu.memory_space<vmem>>, %arg11: memref<128x128xf32, #tpu.memory_space<vmem>>, %arg12: memref<256x128xf32, #tpu.memory_space<vmem>>, %arg13: memref<256x128xf32, #tpu.memory_space<vmem>>) attributes {dimension_semantics = [#tpu.dimension_semantics<arbitrary>], iteration_bounds = array<i64: 49>, scalar_prefetch = 0 : i64, scratch_operands = 0 : i64, tpu.core_type = #tpu.core_type<tc>, window_params = [{transform_indices = @transform_0, window_bounds = array<i64: 256, 128>}, {transform_indices = @transform_1, window_bounds = array<i64: 256, 128>}, {transform_indices = @transform_2, window_bounds = array<i64: 256, 128>}, {transform_indices = @transform_3, window_bounds = array<i64: 256, 128>}, {transform_indices = @transform_4, window_bounds = array<i64: 256, 128>}, {pipeline_mode = #tpu.pipeline_mode<synchronous>, transform_indices = @transform_5, window_bounds = array<i64: 1, 128>}, {pipeline_mode = #tpu.pipeline_mode<synchronous>, transform_indices = @transform_6, window_bounds = array<i64: 1, 128>}, {pipeline_mode = #tpu.pipeline_mode<synchronous>, transform_indices = @transform_7, window_bounds = array<i64: 128, 128>}, {pipeline_mode = #tpu.pipeline_mode<synchronous>, transform_indices = @transform_8, window_bounds = array<i64: 128, 128>}, {pipeline_mode = #tpu.pipeline_mode<synchronous>, transform_indices = @transform_9, window_bounds = array<i64: 128, 128>}, {pipeline_mode = #tpu.pipeline_mode<synchronous>, transform_indices = @transform_10, window_bounds = array<i64: 128, 128>}, {transform_indices = @transform_11, window_bounds = array<i64: 256, 128>}, {transform_indices = @transform_12, window_bounds = array<i64: 256, 128>}]} {
    %get3A = arith.constant 0 : index
    %get3A_0 = arith.constant 0 : index
    %get3A_1 = vector.load %arg5[%get3A, %get3A_0] : memref<256x128xf32, #tpu.memory_space<vmem>>, vector<256x128xf32>
    %get3A_2 = arith.constant 0 : index
    %get3A_3 = arith.constant 0 : index
    %get3A_4 = vector.load %arg1[%get3A_2, %get3A_3] : memref<256x128xf32, #tpu.memory_space<vmem>>, vector<256x128xf32>
    %get3A_5 = arith.constant 0 : index
    %get3A_6 = arith.constant 0 : index
    %get3A_7 = vector.load %arg3[%get3A_5, %get3A_6] : memref<256x128xf32, #tpu.memory_space<vmem>>, vector<256x128xf32>
    %add3A = arith.addf %get3A_4, %get3A_7 : vector<256x128xf32>
    %mul3A = arith.mulf %get3A_1, %add3A : vector<256x128xf32>
    %get3A_8 = arith.constant 0 : index
    %get3A_9 = arith.constant 0 : index
    %get3A_10 = vector.load %arg6[%get3A_8, %get3A_9] : memref<1x128xf32, #tpu.memory_space<vmem>>, vector<1x128xf32>
    %add3A_11 = vector.broadcast %get3A_10 : vector<1x128xf32> to vector<256x128xf32>
    %add3A_12 = arith.addf %mul3A, %add3A_11 : vector<256x128xf32>
    %ge3A = arith.constant 0.000000e+00 : f32
    %ge3A_13 = vector.broadcast %ge3A : f32 to vector<256x128xf32>
    %ge3A_14 = arith.cmpf oge, %add3A_12, %ge3A_13 : vector<256x128xf32>
    %mul3A_15 = arith.constant 0.00999999977 : f32
    %mul3A_16 = vector.broadcast %mul3A_15 : f32 to vector<256x128xf32>
    %mul3A_17 = arith.mulf %mul3A_16, %add3A_12 : vector<256x128xf32>
    %select_n3A = arith.select %ge3A_14, %add3A_12, %mul3A_17 : vector<256x128xi1>, vector<256x128xf32>
    %get3A_18 = arith.constant 0 : index
    %get3A_19 = arith.constant 0 : index
    %get3A_20 = vector.load %arg2[%get3A_18, %get3A_19] : memref<256x128xf32, #tpu.memory_space<vmem>>, vector<256x128xf32>
    %get3A_21 = arith.constant 0 : index
    %get3A_22 = arith.constant 0 : index
    %get3A_23 = vector.load %arg4[%get3A_21, %get3A_22] : memref<256x128xf32, #tpu.memory_space<vmem>>, vector<256x128xf32>
    %add3A_24 = arith.addf %get3A_20, %get3A_23 : vector<256x128xf32>
    %mul3A_25 = arith.mulf %get3A_1, %add3A_24 : vector<256x128xf32>
    %get3A_26 = arith.constant 0 : index
    %get3A_27 = arith.constant 0 : index
    %get3A_28 = vector.load %arg7[%get3A_26, %get3A_27] : memref<1x128xf32, #tpu.memory_space<vmem>>, vector<1x128xf32>
    %add3A_29 = vector.broadcast %get3A_28 : vector<1x128xf32> to vector<256x128xf32>
    %add3A_30 = arith.addf %mul3A_25, %add3A_29 : vector<256x128xf32>
    %ge3A_31 = arith.constant 0.000000e+00 : f32
    %ge3A_32 = vector.broadcast %ge3A_31 : f32 to vector<256x128xf32>
    %ge3A_33 = arith.cmpf oge, %add3A_30, %ge3A_32 : vector<256x128xf32>
    %mul3A_34 = arith.constant 0.00999999977 : f32
    %mul3A_35 = vector.broadcast %mul3A_34 : f32 to vector<256x128xf32>
    %mul3A_36 = arith.mulf %mul3A_35, %add3A_30 : vector<256x128xf32>
    %select_n3A_37 = arith.select %ge3A_33, %add3A_30, %mul3A_36 : vector<256x128xi1>, vector<256x128xf32>
    %get3A_38 = arith.constant 0 : index
    %get3A_39 = arith.constant 0 : index
    %get3A_40 = vector.load %arg8[%get3A_38, %get3A_39] : memref<128x128xf32, #tpu.memory_space<vmem>>, vector<128x128xf32>
    %dot_general3A = arith.constant dense<0.000000e+00> : vector<256x128xf32>
    %dot_general3A_41 = tpu.matmul %select_n3A, %get3A_40, %dot_general3A {dimension_numbers = #tpu.dot_dimension_numbers<[1], [0], [0], [1], [0, 0, 1, 1], [], []>, transpose_lhs_hint = false} : vector<256x128xf32>, vector<128x128xf32>, vector<256x128xf32> -> vector<256x128xf32>
    %get3A_42 = arith.constant 0 : index
    %get3A_43 = arith.constant 0 : index
    %get3A_44 = vector.load %arg9[%get3A_42, %get3A_43] : memref<128x128xf32, #tpu.memory_space<vmem>>, vector<128x128xf32>
    %dot_general3A_45 = arith.constant dense<0.000000e+00> : vector<256x128xf32>
    %dot_general3A_46 = tpu.matmul %select_n3A_37, %get3A_44, %dot_general3A_45 {dimension_numbers = #tpu.dot_dimension_numbers<[1], [0], [0], [1], [0, 0, 1, 1], [], []>, transpose_lhs_hint = false} : vector<256x128xf32>, vector<128x128xf32>, vector<256x128xf32> -> vector<256x128xf32>
    %add3A_47 = arith.addf %dot_general3A_41, %dot_general3A_46 : vector<256x128xf32>
    %get3A_48 = arith.constant 0 : index
    %get3A_49 = arith.constant 0 : index
    %get3A_50 = vector.load %arg10[%get3A_48, %get3A_49] : memref<128x128xf32, #tpu.memory_space<vmem>>, vector<128x128xf32>
    %dot_general3A_51 = arith.constant dense<0.000000e+00> : vector<256x128xf32>
    %dot_general3A_52 = tpu.matmul %select_n3A, %get3A_50, %dot_general3A_51 {dimension_numbers = #tpu.dot_dimension_numbers<[1], [0], [0], [1], [0, 0, 1, 1], [], []>, transpose_lhs_hint = false} : vector<256x128xf32>, vector<128x128xf32>, vector<256x128xf32> -> vector<256x128xf32>
    %get3A_53 = arith.constant 0 : index
    %get3A_54 = arith.constant 0 : index
    %get3A_55 = vector.load %arg11[%get3A_53, %get3A_54] : memref<128x128xf32, #tpu.memory_space<vmem>>, vector<128x128xf32>
    %dot_general3A_56 = arith.constant dense<0.000000e+00> : vector<256x128xf32>
    %dot_general3A_57 = tpu.matmul %select_n3A_37, %get3A_55, %dot_general3A_56 {dimension_numbers = #tpu.dot_dimension_numbers<[1], [0], [0], [1], [0, 0, 1, 1], [], []>, transpose_lhs_hint = false} : vector<256x128xf32>, vector<128x128xf32>, vector<256x128xf32> -> vector<256x128xf32>
    %add3A_58 = arith.addf %dot_general3A_52, %dot_general3A_57 : vector<256x128xf32>
    %mul3A_59 = arith.mulf %add3A_47, %get3A_1 : vector<256x128xf32>
    %swap3A = arith.constant 0 : index
    %swap3A_60 = arith.constant 0 : index
    %swap3A_61 = vector.load %arg12[%swap3A, %swap3A_60] : memref<256x128xf32, #tpu.memory_space<vmem>>, vector<256x128xf32>
    tpu.vector_store %arg12[%swap3A, %swap3A_60], %mul3A_59 {strides = array<i32>} : memref<256x128xf32, #tpu.memory_space<vmem>>, vector<256x128xf32>,
    %mul3A_62 = arith.mulf %add3A_58, %get3A_1 : vector<256x128xf32>
    %swap3A_63 = arith.constant 0 : index
    %swap3A_64 = arith.constant 0 : index
    %swap3A_65 = vector.load %arg13[%swap3A_63, %swap3A_64] : memref<256x128xf32, #tpu.memory_space<vmem>>, vector<256x128xf32>
    tpu.vector_store %arg13[%swap3A_63, %swap3A_64], %mul3A_62 {strides = array<i32>} : memref<256x128xf32, #tpu.memory_space<vmem>>, vector<256x128xf32>,
    return
  }
  func.func @transform_0(%arg0: i32) -> (i32, i32) {
    %c0_i32 = arith.constant 0 : i32
    %c0_i32_0 = arith.constant 0 : i32
    return %arg0, %c0_i32 : i32, i32
  }
  func.func @transform_1(%arg0: i32) -> (i32, i32) {
    %c0_i32 = arith.constant 0 : i32
    %c0_i32_0 = arith.constant 0 : i32
    return %arg0, %c0_i32 : i32, i32
  }
  func.func @transform_2(%arg0: i32) -> (i32, i32) {
    %c0_i32 = arith.constant 0 : i32
    %c0_i32_0 = arith.constant 0 : i32
    return %arg0, %c0_i32 : i32, i32
  }
  func.func @transform_3(%arg0: i32) -> (i32, i32) {
    %c0_i32 = arith.constant 0 : i32
    %c0_i32_0 = arith.constant 0 : i32
    return %arg0, %c0_i32 : i32, i32
  }
  func.func @transform_4(%arg0: i32) -> (i32, i32) {
    %c0_i32 = arith.constant 0 : i32
    %c0_i32_0 = arith.constant 0 : i32
    return %arg0, %c0_i32 : i32, i32
  }
  func.func @transform_5(%arg0: i32) -> (i32, i32) {
    %c0_i32 = arith.constant 0 : i32
    %c0_i32_0 = arith.constant 0 : i32
    %c0_i32_1 = arith.constant 0 : i32
    return %c0_i32, %c0_i32_0 : i32, i32
  }
  func.func @transform_6(%arg0: i32) -> (i32, i32) {
    %c0_i32 = arith.constant 0 : i32
    %c0_i32_0 = arith.constant 0 : i32
    %c0_i32_1 = arith.constant 0 : i32
    return %c0_i32, %c0_i32_0 : i32, i32
  }
  func.func @transform_7(%arg0: i32) -> (i32, i32) {
    %c0_i32 = arith.constant 0 : i32
    %c0_i32_0 = arith.constant 0 : i32
    %c0_i32_1 = arith.constant 0 : i32
    return %c0_i32, %c0_i32_0 : i32, i32
  }
  func.func @transform_8(%arg0: i32) -> (i32, i32) {
    %c0_i32 = arith.constant 0 : i32
    %c0_i32_0 = arith.constant 0 : i32
    %c0_i32_1 = arith.constant 0 : i32
    return %c0_i32, %c0_i32_0 : i32, i32
  }
  func.func @transform_9(%arg0: i32) -> (i32, i32) {
    %c0_i32 = arith.constant 0 : i32
    %c0_i32_0 = arith.constant 0 : i32
    %c0_i32_1 = arith.constant 0 : i32
    return %c0_i32, %c0_i32_0 : i32, i32
  }
  func.func @transform_10(%arg0: i32) -> (i32, i32) {
    %c0_i32 = arith.constant 0 : i32
    %c0_i32_0 = arith.constant 0 : i32
    %c0_i32_1 = arith.constant 0 : i32
    return %c0_i32, %c0_i32_0 : i32, i32
  }
  func.func @transform_11(%arg0: i32) -> (i32, i32) {
    %c0_i32 = arith.constant 0 : i32
    %c0_i32_0 = arith.constant 0 : i32
    return %arg0, %c0_i32 : i32, i32
  }
  func.func @transform_12(%arg0: i32) -> (i32, i32) {
    %c0_i32 = arith.constant 0 : i32
    %c0_i32_0 = arith.constant 0 : i32
    return %arg0, %c0_i32 : i32, i32
  }
}

module attributes {stable_mosaic.version = 14 : i64} {
  func.func @_t3_body(%arg0: i32, %arg1: memref<256x128xf32, #tpu.memory_space<vmem>>, %arg2: memref<256x128xf32, #tpu.memory_space<vmem>>, %arg3: memref<256x128xf32, #tpu.memory_space<vmem>>, %arg4: memref<256x128xf32, #tpu.memory_space<vmem>>, %arg5: memref<256x128xf32, #tpu.memory_space<vmem>>, %arg6: memref<1x128xf32, #tpu.memory_space<vmem>>, %arg7: memref<1x128xf32, #tpu.memory_space<vmem>>, %arg8: memref<256x128xf32, #tpu.memory_space<vmem>>, %arg9: memref<256x128xf32, #tpu.memory_space<vmem>>) attributes {dimension_semantics = [#tpu.dimension_semantics<arbitrary>], iteration_bounds = array<i64: 49>, scalar_prefetch = 0 : i64, scratch_operands = 0 : i64, tpu.core_type = #tpu.core_type<tc>, window_params = [{transform_indices = @transform_0, window_bounds = array<i64: 256, 128>}, {transform_indices = @transform_1, window_bounds = array<i64: 256, 128>}, {transform_indices = @transform_2, window_bounds = array<i64: 256, 128>}, {transform_indices = @transform_3, window_bounds = array<i64: 256, 128>}, {transform_indices = @transform_4, window_bounds = array<i64: 256, 128>}, {pipeline_mode = #tpu.pipeline_mode<synchronous>, transform_indices = @transform_5, window_bounds = array<i64: 1, 128>}, {pipeline_mode = #tpu.pipeline_mode<synchronous>, transform_indices = @transform_6, window_bounds = array<i64: 1, 128>}, {transform_indices = @transform_7, window_bounds = array<i64: 256, 128>}, {transform_indices = @transform_8, window_bounds = array<i64: 256, 128>}]} {
    %get3A = arith.constant 0 : index
    %get3A_0 = arith.constant 0 : index
    %get3A_1 = vector.load %arg5[%get3A, %get3A_0] : memref<256x128xf32, #tpu.memory_space<vmem>>, vector<256x128xf32>
    %get3A_2 = arith.constant 0 : index
    %get3A_3 = arith.constant 0 : index
    %get3A_4 = vector.load %arg1[%get3A_2, %get3A_3] : memref<256x128xf32, #tpu.memory_space<vmem>>, vector<256x128xf32>
    %get3A_5 = arith.constant 0 : index
    %get3A_6 = arith.constant 0 : index
    %get3A_7 = vector.load %arg3[%get3A_5, %get3A_6] : memref<256x128xf32, #tpu.memory_space<vmem>>, vector<256x128xf32>
    %add3A = arith.addf %get3A_4, %get3A_7 : vector<256x128xf32>
    %mul3A = arith.mulf %get3A_1, %add3A : vector<256x128xf32>
    %get3A_8 = arith.constant 0 : index
    %get3A_9 = arith.constant 0 : index
    %get3A_10 = vector.load %arg6[%get3A_8, %get3A_9] : memref<1x128xf32, #tpu.memory_space<vmem>>, vector<1x128xf32>
    %add3A_11 = vector.broadcast %get3A_10 : vector<1x128xf32> to vector<256x128xf32>
    %add3A_12 = arith.addf %mul3A, %add3A_11 : vector<256x128xf32>
    %ge3A = arith.constant 0.000000e+00 : f32
    %ge3A_13 = vector.broadcast %ge3A : f32 to vector<256x128xf32>
    %ge3A_14 = arith.cmpf oge, %add3A_12, %ge3A_13 : vector<256x128xf32>
    %mul3A_15 = arith.constant 0.00999999977 : f32
    %mul3A_16 = vector.broadcast %mul3A_15 : f32 to vector<256x128xf32>
    %mul3A_17 = arith.mulf %mul3A_16, %add3A_12 : vector<256x128xf32>
    %select_n3A = arith.select %ge3A_14, %add3A_12, %mul3A_17 : vector<256x128xi1>, vector<256x128xf32>
    %swap3A = arith.constant 0 : index
    %swap3A_18 = arith.constant 0 : index
    %swap3A_19 = vector.load %arg8[%swap3A, %swap3A_18] : memref<256x128xf32, #tpu.memory_space<vmem>>, vector<256x128xf32>
    tpu.vector_store %arg8[%swap3A, %swap3A_18], %select_n3A {strides = array<i32>} : memref<256x128xf32, #tpu.memory_space<vmem>>, vector<256x128xf32>,
    %get3A_20 = arith.constant 0 : index
    %get3A_21 = arith.constant 0 : index
    %get3A_22 = vector.load %arg2[%get3A_20, %get3A_21] : memref<256x128xf32, #tpu.memory_space<vmem>>, vector<256x128xf32>
    %get3A_23 = arith.constant 0 : index
    %get3A_24 = arith.constant 0 : index
    %get3A_25 = vector.load %arg4[%get3A_23, %get3A_24] : memref<256x128xf32, #tpu.memory_space<vmem>>, vector<256x128xf32>
    %add3A_26 = arith.addf %get3A_22, %get3A_25 : vector<256x128xf32>
    %mul3A_27 = arith.mulf %get3A_1, %add3A_26 : vector<256x128xf32>
    %get3A_28 = arith.constant 0 : index
    %get3A_29 = arith.constant 0 : index
    %get3A_30 = vector.load %arg7[%get3A_28, %get3A_29] : memref<1x128xf32, #tpu.memory_space<vmem>>, vector<1x128xf32>
    %add3A_31 = vector.broadcast %get3A_30 : vector<1x128xf32> to vector<256x128xf32>
    %add3A_32 = arith.addf %mul3A_27, %add3A_31 : vector<256x128xf32>
    %ge3A_33 = arith.constant 0.000000e+00 : f32
    %ge3A_34 = vector.broadcast %ge3A_33 : f32 to vector<256x128xf32>
    %ge3A_35 = arith.cmpf oge, %add3A_32, %ge3A_34 : vector<256x128xf32>
    %mul3A_36 = arith.constant 0.00999999977 : f32
    %mul3A_37 = vector.broadcast %mul3A_36 : f32 to vector<256x128xf32>
    %mul3A_38 = arith.mulf %mul3A_37, %add3A_32 : vector<256x128xf32>
    %select_n3A_39 = arith.select %ge3A_35, %add3A_32, %mul3A_38 : vector<256x128xi1>, vector<256x128xf32>
    %swap3A_40 = arith.constant 0 : index
    %swap3A_41 = arith.constant 0 : index
    %swap3A_42 = vector.load %arg9[%swap3A_40, %swap3A_41] : memref<256x128xf32, #tpu.memory_space<vmem>>, vector<256x128xf32>
    tpu.vector_store %arg9[%swap3A_40, %swap3A_41], %select_n3A_39 {strides = array<i32>} : memref<256x128xf32, #tpu.memory_space<vmem>>, vector<256x128xf32>,
    return
  }
  func.func @transform_0(%arg0: i32) -> (i32, i32) {
    %c0_i32 = arith.constant 0 : i32
    %c0_i32_0 = arith.constant 0 : i32
    return %arg0, %c0_i32 : i32, i32
  }
  func.func @transform_1(%arg0: i32) -> (i32, i32) {
    %c0_i32 = arith.constant 0 : i32
    %c0_i32_0 = arith.constant 0 : i32
    return %arg0, %c0_i32 : i32, i32
  }
  func.func @transform_2(%arg0: i32) -> (i32, i32) {
    %c0_i32 = arith.constant 0 : i32
    %c0_i32_0 = arith.constant 0 : i32
    return %arg0, %c0_i32 : i32, i32
  }
  func.func @transform_3(%arg0: i32) -> (i32, i32) {
    %c0_i32 = arith.constant 0 : i32
    %c0_i32_0 = arith.constant 0 : i32
    return %arg0, %c0_i32 : i32, i32
  }
  func.func @transform_4(%arg0: i32) -> (i32, i32) {
    %c0_i32 = arith.constant 0 : i32
    %c0_i32_0 = arith.constant 0 : i32
    return %arg0, %c0_i32 : i32, i32
  }
  func.func @transform_5(%arg0: i32) -> (i32, i32) {
    %c0_i32 = arith.constant 0 : i32
    %c0_i32_0 = arith.constant 0 : i32
    %c0_i32_1 = arith.constant 0 : i32
    return %c0_i32, %c0_i32_0 : i32, i32
  }
  func.func @transform_6(%arg0: i32) -> (i32, i32) {
    %c0_i32 = arith.constant 0 : i32
    %c0_i32_0 = arith.constant 0 : i32
    %c0_i32_1 = arith.constant 0 : i32
    return %c0_i32, %c0_i32_0 : i32, i32
  }
  func.func @transform_7(%arg0: i32) -> (i32, i32) {
    %c0_i32 = arith.constant 0 : i32
    %c0_i32_0 = arith.constant 0 : i32
    return %arg0, %c0_i32 : i32, i32
  }
  func.func @transform_8(%arg0: i32) -> (i32, i32) {
    %c0_i32 = arith.constant 0 : i32
    %c0_i32_0 = arith.constant 0 : i32
    return %arg0, %c0_i32 : i32, i32
  }
}

module attributes {stable_mosaic.version = 14 : i64} {
  func.func @_head_body(%arg0: memref<128x128xf32, #tpu.memory_space<vmem>>, %arg1: memref<128x128xf32, #tpu.memory_space<vmem>>, %arg2: memref<128x128xf32, #tpu.memory_space<vmem>>, %arg3: memref<128x128xf32, #tpu.memory_space<vmem>>, %arg4: memref<128x128xf32, #tpu.memory_space<vmem>>, %arg5: memref<128x128xf32, #tpu.memory_space<vmem>>, %arg6: memref<128x128xf32, #tpu.memory_space<vmem>>, %arg7: memref<1x128xf32, #tpu.memory_space<vmem>>, %arg8: memref<1x128xf32, #tpu.memory_space<vmem>>, %arg9: memref<128x4xf32, #tpu.memory_space<vmem>>, %arg10: memref<128x4xf32, #tpu.memory_space<vmem>>, %arg11: memref<1x1xf32, #tpu.memory_space<vmem>>, %arg12: memref<128x4xf32, #tpu.memory_space<vmem>>) attributes {dimension_semantics = [], scalar_prefetch = 0 : i64, scratch_operands = 0 : i64, tpu.core_type = #tpu.core_type<tc>} {
    %get3A = arith.constant 0 : index
    %get3A_0 = arith.constant 0 : index
    %get3A_1 = vector.load %arg2[%get3A, %get3A_0] : memref<128x128xf32, #tpu.memory_space<vmem>>, vector<128x128xf32>
    %max3A = arith.constant 1.000000e+00 : f32
    %max3A_2 = vector.broadcast %max3A : f32 to vector<128x128xf32>
    %max3A_3 = arith.maximumf %get3A_1, %max3A_2 : vector<128x128xf32>
    %get3A_4 = arith.constant 0 : index
    %get3A_5 = arith.constant 0 : index
    %get3A_6 = vector.load %arg0[%get3A_4, %get3A_5] : memref<128x128xf32, #tpu.memory_space<vmem>>, vector<128x128xf32>
    %div3A = arith.divf %get3A_6, %max3A_3 : vector<128x128xf32>
    %get3A_7 = arith.constant 0 : index
    %get3A_8 = arith.constant 0 : index
    %get3A_9 = vector.load %arg1[%get3A_7, %get3A_8] : memref<128x128xf32, #tpu.memory_space<vmem>>, vector<128x128xf32>
    %div3A_10 = arith.divf %get3A_9, %max3A_3 : vector<128x128xf32>
    %get3A_11 = arith.constant 0 : index
    %get3A_12 = arith.constant 0 : index
    %get3A_13 = vector.load %arg3[%get3A_11, %get3A_12] : memref<128x128xf32, #tpu.memory_space<vmem>>, vector<128x128xf32>
    %dot_general3A = arith.constant dense<0.000000e+00> : vector<128x128xf32>
    %dot_general3A_14 = tpu.matmul %div3A, %get3A_13, %dot_general3A {dimension_numbers = #tpu.dot_dimension_numbers<[1], [0], [0], [1], [0, 0, 1, 1], [], []>, transpose_lhs_hint = false} : vector<128x128xf32>, vector<128x128xf32>, vector<128x128xf32> -> vector<128x128xf32>
    %get3A_15 = arith.constant 0 : index
    %get3A_16 = arith.constant 0 : index
    %get3A_17 = vector.load %arg4[%get3A_15, %get3A_16] : memref<128x128xf32, #tpu.memory_space<vmem>>, vector<128x128xf32>
    %dot_general3A_18 = arith.constant dense<0.000000e+00> : vector<128x128xf32>
    %dot_general3A_19 = tpu.matmul %div3A_10, %get3A_17, %dot_general3A_18 {dimension_numbers = #tpu.dot_dimension_numbers<[1], [0], [0], [1], [0, 0, 1, 1], [], []>, transpose_lhs_hint = false} : vector<128x128xf32>, vector<128x128xf32>, vector<128x128xf32> -> vector<128x128xf32>
    %add3A = arith.addf %dot_general3A_14, %dot_general3A_19 : vector<128x128xf32>
    %get3A_20 = arith.constant 0 : index
    %get3A_21 = arith.constant 0 : index
    %get3A_22 = vector.load %arg7[%get3A_20, %get3A_21] : memref<1x128xf32, #tpu.memory_space<vmem>>, vector<1x128xf32>
    %add3A_23 = vector.broadcast %get3A_22 : vector<1x128xf32> to vector<128x128xf32>
    %add3A_24 = arith.addf %add3A, %add3A_23 : vector<128x128xf32>
    %ge3A = arith.constant 0.000000e+00 : f32
    %ge3A_25 = vector.broadcast %ge3A : f32 to vector<128x128xf32>
    %ge3A_26 = arith.cmpf oge, %add3A_24, %ge3A_25 : vector<128x128xf32>
    %mul3A = arith.constant 0.00999999977 : f32
    %mul3A_27 = vector.broadcast %mul3A : f32 to vector<128x128xf32>
    %mul3A_28 = arith.mulf %mul3A_27, %add3A_24 : vector<128x128xf32>
    %select_n3A = arith.select %ge3A_26, %add3A_24, %mul3A_28 : vector<128x128xi1>, vector<128x128xf32>
    %get3A_29 = arith.constant 0 : index
    %get3A_30 = arith.constant 0 : index
    %get3A_31 = vector.load %arg5[%get3A_29, %get3A_30] : memref<128x128xf32, #tpu.memory_space<vmem>>, vector<128x128xf32>
    %dot_general3A_32 = arith.constant dense<0.000000e+00> : vector<128x128xf32>
    %dot_general3A_33 = tpu.matmul %div3A, %get3A_31, %dot_general3A_32 {dimension_numbers = #tpu.dot_dimension_numbers<[1], [0], [0], [1], [0, 0, 1, 1], [], []>, transpose_lhs_hint = false} : vector<128x128xf32>, vector<128x128xf32>, vector<128x128xf32> -> vector<128x128xf32>
    %get3A_34 = arith.constant 0 : index
    %get3A_35 = arith.constant 0 : index
    %get3A_36 = vector.load %arg6[%get3A_34, %get3A_35] : memref<128x128xf32, #tpu.memory_space<vmem>>, vector<128x128xf32>
    %dot_general3A_37 = arith.constant dense<0.000000e+00> : vector<128x128xf32>
    %dot_general3A_38 = tpu.matmul %div3A_10, %get3A_36, %dot_general3A_37 {dimension_numbers = #tpu.dot_dimension_numbers<[1], [0], [0], [1], [0, 0, 1, 1], [], []>, transpose_lhs_hint = false} : vector<128x128xf32>, vector<128x128xf32>, vector<128x128xf32> -> vector<128x128xf32>
    %add3A_39 = arith.addf %dot_general3A_33, %dot_general3A_38 : vector<128x128xf32>
    %get3A_40 = arith.constant 0 : index
    %get3A_41 = arith.constant 0 : index
    %get3A_42 = vector.load %arg8[%get3A_40, %get3A_41] : memref<1x128xf32, #tpu.memory_space<vmem>>, vector<1x128xf32>
    %add3A_43 = vector.broadcast %get3A_42 : vector<1x128xf32> to vector<128x128xf32>
    %add3A_44 = arith.addf %add3A_39, %add3A_43 : vector<128x128xf32>
    %ge3A_45 = arith.constant 0.000000e+00 : f32
    %ge3A_46 = vector.broadcast %ge3A_45 : f32 to vector<128x128xf32>
    %ge3A_47 = arith.cmpf oge, %add3A_44, %ge3A_46 : vector<128x128xf32>
    %mul3A_48 = arith.constant 0.00999999977 : f32
    %mul3A_49 = vector.broadcast %mul3A_48 : f32 to vector<128x128xf32>
    %mul3A_50 = arith.mulf %mul3A_49, %add3A_44 : vector<128x128xf32>
    %select_n3A_51 = arith.select %ge3A_47, %add3A_44, %mul3A_50 : vector<128x128xi1>, vector<128x128xf32>
    %get3A_52 = arith.constant 0 : index
    %get3A_53 = arith.constant 0 : index
    %get3A_54 = vector.load %arg9[%get3A_52, %get3A_53] : memref<128x4xf32, #tpu.memory_space<vmem>>, vector<128x4xf32>
    %dot_general3A_55 = arith.constant dense<0.000000e+00> : vector<128x4xf32>
    %dot_general3A_56 = tpu.matmul %select_n3A, %get3A_54, %dot_general3A_55 {dimension_numbers = #tpu.dot_dimension_numbers<[1], [0], [0], [1], [0, 0, 1, 1], [], []>, transpose_lhs_hint = false} : vector<128x128xf32>, vector<128x4xf32>, vector<128x4xf32> -> vector<128x4xf32>
    %get3A_57 = arith.constant 0 : index
    %get3A_58 = arith.constant 0 : index
    %get3A_59 = vector.load %arg10[%get3A_57, %get3A_58] : memref<128x4xf32, #tpu.memory_space<vmem>>, vector<128x4xf32>
    %dot_general3A_60 = arith.constant dense<0.000000e+00> : vector<128x4xf32>
    %dot_general3A_61 = tpu.matmul %select_n3A_51, %get3A_59, %dot_general3A_60 {dimension_numbers = #tpu.dot_dimension_numbers<[1], [0], [0], [1], [0, 0, 1, 1], [], []>, transpose_lhs_hint = false} : vector<128x128xf32>, vector<128x4xf32>, vector<128x4xf32> -> vector<128x4xf32>
    %add3A_62 = arith.addf %dot_general3A_56, %dot_general3A_61 : vector<128x4xf32>
    %get3A_63 = arith.constant 0 : index
    %get3A_64 = arith.constant 0 : index
    %get3A_65 = vector.load %arg11[%get3A_63, %get3A_64] : memref<1x1xf32, #tpu.memory_space<vmem>>, vector<1x1xf32>
    %add3A_66 = vector.broadcast %get3A_65 : vector<1x1xf32> to vector<128x4xf32>
    %add3A_67 = arith.addf %add3A_62, %add3A_66 : vector<128x4xf32>
    %swap3A = arith.constant 0 : index
    %swap3A_68 = arith.constant 0 : index
    %swap3A_69 = vector.load %arg12[%swap3A, %swap3A_68] : memref<128x4xf32, #tpu.memory_space<vmem>>, vector<128x4xf32>
    tpu.vector_store %arg12[%swap3A, %swap3A_68], %add3A_67 {strides = array<i32>} : memref<128x4xf32, #tpu.memory_space<vmem>>, vector<128x4xf32>,
    return
  }
}

</mosaic_0001>

<sc_bundles>
// kernel: kernel.13.cloned.1.call-start
scs
__scs_entry_jumppad:
0x0: {  	(pc) =	sbr.rel $0x88, $3  }
0x1: {  	(tag) =	ssettag $0x0;
	lr =	simm.s32 $0x1  }
0x2: {  	[smem:$0x3F94] =	sst lr;
	_ =	strace $0xD0000000  }
0x3: {  	_ = 	snop  }
0x4: {  	_ = 	snop  }
0x5: {  	_ = 	snop  }
0x6: {  	_ = 	snop  }
0x7: {  	_ = 	snop  }
__scs_overlays_trampoline_lowered:
0x8: {  	[smem:$0x3FA3] =	sst s0  }
0x9: {  	[smem:$0x3FA4] =	sst s1  }
0xa: {  	[smem:$0x3FA5] =	sst s2  }
0xb: {  	[smem:$0x3FA6] =	sst s3  }
0xc: {  	[smem:$0x3FA7] =	sst s4  }
0xd: {  	[smem:$0x3FA8] =	sst s5  }
0xe: {  	[smem:$0x3FA9] =	sst s6  }
0xf: {  	[smem:$0x3FAA] =	sst s7  }
0x10: {  	[smem:$0x3FAB] =	sst s8  }
0x11: {  	[smem:$0x3FAC] =	sst s9;
	s0 =	simm.s32 @!p0 $0x0  }
0x12: {  	s1 =	sld [smem:$0x3F92];
	s0 =	simm.s32 @p0 $0x1  }
0x13: {  	[smem:$0x3FAD] =	sst s0;
	s0 =	simm.s32 @!p1 $0x0  }
0x14: {  	s2 =	sld [smem:$0x3F91];
	s0 =	simm.s32 @p1 $0x1  }
0x15: {  	[smem:$0x3FAE] =	sst s0;
	s0 =	simm.s32 @!p2 $0x0  }
0x16: {  	s3 =	sld [smem:$0x3FDB];
	s0 =	simm.s32 @p2 $0x1  }
0x17: {  	s4 =	simm.s32 $0x1BF5;
	[smem:$0x3FB0] =	sst s0  }
0x18: {  	s0 =	sld [smem:$0x3F93];
	_ =	swait.ge [sflag:s4], $0x0  }
0x19: {  	s7 =	sld [smem:$0x3F94]  }
0x1a: {  	s8 =	sadd.s32 $0xFFFFE003, lr  }
0x1b: {  	s9 =	sadd.s32 $0xFFFFFEF7, lr;
	s5 =	simm.s32 $0xFFFFFFFF;
	p2 =	slt.u32 s8, $0xFFFFF086  }
0x1c: {  	p1 =	slt.u32 s9, $0xF7A;
	s5 =	simm.s32 @!p2 $0x0  }
0x1d: {  	s5 =	simm.s32 @p1 $0x1;
	p0 =	seq.s32 s7, s2  }
0x1e: {  	s7 =	smul.u32 @!p0 $0xF7A, s2;
	p2 =	seq.s32 @!p0 s5, $0x0  }
0x1f: {  	s9 =	smul.u32 $0xF7A, s1;
	s8 =	simm.s32 @!p0 $0x1BF5;
	p2 =	por !p2, p0  }
0x20: {  	[sflag:s8] =	ssyncset.s32 @!p0 $0xFFFFF086;
	s6 =	sadd.s32 @!p0 s3, s7;
	s7 =	simm.s32 @!p0 $0x108  }
0x21: {  	s3 =	sadd.s32 s3, s9;
	s6 =	sadd.s32 @!p0 $0x88, s6;
	s7 =	simm.s32 @p2 $0x1082  }
0x22: {  	[simem:s7], [sflag:s8] =	dma.local @!p0 [hbm:s6], $0xF7A  }
0x23: {  	s9 =	sor.u32 $0xD0000000, s2;
	s6 =	simm.s32 $0x108;
	_ =	swait.ge @!p0 [sflag:s8], $0x0  }
0x24: {  	s3 =	sadd.s32 $0x88, s3;
	s6 =	simm.s32 @!p1 $0x1082;
	[sflag:s4] =	ssyncset.s32 $0xFFFFF086  }
0x25: {  	[simem:s6], [sflag:s4] =	dma.local [hbm:s3], $0xF7A  }
0x26: {  	[smem:$0x3F94] =	sst s1;
	(tag) =	ssettag s2;
	_ =	strace s9  }
0x27: {  	s1 =	sld [smem:$0x3FA4]  }
0x28: {  	s2 =	sld [smem:$0x3FA5]  }
0x29: {  	s4 =	sld [smem:$0x3FA7]  }
0x2a: {  	p0 =	seq.s32 s5, $0x0;
	s5 =	sld [smem:$0x3FA8]  }
0x2b: {  	s6 =	sld [smem:$0x3FA9]  }
0x2c: {  	s7 =	sld [smem:$0x3FAA]  }
0x2d: {  	s3 =	simm.s32 $0x108;
	s8 =	sld [smem:$0x3FAB]  }
0x2e: {  	s3 =	simm.s32 @!p0 $0x1082;
	s9 =	sld [smem:$0x3FAC]  }
0x2f: {  	lr =	sadd.s32 s0, s3;
	s0 =	sld [smem:$0x3FA3]  }
0x30: {  	s3 =	sld [smem:$0x3FA6]  }
0x31: {  	[smem:$0x3FAF] =	sst s10  }
0x32: {  	s10 =	sld [smem:$0x3FAD];
	_ =	sdelay $0x3  }
0x33: {  	p0 =	seq.s32 s10, $0x1;
	s10 =	sld [smem:$0x3FAF];
	_ =	sdelay $0x3  }
0x34: {  	[smem:$0x3FAF] =	sst s10  }
0x35: {  	s10 =	sld [smem:$0x3FAE];
	_ =	sdelay $0x3  }
0x36: {  	p1 =	seq.s32 s10, $0x1;
	s10 =	sld [smem:$0x3FAF];
	_ =	sdelay $0x3  }
0x37: {  	[smem:$0x3FAF] =	sst s10  }
0x38: {  	s10 =	sld [smem:$0x3FB0]  }
0x39: {  	_ = 	snop;
	(pc) =	sbr.ind lr, $3  }
0x3a: {  	_ = 	snop  }
0x3b: {  	_ = 	snop  }
0x3c: {  	p2 =	seq.s32 s10, $0x1;
	s10 =	sld [smem:$0x3FAF]  }
0x3d: {  	_ =	shalt  }
0x3e: {  	_ =	shalt  }
0x3f: {  	_ =	shalt  }
0x40: {  	_ =	shalt  }
0x41: {  	_ =	shalt  }
0x42: {  	_ =	shalt  }
0x43: {  	_ =	shalt  }
0x44: {  	_ =	shalt  }
0x45: {  	_ =	shalt  }
0x46: {  	_ =	shalt  }
0x47: {  	_ =	shalt  }
0x48: {  	_ =	shalt  }
0x49: {  	_ =	shalt  }
0x4a: {  	_ =	shalt  }
0x4b: {  	_ =	shalt  }
0x4c: {  	_ =	shalt  }
0x4d: {  	_ =	shalt  }
0x4e: {  	_ =	shalt  }
0x4f: {  	_ =	shalt  }
0x50: {  	_ =	shalt  }
0x51: {  	_ =	shalt  }
0x52: {  	_ =	shalt  }
0x53: {  	_ =	shalt  }
0x54: {  	_ =	shalt  }
0x55: {  	_ =	shalt  }
0x56: {  	_ =	shalt  }
0x57: {  	_ =	shalt  }
0x58: {  	_ =	shalt  }
0x59: {  	_ =	shalt  }
0x5a: {  	_ =	shalt  }
0x5b: {  	_ =	shalt  }
0x5c: {  	_ =	shalt  }
0x5d: {  	_ =	shalt  }
0x5e: {  	_ =	shalt  }
0x5f: {  	_ =	shalt  }
0x60: {  	_ =	shalt  }
0x61: {  	_ =	shalt  }
0x62: {  	_ =	shalt  }
0x63: {  	_ =	shalt  }
0x64: {  	_ =	shalt  }
0x65: {  	_ =	shalt  }
0x66: {  	_ =	shalt  }
0x67: {  	_ =	shalt  }
0x68: {  	_ =	shalt  }
0x69: {  	_ =	shalt  }
0x6a: {  	_ =	shalt  }
0x6b: {  	_ =	shalt  }
0x6c: {  	_ =	shalt  }
0x6d: {  	_ =	shalt  }
0x6e: {  	_ =	shalt  }
0x6f: {  	_ =	shalt  }
0x70: {  	_ =	shalt  }
0x71: {  	_ =	shalt  }
0x72: {  	_ =	shalt  }
0x73: {  	_ =	shalt  }
0x74: {  	_ =	shalt  }
0x75: {  	_ =	shalt  }
0x76: {  	_ =	shalt  }
0x77: {  	_ =	shalt  }
0x78: {  	_ =	shalt  }
0x79: {  	_ =	shalt  }
0x7a: {  	_ =	shalt  }
0x7b: {  	_ =	shalt  }
0x7c: {  	_ =	shalt  }
0x7d: {  	_ =	shalt  }
0x7e: {  	_ =	shalt  }
0x7f: {  	_ =	shalt  }
0x80: {  	_ =	shalt  }
0x81: {  	_ =	shalt  }
0x82: {  	_ =	shalt  }
0x83: {  	_ =	shalt  }
0x84: {  	_ =	shalt  }
0x85: {  	_ =	shalt  }
0x86: {  	_ =	shalt  }
0x87: {  	_ =	shalt  }
.Lfunc_end0:
.L_simem_size_0:
called_computation_lowered:
.L_overlay_start_0:
0x88: {  	s2 =	sld [smem:$0x3FD9]  }
0x89: {  	s3 =	sld [smem:$0x3FFE];
	_ =	sdelay $0x1  }
0x8a: {  	s1 =	srdreg.scid  }
0x8b: {  	s0 =	sand.u32 $0x1, s1  }
0x8c: {  	s16 =	sshll.u32 s0, $0xA;
	s2 =	sadd.s32 s3, s2  }
0x8d: {  	s2 =	sadd.s32 s2, s16  }
0x8e: {  	[smem:$0x3FBB] =	sst s2  }
0x8f: {  	_ = 	snop  }
0x90: {  	(tm) =	ssettm $0x1  }
0x91: {  	s17 =	sld [smem:$0x3FFB];
	_ =	sdelay $0x3  }
0x92: {  	_ =	strace s17  }
0x93: {  	s2 =	sld [smem:$0x3FFC];
	_ =	sdelay $0x3  }
0x94: {  	_ =	strace s2  }
0x95: {  	s2 =	sld [smem:$0x3FFD];
	_ =	sdelay $0x3  }
0x96: {  	_ =	strace s2  }
0x97: {  	_ =	strace $0x8FFFFFFF  }
0x98: {  	s18 =	sld [smem:$0x3FDB];
	_ =	sdelay $0x1  }
0x99: {  	s19 =	simm.s32 $_scs_section_size  }
0x9a: {  	s4 =	simm.s32 $_size__tile_overlayer_lowered;
	s5 =	simm.s32 $_tile_overlayer_lowered  }
0x9b: {  	s22 =	simm.s32 $0x1BFF;
	s21 =	sshll.u32 s5, $0x1;
	s2 =	sadd.s32 s19, s18  }
0x9c: {  	s6 =	simm.s32 $0x0;
	s20 =	sshll.u32 s4, $0x1;
	s4 =	sadd.s32 s21, s2  }
0x9d: {  	[timem:s6], [sflag:s22] =	dma.local [hbm:s4], s20  }
0x9e: {  	_ =	swait.ge [sflag:s22], s20  }
0x9f: {  	s3 =	ssub.s32 $0x0, s20;
	[sflag:s22] =	ssyncset.done $0x0  }
0xa0: {  	[sflag:s22] =	ssyncadd.s32 s3;
	_ =	sdelay $0x1  }
0xa1: {  	s23 =	simm.s32 $0x1B8B  }
0xa2: {  	_ =	swait.ge [sflag:s23], $0x1  }
0xa3: {  	[sflag:s23] =	ssyncset.done $0x0  }
0xa4: {  	s25 =	simm.s32 $0x1B8E;
	s24 =	sld [smem:$0x3FFE];
	[sflag:s23] =	ssyncadd.s32 $0xFFFFFFFF  }
0xa5: {  	s26 =	simm.s32 $execute0_lowered;
	[smem:$0x3FD2] =	sst s25  }
0xa6: {  	s4 =	sshll.u32 s26, $0x1;
	_ =	strace $0x80000046;
	[dreg:$0x1] =	wrdreg $0xFFFFFFFF  }
0xa7: {  	s28 =	simm.s32 $_size_execute0_lowered;
	s2 =	sadd.s32 s2, s4;
	[dreg:$0x0] =	wrdreg $0x0  }
0xa8: {  	s4 =	sshll.u32 s28, $0x1;
	[dreg:$0x2] =	wrdreg s2  }
0xa9: {  	[dreg:$0x3] =	wrdreg s4  }
0xaa: {  	[dreg:$0x4] =	wrdreg $0xC0  }
0xab: {  	_ =	task [dreg:s6], $0x5FFFF  }
0xac: {  	[dreg:$0x1] =	wrdreg $0xFFFFFFFF  }
0xad: {  	[dreg:$0x0] =	wrdreg $0x60  }
0xae: {  	[dreg:$0x2] =	wrdreg s24  }
0xaf: {  	[dreg:$0x3] =	wrdreg $0x7D00  }
0xb0: {  	[dreg:$0x4] =	wrdreg $0x9  }
0xb1: {  	_ =	task.clear_ibuf [dreg:s6], $0x5FFFF;
	_ =	strace $0x90000046  }
0xb2: {  	s29 =	simm.s32 $0x9;
	_ =	strace $0x80000048  }
0xb3: {  	_ =	swait.ge [sflag:s29], $0x1  }
0xb4: {  	[sflag:s29] =	ssyncadd.s32 $0xFFFFFFFF  }
0xb5: {  	_ =	strace $0x90000048  }
0xb6: {  	_ =	sfence  }
0xb7: {  	s30 =	sld [smem:$0x0];
	_ =	sdelay $0x2  }
0xb8: {  	s31 =	sshll.u32 s1, $0xD;
	s1 =	sshrl.u32 s1, $0x2  }
0xb9: {  	s3 =	sand.u32 $0x4000, s31;
	s1 =	sadd.s32 s1, s30  }
0xba: {  	s0 =	sor.u32 s3, s0;
	s1 =	sshll.u32 s1, $0x11  }
0xbb: {  	s0 =	sor.u32 s1, s0  }
0xbc: {  	s0 =	sadd.s32 $0x8F2B, s0  }
0xbd: {  	[sflag:s0] =	ssyncadd.remote.s32 $0x1  }
0xbe: {  	_ =	sfence.sel $0xFFFF  }
0xbf: {  	[dreg:$0x0] =	wrdreg $0xFFFFFFFF;
	(pc) =	sbr.abs _section_cstart, $3  }
0xc0: {  	[dreg:$0x1] =	wrdreg $0xFFFFFFFF  }
0xc1: {  	_ =	task.clear_ibuf [dreg:s6], $0x2FFFF;
	_ =	strace $0x9FFFFFFF  }
0xc2: {  	(tm) =	ssettm $0x7FFFFFFF  }
0xc3: {  	_ =	shalt  }
tec
execute0_lowered:
.L_overlay_start_1:
0x0: {  	(tag) =	ssettag $0x1  }
0x1: {  	s6 =	rddreg [dreg:$0x0]  }
0x2: {  	s2 =	rddreg [dreg:$0x1]  }
0x3: {  	s0 =	rddreg [dreg:$0x2];
	s3 =	simm.s32 $0x0;
	s1 =	stileid.u32  }
0x4: {  	s5 =	srdreg.scid;
	s14 =	simm.s32 $0x0;
	s4 =	smul.u32 $0x186A, s1  }
0x5: {  	[smem:$0x7FF] =	sst s3;
	s7 =	smul.u32 $0xC40, s1;
	s9 =	sand.u32 $0x1, s5  }
0x6: {  	s10 =	smul.u32 $0x3100, s1;
	s5 =	sadd.s32 $0x38400, s6;
	s31 =	sshll.u32 s1, $0x6  }
0x7: {  	_ =	strace $0x80000047;
	s11 =	ssub.s32 $0x2, s9;
	p0 =	sne.s32 s9, $0x0  }
0x8: {  	s9 =	sor.u32 $0x1C01, s31;
	s8 =	sadd.s32 s4, s6;
	s4 =	sadd.s32 $0x38200, s6  }
.Ltmp0:
0x9: {  	s12 =	sshrl.u32 s7, $0x3;
	s13 =	sshrl.u32 s11, $0x1;
	(pc) =	sbr.rel .LBB2_1-.Ltmp0, $4  }
0xa: {  	s10 =	sshrl.u32 s10, $0x2;
	s30 =	sadd.s32 s7, s2;
	s6 =	sadd.s32 s12, s6  }
0xb: {  	s11 =	ssub.s32 s11, s13;
	s10 =	sadd.s32 s10, s2;
	s8 =	sadd.s32 $0x1FAA0, s8  }
0xc: {  	s12 =	simm.s32 $0x3E8;
	s13 =	sshrl.u32 s30, $0x3;
	s6 =	sadd.s32 $0x38600, s6  }
0xd: {  	s7 =	smax.u32 s11, $0x1;
	s10 =	sshrl.u32 s10, $0x3;
	s11 =	simm.s32 $0x1  }
.LBB2_7:
0xe: {  	[bflag:$0x0] =	sbarrier.arrive $0xFFFF  }
0xf: {  	[bflag:$0x0] =	sbarrier.arrive $0xFFFF  }
.LBB2_5:
0x10: {  	s14 =	sadd.s32 $0x1, s14  }
0x11: {  	p1 =	sne.s32 s14, s7  }
.Ltmp1:
0x12: {  	_ = 	snop;
	(pc) =	sbr.rel @!p1 .LBB2_6-.Ltmp1, $1  }
0x13: {  	_ =	sdelay $0x3  }
.LBB2_1:
.Ltmp2:
0x14: {  	(pc) =	sbr.rel @p0 .LBB2_7-.Ltmp2, $1  }
0x15: {  	_ =	sdelay $0x3  }
0x16: {  	[spmem:s10], [sflag:s9] =	dma.local [hbm:s4], $0x188  }
0x17: {  	_ =	swait.ge [sflag:s11], $0x188  }
0x18: {  	[sflag:s11] =	ssyncset.done $0x0  }
0x19: {  	s15 =	simm.s32 $0x0;
	[sflag:s11] =	ssyncadd.s32 $0xFFFFFE78  }
0x1a: {  	[tilespmem:s12], [sflag:$0x1] =	stream.linear.gather [hbm4b:s5+s15], $0x3E8, $0x38;
	[tilespmem:$0x1410] =	vst v63  }
0x1b: {  	_ =	swait.ge [sflag:s11], $0x3E8  }
0x1c: {  	[sflag:s11] =	ssyncset.done $0x0  }
0x1d: {  	[sflag:s11] =	ssyncadd.s32 $0xFFFFFC18  }
0x1e: {  	s31 =	sadd.s32 $0x0, s8;
	[bflag:$0x0] =	sbarrier.arrive $0xFFFF  }
0x1f: {  	[tilespmem:s3], [sflag:$0x1] =	stream.linear.gather [hbm4b:s31+s3], $0x3E8, $0x38;
	[tilespmem:$0x1410] =	vst v63  }
0x20: {  	_ =	swait.ge [sflag:s11], $0x3E8  }
0x21: {  	[sflag:s11] =	ssyncset.done $0x0  }
0x22: {  	[sflag:s11] =	ssyncadd.s32 $0xFFFFFC18  }
0x23: {  	[spmem:s2] =	stream.indirect.scatter.add.f32 [tilespmem:s12], [sflag:$0x1], $0x1, s3, s12, $0xb8;
	[tilespmem:$0x1410] =	vst v63  }
0x24: {  	_ =	swait.ge [sflag:s11], $0x3E8  }
0x25: {  	s16 =	simm.s32 $0xFA;
	s15 =	simm.s32 $0x7D;
	[sflag:s11] =	ssyncset.done $0x0  }
.LBB2_3:
0x26: {  	s17 =	sadd.s32 s15, s8  }
0x27: {  	[sflag:s11] =	ssyncadd.s32 $0xFFFFFC18;
	s15 =	smov.u32 s16;
	s18 =	sadd.s32 $0x7D, s16  }
0x28: {  	[tilespmem:s3], [sflag:$0x1] =	stream.linear.gather [hbm4b:s17+s3], $0x3E8, $0x38;
	[tilespmem:$0x1410] =	vst v63  }
0x29: {  	p1 =	seq.s32 s16, $0x17ED;
	_ =	swait.ge [sflag:s11], $0x3E8  }
.Ltmp3:
0x2a: {  	[sflag:s11] =	ssyncset.done $0x0;
	(pc) =	sbr.rel @!p1 .LBB2_3-.Ltmp3, $4  }
0x2b: {  	[sflag:s11] =	ssyncadd.s32 $0xFFFFFC18  }
0x2c: {  	[spmem:s2] =	stream.indirect.scatter.add.f32 [tilespmem:s12], [sflag:$0x1], $0x1, s3, s12, $0xb8;
	[tilespmem:$0x1410] =	vst v63  }
0x2d: {  	_ =	swait.ge [sflag:s11], $0x3E8  }
0x2e: {  	s16 =	smov.u32 s18;
	[sflag:s11] =	ssyncset.done $0x0  }
0x2f: {  	s15 =	sadd.s32 s15, s8;
	[sflag:s11] =	ssyncadd.s32 $0xFFFFFC18  }
0x30: {  	[tilespmem:s3], [sflag:$0x1] =	stream.linear.gather [hbm4b:s15+s3], $0x3E8, $0x38;
	[tilespmem:$0x1410] =	vst v63  }
0x31: {  	_ =	swait.ge [sflag:s11], $0x3E8  }
0x32: {  	[sflag:s11] =	ssyncset.done $0x0  }
0x33: {  	[sflag:s11] =	ssyncadd.s32 $0xFFFFFC18  }
0x34: {  	[spmem:s2] =	stream.indirect.scatter.add.f32 [tilespmem:s12], [sflag:$0x1], $0x1, s3, s12, $0xb8;
	[tilespmem:$0x1410] =	vst v63  }
0x35: {  	_ =	swait.ge [sflag:s11], $0x3E8  }
0x36: {  	[sflag:s11] =	ssyncset.done $0x0  }
0x37: {  	[sflag:s11] =	ssyncadd.s32 $0xFFFFFC18  }
.Ltmp4:
0x38: {  	[bflag:$0x0] =	sbarrier.arrive $0xFFFF;
	(pc) =	sbr.rel .LBB2_5-.Ltmp4, $4  }
0x39: {  	[hbm:s6], [sflag:s9] =	dma.local [spmem:s13], $0x188  }
0x3a: {  	_ =	swait.ge [sflag:s11], $0x188  }
0x3b: {  	[sflag:s11] =	ssyncset.done $0x0  }
0x3c: {  	[sflag:s11] =	ssyncadd.s32 $0xFFFFFE78  }
.LBB2_6:
0x3d: {  	_ =	sfence.sel $0x180000  }
0x3e: {  	[bflag:$0x0] =	sbarrier.arrive $0xFFFF  }
0x3f: {  	p0 =	sne.s32 s1, $0x0;
	_ =	strace $0x90000047  }
0x40: {  	s0 =	sadd.s32 @!p0 $0x100000, s0;
	[bflag:$0x2] =	sbarrier.arrive $0xFFFF  }
0x41: {  	[sflag:s0] =	ssyncadd.tile.s32 @!p0 $0x1;
	_ =	shalt  }
.Lfunc_end2:
_tile_overlayer_lowered:
.L_overlay_start_2:
0x42: {  	(tag) =	ssettag $0x2  }
0x43: {  	s0 =	rddreg [dreg:$0x0];
	s2 =	stileid.u32  }
0x44: {  	s1 =	rddreg [dreg:$0x1];
	p0 =	sne.s32 s2, $0x0  }
0x45: {  	s3 =	rddreg [dreg:$0x2];
	[bflag:$0x3] =	sbarrier.arrive $0xFFFF;
	s2 =	simm.s32 @!p0 $0x1C01  }
0x46: {  	[timem:s3], [sflag:s2] =	dma.local @!p0 [hbm:s0], s1  }
0x47: {  	s0 =	simm.s32 @!p0 $0x1  }
0x48: {  	_ =	swait.ge @!p0 [sflag:s0], s1  }
0x49: {  	s1 =	ssub.s32 @!p0 $0x0, s1;
	[sflag:s0] =	ssyncset.done @!p0 $0x0  }
0x4a: {  	[sflag:s0] =	ssyncadd.s32 @!p0 s1  }
0x4b: {  	[bflag:$0x3] =	sbarrier.arrive $0xFFFF  }
0x4c: {  	_ =	shalt  }

// kernel: kernel.16.cloned.1.call-start
scs
__scs_entry_jumppad:
0x0: {  	(pc) =	sbr.rel $0x88, $3  }
0x1: {  	(tag) =	ssettag $0x0;
	lr =	simm.s32 $0x1  }
0x2: {  	[smem:$0x3F94] =	sst lr;
	_ =	strace $0xD0000000  }
0x3: {  	_ = 	snop  }
0x4: {  	_ = 	snop  }
0x5: {  	_ = 	snop  }
0x6: {  	_ = 	snop  }
0x7: {  	_ = 	snop  }
__scs_overlays_trampoline_lowered:
0x8: {  	[smem:$0x3FA3] =	sst s0  }
0x9: {  	[smem:$0x3FA4] =	sst s1  }
0xa: {  	[smem:$0x3FA5] =	sst s2  }
0xb: {  	[smem:$0x3FA6] =	sst s3  }
0xc: {  	[smem:$0x3FA7] =	sst s4  }
0xd: {  	[smem:$0x3FA8] =	sst s5  }
0xe: {  	[smem:$0x3FA9] =	sst s6  }
0xf: {  	[smem:$0x3FAA] =	sst s7  }
0x10: {  	[smem:$0x3FAB] =	sst s8  }
0x11: {  	[smem:$0x3FAC] =	sst s9;
	s0 =	simm.s32 @!p0 $0x0  }
0x12: {  	s1 =	sld [smem:$0x3F92];
	s0 =	simm.s32 @p0 $0x1  }
0x13: {  	[smem:$0x3FAD] =	sst s0;
	s0 =	simm.s32 @!p1 $0x0  }
0x14: {  	s2 =	sld [smem:$0x3F91];
	s0 =	simm.s32 @p1 $0x1  }
0x15: {  	[smem:$0x3FAE] =	sst s0;
	s0 =	simm.s32 @!p2 $0x0  }
0x16: {  	s3 =	sld [smem:$0x3FDB];
	s0 =	simm.s32 @p2 $0x1  }
0x17: {  	s4 =	simm.s32 $0x1BF5;
	[smem:$0x3FB0] =	sst s0  }
0x18: {  	s0 =	sld [smem:$0x3F93];
	_ =	swait.ge [sflag:s4], $0x0  }
0x19: {  	s7 =	sld [smem:$0x3F94]  }
0x1a: {  	s8 =	sadd.s32 $0xFFFFE003, lr  }
0x1b: {  	s9 =	sadd.s32 $0xFFFFFEF7, lr;
	s5 =	simm.s32 $0xFFFFFFFF;
	p2 =	slt.u32 s8, $0xFFFFF086  }
0x1c: {  	p1 =	slt.u32 s9, $0xF7A;
	s5 =	simm.s32 @!p2 $0x0  }
0x1d: {  	s5 =	simm.s32 @p1 $0x1;
	p0 =	seq.s32 s7, s2  }
0x1e: {  	s7 =	smul.u32 @!p0 $0xF7A, s2;
	p2 =	seq.s32 @!p0 s5, $0x0  }
0x1f: {  	s9 =	smul.u32 $0xF7A, s1;
	s8 =	simm.s32 @!p0 $0x1BF5;
	p2 =	por !p2, p0  }
0x20: {  	[sflag:s8] =	ssyncset.s32 @!p0 $0xFFFFF086;
	s6 =	sadd.s32 @!p0 s3, s7;
	s7 =	simm.s32 @!p0 $0x108  }
0x21: {  	s3 =	sadd.s32 s3, s9;
	s6 =	sadd.s32 @!p0 $0x88, s6;
	s7 =	simm.s32 @p2 $0x1082  }
0x22: {  	[simem:s7], [sflag:s8] =	dma.local @!p0 [hbm:s6], $0xF7A  }
0x23: {  	s9 =	sor.u32 $0xD0000000, s2;
	s6 =	simm.s32 $0x108;
	_ =	swait.ge @!p0 [sflag:s8], $0x0  }
0x24: {  	s3 =	sadd.s32 $0x88, s3;
	s6 =	simm.s32 @!p1 $0x1082;
	[sflag:s4] =	ssyncset.s32 $0xFFFFF086  }
0x25: {  	[simem:s6], [sflag:s4] =	dma.local [hbm:s3], $0xF7A  }
0x26: {  	[smem:$0x3F94] =	sst s1;
	(tag) =	ssettag s2;
	_ =	strace s9  }
0x27: {  	s1 =	sld [smem:$0x3FA4]  }
0x28: {  	s2 =	sld [smem:$0x3FA5]  }
0x29: {  	s4 =	sld [smem:$0x3FA7]  }
0x2a: {  	p0 =	seq.s32 s5, $0x0;
	s5 =	sld [smem:$0x3FA8]  }
0x2b: {  	s6 =	sld [smem:$0x3FA9]  }
0x2c: {  	s7 =	sld [smem:$0x3FAA]  }
0x2d: {  	s3 =	simm.s32 $0x108;
	s8 =	sld [smem:$0x3FAB]  }
0x2e: {  	s3 =	simm.s32 @!p0 $0x1082;
	s9 =	sld [smem:$0x3FAC]  }
0x2f: {  	lr =	sadd.s32 s0, s3;
	s0 =	sld [smem:$0x3FA3]  }
0x30: {  	s3 =	sld [smem:$0x3FA6]  }
0x31: {  	[smem:$0x3FAF] =	sst s10  }
0x32: {  	s10 =	sld [smem:$0x3FAD];
	_ =	sdelay $0x3  }
0x33: {  	p0 =	seq.s32 s10, $0x1;
	s10 =	sld [smem:$0x3FAF];
	_ =	sdelay $0x3  }
0x34: {  	[smem:$0x3FAF] =	sst s10  }
0x35: {  	s10 =	sld [smem:$0x3FAE];
	_ =	sdelay $0x3  }
0x36: {  	p1 =	seq.s32 s10, $0x1;
	s10 =	sld [smem:$0x3FAF];
	_ =	sdelay $0x3  }
0x37: {  	[smem:$0x3FAF] =	sst s10  }
0x38: {  	s10 =	sld [smem:$0x3FB0]  }
0x39: {  	_ = 	snop;
	(pc) =	sbr.ind lr, $3  }
0x3a: {  	_ = 	snop  }
0x3b: {  	_ = 	snop  }
0x3c: {  	p2 =	seq.s32 s10, $0x1;
	s10 =	sld [smem:$0x3FAF]  }
0x3d: {  	_ =	shalt  }
0x3e: {  	_ =	shalt  }
0x3f: {  	_ =	shalt  }
0x40: {  	_ =	shalt  }
0x41: {  	_ =	shalt  }
0x42: {  	_ =	shalt  }
0x43: {  	_ =	shalt  }
0x44: {  	_ =	shalt  }
0x45: {  	_ =	shalt  }
0x46: {  	_ =	shalt  }
0x47: {  	_ =	shalt  }
0x48: {  	_ =	shalt  }
0x49: {  	_ =	shalt  }
0x4a: {  	_ =	shalt  }
0x4b: {  	_ =	shalt  }
0x4c: {  	_ =	shalt  }
0x4d: {  	_ =	shalt  }
0x4e: {  	_ =	shalt  }
0x4f: {  	_ =	shalt  }
0x50: {  	_ =	shalt  }
0x51: {  	_ =	shalt  }
0x52: {  	_ =	shalt  }
0x53: {  	_ =	shalt  }
0x54: {  	_ =	shalt  }
0x55: {  	_ =	shalt  }
0x56: {  	_ =	shalt  }
0x57: {  	_ =	shalt  }
0x58: {  	_ =	shalt  }
0x59: {  	_ =	shalt  }
0x5a: {  	_ =	shalt  }
0x5b: {  	_ =	shalt  }
0x5c: {  	_ =	shalt  }
0x5d: {  	_ =	shalt  }
0x5e: {  	_ =	shalt  }
0x5f: {  	_ =	shalt  }
0x60: {  	_ =	shalt  }
0x61: {  	_ =	shalt  }
0x62: {  	_ =	shalt  }
0x63: {  	_ =	shalt  }
0x64: {  	_ =	shalt  }
0x65: {  	_ =	shalt  }
0x66: {  	_ =	shalt  }
0x67: {  	_ =	shalt  }
0x68: {  	_ =	shalt  }
0x69: {  	_ =	shalt  }
0x6a: {  	_ =	shalt  }
0x6b: {  	_ =	shalt  }
0x6c: {  	_ =	shalt  }
0x6d: {  	_ =	shalt  }
0x6e: {  	_ =	shalt  }
0x6f: {  	_ =	shalt  }
0x70: {  	_ =	shalt  }
0x71: {  	_ =	shalt  }
0x72: {  	_ =	shalt  }
0x73: {  	_ =	shalt  }
0x74: {  	_ =	shalt  }
0x75: {  	_ =	shalt  }
0x76: {  	_ =	shalt  }
0x77: {  	_ =	shalt  }
0x78: {  	_ =	shalt  }
0x79: {  	_ =	shalt  }
0x7a: {  	_ =	shalt  }
0x7b: {  	_ =	shalt  }
0x7c: {  	_ =	shalt  }
0x7d: {  	_ =	shalt  }
0x7e: {  	_ =	shalt  }
0x7f: {  	_ =	shalt  }
0x80: {  	_ =	shalt  }
0x81: {  	_ =	shalt  }
0x82: {  	_ =	shalt  }
0x83: {  	_ =	shalt  }
0x84: {  	_ =	shalt  }
0x85: {  	_ =	shalt  }
0x86: {  	_ =	shalt  }
0x87: {  	_ =	shalt  }
.Lfunc_end0:
.L_simem_size_0:
called_computation.1_lowered:
.L_overlay_start_0:
0x88: {  	s2 =	sld [smem:$0x3FD9]  }
0x89: {  	s3 =	sld [smem:$0x3FFE];
	_ =	sdelay $0x1  }
0x8a: {  	s1 =	srdreg.scid  }
0x8b: {  	s0 =	sand.u32 $0x1, s1  }
0x8c: {  	s16 =	sshll.u32 s0, $0xA;
	s2 =	sadd.s32 s3, s2  }
0x8d: {  	s2 =	sadd.s32 s2, s16  }
0x8e: {  	[smem:$0x3FBB] =	sst s2  }
0x8f: {  	_ = 	snop  }
0x90: {  	(tm) =	ssettm $0x1  }
0x91: {  	s17 =	sld [smem:$0x3FFB];
	_ =	sdelay $0x3  }
0x92: {  	_ =	strace s17  }
0x93: {  	s2 =	sld [smem:$0x3FFC];
	_ =	sdelay $0x3  }
0x94: {  	_ =	strace s2  }
0x95: {  	s2 =	sld [smem:$0x3FFD];
	_ =	sdelay $0x3  }
0x96: {  	_ =	strace s2  }
0x97: {  	_ =	strace $0x8FFFFFFF  }
0x98: {  	s18 =	sld [smem:$0x3FDB];
	_ =	sdelay $0x1  }
0x99: {  	s19 =	simm.s32 $_scs_section_size  }
0x9a: {  	s4 =	simm.s32 $_size__tile_overlayer_lowered;
	s5 =	simm.s32 $_tile_overlayer_lowered  }
0x9b: {  	s22 =	simm.s32 $0x1BFF;
	s21 =	sshll.u32 s5, $0x1;
	s2 =	sadd.s32 s19, s18  }
0x9c: {  	s6 =	simm.s32 $0x0;
	s20 =	sshll.u32 s4, $0x1;
	s4 =	sadd.s32 s21, s2  }
0x9d: {  	[timem:s6], [sflag:s22] =	dma.local [hbm:s4], s20  }
0x9e: {  	_ =	swait.ge [sflag:s22], s20  }
0x9f: {  	s3 =	ssub.s32 $0x0, s20;
	[sflag:s22] =	ssyncset.done $0x0  }
0xa0: {  	[sflag:s22] =	ssyncadd.s32 s3;
	_ =	sdelay $0x1  }
0xa1: {  	s23 =	simm.s32 $0x1B8B  }
0xa2: {  	_ =	swait.ge [sflag:s23], $0x1  }
0xa3: {  	[sflag:s23] =	ssyncset.done $0x0  }
0xa4: {  	s25 =	simm.s32 $0x1B8E;
	s24 =	sld [smem:$0x3FFE];
	[sflag:s23] =	ssyncadd.s32 $0xFFFFFFFF  }
0xa5: {  	s26 =	simm.s32 $execute0_lowered;
	[smem:$0x3FD2] =	sst s25  }
0xa6: {  	s4 =	sshll.u32 s26, $0x1;
	_ =	strace $0x80000049;
	[dreg:$0x1] =	wrdreg $0xFFFFFFFF  }
0xa7: {  	s28 =	simm.s32 $_size_execute0_lowered;
	s2 =	sadd.s32 s2, s4;
	[dreg:$0x0] =	wrdreg $0x0  }
0xa8: {  	s4 =	sshll.u32 s28, $0x1;
	[dreg:$0x2] =	wrdreg s2  }
0xa9: {  	[dreg:$0x3] =	wrdreg s4  }
0xaa: {  	[dreg:$0x4] =	wrdreg $0xC0  }
0xab: {  	_ =	task [dreg:s6], $0x5FFFF  }
0xac: {  	[dreg:$0x1] =	wrdreg $0xFFFFFFFF  }
0xad: {  	[dreg:$0x0] =	wrdreg $0x60  }
0xae: {  	[dreg:$0x2] =	wrdreg s24  }
0xaf: {  	[dreg:$0x3] =	wrdreg $0x70800  }
0xb0: {  	[dreg:$0x4] =	wrdreg $0x9  }
0xb1: {  	_ =	task.clear_ibuf [dreg:s6], $0x5FFFF;
	_ =	strace $0x90000049  }
0xb2: {  	s29 =	simm.s32 $0x9;
	_ =	strace $0x8000004B  }
0xb3: {  	_ =	swait.ge [sflag:s29], $0x1  }
0xb4: {  	[sflag:s29] =	ssyncadd.s32 $0xFFFFFFFF  }
0xb5: {  	_ =	strace $0x9000004B  }
0xb6: {  	_ =	sfence  }
0xb7: {  	s30 =	sld [smem:$0x0];
	_ =	sdelay $0x2  }
0xb8: {  	s31 =	sshll.u32 s1, $0xD;
	s1 =	sshrl.u32 s1, $0x2  }
0xb9: {  	s3 =	sand.u32 $0x4000, s31;
	s1 =	sadd.s32 s1, s30  }
0xba: {  	s0 =	sor.u32 s3, s0;
	s1 =	sshll.u32 s1, $0x11  }
0xbb: {  	s0 =	sor.u32 s1, s0  }
0xbc: {  	s0 =	sadd.s32 $0x8F2B, s0  }
0xbd: {  	[sflag:s0] =	ssyncadd.remote.s32 $0x1  }
0xbe: {  	_ =	sfence.sel $0xFFFF  }
0xbf: {  	[dreg:$0x0] =	wrdreg $0xFFFFFFFF;
	(pc) =	sbr.abs _section_cstart, $3  }
0xc0: {  	[dreg:$0x1] =	wrdreg $0xFFFFFFFF  }
0xc1: {  	_ =	task.clear_ibuf [dreg:s6], $0x2FFFF;
	_ =	strace $0x9FFFFFFF  }
0xc2: {  	(tm) =	ssettm $0x7FFFFFFF  }
0xc3: {  	_ =	shalt  }
tec
execute0_lowered:
.L_overlay_start_1:
0x0: {  	(tag) =	ssettag $0x1  }
0x1: {  	s0 =	rddreg [dreg:$0x0]  }
0x2: {  	s1 =	rddreg [dreg:$0x1];
	s2 =	simm.s32 $0x0  }
0x3: {  	s6 =	srdreg.scid;
	s12 =	stileid.u32;
	s28 =	simm.s32 $0xC80  }
0x4: {  	s29 =	simm.s32 $0x960;
	s30 =	simm.s32 $0xAF0;
	s31 =	simm.s32 $0x2  }
0x5: {  	[smem:$0x7FF] =	sst s2;
	s3 =	sadd.s32 $0x7400, s0;
	s4 =	sadd.s32 $0x38200, s0  }
0x6: {  	s5 =	sadd.s32 $0x69200, s0;
	s7 =	sadd.s32 $0xCB200, s0;
	s6 =	sand.u32 $0x1, s6  }
0x7: {  	s16 =	smul.u32 $0xC350, s12;
	s8 =	sadd.s32 $0xCE400, s0;
	s0 =	sadd.s32 $0xFF400, s0  }
0x8: {  	s11 =	smul.u32 $0x18800, s12;
	_ =	strace $0x8000004A;
	[dreg:$0x3] =	wrdreg s7  }
0x9: {  	s19 =	sshll.u32 s12, $0x6;
	s24 =	smul.u32 $0x186A, s12;
	[dreg:$0x4] =	wrdreg s8  }
0xa: {  	[dreg:$0x5] =	wrdreg s0;
	s17 =	ssub.s32 $0x2, s6;
	s10 =	sor.u32 $0x1C07, s19  }
0xb: {  	p0 =	sne.s32 s6, $0x0;
	s8 =	simm.s32 $0x6;
	s6 =	simm.s32 $0x4  }
0xc: {  	s18 =	sshrl.u32 s17, $0x1;
	s7 =	sshrl.u32 s16, $0x3;
	s20 =	sadd.s32 s11, s1  }
0xd: {  	s11 =	sshrl.u32 s11, $0x3;
	s0 =	ssub.s32 s17, s18;
	s9 =	sadd.s32 s3, s7  }
0xe: {  	[dreg:$0xb] =	wrdreg s11;
	s18 =	sadd.s32 s24, s3;
	s21 =	sadd.s32 $0x186A0, s9  }
0xf: {  	s19 =	sshrl.u32 s20, $0x3;
	s22 =	sadd.s32 $0x32, s9;
	[dreg:$0x6] =	wrdreg s21  }
0x10: {  	s20 =	simm.s32 $0x7;
	s23 =	sadd.s32 $0x186D2, s9;
	[dreg:$0x7] =	wrdreg s22  }
0x11: {  	s24 =	simm.s32 $0x640;
	s25 =	sadd.s32 $0x64, s9;
	[dreg:$0x8] =	wrdreg s23  }
.Ltmp0:
0x12: {  	s26 =	sadd.s32 $0x18704, s9;
	[dreg:$0x9] =	wrdreg s25;
	(pc) =	sbr.rel .LBB2_1-.Ltmp0, $4  }
0x13: {  	s3 =	simm.s32 $0x5;
	s0 =	smax.u32 s0, $0x1;
	[dreg:$0xa] =	wrdreg s26  }
0x14: {  	s7 =	simm.s32 $0x3;
	s11 =	simm.s32 $0x0;
	[dreg:$0xc] =	wrdreg s0  }
0x15: {  	s21 =	simm.s32 $0x190;
	s22 =	simm.s32 $0x320;
	s23 =	simm.s32 $0x4B0  }
0x16: {  	s25 =	simm.s32 $0x7D0;
	s26 =	simm.s32 $0x1;
	s0 =	simm.s32 $0x3E80  }
.LBB2_8:
0x17: {  	s12 =	rddreg [dreg:$0x5]  }
.LBB2_9:
0x18: {  	_ =	swait.ge [sflag:s3], $0x3200  }
0x19: {  	[sflag:s3] =	ssyncset.done $0x0  }
0x1a: {  	[sflag:s3] =	ssyncadd.s32 $0xFFFFCE00  }
0x1b: {  	[spmem:s1] =	stream.indirect.scatter.add.f32 [tilespmem:s28], [sflag:$0x7], $0x20, s21, s21, $0xb8;
	[tilespmem:$0x1F880] =	vst v63  }
0x1c: {  	_ =	swait.ge [sflag:s20], $0x3200  }
0x1d: {  	[sflag:s20] =	ssyncset.done $0x0  }
0x1e: {  	s13 =	rddreg [dreg:$0xb];
	[sflag:s20] =	ssyncadd.s32 $0xFFFFCE00  }
0x1f: {  	s12 =	sadd.s32 s12, s13;
	[bflag:$0x0] =	sbarrier.arrive $0xFFFF  }
0x20: {  	[hbm:s12], [sflag:s10] =	dma.local [spmem:s19], $0x3100  }
0x21: {  	_ =	swait.ge [sflag:s20], $0x3100  }
0x22: {  	s11 =	sadd.s32 $0x1, s11;
	s17 =	rddreg [dreg:$0xc]  }
0x23: {  	p1 =	sne.s32 s11, s17  }
.Ltmp1:
0x24: {  	_ = 	snop;
	(pc) =	sbr.rel @!p1 .LBB2_10-.Ltmp1, $3  }
0x25: {  	_ =	sdelay $0x1  }
0x26: {  	[sflag:s20] =	ssyncset.done $0x0  }
0x27: {  	[sflag:s20] =	ssyncadd.s32 $0xFFFFCF00  }
.LBB2_1:
0x28: {  	s12 =	rddreg [dreg:$0x3]  }
0x29: {  	[spmem:s19], [sflag:s10] =	dma.local [hbm:s12], $0x3100  }
0x2a: {  	_ =	swait.ge [sflag:s20], $0x3100  }
0x2b: {  	[sflag:s20] =	ssyncset.done $0x0  }
0x2c: {  	[sflag:s20] =	ssyncadd.s32 $0xFFFFCF00  }
0x2d: {  	[bflag:$0x0] =	sbarrier.arrive $0xFFFF  }
0x2e: {  	[tilespmem:s2], [sflag:$0x1] =	stream.linear.gather [hbm4b:s9+s2], $0x190, $0x38;
	[tilespmem:$0x1F880] =	vst v63  }
0x2f: {  	s13 =	rddreg [dreg:$0x6]  }
0x30: {  	[tilespmem:s21], [sflag:$0x1] =	stream.linear.gather [hbm4b:s13+s2], $0x190, $0x38;
	[tilespmem:$0x1F880] =	vst v63  }
0x31: {  	s14 =	rddreg [dreg:$0x7]  }
0x32: {  	[tilespmem:s22], [sflag:$0x2] =	stream.linear.gather [hbm4b:s14+s2], $0x190, $0x38;
	[tilespmem:$0x1F880] =	vst v63  }
0x33: {  	s15 =	rddreg [dreg:$0x8]  }
0x34: {  	[tilespmem:s23], [sflag:$0x2] =	stream.linear.gather [hbm4b:s15+s2], $0x190, $0x38;
	[tilespmem:$0x1F880] =	vst v63  }
0x35: {  	s16 =	rddreg [dreg:$0x9]  }
0x36: {  	[tilespmem:s24], [sflag:$0x3] =	stream.linear.gather [hbm4b:s16+s2], $0x190, $0x38;
	[tilespmem:$0x1F880] =	vst v63  }
0x37: {  	s17 =	rddreg [dreg:$0xa]  }
0x38: {  	[tilespmem:s25], [sflag:$0x3] =	stream.linear.gather [hbm4b:s17+s2], $0x190, $0x38;
	[tilespmem:$0x1F880] =	vst v63  }
0x39: {  	_ =	swait.ge [sflag:s26], $0x190  }
.Ltmp2:
0x3a: {  	[sflag:s26] =	ssyncset.done $0x0;
	(pc) =	sbr.rel @p0 .LBB2_6-.Ltmp2, $4  }
0x3b: {  	[sflag:s26] =	ssyncadd.s32 $0xFFFFFE70  }
0x3c: {  	_ =	swait.ge [sflag:s26], $0x190  }
0x3d: {  	[sflag:s26] =	ssyncset.done $0x0  }
0x3e: {  	s12 =	simm.s32 $0x0;
	[sflag:s26] =	ssyncadd.s32 $0xFFFFFE70  }
0x3f: {  	[tilespmem:s28], [sflag:$0x5] =	stream.indirect.gather [hbm4b:s4+s21], $0x20, s12, s21, $0xb8;
	[tilespmem:$0x1F880] =	vst v63  }
.LBB2_3:
0x40: {  	s13 =	sadd.s32 s12, s18  }
0x41: {  	s14 =	sadd.s32 $0x96, s13  }
0x42: {  	[tilespmem:s29], [sflag:$0x4] =	stream.linear.gather [hbm4b:s14+s2], $0x190, $0x38;
	[tilespmem:$0x1F880] =	vst v63  }
0x43: {  	s15 =	sadd.s32 $0x18736, s13  }
0x44: {  	[tilespmem:s30], [sflag:$0x4] =	stream.linear.gather [hbm4b:s15+s2], $0x190, $0x38;
	[tilespmem:$0x1F880] =	vst v63  }
0x45: {  	_ =	swait.ge [sflag:s31], $0x190  }
0x46: {  	[sflag:s31] =	ssyncset.done $0x0  }
0x47: {  	[sflag:s31] =	ssyncadd.s32 $0xFFFFFE70  }
0x48: {  	_ =	swait.ge [sflag:s31], $0x190  }
0x49: {  	[sflag:s31] =	ssyncset.done $0x0  }
0x4a: {  	[sflag:s31] =	ssyncadd.s32 $0xFFFFFE70  }
0x4b: {  	[tilespmem:s0], [sflag:$0x6] =	stream.indirect.gather [hbm4b:s4+s21], $0x20, s22, s21, $0xb8;
	[tilespmem:$0x1F880] =	vst v63  }
0x4c: {  	_ =	swait.ge [sflag:s3], $0x3200  }
0x4d: {  	[sflag:s3] =	ssyncset.done $0x0  }
0x4e: {  	[sflag:s3] =	ssyncadd.s32 $0xFFFFCE00  }
0x4f: {  	[spmem:s1] =	stream.indirect.scatter.add.f32 [tilespmem:s28], [sflag:$0x7], $0x20, s21, s21, $0xb8;
	[tilespmem:$0x1F880] =	vst v63  }
0x50: {  	_ =	swait.ge [sflag:s20], $0x3200  }
0x51: {  	[sflag:s20] =	ssyncset.done $0x0  }
0x52: {  	s16 =	sadd.s32 $0xC8, s13;
	[sflag:s20] =	ssyncadd.s32 $0xFFFFCE00  }
0x53: {  	[tilespmem:s2], [sflag:$0x1] =	stream.linear.gather [hbm4b:s16+s2], $0x190, $0x38;
	[tilespmem:$0x1F880] =	vst v63  }
0x54: {  	s17 =	sadd.s32 $0x18768, s13  }
0x55: {  	[tilespmem:s21], [sflag:$0x1] =	stream.linear.gather [hbm4b:s17+s2], $0x190, $0x38;
	[tilespmem:$0x1F880] =	vst v63  }
0x56: {  	_ =	swait.ge [sflag:s7], $0x190  }
0x57: {  	[sflag:s7] =	ssyncset.done $0x0  }
0x58: {  	[sflag:s7] =	ssyncadd.s32 $0xFFFFFE70  }
0x59: {  	_ =	swait.ge [sflag:s7], $0x190  }
0x5a: {  	[sflag:s7] =	ssyncset.done $0x0  }
0x5b: {  	[sflag:s7] =	ssyncadd.s32 $0xFFFFFE70  }
0x5c: {  	[tilespmem:s28], [sflag:$0x5] =	stream.indirect.gather [hbm4b:s4+s21], $0x20, s24, s21, $0xb8;
	[tilespmem:$0x1F880] =	vst v63  }
0x5d: {  	_ =	swait.ge [sflag:s8], $0x3200  }
0x5e: {  	[sflag:s8] =	ssyncset.done $0x0  }
0x5f: {  	p1 =	seq.s32 s12, $0x1770;
	[sflag:s8] =	ssyncadd.s32 $0xFFFFCE00  }
0x60: {  	[spmem:s1] =	stream.indirect.scatter.add.f32 [tilespmem:s0], [sflag:$0x7], $0x20, s23, s21, $0xb8;
	[tilespmem:$0x1F880] =	vst v63  }
0x61: {  	s14 =	sadd.s32 @!p1 s12, s18;
	_ =	swait.ge [sflag:s20], $0x3200  }
0x62: {  	s15 =	sadd.s32 @!p1 $0xFA, s14;
	[sflag:s20] =	ssyncset.done $0x0  }
0x63: {  	s16 =	simm.s32 @!p1 $0x0;
	s17 =	simm.s32 @!p1 $0x320;
	[sflag:s20] =	ssyncadd.s32 $0xFFFFCE00  }
0x64: {  	[tilespmem:s17], [sflag:$0x2] =	stream.linear.gather @!p1 [hbm4b:s15+s16], $0x190, $0x38;
	[tilespmem:$0x1F880] =	vst v63  }
0x65: {  	s15 =	sadd.s32 @!p1 $0x1879A, s14;
	s17 =	simm.s32 @!p1 $0x4B0  }
0x66: {  	[tilespmem:s17], [sflag:$0x2] =	stream.linear.gather @!p1 [hbm4b:s15+s16], $0x190, $0x38;
	[tilespmem:$0x1F880] =	vst v63  }
0x67: {  	_ =	swait.ge [sflag:s6], $0x190  }
0x68: {  	[sflag:s6] =	ssyncset.done $0x0  }
0x69: {  	[sflag:s6] =	ssyncadd.s32 $0xFFFFFE70  }
0x6a: {  	_ =	swait.ge [sflag:s6], $0x190  }
0x6b: {  	[sflag:s6] =	ssyncset.done $0x0  }
0x6c: {  	[sflag:s6] =	ssyncadd.s32 $0xFFFFFE70  }
0x6d: {  	[tilespmem:s0], [sflag:$0x6] =	stream.indirect.gather [hbm4b:s4+s21], $0x20, s29, s21, $0xb8;
	[tilespmem:$0x1F880] =	vst v63  }
0x6e: {  	_ =	swait.ge [sflag:s3], $0x3200  }
0x6f: {  	[sflag:s3] =	ssyncset.done $0x0  }
0x70: {  	[sflag:s3] =	ssyncadd.s32 $0xFFFFCE00  }
0x71: {  	[spmem:s1] =	stream.indirect.scatter.add.f32 [tilespmem:s28], [sflag:$0x7], $0x20, s25, s21, $0xb8;
	[tilespmem:$0x1F880] =	vst v63  }
0x72: {  	_ =	swait.ge [sflag:s20], $0x3200  }
0x73: {  	[sflag:s20] =	ssyncset.done $0x0  }
0x74: {  	s15 =	sadd.s32 @!p1 $0x12C, s14;
	s17 =	simm.s32 @!p1 $0x640;
	[sflag:s20] =	ssyncadd.s32 $0xFFFFCE00  }
0x75: {  	[tilespmem:s17], [sflag:$0x3] =	stream.linear.gather @!p1 [hbm4b:s15+s16], $0x190, $0x38;
	[tilespmem:$0x1F880] =	vst v63  }
0x76: {  	s14 =	sadd.s32 @!p1 $0x187CC, s14;
	s15 =	simm.s32 @!p1 $0x7D0  }
0x77: {  	[tilespmem:s15], [sflag:$0x3] =	stream.linear.gather @!p1 [hbm4b:s14+s16], $0x190, $0x38;
	[tilespmem:$0x1F880] =	vst v63  }
0x78: {  	_ =	swait.ge [sflag:s26], $0x190  }
0x79: {  	[sflag:s26] =	ssyncset.done $0x0  }
0x7a: {  	[sflag:s26] =	ssyncadd.s32 $0xFFFFFE70  }
0x7b: {  	_ =	swait.ge [sflag:s26], $0x190  }
0x7c: {  	[sflag:s26] =	ssyncset.done $0x0  }
0x7d: {  	[sflag:s26] =	ssyncadd.s32 $0xFFFFFE70  }
0x7e: {  	[tilespmem:s28], [sflag:$0x5] =	stream.indirect.gather [hbm4b:s4+s21], $0x20, s2, s21, $0xb8;
	[tilespmem:$0x1F880] =	vst v63  }
0x7f: {  	_ =	swait.ge [sflag:s8], $0x3200  }
0x80: {  	[sflag:s8] =	ssyncset.done $0x0  }
.Ltmp3:
0x81: {  	[sflag:s8] =	ssyncadd.s32 $0xFFFFCE00;
	(pc) =	sbr.rel @p1 .LBB2_4-.Ltmp3, $4  }
0x82: {  	[spmem:s1] =	stream.indirect.scatter.add.f32 [tilespmem:s0], [sflag:$0x7], $0x20, s30, s21, $0xb8;
	[tilespmem:$0x1F880] =	vst v63  }
0x83: {  	_ =	swait.ge [sflag:s20], $0x3200  }
0x84: {  	[sflag:s20] =	ssyncset.done $0x0  }
0x85: {  	[sflag:s20] =	ssyncadd.s32 $0xFFFFCE00  }
.Ltmp4:
0x86: {  	(pc) =	sbr.rel .LBB2_3-.Ltmp4, $4  }
0x87: {  	s14 =	sadd.s32 $0x15E, s13  }
0x88: {  	[tilespmem:s29], [sflag:$0x4] =	stream.linear.gather [hbm4b:s14+s2], $0x190, $0x38;
	[tilespmem:$0x1F880] =	vst v63  }
0x89: {  	s17 =	sadd.s32 $0x187FE, s13;
	s12 =	sadd.s32 $0xC8, s12  }
0x8a: {  	[tilespmem:s30], [sflag:$0x4] =	stream.linear.gather [hbm4b:s17+s2], $0x190, $0x38;
	[tilespmem:$0x1F880] =	vst v63  }
.LBB2_6:
0x8b: {  	[tilespmem:s28], [sflag:$0x5] =	stream.indirect.gather [hbm4b:s5+s21], $0x20, s12, s21, $0xb8;
	[tilespmem:$0x1F880] =	vst v63  }
.LBB2_7:
0x8c: {  	s13 =	sadd.s32 s12, s18  }
0x8d: {  	s14 =	sadd.s32 $0x96, s13  }
0x8e: {  	[tilespmem:s29], [sflag:$0x4] =	stream.linear.gather [hbm4b:s14+s2], $0x190, $0x38;
	[tilespmem:$0x1F880] =	vst v63  }
0x8f: {  	s15 =	sadd.s32 $0x18736, s13  }
0x90: {  	[tilespmem:s30], [sflag:$0x4] =	stream.linear.gather [hbm4b:s15+s2], $0x190, $0x38;
	[tilespmem:$0x1F880] =	vst v63  }
0x91: {  	_ =	swait.ge [sflag:s31], $0x190  }
0x92: {  	[sflag:s31] =	ssyncset.done $0x0  }
0x93: {  	[sflag:s31] =	ssyncadd.s32 $0xFFFFFE70  }
0x94: {  	_ =	swait.ge [sflag:s31], $0x190  }
0x95: {  	[sflag:s31] =	ssyncset.done $0x0  }
0x96: {  	[sflag:s31] =	ssyncadd.s32 $0xFFFFFE70  }
0x97: {  	[tilespmem:s0], [sflag:$0x6] =	stream.indirect.gather [hbm4b:s5+s21], $0x20, s22, s21, $0xb8;
	[tilespmem:$0x1F880] =	vst v63  }
0x98: {  	_ =	swait.ge [sflag:s3], $0x3200  }
0x99: {  	[sflag:s3] =	ssyncset.done $0x0  }
0x9a: {  	[sflag:s3] =	ssyncadd.s32 $0xFFFFCE00  }
0x9b: {  	[spmem:s1] =	stream.indirect.scatter.add.f32 [tilespmem:s28], [sflag:$0x7], $0x20, s21, s21, $0xb8;
	[tilespmem:$0x1F880] =	vst v63  }
0x9c: {  	_ =	swait.ge [sflag:s20], $0x3200  }
0x9d: {  	[sflag:s20] =	ssyncset.done $0x0  }
0x9e: {  	s16 =	sadd.s32 $0xC8, s13;
	[sflag:s20] =	ssyncadd.s32 $0xFFFFCE00  }
0x9f: {  	[tilespmem:s2], [sflag:$0x1] =	stream.linear.gather [hbm4b:s16+s2], $0x190, $0x38;
	[tilespmem:$0x1F880] =	vst v63  }
0xa0: {  	s17 =	sadd.s32 $0x18768, s13  }
0xa1: {  	[tilespmem:s21], [sflag:$0x1] =	stream.linear.gather [hbm4b:s17+s2], $0x190, $0x38;
	[tilespmem:$0x1F880] =	vst v63  }
0xa2: {  	_ =	swait.ge [sflag:s7], $0x190  }
0xa3: {  	[sflag:s7] =	ssyncset.done $0x0  }
0xa4: {  	[sflag:s7] =	ssyncadd.s32 $0xFFFFFE70  }
0xa5: {  	_ =	swait.ge [sflag:s7], $0x190  }
0xa6: {  	[sflag:s7] =	ssyncset.done $0x0  }
0xa7: {  	[sflag:s7] =	ssyncadd.s32 $0xFFFFFE70  }
0xa8: {  	[tilespmem:s28], [sflag:$0x5] =	stream.indirect.gather [hbm4b:s5+s21], $0x20, s24, s21, $0xb8;
	[tilespmem:$0x1F880] =	vst v63  }
0xa9: {  	_ =	swait.ge [sflag:s8], $0x3200  }
0xaa: {  	[sflag:s8] =	ssyncset.done $0x0  }
0xab: {  	p1 =	seq.s32 s12, $0x1770;
	[sflag:s8] =	ssyncadd.s32 $0xFFFFCE00  }
0xac: {  	[spmem:s1] =	stream.indirect.scatter.add.f32 [tilespmem:s0], [sflag:$0x7], $0x20, s23, s21, $0xb8;
	[tilespmem:$0x1F880] =	vst v63  }
0xad: {  	s14 =	sadd.s32 @!p1 s12, s18;
	_ =	swait.ge [sflag:s20], $0x3200  }
0xae: {  	s15 =	sadd.s32 @!p1 $0xFA, s14;
	[sflag:s20] =	ssyncset.done $0x0  }
0xaf: {  	s16 =	simm.s32 @!p1 $0x0;
	s17 =	simm.s32 @!p1 $0x320;
	[sflag:s20] =	ssyncadd.s32 $0xFFFFCE00  }
0xb0: {  	[tilespmem:s17], [sflag:$0x2] =	stream.linear.gather @!p1 [hbm4b:s15+s16], $0x190, $0x38;
	[tilespmem:$0x1F880] =	vst v63  }
0xb1: {  	s15 =	sadd.s32 @!p1 $0x1879A, s14;
	s17 =	simm.s32 @!p1 $0x4B0  }
0xb2: {  	[tilespmem:s17], [sflag:$0x2] =	stream.linear.gather @!p1 [hbm4b:s15+s16], $0x190, $0x38;
	[tilespmem:$0x1F880] =	vst v63  }
0xb3: {  	_ =	swait.ge [sflag:s6], $0x190  }
0xb4: {  	[sflag:s6] =	ssyncset.done $0x0  }
0xb5: {  	[sflag:s6] =	ssyncadd.s32 $0xFFFFFE70  }
0xb6: {  	_ =	swait.ge [sflag:s6], $0x190  }
0xb7: {  	[sflag:s6] =	ssyncset.done $0x0  }
0xb8: {  	[sflag:s6] =	ssyncadd.s32 $0xFFFFFE70  }
0xb9: {  	[tilespmem:s0], [sflag:$0x6] =	stream.indirect.gather [hbm4b:s5+s21], $0x20, s29, s21, $0xb8;
	[tilespmem:$0x1F880] =	vst v63  }
0xba: {  	_ =	swait.ge [sflag:s3], $0x3200  }
0xbb: {  	[sflag:s3] =	ssyncset.done $0x0  }
0xbc: {  	[sflag:s3] =	ssyncadd.s32 $0xFFFFCE00  }
0xbd: {  	[spmem:s1] =	stream.indirect.scatter.add.f32 [tilespmem:s28], [sflag:$0x7], $0x20, s25, s21, $0xb8;
	[tilespmem:$0x1F880] =	vst v63  }
0xbe: {  	_ =	swait.ge [sflag:s20], $0x3200  }
0xbf: {  	[sflag:s20] =	ssyncset.done $0x0  }
0xc0: {  	s15 =	sadd.s32 @!p1 $0x12C, s14;
	s17 =	simm.s32 @!p1 $0x640;
	[sflag:s20] =	ssyncadd.s32 $0xFFFFCE00  }
0xc1: {  	[tilespmem:s17], [sflag:$0x3] =	stream.linear.gather @!p1 [hbm4b:s15+s16], $0x190, $0x38;
	[tilespmem:$0x1F880] =	vst v63  }
0xc2: {  	s14 =	sadd.s32 @!p1 $0x187CC, s14;
	s15 =	simm.s32 @!p1 $0x7D0  }
0xc3: {  	[tilespmem:s15], [sflag:$0x3] =	stream.linear.gather @!p1 [hbm4b:s14+s16], $0x190, $0x38;
	[tilespmem:$0x1F880] =	vst v63  }
0xc4: {  	_ =	swait.ge [sflag:s26], $0x190  }
0xc5: {  	[sflag:s26] =	ssyncset.done $0x0  }
0xc6: {  	[sflag:s26] =	ssyncadd.s32 $0xFFFFFE70  }
0xc7: {  	_ =	swait.ge [sflag:s26], $0x190  }
0xc8: {  	[sflag:s26] =	ssyncset.done $0x0  }
0xc9: {  	[sflag:s26] =	ssyncadd.s32 $0xFFFFFE70  }
0xca: {  	[tilespmem:s28], [sflag:$0x5] =	stream.indirect.gather [hbm4b:s5+s21], $0x20, s2, s21, $0xb8;
	[tilespmem:$0x1F880] =	vst v63  }
0xcb: {  	_ =	swait.ge [sflag:s8], $0x3200  }
0xcc: {  	[sflag:s8] =	ssyncset.done $0x0  }
.Ltmp5:
0xcd: {  	[sflag:s8] =	ssyncadd.s32 $0xFFFFCE00;
	(pc) =	sbr.rel @p1 .LBB2_8-.Ltmp5, $4  }
0xce: {  	[spmem:s1] =	stream.indirect.scatter.add.f32 [tilespmem:s0], [sflag:$0x7], $0x20, s30, s21, $0xb8;
	[tilespmem:$0x1F880] =	vst v63  }
0xcf: {  	_ =	swait.ge [sflag:s20], $0x3200  }
0xd0: {  	[sflag:s20] =	ssyncset.done $0x0  }
0xd1: {  	[sflag:s20] =	ssyncadd.s32 $0xFFFFCE00  }
.Ltmp6:
0xd2: {  	(pc) =	sbr.rel .LBB2_7-.Ltmp6, $4  }
0xd3: {  	s14 =	sadd.s32 $0x15E, s13  }
0xd4: {  	[tilespmem:s29], [sflag:$0x4] =	stream.linear.gather [hbm4b:s14+s2], $0x190, $0x38;
	[tilespmem:$0x1F880] =	vst v63  }
0xd5: {  	s17 =	sadd.s32 $0x187FE, s13;
	s12 =	sadd.s32 $0xC8, s12  }
0xd6: {  	[tilespmem:s30], [sflag:$0x4] =	stream.linear.gather [hbm4b:s17+s2], $0x190, $0x38;
	[tilespmem:$0x1F880] =	vst v63  }
.LBB2_4:
.Ltmp7:
0xd7: {  	(pc) =	sbr.rel .LBB2_9-.Ltmp7, $2  }
0xd8: {  	_ =	sdelay $0x2  }
0xd9: {  	s12 =	rddreg [dreg:$0x4]  }
.LBB2_10:
0xda: {  	_ =	sfence.sel $0x180000  }
0xdb: {  	[bflag:$0x0] =	sbarrier.arrive $0xFFFF  }
0xdc: {  	_ =	strace $0x9000004A  }
0xdd: {  	s0 =	stileid.u32;
	[bflag:$0x2] =	sbarrier.arrive $0xFFFF  }
0xde: {  	p0 =	sne.s32 s0, $0x0;
	s0 =	rddreg [dreg:$0x2]  }
0xdf: {  	s0 =	sadd.s32 @!p0 $0x100000, s0  }
0xe0: {  	[sflag:s0] =	ssyncadd.tile.s32 @!p0 $0x1;
	_ =	shalt  }
.Lfunc_end2:
_tile_overlayer_lowered:
.L_overlay_start_2:
0xe1: {  	(tag) =	ssettag $0x2  }
0xe2: {  	s0 =	rddreg [dreg:$0x0];
	s2 =	stileid.u32  }
0xe3: {  	s1 =	rddreg [dreg:$0x1];
	p0 =	sne.s32 s2, $0x0  }
0xe4: {  	s3 =	rddreg [dreg:$0x2];
	[bflag:$0x3] =	sbarrier.arrive $0xFFFF;
	s2 =	simm.s32 @!p0 $0x1C07  }
0xe5: {  	[timem:s3], [sflag:s2] =	dma.local @!p0 [hbm:s0], s1  }
0xe6: {  	s0 =	simm.s32 @!p0 $0x7  }
0xe7: {  	_ =	swait.ge @!p0 [sflag:s0], s1  }
0xe8: {  	s1 =	ssub.s32 @!p0 $0x0, s1;
	[sflag:s0] =	ssyncset.done @!p0 $0x0  }
0xe9: {  	[sflag:s0] =	ssyncadd.s32 @!p0 s1  }
0xea: {  	[bflag:$0x3] =	sbarrier.arrive $0xFFFF  }
0xeb: {  	_ =	shalt  }

// kernel: kernel.19.cloned.1.call-start
scs
__scs_entry_jumppad:
0x0: {  	(pc) =	sbr.rel $0x88, $3  }
0x1: {  	(tag) =	ssettag $0x0;
	lr =	simm.s32 $0x1  }
0x2: {  	[smem:$0x3F94] =	sst lr;
	_ =	strace $0xD0000000  }
0x3: {  	_ = 	snop  }
0x4: {  	_ = 	snop  }
0x5: {  	_ = 	snop  }
0x6: {  	_ = 	snop  }
0x7: {  	_ = 	snop  }
__scs_overlays_trampoline_lowered:
0x8: {  	[smem:$0x3FA3] =	sst s0  }
0x9: {  	[smem:$0x3FA4] =	sst s1  }
0xa: {  	[smem:$0x3FA5] =	sst s2  }
0xb: {  	[smem:$0x3FA6] =	sst s3  }
0xc: {  	[smem:$0x3FA7] =	sst s4  }
0xd: {  	[smem:$0x3FA8] =	sst s5  }
0xe: {  	[smem:$0x3FA9] =	sst s6  }
0xf: {  	[smem:$0x3FAA] =	sst s7  }
0x10: {  	[smem:$0x3FAB] =	sst s8  }
0x11: {  	[smem:$0x3FAC] =	sst s9;
	s0 =	simm.s32 @!p0 $0x0  }
0x12: {  	s1 =	sld [smem:$0x3F92];
	s0 =	simm.s32 @p0 $0x1  }
0x13: {  	[smem:$0x3FAD] =	sst s0;
	s0 =	simm.s32 @!p1 $0x0  }
0x14: {  	s2 =	sld [smem:$0x3F91];
	s0 =	simm.s32 @p1 $0x1  }
0x15: {  	[smem:$0x3FAE] =	sst s0;
	s0 =	simm.s32 @!p2 $0x0  }
0x16: {  	s3 =	sld [smem:$0x3FDB];
	s0 =	simm.s32 @p2 $0x1  }
0x17: {  	s4 =	simm.s32 $0x1BF5;
	[smem:$0x3FB0] =	sst s0  }
0x18: {  	s0 =	sld [smem:$0x3F93];
	_ =	swait.ge [sflag:s4], $0x0  }
0x19: {  	s7 =	sld [smem:$0x3F94]  }
0x1a: {  	s8 =	sadd.s32 $0xFFFFE003, lr  }
0x1b: {  	s9 =	sadd.s32 $0xFFFFFEF7, lr;
	s5 =	simm.s32 $0xFFFFFFFF;
	p2 =	slt.u32 s8, $0xFFFFF086  }
0x1c: {  	p1 =	slt.u32 s9, $0xF7A;
	s5 =	simm.s32 @!p2 $0x0  }
0x1d: {  	s5 =	simm.s32 @p1 $0x1;
	p0 =	seq.s32 s7, s2  }
0x1e: {  	s7 =	smul.u32 @!p0 $0xF7A, s2;
	p2 =	seq.s32 @!p0 s5, $0x0  }
0x1f: {  	s9 =	smul.u32 $0xF7A, s1;
	s8 =	simm.s32 @!p0 $0x1BF5;
	p2 =	por !p2, p0  }
0x20: {  	[sflag:s8] =	ssyncset.s32 @!p0 $0xFFFFF086;
	s6 =	sadd.s32 @!p0 s3, s7;
	s7 =	simm.s32 @!p0 $0x108  }
0x21: {  	s3 =	sadd.s32 s3, s9;
	s6 =	sadd.s32 @!p0 $0x88, s6;
	s7 =	simm.s32 @p2 $0x1082  }
0x22: {  	[simem:s7], [sflag:s8] =	dma.local @!p0 [hbm:s6], $0xF7A  }
0x23: {  	s9 =	sor.u32 $0xD0000000, s2;
	s6 =	simm.s32 $0x108;
	_ =	swait.ge @!p0 [sflag:s8], $0x0  }
0x24: {  	s3 =	sadd.s32 $0x88, s3;
	s6 =	simm.s32 @!p1 $0x1082;
	[sflag:s4] =	ssyncset.s32 $0xFFFFF086  }
0x25: {  	[simem:s6], [sflag:s4] =	dma.local [hbm:s3], $0xF7A  }
0x26: {  	[smem:$0x3F94] =	sst s1;
	(tag) =	ssettag s2;
	_ =	strace s9  }
0x27: {  	s1 =	sld [smem:$0x3FA4]  }
0x28: {  	s2 =	sld [smem:$0x3FA5]  }
0x29: {  	s4 =	sld [smem:$0x3FA7]  }
0x2a: {  	p0 =	seq.s32 s5, $0x0;
	s5 =	sld [smem:$0x3FA8]  }
0x2b: {  	s6 =	sld [smem:$0x3FA9]  }
0x2c: {  	s7 =	sld [smem:$0x3FAA]  }
0x2d: {  	s3 =	simm.s32 $0x108;
	s8 =	sld [smem:$0x3FAB]  }
0x2e: {  	s3 =	simm.s32 @!p0 $0x1082;
	s9 =	sld [smem:$0x3FAC]  }
0x2f: {  	lr =	sadd.s32 s0, s3;
	s0 =	sld [smem:$0x3FA3]  }
0x30: {  	s3 =	sld [smem:$0x3FA6]  }
0x31: {  	[smem:$0x3FAF] =	sst s10  }
0x32: {  	s10 =	sld [smem:$0x3FAD];
	_ =	sdelay $0x3  }
0x33: {  	p0 =	seq.s32 s10, $0x1;
	s10 =	sld [smem:$0x3FAF];
	_ =	sdelay $0x3  }
0x34: {  	[smem:$0x3FAF] =	sst s10  }
0x35: {  	s10 =	sld [smem:$0x3FAE];
	_ =	sdelay $0x3  }
0x36: {  	p1 =	seq.s32 s10, $0x1;
	s10 =	sld [smem:$0x3FAF];
	_ =	sdelay $0x3  }
0x37: {  	[smem:$0x3FAF] =	sst s10  }
0x38: {  	s10 =	sld [smem:$0x3FB0]  }
0x39: {  	_ = 	snop;
	(pc) =	sbr.ind lr, $3  }
0x3a: {  	_ = 	snop  }
0x3b: {  	_ = 	snop  }
0x3c: {  	p2 =	seq.s32 s10, $0x1;
	s10 =	sld [smem:$0x3FAF]  }
0x3d: {  	_ =	shalt  }
0x3e: {  	_ =	shalt  }
0x3f: {  	_ =	shalt  }
0x40: {  	_ =	shalt  }
0x41: {  	_ =	shalt  }
0x42: {  	_ =	shalt  }
0x43: {  	_ =	shalt  }
0x44: {  	_ =	shalt  }
0x45: {  	_ =	shalt  }
0x46: {  	_ =	shalt  }
0x47: {  	_ =	shalt  }
0x48: {  	_ =	shalt  }
0x49: {  	_ =	shalt  }
0x4a: {  	_ =	shalt  }
0x4b: {  	_ =	shalt  }
0x4c: {  	_ =	shalt  }
0x4d: {  	_ =	shalt  }
0x4e: {  	_ =	shalt  }
0x4f: {  	_ =	shalt  }
0x50: {  	_ =	shalt  }
0x51: {  	_ =	shalt  }
0x52: {  	_ =	shalt  }
0x53: {  	_ =	shalt  }
0x54: {  	_ =	shalt  }
0x55: {  	_ =	shalt  }
0x56: {  	_ =	shalt  }
0x57: {  	_ =	shalt  }
0x58: {  	_ =	shalt  }
0x59: {  	_ =	shalt  }
0x5a: {  	_ =	shalt  }
0x5b: {  	_ =	shalt  }
0x5c: {  	_ =	shalt  }
0x5d: {  	_ =	shalt  }
0x5e: {  	_ =	shalt  }
0x5f: {  	_ =	shalt  }
0x60: {  	_ =	shalt  }
0x61: {  	_ =	shalt  }
0x62: {  	_ =	shalt  }
0x63: {  	_ =	shalt  }
0x64: {  	_ =	shalt  }
0x65: {  	_ =	shalt  }
0x66: {  	_ =	shalt  }
0x67: {  	_ =	shalt  }
0x68: {  	_ =	shalt  }
0x69: {  	_ =	shalt  }
0x6a: {  	_ =	shalt  }
0x6b: {  	_ =	shalt  }
0x6c: {  	_ =	shalt  }
0x6d: {  	_ =	shalt  }
0x6e: {  	_ =	shalt  }
0x6f: {  	_ =	shalt  }
0x70: {  	_ =	shalt  }
0x71: {  	_ =	shalt  }
0x72: {  	_ =	shalt  }
0x73: {  	_ =	shalt  }
0x74: {  	_ =	shalt  }
0x75: {  	_ =	shalt  }
0x76: {  	_ =	shalt  }
0x77: {  	_ =	shalt  }
0x78: {  	_ =	shalt  }
0x79: {  	_ =	shalt  }
0x7a: {  	_ =	shalt  }
0x7b: {  	_ =	shalt  }
0x7c: {  	_ =	shalt  }
0x7d: {  	_ =	shalt  }
0x7e: {  	_ =	shalt  }
0x7f: {  	_ =	shalt  }
0x80: {  	_ =	shalt  }
0x81: {  	_ =	shalt  }
0x82: {  	_ =	shalt  }
0x83: {  	_ =	shalt  }
0x84: {  	_ =	shalt  }
0x85: {  	_ =	shalt  }
0x86: {  	_ =	shalt  }
0x87: {  	_ =	shalt  }
.Lfunc_end0:
.L_simem_size_0:
called_computation.2_lowered:
.L_overlay_start_0:
0x88: {  	s2 =	sld [smem:$0x3FD9]  }
0x89: {  	s3 =	sld [smem:$0x3FFE];
	_ =	sdelay $0x1  }
0x8a: {  	s1 =	srdreg.scid  }
0x8b: {  	s0 =	sand.u32 $0x1, s1  }
0x8c: {  	s16 =	sshll.u32 s0, $0xA;
	s2 =	sadd.s32 s3, s2  }
0x8d: {  	s2 =	sadd.s32 s2, s16  }
0x8e: {  	[smem:$0x3FBB] =	sst s2  }
0x8f: {  	_ = 	snop  }
0x90: {  	(tm) =	ssettm $0x1  }
0x91: {  	s17 =	sld [smem:$0x3FFB];
	_ =	sdelay $0x3  }
0x92: {  	_ =	strace s17  }
0x93: {  	s2 =	sld [smem:$0x3FFC];
	_ =	sdelay $0x3  }
0x94: {  	_ =	strace s2  }
0x95: {  	s2 =	sld [smem:$0x3FFD];
	_ =	sdelay $0x3  }
0x96: {  	_ =	strace s2  }
0x97: {  	_ =	strace $0x8FFFFFFF  }
0x98: {  	s18 =	sld [smem:$0x3FDB];
	_ =	sdelay $0x1  }
0x99: {  	s19 =	simm.s32 $_scs_section_size  }
0x9a: {  	s4 =	simm.s32 $_size__tile_overlayer_lowered;
	s5 =	simm.s32 $_tile_overlayer_lowered  }
0x9b: {  	s22 =	simm.s32 $0x1BFF;
	s21 =	sshll.u32 s5, $0x1;
	s2 =	sadd.s32 s19, s18  }
0x9c: {  	s6 =	simm.s32 $0x0;
	s20 =	sshll.u32 s4, $0x1;
	s4 =	sadd.s32 s21, s2  }
0x9d: {  	[timem:s6], [sflag:s22] =	dma.local [hbm:s4], s20  }
0x9e: {  	_ =	swait.ge [sflag:s22], s20  }
0x9f: {  	s3 =	ssub.s32 $0x0, s20;
	[sflag:s22] =	ssyncset.done $0x0  }
0xa0: {  	[sflag:s22] =	ssyncadd.s32 s3;
	_ =	sdelay $0x1  }
0xa1: {  	s23 =	simm.s32 $0x1B8B  }
0xa2: {  	_ =	swait.ge [sflag:s23], $0x1  }
0xa3: {  	[sflag:s23] =	ssyncset.done $0x0  }
0xa4: {  	s25 =	simm.s32 $0x1B8E;
	s24 =	sld [smem:$0x3FFE];
	[sflag:s23] =	ssyncadd.s32 $0xFFFFFFFF  }
0xa5: {  	s26 =	simm.s32 $execute0_lowered;
	[smem:$0x3FD2] =	sst s25  }
0xa6: {  	s4 =	sshll.u32 s26, $0x1;
	_ =	strace $0x8000004C;
	[dreg:$0x1] =	wrdreg $0xFFFFFFFF  }
0xa7: {  	s28 =	simm.s32 $_size_execute0_lowered;
	s2 =	sadd.s32 s2, s4;
	[dreg:$0x0] =	wrdreg $0x0  }
0xa8: {  	s4 =	sshll.u32 s28, $0x1;
	[dreg:$0x2] =	wrdreg s2  }
0xa9: {  	[dreg:$0x3] =	wrdreg s4  }
0xaa: {  	[dreg:$0x4] =	wrdreg $0xC0  }
0xab: {  	_ =	task [dreg:s6], $0x5FFFF  }
0xac: {  	[dreg:$0x1] =	wrdreg $0xFFFFFFFF  }
0xad: {  	[dreg:$0x0] =	wrdreg $0x60  }
0xae: {  	[dreg:$0x2] =	wrdreg s24  }
0xaf: {  	[dreg:$0x3] =	wrdreg $0x70800  }
0xb0: {  	[dreg:$0x4] =	wrdreg $0x9  }
0xb1: {  	_ =	task.clear_ibuf [dreg:s6], $0x5FFFF;
	_ =	strace $0x9000004C  }
0xb2: {  	s29 =	simm.s32 $0x9;
	_ =	strace $0x8000004E  }
0xb3: {  	_ =	swait.ge [sflag:s29], $0x1  }
0xb4: {  	[sflag:s29] =	ssyncadd.s32 $0xFFFFFFFF  }
0xb5: {  	_ =	strace $0x9000004E  }
0xb6: {  	_ =	sfence  }
0xb7: {  	s30 =	sld [smem:$0x0];
	_ =	sdelay $0x2  }
0xb8: {  	s31 =	sshll.u32 s1, $0xD;
	s1 =	sshrl.u32 s1, $0x2  }
0xb9: {  	s3 =	sand.u32 $0x4000, s31;
	s1 =	sadd.s32 s1, s30  }
0xba: {  	s0 =	sor.u32 s3, s0;
	s1 =	sshll.u32 s1, $0x11  }
0xbb: {  	s0 =	sor.u32 s1, s0  }
0xbc: {  	s0 =	sadd.s32 $0x8F2B, s0  }
0xbd: {  	[sflag:s0] =	ssyncadd.remote.s32 $0x1  }
0xbe: {  	_ =	sfence.sel $0xFFFF  }
0xbf: {  	[dreg:$0x0] =	wrdreg $0xFFFFFFFF;
	(pc) =	sbr.abs _section_cstart, $3  }
0xc0: {  	[dreg:$0x1] =	wrdreg $0xFFFFFFFF  }
0xc1: {  	_ =	task.clear_ibuf [dreg:s6], $0x2FFFF;
	_ =	strace $0x9FFFFFFF  }
0xc2: {  	(tm) =	ssettm $0x7FFFFFFF  }
0xc3: {  	_ =	shalt  }
tec
execute0_lowered:
.L_overlay_start_1:
0x0: {  	(tag) =	ssettag $0x1  }
0x1: {  	s0 =	rddreg [dreg:$0x0]  }
0x2: {  	s1 =	rddreg [dreg:$0x1];
	s2 =	simm.s32 $0x0  }
0x3: {  	s6 =	srdreg.scid;
	s12 =	stileid.u32;
	s28 =	simm.s32 $0xC80  }
0x4: {  	s29 =	simm.s32 $0x960;
	s30 =	simm.s32 $0xAF0;
	s31 =	simm.s32 $0x2  }
0x5: {  	[smem:$0x7FF] =	sst s2;
	s3 =	sadd.s32 $0x7400, s0;
	s4 =	sadd.s32 $0x38200, s0  }
0x6: {  	s5 =	sadd.s32 $0x69200, s0;
	s7 =	sadd.s32 $0xCB200, s0;
	s6 =	sand.u32 $0x1, s6  }
0x7: {  	s16 =	smul.u32 $0xC350, s12;
	s8 =	sadd.s32 $0xCE400, s0;
	s0 =	sadd.s32 $0xFF400, s0  }
0x8: {  	s11 =	smul.u32 $0x18800, s12;
	_ =	strace $0x8000004D;
	[dreg:$0x3] =	wrdreg s7  }
0x9: {  	s19 =	sshll.u32 s12, $0x6;
	s24 =	smul.u32 $0x186A, s12;
	[dreg:$0x4] =	wrdreg s8  }
0xa: {  	[dreg:$0x5] =	wrdreg s0;
	s17 =	ssub.s32 $0x2, s6;
	s10 =	sor.u32 $0x1C07, s19  }
0xb: {  	p0 =	sne.s32 s6, $0x0;
	s8 =	simm.s32 $0x6;
	s6 =	simm.s32 $0x4  }
0xc: {  	s18 =	sshrl.u32 s17, $0x1;
	s7 =	sshrl.u32 s16, $0x3;
	s20 =	sadd.s32 s11, s1  }
0xd: {  	s11 =	sshrl.u32 s11, $0x3;
	s0 =	ssub.s32 s17, s18;
	s9 =	sadd.s32 s3, s7  }
0xe: {  	[dreg:$0xb] =	wrdreg s11;
	s18 =	sadd.s32 s24, s3;
	s21 =	sadd.s32 $0x186A0, s9  }
0xf: {  	s19 =	sshrl.u32 s20, $0x3;
	s22 =	sadd.s32 $0x32, s9;
	[dreg:$0x6] =	wrdreg s21  }
0x10: {  	s20 =	simm.s32 $0x7;
	s23 =	sadd.s32 $0x186D2, s9;
	[dreg:$0x7] =	wrdreg s22  }
0x11: {  	s24 =	simm.s32 $0x640;
	s25 =	sadd.s32 $0x64, s9;
	[dreg:$0x8] =	wrdreg s23  }
.Ltmp0:
0x12: {  	s26 =	sadd.s32 $0x18704, s9;
	[dreg:$0x9] =	wrdreg s25;
	(pc) =	sbr.rel .LBB2_1-.Ltmp0, $4  }
0x13: {  	s3 =	simm.s32 $0x5;
	s0 =	smax.u32 s0, $0x1;
	[dreg:$0xa] =	wrdreg s26  }
0x14: {  	s7 =	simm.s32 $0x3;
	s11 =	simm.s32 $0x0;
	[dreg:$0xc] =	wrdreg s0  }
0x15: {  	s21 =	simm.s32 $0x190;
	s22 =	simm.s32 $0x320;
	s23 =	simm.s32 $0x4B0  }
0x16: {  	s25 =	simm.s32 $0x7D0;
	s26 =	simm.s32 $0x1;
	s0 =	simm.s32 $0x3E80  }
.LBB2_8:
0x17: {  	s12 =	rddreg [dreg:$0x5]  }
.LBB2_9:
0x18: {  	_ =	swait.ge [sflag:s3], $0x3200  }
0x19: {  	[sflag:s3] =	ssyncset.done $0x0  }
0x1a: {  	[sflag:s3] =	ssyncadd.s32 $0xFFFFCE00  }
0x1b: {  	[spmem:s1] =	stream.indirect.scatter.add.f32 [tilespmem:s28], [sflag:$0x7], $0x20, s21, s21, $0xb8;
	[tilespmem:$0x1F880] =	vst v63  }
0x1c: {  	_ =	swait.ge [sflag:s20], $0x3200  }
0x1d: {  	[sflag:s20] =	ssyncset.done $0x0  }
0x1e: {  	s13 =	rddreg [dreg:$0xb];
	[sflag:s20] =	ssyncadd.s32 $0xFFFFCE00  }
0x1f: {  	s12 =	sadd.s32 s12, s13;
	[bflag:$0x0] =	sbarrier.arrive $0xFFFF  }
0x20: {  	[hbm:s12], [sflag:s10] =	dma.local [spmem:s19], $0x3100  }
0x21: {  	_ =	swait.ge [sflag:s20], $0x3100  }
0x22: {  	s11 =	sadd.s32 $0x1, s11;
	s17 =	rddreg [dreg:$0xc]  }
0x23: {  	p1 =	sne.s32 s11, s17  }
.Ltmp1:
0x24: {  	_ = 	snop;
	(pc) =	sbr.rel @!p1 .LBB2_10-.Ltmp1, $3  }
0x25: {  	_ =	sdelay $0x1  }
0x26: {  	[sflag:s20] =	ssyncset.done $0x0  }
0x27: {  	[sflag:s20] =	ssyncadd.s32 $0xFFFFCF00  }
.LBB2_1:
0x28: {  	s12 =	rddreg [dreg:$0x3]  }
0x29: {  	[spmem:s19], [sflag:s10] =	dma.local [hbm:s12], $0x3100  }
0x2a: {  	_ =	swait.ge [sflag:s20], $0x3100  }
0x2b: {  	[sflag:s20] =	ssyncset.done $0x0  }
0x2c: {  	[sflag:s20] =	ssyncadd.s32 $0xFFFFCF00  }
0x2d: {  	[bflag:$0x0] =	sbarrier.arrive $0xFFFF  }
0x2e: {  	[tilespmem:s2], [sflag:$0x1] =	stream.linear.gather [hbm4b:s9+s2], $0x190, $0x38;
	[tilespmem:$0x1F880] =	vst v63  }
0x2f: {  	s13 =	rddreg [dreg:$0x6]  }
0x30: {  	[tilespmem:s21], [sflag:$0x1] =	stream.linear.gather [hbm4b:s13+s2], $0x190, $0x38;
	[tilespmem:$0x1F880] =	vst v63  }
0x31: {  	s14 =	rddreg [dreg:$0x7]  }
0x32: {  	[tilespmem:s22], [sflag:$0x2] =	stream.linear.gather [hbm4b:s14+s2], $0x190, $0x38;
	[tilespmem:$0x1F880] =	vst v63  }
0x33: {  	s15 =	rddreg [dreg:$0x8]  }
0x34: {  	[tilespmem:s23], [sflag:$0x2] =	stream.linear.gather [hbm4b:s15+s2], $0x190, $0x38;
	[tilespmem:$0x1F880] =	vst v63  }
0x35: {  	s16 =	rddreg [dreg:$0x9]  }
0x36: {  	[tilespmem:s24], [sflag:$0x3] =	stream.linear.gather [hbm4b:s16+s2], $0x190, $0x38;
	[tilespmem:$0x1F880] =	vst v63  }
0x37: {  	s17 =	rddreg [dreg:$0xa]  }
0x38: {  	[tilespmem:s25], [sflag:$0x3] =	stream.linear.gather [hbm4b:s17+s2], $0x190, $0x38;
	[tilespmem:$0x1F880] =	vst v63  }
0x39: {  	_ =	swait.ge [sflag:s26], $0x190  }
.Ltmp2:
0x3a: {  	[sflag:s26] =	ssyncset.done $0x0;
	(pc) =	sbr.rel @p0 .LBB2_6-.Ltmp2, $4  }
0x3b: {  	[sflag:s26] =	ssyncadd.s32 $0xFFFFFE70  }
0x3c: {  	_ =	swait.ge [sflag:s26], $0x190  }
0x3d: {  	[sflag:s26] =	ssyncset.done $0x0  }
0x3e: {  	s12 =	simm.s32 $0x0;
	[sflag:s26] =	ssyncadd.s32 $0xFFFFFE70  }
0x3f: {  	[tilespmem:s28], [sflag:$0x5] =	stream.indirect.gather [hbm4b:s4+s21], $0x20, s12, s21, $0xb8;
	[tilespmem:$0x1F880] =	vst v63  }
.LBB2_3:
0x40: {  	s13 =	sadd.s32 s12, s18  }
0x41: {  	s14 =	sadd.s32 $0x96, s13  }
0x42: {  	[tilespmem:s29], [sflag:$0x4] =	stream.linear.gather [hbm4b:s14+s2], $0x190, $0x38;
	[tilespmem:$0x1F880] =	vst v63  }
0x43: {  	s15 =	sadd.s32 $0x18736, s13  }
0x44: {  	[tilespmem:s30], [sflag:$0x4] =	stream.linear.gather [hbm4b:s15+s2], $0x190, $0x38;
	[tilespmem:$0x1F880] =	vst v63  }
0x45: {  	_ =	swait.ge [sflag:s31], $0x190  }
0x46: {  	[sflag:s31] =	ssyncset.done $0x0  }
0x47: {  	[sflag:s31] =	ssyncadd.s32 $0xFFFFFE70  }
0x48: {  	_ =	swait.ge [sflag:s31], $0x190  }
0x49: {  	[sflag:s31] =	ssyncset.done $0x0  }
0x4a: {  	[sflag:s31] =	ssyncadd.s32 $0xFFFFFE70  }
0x4b: {  	[tilespmem:s0], [sflag:$0x6] =	stream.indirect.gather [hbm4b:s4+s21], $0x20, s22, s21, $0xb8;
	[tilespmem:$0x1F880] =	vst v63  }
0x4c: {  	_ =	swait.ge [sflag:s3], $0x3200  }
0x4d: {  	[sflag:s3] =	ssyncset.done $0x0  }
0x4e: {  	[sflag:s3] =	ssyncadd.s32 $0xFFFFCE00  }
0x4f: {  	[spmem:s1] =	stream.indirect.scatter.add.f32 [tilespmem:s28], [sflag:$0x7], $0x20, s21, s21, $0xb8;
	[tilespmem:$0x1F880] =	vst v63  }
0x50: {  	_ =	swait.ge [sflag:s20], $0x3200  }
0x51: {  	[sflag:s20] =	ssyncset.done $0x0  }
0x52: {  	s16 =	sadd.s32 $0xC8, s13;
	[sflag:s20] =	ssyncadd.s32 $0xFFFFCE00  }
0x53: {  	[tilespmem:s2], [sflag:$0x1] =	stream.linear.gather [hbm4b:s16+s2], $0x190, $0x38;
	[tilespmem:$0x1F880] =	vst v63  }
0x54: {  	s17 =	sadd.s32 $0x18768, s13  }
0x55: {  	[tilespmem:s21], [sflag:$0x1] =	stream.linear.gather [hbm4b:s17+s2], $0x190, $0x38;
	[tilespmem:$0x1F880] =	vst v63  }
0x56: {  	_ =	swait.ge [sflag:s7], $0x190  }
0x57: {  	[sflag:s7] =	ssyncset.done $0x0  }
0x58: {  	[sflag:s7] =	ssyncadd.s32 $0xFFFFFE70  }
0x59: {  	_ =	swait.ge [sflag:s7], $0x190  }
0x5a: {  	[sflag:s7] =	ssyncset.done $0x0  }
0x5b: {  	[sflag:s7] =	ssyncadd.s32 $0xFFFFFE70  }
0x5c: {  	[tilespmem:s28], [sflag:$0x5] =	stream.indirect.gather [hbm4b:s4+s21], $0x20, s24, s21, $0xb8;
	[tilespmem:$0x1F880] =	vst v63  }
0x5d: {  	_ =	swait.ge [sflag:s8], $0x3200  }
0x5e: {  	[sflag:s8] =	ssyncset.done $0x0  }
0x5f: {  	p1 =	seq.s32 s12, $0x1770;
	[sflag:s8] =	ssyncadd.s32 $0xFFFFCE00  }
0x60: {  	[spmem:s1] =	stream.indirect.scatter.add.f32 [tilespmem:s0], [sflag:$0x7], $0x20, s23, s21, $0xb8;
	[tilespmem:$0x1F880] =	vst v63  }
0x61: {  	s14 =	sadd.s32 @!p1 s12, s18;
	_ =	swait.ge [sflag:s20], $0x3200  }
0x62: {  	s15 =	sadd.s32 @!p1 $0xFA, s14;
	[sflag:s20] =	ssyncset.done $0x0  }
0x63: {  	s16 =	simm.s32 @!p1 $0x0;
	s17 =	simm.s32 @!p1 $0x320;
	[sflag:s20] =	ssyncadd.s32 $0xFFFFCE00  }
0x64: {  	[tilespmem:s17], [sflag:$0x2] =	stream.linear.gather @!p1 [hbm4b:s15+s16], $0x190, $0x38;
	[tilespmem:$0x1F880] =	vst v63  }
0x65: {  	s15 =	sadd.s32 @!p1 $0x1879A, s14;
	s17 =	simm.s32 @!p1 $0x4B0  }
0x66: {  	[tilespmem:s17], [sflag:$0x2] =	stream.linear.gather @!p1 [hbm4b:s15+s16], $0x190, $0x38;
	[tilespmem:$0x1F880] =	vst v63  }
0x67: {  	_ =	swait.ge [sflag:s6], $0x190  }
0x68: {  	[sflag:s6] =	ssyncset.done $0x0  }
0x69: {  	[sflag:s6] =	ssyncadd.s32 $0xFFFFFE70  }
0x6a: {  	_ =	swait.ge [sflag:s6], $0x190  }
0x6b: {  	[sflag:s6] =	ssyncset.done $0x0  }
0x6c: {  	[sflag:s6] =	ssyncadd.s32 $0xFFFFFE70  }
0x6d: {  	[tilespmem:s0], [sflag:$0x6] =	stream.indirect.gather [hbm4b:s4+s21], $0x20, s29, s21, $0xb8;
	[tilespmem:$0x1F880] =	vst v63  }
0x6e: {  	_ =	swait.ge [sflag:s3], $0x3200  }
0x6f: {  	[sflag:s3] =	ssyncset.done $0x0  }
0x70: {  	[sflag:s3] =	ssyncadd.s32 $0xFFFFCE00  }
0x71: {  	[spmem:s1] =	stream.indirect.scatter.add.f32 [tilespmem:s28], [sflag:$0x7], $0x20, s25, s21, $0xb8;
	[tilespmem:$0x1F880] =	vst v63  }
0x72: {  	_ =	swait.ge [sflag:s20], $0x3200  }
0x73: {  	[sflag:s20] =	ssyncset.done $0x0  }
0x74: {  	s15 =	sadd.s32 @!p1 $0x12C, s14;
	s17 =	simm.s32 @!p1 $0x640;
	[sflag:s20] =	ssyncadd.s32 $0xFFFFCE00  }
0x75: {  	[tilespmem:s17], [sflag:$0x3] =	stream.linear.gather @!p1 [hbm4b:s15+s16], $0x190, $0x38;
	[tilespmem:$0x1F880] =	vst v63  }
0x76: {  	s14 =	sadd.s32 @!p1 $0x187CC, s14;
	s15 =	simm.s32 @!p1 $0x7D0  }
0x77: {  	[tilespmem:s15], [sflag:$0x3] =	stream.linear.gather @!p1 [hbm4b:s14+s16], $0x190, $0x38;
	[tilespmem:$0x1F880] =	vst v63  }
0x78: {  	_ =	swait.ge [sflag:s26], $0x190  }
0x79: {  	[sflag:s26] =	ssyncset.done $0x0  }
0x7a: {  	[sflag:s26] =	ssyncadd.s32 $0xFFFFFE70  }
0x7b: {  	_ =	swait.ge [sflag:s26], $0x190  }
0x7c: {  	[sflag:s26] =	ssyncset.done $0x0  }
0x7d: {  	[sflag:s26] =	ssyncadd.s32 $0xFFFFFE70  }
0x7e: {  	[tilespmem:s28], [sflag:$0x5] =	stream.indirect.gather [hbm4b:s4+s21], $0x20, s2, s21, $0xb8;
	[tilespmem:$0x1F880] =	vst v63  }
0x7f: {  	_ =	swait.ge [sflag:s8], $0x3200  }
0x80: {  	[sflag:s8] =	ssyncset.done $0x0  }
.Ltmp3:
0x81: {  	[sflag:s8] =	ssyncadd.s32 $0xFFFFCE00;
	(pc) =	sbr.rel @p1 .LBB2_4-.Ltmp3, $4  }
0x82: {  	[spmem:s1] =	stream.indirect.scatter.add.f32 [tilespmem:s0], [sflag:$0x7], $0x20, s30, s21, $0xb8;
	[tilespmem:$0x1F880] =	vst v63  }
0x83: {  	_ =	swait.ge [sflag:s20], $0x3200  }
0x84: {  	[sflag:s20] =	ssyncset.done $0x0  }
0x85: {  	[sflag:s20] =	ssyncadd.s32 $0xFFFFCE00  }
.Ltmp4:
0x86: {  	(pc) =	sbr.rel .LBB2_3-.Ltmp4, $4  }
0x87: {  	s14 =	sadd.s32 $0x15E, s13  }
0x88: {  	[tilespmem:s29], [sflag:$0x4] =	stream.linear.gather [hbm4b:s14+s2], $0x190, $0x38;
	[tilespmem:$0x1F880] =	vst v63  }
0x89: {  	s17 =	sadd.s32 $0x187FE, s13;
	s12 =	sadd.s32 $0xC8, s12  }
0x8a: {  	[tilespmem:s30], [sflag:$0x4] =	stream.linear.gather [hbm4b:s17+s2], $0x190, $0x38;
	[tilespmem:$0x1F880] =	vst v63  }
.LBB2_6:
0x8b: {  	[tilespmem:s28], [sflag:$0x5] =	stream.indirect.gather [hbm4b:s5+s21], $0x20, s12, s21, $0xb8;
	[tilespmem:$0x1F880] =	vst v63  }
.LBB2_7:
0x8c: {  	s13 =	sadd.s32 s12, s18  }
0x8d: {  	s14 =	sadd.s32 $0x96, s13  }
0x8e: {  	[tilespmem:s29], [sflag:$0x4] =	stream.linear.gather [hbm4b:s14+s2], $0x190, $0x38;
	[tilespmem:$0x1F880] =	vst v63  }
0x8f: {  	s15 =	sadd.s32 $0x18736, s13  }
0x90: {  	[tilespmem:s30], [sflag:$0x4] =	stream.linear.gather [hbm4b:s15+s2], $0x190, $0x38;
	[tilespmem:$0x1F880] =	vst v63  }
0x91: {  	_ =	swait.ge [sflag:s31], $0x190  }
0x92: {  	[sflag:s31] =	ssyncset.done $0x0  }
0x93: {  	[sflag:s31] =	ssyncadd.s32 $0xFFFFFE70  }
0x94: {  	_ =	swait.ge [sflag:s31], $0x190  }
0x95: {  	[sflag:s31] =	ssyncset.done $0x0  }
0x96: {  	[sflag:s31] =	ssyncadd.s32 $0xFFFFFE70  }
0x97: {  	[tilespmem:s0], [sflag:$0x6] =	stream.indirect.gather [hbm4b:s5+s21], $0x20, s22, s21, $0xb8;
	[tilespmem:$0x1F880] =	vst v63  }
0x98: {  	_ =	swait.ge [sflag:s3], $0x3200  }
0x99: {  	[sflag:s3] =	ssyncset.done $0x0  }
0x9a: {  	[sflag:s3] =	ssyncadd.s32 $0xFFFFCE00  }
0x9b: {  	[spmem:s1] =	stream.indirect.scatter.add.f32 [tilespmem:s28], [sflag:$0x7], $0x20, s21, s21, $0xb8;
	[tilespmem:$0x1F880] =	vst v63  }
0x9c: {  	_ =	swait.ge [sflag:s20], $0x3200  }
0x9d: {  	[sflag:s20] =	ssyncset.done $0x0  }
0x9e: {  	s16 =	sadd.s32 $0xC8, s13;
	[sflag:s20] =	ssyncadd.s32 $0xFFFFCE00  }
0x9f: {  	[tilespmem:s2], [sflag:$0x1] =	stream.linear.gather [hbm4b:s16+s2], $0x190, $0x38;
	[tilespmem:$0x1F880] =	vst v63  }
0xa0: {  	s17 =	sadd.s32 $0x18768, s13  }
0xa1: {  	[tilespmem:s21], [sflag:$0x1] =	stream.linear.gather [hbm4b:s17+s2], $0x190, $0x38;
	[tilespmem:$0x1F880] =	vst v63  }
0xa2: {  	_ =	swait.ge [sflag:s7], $0x190  }
0xa3: {  	[sflag:s7] =	ssyncset.done $0x0  }
0xa4: {  	[sflag:s7] =	ssyncadd.s32 $0xFFFFFE70  }
0xa5: {  	_ =	swait.ge [sflag:s7], $0x190  }
0xa6: {  	[sflag:s7] =	ssyncset.done $0x0  }
0xa7: {  	[sflag:s7] =	ssyncadd.s32 $0xFFFFFE70  }
0xa8: {  	[tilespmem:s28], [sflag:$0x5] =	stream.indirect.gather [hbm4b:s5+s21], $0x20, s24, s21, $0xb8;
	[tilespmem:$0x1F880] =	vst v63  }
0xa9: {  	_ =	swait.ge [sflag:s8], $0x3200  }
0xaa: {  	[sflag:s8] =	ssyncset.done $0x0  }
0xab: {  	p1 =	seq.s32 s12, $0x1770;
	[sflag:s8] =	ssyncadd.s32 $0xFFFFCE00  }
0xac: {  	[spmem:s1] =	stream.indirect.scatter.add.f32 [tilespmem:s0], [sflag:$0x7], $0x20, s23, s21, $0xb8;
	[tilespmem:$0x1F880] =	vst v63  }
0xad: {  	s14 =	sadd.s32 @!p1 s12, s18;
	_ =	swait.ge [sflag:s20], $0x3200  }
0xae: {  	s15 =	sadd.s32 @!p1 $0xFA, s14;
	[sflag:s20] =	ssyncset.done $0x0  }
0xaf: {  	s16 =	simm.s32 @!p1 $0x0;
	s17 =	simm.s32 @!p1 $0x320;
	[sflag:s20] =	ssyncadd.s32 $0xFFFFCE00  }
0xb0: {  	[tilespmem:s17], [sflag:$0x2] =	stream.linear.gather @!p1 [hbm4b:s15+s16], $0x190, $0x38;
	[tilespmem:$0x1F880] =	vst v63  }
0xb1: {  	s15 =	sadd.s32 @!p1 $0x1879A, s14;
	s17 =	simm.s32 @!p1 $0x4B0  }
0xb2: {  	[tilespmem:s17], [sflag:$0x2] =	stream.linear.gather @!p1 [hbm4b:s15+s16], $0x190, $0x38;
	[tilespmem:$0x1F880] =	vst v63  }
0xb3: {  	_ =	swait.ge [sflag:s6], $0x190  }
0xb4: {  	[sflag:s6] =	ssyncset.done $0x0  }
0xb5: {  	[sflag:s6] =	ssyncadd.s32 $0xFFFFFE70  }
0xb6: {  	_ =	swait.ge [sflag:s6], $0x190  }
0xb7: {  	[sflag:s6] =	ssyncset.done $0x0  }
0xb8: {  	[sflag:s6] =	ssyncadd.s32 $0xFFFFFE70  }
0xb9: {  	[tilespmem:s0], [sflag:$0x6] =	stream.indirect.gather [hbm4b:s5+s21], $0x20, s29, s21, $0xb8;
	[tilespmem:$0x1F880] =	vst v63  }
0xba: {  	_ =	swait.ge [sflag:s3], $0x3200  }
0xbb: {  	[sflag:s3] =	ssyncset.done $0x0  }
0xbc: {  	[sflag:s3] =	ssyncadd.s32 $0xFFFFCE00  }
0xbd: {  	[spmem:s1] =	stream.indirect.scatter.add.f32 [tilespmem:s28], [sflag:$0x7], $0x20, s25, s21, $0xb8;
	[tilespmem:$0x1F880] =	vst v63  }
0xbe: {  	_ =	swait.ge [sflag:s20], $0x3200  }
0xbf: {  	[sflag:s20] =	ssyncset.done $0x0  }
0xc0: {  	s15 =	sadd.s32 @!p1 $0x12C, s14;
	s17 =	simm.s32 @!p1 $0x640;
	[sflag:s20] =	ssyncadd.s32 $0xFFFFCE00  }
0xc1: {  	[tilespmem:s17], [sflag:$0x3] =	stream.linear.gather @!p1 [hbm4b:s15+s16], $0x190, $0x38;
	[tilespmem:$0x1F880] =	vst v63  }
0xc2: {  	s14 =	sadd.s32 @!p1 $0x187CC, s14;
	s15 =	simm.s32 @!p1 $0x7D0  }
0xc3: {  	[tilespmem:s15], [sflag:$0x3] =	stream.linear.gather @!p1 [hbm4b:s14+s16], $0x190, $0x38;
	[tilespmem:$0x1F880] =	vst v63  }
0xc4: {  	_ =	swait.ge [sflag:s26], $0x190  }
0xc5: {  	[sflag:s26] =	ssyncset.done $0x0  }
0xc6: {  	[sflag:s26] =	ssyncadd.s32 $0xFFFFFE70  }
0xc7: {  	_ =	swait.ge [sflag:s26], $0x190  }
0xc8: {  	[sflag:s26] =	ssyncset.done $0x0  }
0xc9: {  	[sflag:s26] =	ssyncadd.s32 $0xFFFFFE70  }
0xca: {  	[tilespmem:s28], [sflag:$0x5] =	stream.indirect.gather [hbm4b:s5+s21], $0x20, s2, s21, $0xb8;
	[tilespmem:$0x1F880] =	vst v63  }
0xcb: {  	_ =	swait.ge [sflag:s8], $0x3200  }
0xcc: {  	[sflag:s8] =	ssyncset.done $0x0  }
.Ltmp5:
0xcd: {  	[sflag:s8] =	ssyncadd.s32 $0xFFFFCE00;
	(pc) =	sbr.rel @p1 .LBB2_8-.Ltmp5, $4  }
0xce: {  	[spmem:s1] =	stream.indirect.scatter.add.f32 [tilespmem:s0], [sflag:$0x7], $0x20, s30, s21, $0xb8;
	[tilespmem:$0x1F880] =	vst v63  }
0xcf: {  	_ =	swait.ge [sflag:s20], $0x3200  }
0xd0: {  	[sflag:s20] =	ssyncset.done $0x0  }
0xd1: {  	[sflag:s20] =	ssyncadd.s32 $0xFFFFCE00  }
.Ltmp6:
0xd2: {  	(pc) =	sbr.rel .LBB2_7-.Ltmp6, $4  }
0xd3: {  	s14 =	sadd.s32 $0x15E, s13  }
0xd4: {  	[tilespmem:s29], [sflag:$0x4] =	stream.linear.gather [hbm4b:s14+s2], $0x190, $0x38;
	[tilespmem:$0x1F880] =	vst v63  }
0xd5: {  	s17 =	sadd.s32 $0x187FE, s13;
	s12 =	sadd.s32 $0xC8, s12  }
0xd6: {  	[tilespmem:s30], [sflag:$0x4] =	stream.linear.gather [hbm4b:s17+s2], $0x190, $0x38;
	[tilespmem:$0x1F880] =	vst v63  }
.LBB2_4:
.Ltmp7:
0xd7: {  	(pc) =	sbr.rel .LBB2_9-.Ltmp7, $2  }
0xd8: {  	_ =	sdelay $0x2  }
0xd9: {  	s12 =	rddreg [dreg:$0x4]  }
.LBB2_10:
0xda: {  	_ =	sfence.sel $0x180000  }
0xdb: {  	[bflag:$0x0] =	sbarrier.arrive $0xFFFF  }
0xdc: {  	_ =	strace $0x9000004D  }
0xdd: {  	s0 =	stileid.u32;
	[bflag:$0x2] =	sbarrier.arrive $0xFFFF  }
0xde: {  	p0 =	sne.s32 s0, $0x0;
	s0 =	rddreg [dreg:$0x2]  }
0xdf: {  	s0 =	sadd.s32 @!p0 $0x100000, s0  }
0xe0: {  	[sflag:s0] =	ssyncadd.tile.s32 @!p0 $0x1;
	_ =	shalt  }
.Lfunc_end2:
_tile_overlayer_lowered:
.L_overlay_start_2:
0xe1: {  	(tag) =	ssettag $0x2  }
0xe2: {  	s0 =	rddreg [dreg:$0x0];
	s2 =	stileid.u32  }
0xe3: {  	s1 =	rddreg [dreg:$0x1];
	p0 =	sne.s32 s2, $0x0  }
0xe4: {  	s3 =	rddreg [dreg:$0x2];
	[bflag:$0x3] =	sbarrier.arrive $0xFFFF;
	s2 =	simm.s32 @!p0 $0x1C07  }
0xe5: {  	[timem:s3], [sflag:s2] =	dma.local @!p0 [hbm:s0], s1  }
0xe6: {  	s0 =	simm.s32 @!p0 $0x7  }
0xe7: {  	_ =	swait.ge @!p0 [sflag:s0], s1  }
0xe8: {  	s1 =	ssub.s32 @!p0 $0x0, s1;
	[sflag:s0] =	ssyncset.done @!p0 $0x0  }
0xe9: {  	[sflag:s0] =	ssyncadd.s32 @!p0 s1  }
0xea: {  	[bflag:$0x3] =	sbarrier.arrive $0xFFFF  }
0xeb: {  	_ =	shalt  }

// kernel: kernel.22.cloned.1.call-start
scs
__scs_entry_jumppad:
0x0: {  	(pc) =	sbr.rel $0x88, $3  }
0x1: {  	(tag) =	ssettag $0x0;
	lr =	simm.s32 $0x1  }
0x2: {  	[smem:$0x3F94] =	sst lr;
	_ =	strace $0xD0000000  }
0x3: {  	_ = 	snop  }
0x4: {  	_ = 	snop  }
0x5: {  	_ = 	snop  }
0x6: {  	_ = 	snop  }
0x7: {  	_ = 	snop  }
__scs_overlays_trampoline_lowered:
0x8: {  	[smem:$0x3FA3] =	sst s0  }
0x9: {  	[smem:$0x3FA4] =	sst s1  }
0xa: {  	[smem:$0x3FA5] =	sst s2  }
0xb: {  	[smem:$0x3FA6] =	sst s3  }
0xc: {  	[smem:$0x3FA7] =	sst s4  }
0xd: {  	[smem:$0x3FA8] =	sst s5  }
0xe: {  	[smem:$0x3FA9] =	sst s6  }
0xf: {  	[smem:$0x3FAA] =	sst s7  }
0x10: {  	[smem:$0x3FAB] =	sst s8  }
0x11: {  	[smem:$0x3FAC] =	sst s9;
	s0 =	simm.s32 @!p0 $0x0  }
0x12: {  	s1 =	sld [smem:$0x3F92];
	s0 =	simm.s32 @p0 $0x1  }
0x13: {  	[smem:$0x3FAD] =	sst s0;
	s0 =	simm.s32 @!p1 $0x0  }
0x14: {  	s2 =	sld [smem:$0x3F91];
	s0 =	simm.s32 @p1 $0x1  }
0x15: {  	[smem:$0x3FAE] =	sst s0;
	s0 =	simm.s32 @!p2 $0x0  }
0x16: {  	s3 =	sld [smem:$0x3FDB];
	s0 =	simm.s32 @p2 $0x1  }
0x17: {  	s4 =	simm.s32 $0x1BF5;
	[smem:$0x3FB0] =	sst s0  }
0x18: {  	s0 =	sld [smem:$0x3F93];
	_ =	swait.ge [sflag:s4], $0x0  }
0x19: {  	s7 =	sld [smem:$0x3F94]  }
0x1a: {  	s8 =	sadd.s32 $0xFFFFE003, lr  }
0x1b: {  	s9 =	sadd.s32 $0xFFFFFEF7, lr;
	s5 =	simm.s32 $0xFFFFFFFF;
	p2 =	slt.u32 s8, $0xFFFFF086  }
0x1c: {  	p1 =	slt.u32 s9, $0xF7A;
	s5 =	simm.s32 @!p2 $0x0  }
0x1d: {  	s5 =	simm.s32 @p1 $0x1;
	p0 =	seq.s32 s7, s2  }
0x1e: {  	s7 =	smul.u32 @!p0 $0xF7A, s2;
	p2 =	seq.s32 @!p0 s5, $0x0  }
0x1f: {  	s9 =	smul.u32 $0xF7A, s1;
	s8 =	simm.s32 @!p0 $0x1BF5;
	p2 =	por !p2, p0  }
0x20: {  	[sflag:s8] =	ssyncset.s32 @!p0 $0xFFFFF086;
	s6 =	sadd.s32 @!p0 s3, s7;
	s7 =	simm.s32 @!p0 $0x108  }
0x21: {  	s3 =	sadd.s32 s3, s9;
	s6 =	sadd.s32 @!p0 $0x88, s6;
	s7 =	simm.s32 @p2 $0x1082  }
0x22: {  	[simem:s7], [sflag:s8] =	dma.local @!p0 [hbm:s6], $0xF7A  }
0x23: {  	s9 =	sor.u32 $0xD0000000, s2;
	s6 =	simm.s32 $0x108;
	_ =	swait.ge @!p0 [sflag:s8], $0x0  }
0x24: {  	s3 =	sadd.s32 $0x88, s3;
	s6 =	simm.s32 @!p1 $0x1082;
	[sflag:s4] =	ssyncset.s32 $0xFFFFF086  }
0x25: {  	[simem:s6], [sflag:s4] =	dma.local [hbm:s3], $0xF7A  }
0x26: {  	[smem:$0x3F94] =	sst s1;
	(tag) =	ssettag s2;
	_ =	strace s9  }
0x27: {  	s1 =	sld [smem:$0x3FA4]  }
0x28: {  	s2 =	sld [smem:$0x3FA5]  }
0x29: {  	s4 =	sld [smem:$0x3FA7]  }
0x2a: {  	p0 =	seq.s32 s5, $0x0;
	s5 =	sld [smem:$0x3FA8]  }
0x2b: {  	s6 =	sld [smem:$0x3FA9]  }
0x2c: {  	s7 =	sld [smem:$0x3FAA]  }
0x2d: {  	s3 =	simm.s32 $0x108;
	s8 =	sld [smem:$0x3FAB]  }
0x2e: {  	s3 =	simm.s32 @!p0 $0x1082;
	s9 =	sld [smem:$0x3FAC]  }
0x2f: {  	lr =	sadd.s32 s0, s3;
	s0 =	sld [smem:$0x3FA3]  }
0x30: {  	s3 =	sld [smem:$0x3FA6]  }
0x31: {  	[smem:$0x3FAF] =	sst s10  }
0x32: {  	s10 =	sld [smem:$0x3FAD];
	_ =	sdelay $0x3  }
0x33: {  	p0 =	seq.s32 s10, $0x1;
	s10 =	sld [smem:$0x3FAF];
	_ =	sdelay $0x3  }
0x34: {  	[smem:$0x3FAF] =	sst s10  }
0x35: {  	s10 =	sld [smem:$0x3FAE];
	_ =	sdelay $0x3  }
0x36: {  	p1 =	seq.s32 s10, $0x1;
	s10 =	sld [smem:$0x3FAF];
	_ =	sdelay $0x3  }
0x37: {  	[smem:$0x3FAF] =	sst s10  }
0x38: {  	s10 =	sld [smem:$0x3FB0]  }
0x39: {  	_ = 	snop;
	(pc) =	sbr.ind lr, $3  }
0x3a: {  	_ = 	snop  }
0x3b: {  	_ = 	snop  }
0x3c: {  	p2 =	seq.s32 s10, $0x1;
	s10 =	sld [smem:$0x3FAF]  }
0x3d: {  	_ =	shalt  }
0x3e: {  	_ =	shalt  }
0x3f: {  	_ =	shalt  }
0x40: {  	_ =	shalt  }
0x41: {  	_ =	shalt  }
0x42: {  	_ =	shalt  }
0x43: {  	_ =	shalt  }
0x44: {  	_ =	shalt  }
0x45: {  	_ =	shalt  }
0x46: {  	_ =	shalt  }
0x47: {  	_ =	shalt  }
0x48: {  	_ =	shalt  }
0x49: {  	_ =	shalt  }
0x4a: {  	_ =	shalt  }
0x4b: {  	_ =	shalt  }
0x4c: {  	_ =	shalt  }
0x4d: {  	_ =	shalt  }
0x4e: {  	_ =	shalt  }
0x4f: {  	_ =	shalt  }
0x50: {  	_ =	shalt  }
0x51: {  	_ =	shalt  }
0x52: {  	_ =	shalt  }
0x53: {  	_ =	shalt  }
0x54: {  	_ =	shalt  }
0x55: {  	_ =	shalt  }
0x56: {  	_ =	shalt  }
0x57: {  	_ =	shalt  }
0x58: {  	_ =	shalt  }
0x59: {  	_ =	shalt  }
0x5a: {  	_ =	shalt  }
0x5b: {  	_ =	shalt  }
0x5c: {  	_ =	shalt  }
0x5d: {  	_ =	shalt  }
0x5e: {  	_ =	shalt  }
0x5f: {  	_ =	shalt  }
0x60: {  	_ =	shalt  }
0x61: {  	_ =	shalt  }
0x62: {  	_ =	shalt  }
0x63: {  	_ =	shalt  }
0x64: {  	_ =	shalt  }
0x65: {  	_ =	shalt  }
0x66: {  	_ =	shalt  }
0x67: {  	_ =	shalt  }
0x68: {  	_ =	shalt  }
0x69: {  	_ =	shalt  }
0x6a: {  	_ =	shalt  }
0x6b: {  	_ =	shalt  }
0x6c: {  	_ =	shalt  }
0x6d: {  	_ =	shalt  }
0x6e: {  	_ =	shalt  }
0x6f: {  	_ =	shalt  }
0x70: {  	_ =	shalt  }
0x71: {  	_ =	shalt  }
0x72: {  	_ =	shalt  }
0x73: {  	_ =	shalt  }
0x74: {  	_ =	shalt  }
0x75: {  	_ =	shalt  }
0x76: {  	_ =	shalt  }
0x77: {  	_ =	shalt  }
0x78: {  	_ =	shalt  }
0x79: {  	_ =	shalt  }
0x7a: {  	_ =	shalt  }
0x7b: {  	_ =	shalt  }
0x7c: {  	_ =	shalt  }
0x7d: {  	_ =	shalt  }
0x7e: {  	_ =	shalt  }
0x7f: {  	_ =	shalt  }
0x80: {  	_ =	shalt  }
0x81: {  	_ =	shalt  }
0x82: {  	_ =	shalt  }
0x83: {  	_ =	shalt  }
0x84: {  	_ =	shalt  }
0x85: {  	_ =	shalt  }
0x86: {  	_ =	shalt  }
0x87: {  	_ =	shalt  }
.Lfunc_end0:
.L_simem_size_0:
called_computation.3_lowered:
.L_overlay_start_0:
0x88: {  	s2 =	sld [smem:$0x3FD9]  }
0x89: {  	s3 =	sld [smem:$0x3FFE];
	_ =	sdelay $0x1  }
0x8a: {  	s1 =	srdreg.scid  }
0x8b: {  	s0 =	sand.u32 $0x1, s1  }
0x8c: {  	s16 =	sshll.u32 s0, $0xA;
	s2 =	sadd.s32 s3, s2  }
0x8d: {  	s2 =	sadd.s32 s2, s16  }
0x8e: {  	[smem:$0x3FBB] =	sst s2  }
0x8f: {  	_ = 	snop  }
0x90: {  	(tm) =	ssettm $0x1  }
0x91: {  	s17 =	sld [smem:$0x3FFB];
	_ =	sdelay $0x3  }
0x92: {  	_ =	strace s17  }
0x93: {  	s2 =	sld [smem:$0x3FFC];
	_ =	sdelay $0x3  }
0x94: {  	_ =	strace s2  }
0x95: {  	s2 =	sld [smem:$0x3FFD];
	_ =	sdelay $0x3  }
0x96: {  	_ =	strace s2  }
0x97: {  	_ =	strace $0x8FFFFFFF  }
0x98: {  	s18 =	sld [smem:$0x3FDB];
	_ =	sdelay $0x1  }
0x99: {  	s19 =	simm.s32 $_scs_section_size  }
0x9a: {  	s4 =	simm.s32 $_size__tile_overlayer_lowered;
	s5 =	simm.s32 $_tile_overlayer_lowered  }
0x9b: {  	s22 =	simm.s32 $0x1BFF;
	s21 =	sshll.u32 s5, $0x1;
	s2 =	sadd.s32 s19, s18  }
0x9c: {  	s6 =	simm.s32 $0x0;
	s20 =	sshll.u32 s4, $0x1;
	s4 =	sadd.s32 s21, s2  }
0x9d: {  	[timem:s6], [sflag:s22] =	dma.local [hbm:s4], s20  }
0x9e: {  	_ =	swait.ge [sflag:s22], s20  }
0x9f: {  	s3 =	ssub.s32 $0x0, s20;
	[sflag:s22] =	ssyncset.done $0x0  }
0xa0: {  	[sflag:s22] =	ssyncadd.s32 s3;
	_ =	sdelay $0x1  }
0xa1: {  	s23 =	simm.s32 $0x1B8B  }
0xa2: {  	_ =	swait.ge [sflag:s23], $0x1  }
0xa3: {  	[sflag:s23] =	ssyncset.done $0x0  }
0xa4: {  	s25 =	simm.s32 $0x1B8E;
	s24 =	sld [smem:$0x3FFE];
	[sflag:s23] =	ssyncadd.s32 $0xFFFFFFFF  }
0xa5: {  	s26 =	simm.s32 $execute0_lowered;
	[smem:$0x3FD2] =	sst s25  }
0xa6: {  	s4 =	sshll.u32 s26, $0x1;
	_ =	strace $0x8000004F;
	[dreg:$0x1] =	wrdreg $0xFFFFFFFF  }
0xa7: {  	s28 =	simm.s32 $_size_execute0_lowered;
	s2 =	sadd.s32 s2, s4;
	[dreg:$0x0] =	wrdreg $0x0  }
0xa8: {  	s4 =	sshll.u32 s28, $0x1;
	[dreg:$0x2] =	wrdreg s2  }
0xa9: {  	[dreg:$0x3] =	wrdreg s4  }
0xaa: {  	[dreg:$0x4] =	wrdreg $0xC0  }
0xab: {  	_ =	task [dreg:s6], $0x5FFFF  }
0xac: {  	[dreg:$0x1] =	wrdreg $0xFFFFFFFF  }
0xad: {  	[dreg:$0x0] =	wrdreg $0x60  }
0xae: {  	[dreg:$0x2] =	wrdreg s24  }
0xaf: {  	[dreg:$0x3] =	wrdreg $0x70800  }
0xb0: {  	[dreg:$0x4] =	wrdreg $0x9  }
0xb1: {  	_ =	task.clear_ibuf [dreg:s6], $0x5FFFF;
	_ =	strace $0x9000004F  }
0xb2: {  	s29 =	simm.s32 $0x9;
	_ =	strace $0x80000051  }
0xb3: {  	_ =	swait.ge [sflag:s29], $0x1  }
0xb4: {  	[sflag:s29] =	ssyncadd.s32 $0xFFFFFFFF  }
0xb5: {  	_ =	strace $0x90000051  }
0xb6: {  	_ =	sfence  }
0xb7: {  	s30 =	sld [smem:$0x0];
	_ =	sdelay $0x2  }
0xb8: {  	s31 =	sshll.u32 s1, $0xD;
	s1 =	sshrl.u32 s1, $0x2  }
0xb9: {  	s3 =	sand.u32 $0x4000, s31;
	s1 =	sadd.s32 s1, s30  }
0xba: {  	s0 =	sor.u32 s3, s0;
	s1 =	sshll.u32 s1, $0x11  }
0xbb: {  	s0 =	sor.u32 s1, s0  }
0xbc: {  	s0 =	sadd.s32 $0x8F2B, s0  }
0xbd: {  	[sflag:s0] =	ssyncadd.remote.s32 $0x1  }
0xbe: {  	_ =	sfence.sel $0xFFFF  }
0xbf: {  	[dreg:$0x0] =	wrdreg $0xFFFFFFFF;
	(pc) =	sbr.abs _section_cstart, $3  }
0xc0: {  	[dreg:$0x1] =	wrdreg $0xFFFFFFFF  }
0xc1: {  	_ =	task.clear_ibuf [dreg:s6], $0x2FFFF;
	_ =	strace $0x9FFFFFFF  }
0xc2: {  	(tm) =	ssettm $0x7FFFFFFF  }
0xc3: {  	_ =	shalt  }
tec
execute0_lowered:
.L_overlay_start_1:
0x0: {  	(tag) =	ssettag $0x1  }
0x1: {  	s0 =	rddreg [dreg:$0x0]  }
0x2: {  	s1 =	rddreg [dreg:$0x1];
	s2 =	simm.s32 $0x0  }
0x3: {  	s6 =	srdreg.scid;
	s12 =	stileid.u32;
	s28 =	simm.s32 $0xC80  }
0x4: {  	s29 =	simm.s32 $0x960;
	s30 =	simm.s32 $0xAF0;
	s31 =	simm.s32 $0x2  }
0x5: {  	[smem:$0x7FF] =	sst s2;
	s3 =	sadd.s32 $0x7400, s0;
	s4 =	sadd.s32 $0x38200, s0  }
0x6: {  	s5 =	sadd.s32 $0x69200, s0;
	s7 =	sadd.s32 $0xCB200, s0;
	s6 =	sand.u32 $0x1, s6  }
0x7: {  	s16 =	smul.u32 $0xC350, s12;
	s8 =	sadd.s32 $0xCE400, s0;
	s0 =	sadd.s32 $0xFF400, s0  }
0x8: {  	s11 =	smul.u32 $0x18800, s12;
	_ =	strace $0x80000050;
	[dreg:$0x3] =	wrdreg s7  }
0x9: {  	s19 =	sshll.u32 s12, $0x6;
	s24 =	smul.u32 $0x186A, s12;
	[dreg:$0x4] =	wrdreg s8  }
0xa: {  	[dreg:$0x5] =	wrdreg s0;
	s17 =	ssub.s32 $0x2, s6;
	s10 =	sor.u32 $0x1C07, s19  }
0xb: {  	p0 =	sne.s32 s6, $0x0;
	s8 =	simm.s32 $0x6;
	s6 =	simm.s32 $0x4  }
0xc: {  	s18 =	sshrl.u32 s17, $0x1;
	s7 =	sshrl.u32 s16, $0x3;
	s20 =	sadd.s32 s11, s1  }
0xd: {  	s11 =	sshrl.u32 s11, $0x3;
	s0 =	ssub.s32 s17, s18;
	s9 =	sadd.s32 s3, s7  }
0xe: {  	[dreg:$0xb] =	wrdreg s11;
	s18 =	sadd.s32 s24, s3;
	s21 =	sadd.s32 $0x186A0, s9  }
0xf: {  	s19 =	sshrl.u32 s20, $0x3;
	s22 =	sadd.s32 $0x32, s9;
	[dreg:$0x6] =	wrdreg s21  }
0x10: {  	s20 =	simm.s32 $0x7;
	s23 =	sadd.s32 $0x186D2, s9;
	[dreg:$0x7] =	wrdreg s22  }
0x11: {  	s24 =	simm.s32 $0x640;
	s25 =	sadd.s32 $0x64, s9;
	[dreg:$0x8] =	wrdreg s23  }
.Ltmp0:
0x12: {  	s26 =	sadd.s32 $0x18704, s9;
	[dreg:$0x9] =	wrdreg s25;
	(pc) =	sbr.rel .LBB2_1-.Ltmp0, $4  }
0x13: {  	s3 =	simm.s32 $0x5;
	s0 =	smax.u32 s0, $0x1;
	[dreg:$0xa] =	wrdreg s26  }
0x14: {  	s7 =	simm.s32 $0x3;
	s11 =	simm.s32 $0x0;
	[dreg:$0xc] =	wrdreg s0  }
0x15: {  	s21 =	simm.s32 $0x190;
	s22 =	simm.s32 $0x320;
	s23 =	simm.s32 $0x4B0  }
0x16: {  	s25 =	simm.s32 $0x7D0;
	s26 =	simm.s32 $0x1;
	s0 =	simm.s32 $0x3E80  }
.LBB2_8:
0x17: {  	s12 =	rddreg [dreg:$0x5]  }
.LBB2_9:
0x18: {  	_ =	swait.ge [sflag:s3], $0x3200  }
0x19: {  	[sflag:s3] =	ssyncset.done $0x0  }
0x1a: {  	[sflag:s3] =	ssyncadd.s32 $0xFFFFCE00  }
0x1b: {  	[spmem:s1] =	stream.indirect.scatter.add.f32 [tilespmem:s28], [sflag:$0x7], $0x20, s21, s21, $0xb8;
	[tilespmem:$0x1F880] =	vst v63  }
0x1c: {  	_ =	swait.ge [sflag:s20], $0x3200  }
0x1d: {  	[sflag:s20] =	ssyncset.done $0x0  }
0x1e: {  	s13 =	rddreg [dreg:$0xb];
	[sflag:s20] =	ssyncadd.s32 $0xFFFFCE00  }
0x1f: {  	s12 =	sadd.s32 s12, s13;
	[bflag:$0x0] =	sbarrier.arrive $0xFFFF  }
0x20: {  	[hbm:s12], [sflag:s10] =	dma.local [spmem:s19], $0x3100  }
0x21: {  	_ =	swait.ge [sflag:s20], $0x3100  }
0x22: {  	s11 =	sadd.s32 $0x1, s11;
	s17 =	rddreg [dreg:$0xc]  }
0x23: {  	p1 =	sne.s32 s11, s17  }
.Ltmp1:
0x24: {  	_ = 	snop;
	(pc) =	sbr.rel @!p1 .LBB2_10-.Ltmp1, $3  }
0x25: {  	_ =	sdelay $0x1  }
0x26: {  	[sflag:s20] =	ssyncset.done $0x0  }
0x27: {  	[sflag:s20] =	ssyncadd.s32 $0xFFFFCF00  }
.LBB2_1:
0x28: {  	s12 =	rddreg [dreg:$0x3]  }
0x29: {  	[spmem:s19], [sflag:s10] =	dma.local [hbm:s12], $0x3100  }
0x2a: {  	_ =	swait.ge [sflag:s20], $0x3100  }
0x2b: {  	[sflag:s20] =	ssyncset.done $0x0  }
0x2c: {  	[sflag:s20] =	ssyncadd.s32 $0xFFFFCF00  }
0x2d: {  	[bflag:$0x0] =	sbarrier.arrive $0xFFFF  }
0x2e: {  	[tilespmem:s2], [sflag:$0x1] =	stream.linear.gather [hbm4b:s9+s2], $0x190, $0x38;
	[tilespmem:$0x1F880] =	vst v63  }
0x2f: {  	s13 =	rddreg [dreg:$0x6]  }
0x30: {  	[tilespmem:s21], [sflag:$0x1] =	stream.linear.gather [hbm4b:s13+s2], $0x190, $0x38;
	[tilespmem:$0x1F880] =	vst v63  }
0x31: {  	s14 =	rddreg [dreg:$0x7]  }
0x32: {  	[tilespmem:s22], [sflag:$0x2] =	stream.linear.gather [hbm4b:s14+s2], $0x190, $0x38;
	[tilespmem:$0x1F880] =	vst v63  }
0x33: {  	s15 =	rddreg [dreg:$0x8]  }
0x34: {  	[tilespmem:s23], [sflag:$0x2] =	stream.linear.gather [hbm4b:s15+s2], $0x190, $0x38;
	[tilespmem:$0x1F880] =	vst v63  }
0x35: {  	s16 =	rddreg [dreg:$0x9]  }
0x36: {  	[tilespmem:s24], [sflag:$0x3] =	stream.linear.gather [hbm4b:s16+s2], $0x190, $0x38;
	[tilespmem:$0x1F880] =	vst v63  }
0x37: {  	s17 =	rddreg [dreg:$0xa]  }
0x38: {  	[tilespmem:s25], [sflag:$0x3] =	stream.linear.gather [hbm4b:s17+s2], $0x190, $0x38;
	[tilespmem:$0x1F880] =	vst v63  }
0x39: {  	_ =	swait.ge [sflag:s26], $0x190  }
.Ltmp2:
0x3a: {  	[sflag:s26] =	ssyncset.done $0x0;
	(pc) =	sbr.rel @p0 .LBB2_6-.Ltmp2, $4  }
0x3b: {  	[sflag:s26] =	ssyncadd.s32 $0xFFFFFE70  }
0x3c: {  	_ =	swait.ge [sflag:s26], $0x190  }
0x3d: {  	[sflag:s26] =	ssyncset.done $0x0  }
0x3e: {  	s12 =	simm.s32 $0x0;
	[sflag:s26] =	ssyncadd.s32 $0xFFFFFE70  }
0x3f: {  	[tilespmem:s28], [sflag:$0x5] =	stream.indirect.gather [hbm4b:s4+s21], $0x20, s12, s21, $0xb8;
	[tilespmem:$0x1F880] =	vst v63  }
.LBB2_3:
0x40: {  	s13 =	sadd.s32 s12, s18  }
0x41: {  	s14 =	sadd.s32 $0x96, s13  }
0x42: {  	[tilespmem:s29], [sflag:$0x4] =	stream.linear.gather [hbm4b:s14+s2], $0x190, $0x38;
	[tilespmem:$0x1F880] =	vst v63  }
0x43: {  	s15 =	sadd.s32 $0x18736, s13  }
0x44: {  	[tilespmem:s30], [sflag:$0x4] =	stream.linear.gather [hbm4b:s15+s2], $0x190, $0x38;
	[tilespmem:$0x1F880] =	vst v63  }
0x45: {  	_ =	swait.ge [sflag:s31], $0x190  }
0x46: {  	[sflag:s31] =	ssyncset.done $0x0  }
0x47: {  	[sflag:s31] =	ssyncadd.s32 $0xFFFFFE70  }
0x48: {  	_ =	swait.ge [sflag:s31], $0x190  }
0x49: {  	[sflag:s31] =	ssyncset.done $0x0  }
0x4a: {  	[sflag:s31] =	ssyncadd.s32 $0xFFFFFE70  }
0x4b: {  	[tilespmem:s0], [sflag:$0x6] =	stream.indirect.gather [hbm4b:s4+s21], $0x20, s22, s21, $0xb8;
	[tilespmem:$0x1F880] =	vst v63  }
0x4c: {  	_ =	swait.ge [sflag:s3], $0x3200  }
0x4d: {  	[sflag:s3] =	ssyncset.done $0x0  }
0x4e: {  	[sflag:s3] =	ssyncadd.s32 $0xFFFFCE00  }
0x4f: {  	[spmem:s1] =	stream.indirect.scatter.add.f32 [tilespmem:s28], [sflag:$0x7], $0x20, s21, s21, $0xb8;
	[tilespmem:$0x1F880] =	vst v63  }
0x50: {  	_ =	swait.ge [sflag:s20], $0x3200  }
0x51: {  	[sflag:s20] =	ssyncset.done $0x0  }
0x52: {  	s16 =	sadd.s32 $0xC8, s13;
	[sflag:s20] =	ssyncadd.s32 $0xFFFFCE00  }
0x53: {  	[tilespmem:s2], [sflag:$0x1] =	stream.linear.gather [hbm4b:s16+s2], $0x190, $0x38;
	[tilespmem:$0x1F880] =	vst v63  }
0x54: {  	s17 =	sadd.s32 $0x18768, s13  }
0x55: {  	[tilespmem:s21], [sflag:$0x1] =	stream.linear.gather [hbm4b:s17+s2], $0x190, $0x38;
	[tilespmem:$0x1F880] =	vst v63  }
0x56: {  	_ =	swait.ge [sflag:s7], $0x190  }
0x57: {  	[sflag:s7] =	ssyncset.done $0x0  }
0x58: {  	[sflag:s7] =	ssyncadd.s32 $0xFFFFFE70  }
0x59: {  	_ =	swait.ge [sflag:s7], $0x190  }
0x5a: {  	[sflag:s7] =	ssyncset.done $0x0  }
0x5b: {  	[sflag:s7] =	ssyncadd.s32 $0xFFFFFE70  }
0x5c: {  	[tilespmem:s28], [sflag:$0x5] =	stream.indirect.gather [hbm4b:s4+s21], $0x20, s24, s21, $0xb8;
	[tilespmem:$0x1F880] =	vst v63  }
0x5d: {  	_ =	swait.ge [sflag:s8], $0x3200  }
0x5e: {  	[sflag:s8] =	ssyncset.done $0x0  }
0x5f: {  	p1 =	seq.s32 s12, $0x1770;
	[sflag:s8] =	ssyncadd.s32 $0xFFFFCE00  }
0x60: {  	[spmem:s1] =	stream.indirect.scatter.add.f32 [tilespmem:s0], [sflag:$0x7], $0x20, s23, s21, $0xb8;
	[tilespmem:$0x1F880] =	vst v63  }
0x61: {  	s14 =	sadd.s32 @!p1 s12, s18;
	_ =	swait.ge [sflag:s20], $0x3200  }
0x62: {  	s15 =	sadd.s32 @!p1 $0xFA, s14;
	[sflag:s20] =	ssyncset.done $0x0  }
0x63: {  	s16 =	simm.s32 @!p1 $0x0;
	s17 =	simm.s32 @!p1 $0x320;
	[sflag:s20] =	ssyncadd.s32 $0xFFFFCE00  }
0x64: {  	[tilespmem:s17], [sflag:$0x2] =	stream.linear.gather @!p1 [hbm4b:s15+s16], $0x190, $0x38;
	[tilespmem:$0x1F880] =	vst v63  }
0x65: {  	s15 =	sadd.s32 @!p1 $0x1879A, s14;
	s17 =	simm.s32 @!p1 $0x4B0  }
0x66: {  	[tilespmem:s17], [sflag:$0x2] =	stream.linear.gather @!p1 [hbm4b:s15+s16], $0x190, $0x38;
	[tilespmem:$0x1F880] =	vst v63  }
0x67: {  	_ =	swait.ge [sflag:s6], $0x190  }
0x68: {  	[sflag:s6] =	ssyncset.done $0x0  }
0x69: {  	[sflag:s6] =	ssyncadd.s32 $0xFFFFFE70  }
0x6a: {  	_ =	swait.ge [sflag:s6], $0x190  }
0x6b: {  	[sflag:s6] =	ssyncset.done $0x0  }
0x6c: {  	[sflag:s6] =	ssyncadd.s32 $0xFFFFFE70  }
0x6d: {  	[tilespmem:s0], [sflag:$0x6] =	stream.indirect.gather [hbm4b:s4+s21], $0x20, s29, s21, $0xb8;
	[tilespmem:$0x1F880] =	vst v63  }
0x6e: {  	_ =	swait.ge [sflag:s3], $0x3200  }
0x6f: {  	[sflag:s3] =	ssyncset.done $0x0  }
0x70: {  	[sflag:s3] =	ssyncadd.s32 $0xFFFFCE00  }
0x71: {  	[spmem:s1] =	stream.indirect.scatter.add.f32 [tilespmem:s28], [sflag:$0x7], $0x20, s25, s21, $0xb8;
	[tilespmem:$0x1F880] =	vst v63  }
0x72: {  	_ =	swait.ge [sflag:s20], $0x3200  }
0x73: {  	[sflag:s20] =	ssyncset.done $0x0  }
0x74: {  	s15 =	sadd.s32 @!p1 $0x12C, s14;
	s17 =	simm.s32 @!p1 $0x640;
	[sflag:s20] =	ssyncadd.s32 $0xFFFFCE00  }
0x75: {  	[tilespmem:s17], [sflag:$0x3] =	stream.linear.gather @!p1 [hbm4b:s15+s16], $0x190, $0x38;
	[tilespmem:$0x1F880] =	vst v63  }
0x76: {  	s14 =	sadd.s32 @!p1 $0x187CC, s14;
	s15 =	simm.s32 @!p1 $0x7D0  }
0x77: {  	[tilespmem:s15], [sflag:$0x3] =	stream.linear.gather @!p1 [hbm4b:s14+s16], $0x190, $0x38;
	[tilespmem:$0x1F880] =	vst v63  }
0x78: {  	_ =	swait.ge [sflag:s26], $0x190  }
0x79: {  	[sflag:s26] =	ssyncset.done $0x0  }
0x7a: {  	[sflag:s26] =	ssyncadd.s32 $0xFFFFFE70  }
0x7b: {  	_ =	swait.ge [sflag:s26], $0x190  }
0x7c: {  	[sflag:s26] =	ssyncset.done $0x0  }
0x7d: {  	[sflag:s26] =	ssyncadd.s32 $0xFFFFFE70  }
0x7e: {  	[tilespmem:s28], [sflag:$0x5] =	stream.indirect.gather [hbm4b:s4+s21], $0x20, s2, s21, $0xb8;
	[tilespmem:$0x1F880] =	vst v63  }
0x7f: {  	_ =	swait.ge [sflag:s8], $0x3200  }
0x80: {  	[sflag:s8] =	ssyncset.done $0x0  }
.Ltmp3:
0x81: {  	[sflag:s8] =	ssyncadd.s32 $0xFFFFCE00;
	(pc) =	sbr.rel @p1 .LBB2_4-.Ltmp3, $4  }
0x82: {  	[spmem:s1] =	stream.indirect.scatter.add.f32 [tilespmem:s0], [sflag:$0x7], $0x20, s30, s21, $0xb8;
	[tilespmem:$0x1F880] =	vst v63  }
0x83: {  	_ =	swait.ge [sflag:s20], $0x3200  }
0x84: {  	[sflag:s20] =	ssyncset.done $0x0  }
0x85: {  	[sflag:s20] =	ssyncadd.s32 $0xFFFFCE00  }
.Ltmp4:
0x86: {  	(pc) =	sbr.rel .LBB2_3-.Ltmp4, $4  }
0x87: {  	s14 =	sadd.s32 $0x15E, s13  }
0x88: {  	[tilespmem:s29], [sflag:$0x4] =	stream.linear.gather [hbm4b:s14+s2], $0x190, $0x38;
	[tilespmem:$0x1F880] =	vst v63  }
0x89: {  	s17 =	sadd.s32 $0x187FE, s13;
	s12 =	sadd.s32 $0xC8, s12  }
0x8a: {  	[tilespmem:s30], [sflag:$0x4] =	stream.linear.gather [hbm4b:s17+s2], $0x190, $0x38;
	[tilespmem:$0x1F880] =	vst v63  }
.LBB2_6:
0x8b: {  	[tilespmem:s28], [sflag:$0x5] =	stream.indirect.gather [hbm4b:s5+s21], $0x20, s12, s21, $0xb8;
	[tilespmem:$0x1F880] =	vst v63  }
.LBB2_7:
0x8c: {  	s13 =	sadd.s32 s12, s18  }
0x8d: {  	s14 =	sadd.s32 $0x96, s13  }
0x8e: {  	[tilespmem:s29], [sflag:$0x4] =	stream.linear.gather [hbm4b:s14+s2], $0x190, $0x38;
	[tilespmem:$0x1F880] =	vst v63  }
0x8f: {  	s15 =	sadd.s32 $0x18736, s13  }
0x90: {  	[tilespmem:s30], [sflag:$0x4] =	stream.linear.gather [hbm4b:s15+s2], $0x190, $0x38;
	[tilespmem:$0x1F880] =	vst v63  }
0x91: {  	_ =	swait.ge [sflag:s31], $0x190  }
0x92: {  	[sflag:s31] =	ssyncset.done $0x0  }
0x93: {  	[sflag:s31] =	ssyncadd.s32 $0xFFFFFE70  }
0x94: {  	_ =	swait.ge [sflag:s31], $0x190  }
0x95: {  	[sflag:s31] =	ssyncset.done $0x0  }
0x96: {  	[sflag:s31] =	ssyncadd.s32 $0xFFFFFE70  }
0x97: {  	[tilespmem:s0], [sflag:$0x6] =	stream.indirect.gather [hbm4b:s5+s21], $0x20, s22, s21, $0xb8;
	[tilespmem:$0x1F880] =	vst v63  }
0x98: {  	_ =	swait.ge [sflag:s3], $0x3200  }
0x99: {  	[sflag:s3] =	ssyncset.done $0x0  }
0x9a: {  	[sflag:s3] =	ssyncadd.s32 $0xFFFFCE00  }
0x9b: {  	[spmem:s1] =	stream.indirect.scatter.add.f32 [tilespmem:s28], [sflag:$0x7], $0x20, s21, s21, $0xb8;
	[tilespmem:$0x1F880] =	vst v63  }
0x9c: {  	_ =	swait.ge [sflag:s20], $0x3200  }
0x9d: {  	[sflag:s20] =	ssyncset.done $0x0  }
0x9e: {  	s16 =	sadd.s32 $0xC8, s13;
	[sflag:s20] =	ssyncadd.s32 $0xFFFFCE00  }
0x9f: {  	[tilespmem:s2], [sflag:$0x1] =	stream.linear.gather [hbm4b:s16+s2], $0x190, $0x38;
	[tilespmem:$0x1F880] =	vst v63  }
0xa0: {  	s17 =	sadd.s32 $0x18768, s13  }
0xa1: {  	[tilespmem:s21], [sflag:$0x1] =	stream.linear.gather [hbm4b:s17+s2], $0x190, $0x38;
	[tilespmem:$0x1F880] =	vst v63  }
0xa2: {  	_ =	swait.ge [sflag:s7], $0x190  }
0xa3: {  	[sflag:s7] =	ssyncset.done $0x0  }
0xa4: {  	[sflag:s7] =	ssyncadd.s32 $0xFFFFFE70  }
0xa5: {  	_ =	swait.ge [sflag:s7], $0x190  }
0xa6: {  	[sflag:s7] =	ssyncset.done $0x0  }
0xa7: {  	[sflag:s7] =	ssyncadd.s32 $0xFFFFFE70  }
0xa8: {  	[tilespmem:s28], [sflag:$0x5] =	stream.indirect.gather [hbm4b:s5+s21], $0x20, s24, s21, $0xb8;
	[tilespmem:$0x1F880] =	vst v63  }
0xa9: {  	_ =	swait.ge [sflag:s8], $0x3200  }
0xaa: {  	[sflag:s8] =	ssyncset.done $0x0  }
0xab: {  	p1 =	seq.s32 s12, $0x1770;
	[sflag:s8] =	ssyncadd.s32 $0xFFFFCE00  }
0xac: {  	[spmem:s1] =	stream.indirect.scatter.add.f32 [tilespmem:s0], [sflag:$0x7], $0x20, s23, s21, $0xb8;
	[tilespmem:$0x1F880] =	vst v63  }
0xad: {  	s14 =	sadd.s32 @!p1 s12, s18;
	_ =	swait.ge [sflag:s20], $0x3200  }
0xae: {  	s15 =	sadd.s32 @!p1 $0xFA, s14;
	[sflag:s20] =	ssyncset.done $0x0  }
0xaf: {  	s16 =	simm.s32 @!p1 $0x0;
	s17 =	simm.s32 @!p1 $0x320;
	[sflag:s20] =	ssyncadd.s32 $0xFFFFCE00  }
0xb0: {  	[tilespmem:s17], [sflag:$0x2] =	stream.linear.gather @!p1 [hbm4b:s15+s16], $0x190, $0x38;
	[tilespmem:$0x1F880] =	vst v63  }
0xb1: {  	s15 =	sadd.s32 @!p1 $0x1879A, s14;
	s17 =	simm.s32 @!p1 $0x4B0  }
0xb2: {  	[tilespmem:s17], [sflag:$0x2] =	stream.linear.gather @!p1 [hbm4b:s15+s16], $0x190, $0x38;
	[tilespmem:$0x1F880] =	vst v63  }
0xb3: {  	_ =	swait.ge [sflag:s6], $0x190  }
0xb4: {  	[sflag:s6] =	ssyncset.done $0x0  }
0xb5: {  	[sflag:s6] =	ssyncadd.s32 $0xFFFFFE70  }
0xb6: {  	_ =	swait.ge [sflag:s6], $0x190  }
0xb7: {  	[sflag:s6] =	ssyncset.done $0x0  }
0xb8: {  	[sflag:s6] =	ssyncadd.s32 $0xFFFFFE70  }
0xb9: {  	[tilespmem:s0], [sflag:$0x6] =	stream.indirect.gather [hbm4b:s5+s21], $0x20, s29, s21, $0xb8;
	[tilespmem:$0x1F880] =	vst v63  }
0xba: {  	_ =	swait.ge [sflag:s3], $0x3200  }
0xbb: {  	[sflag:s3] =	ssyncset.done $0x0  }
0xbc: {  	[sflag:s3] =	ssyncadd.s32 $0xFFFFCE00  }
0xbd: {  	[spmem:s1] =	stream.indirect.scatter.add.f32 [tilespmem:s28], [sflag:$0x7], $0x20, s25, s21, $0xb8;
	[tilespmem:$0x1F880] =	vst v63  }
0xbe: {  	_ =	swait.ge [sflag:s20], $0x3200  }
0xbf: {  	[sflag:s20] =	ssyncset.done $0x0  }
0xc0: {  	s15 =	sadd.s32 @!p1 $0x12C, s14;
	s17 =	simm.s32 @!p1 $0x640;
	[sflag:s20] =	ssyncadd.s32 $0xFFFFCE00  }
0xc1: {  	[tilespmem:s17], [sflag:$0x3] =	stream.linear.gather @!p1 [hbm4b:s15+s16], $0x190, $0x38;
	[tilespmem:$0x1F880] =	vst v63  }
0xc2: {  	s14 =	sadd.s32 @!p1 $0x187CC, s14;
	s15 =	simm.s32 @!p1 $0x7D0  }
0xc3: {  	[tilespmem:s15], [sflag:$0x3] =	stream.linear.gather @!p1 [hbm4b:s14+s16], $0x190, $0x38;
	[tilespmem:$0x1F880] =	vst v63  }
0xc4: {  	_ =	swait.ge [sflag:s26], $0x190  }
0xc5: {  	[sflag:s26] =	ssyncset.done $0x0  }
0xc6: {  	[sflag:s26] =	ssyncadd.s32 $0xFFFFFE70  }
0xc7: {  	_ =	swait.ge [sflag:s26], $0x190  }
0xc8: {  	[sflag:s26] =	ssyncset.done $0x0  }
0xc9: {  	[sflag:s26] =	ssyncadd.s32 $0xFFFFFE70  }
0xca: {  	[tilespmem:s28], [sflag:$0x5] =	stream.indirect.gather [hbm4b:s5+s21], $0x20, s2, s21, $0xb8;
	[tilespmem:$0x1F880] =	vst v63  }
0xcb: {  	_ =	swait.ge [sflag:s8], $0x3200  }
0xcc: {  	[sflag:s8] =	ssyncset.done $0x0  }
.Ltmp5:
0xcd: {  	[sflag:s8] =	ssyncadd.s32 $0xFFFFCE00;
	(pc) =	sbr.rel @p1 .LBB2_8-.Ltmp5, $4  }
0xce: {  	[spmem:s1] =	stream.indirect.scatter.add.f32 [tilespmem:s0], [sflag:$0x7], $0x20, s30, s21, $0xb8;
	[tilespmem:$0x1F880] =	vst v63  }
0xcf: {  	_ =	swait.ge [sflag:s20], $0x3200  }
0xd0: {  	[sflag:s20] =	ssyncset.done $0x0  }
0xd1: {  	[sflag:s20] =	ssyncadd.s32 $0xFFFFCE00  }
.Ltmp6:
0xd2: {  	(pc) =	sbr.rel .LBB2_7-.Ltmp6, $4  }
0xd3: {  	s14 =	sadd.s32 $0x15E, s13  }
0xd4: {  	[tilespmem:s29], [sflag:$0x4] =	stream.linear.gather [hbm4b:s14+s2], $0x190, $0x38;
	[tilespmem:$0x1F880] =	vst v63  }
0xd5: {  	s17 =	sadd.s32 $0x187FE, s13;
	s12 =	sadd.s32 $0xC8, s12  }
0xd6: {  	[tilespmem:s30], [sflag:$0x4] =	stream.linear.gather [hbm4b:s17+s2], $0x190, $0x38;
	[tilespmem:$0x1F880] =	vst v63  }
.LBB2_4:
.Ltmp7:
0xd7: {  	(pc) =	sbr.rel .LBB2_9-.Ltmp7, $2  }
0xd8: {  	_ =	sdelay $0x2  }
0xd9: {  	s12 =	rddreg [dreg:$0x4]  }
.LBB2_10:
0xda: {  	_ =	sfence.sel $0x180000  }
0xdb: {  	[bflag:$0x0] =	sbarrier.arrive $0xFFFF  }
0xdc: {  	_ =	strace $0x90000050  }
0xdd: {  	s0 =	stileid.u32;
	[bflag:$0x2] =	sbarrier.arrive $0xFFFF  }
0xde: {  	p0 =	sne.s32 s0, $0x0;
	s0 =	rddreg [dreg:$0x2]  }
0xdf: {  	s0 =	sadd.s32 @!p0 $0x100000, s0  }
0xe0: {  	[sflag:s0] =	ssyncadd.tile.s32 @!p0 $0x1;
	_ =	shalt  }
.Lfunc_end2:
_tile_overlayer_lowered:
.L_overlay_start_2:
0xe1: {  	(tag) =	ssettag $0x2  }
0xe2: {  	s0 =	rddreg [dreg:$0x0];
	s2 =	stileid.u32  }
0xe3: {  	s1 =	rddreg [dreg:$0x1];
	p0 =	sne.s32 s2, $0x0  }
0xe4: {  	s3 =	rddreg [dreg:$0x2];
	[bflag:$0x3] =	sbarrier.arrive $0xFFFF;
	s2 =	simm.s32 @!p0 $0x1C07  }
0xe5: {  	[timem:s3], [sflag:s2] =	dma.local @!p0 [hbm:s0], s1  }
0xe6: {  	s0 =	simm.s32 @!p0 $0x7  }
0xe7: {  	_ =	swait.ge @!p0 [sflag:s0], s1  }
0xe8: {  	s1 =	ssub.s32 @!p0 $0x0, s1;
	[sflag:s0] =	ssyncset.done @!p0 $0x0  }
0xe9: {  	[sflag:s0] =	ssyncadd.s32 @!p0 s1  }
0xea: {  	[bflag:$0x3] =	sbarrier.arrive $0xFFFF  }
0xeb: {  	_ =	shalt  }

// kernel: kernel.25.cloned.1.call-start
scs
__scs_entry_jumppad:
0x0: {  	(pc) =	sbr.rel $0x88, $3  }
0x1: {  	(tag) =	ssettag $0x0;
	lr =	simm.s32 $0x1  }
0x2: {  	[smem:$0x3F94] =	sst lr;
	_ =	strace $0xD0000000  }
0x3: {  	_ = 	snop  }
0x4: {  	_ = 	snop  }
0x5: {  	_ = 	snop  }
0x6: {  	_ = 	snop  }
0x7: {  	_ = 	snop  }
__scs_overlays_trampoline_lowered:
0x8: {  	[smem:$0x3FA3] =	sst s0  }
0x9: {  	[smem:$0x3FA4] =	sst s1  }
0xa: {  	[smem:$0x3FA5] =	sst s2  }
0xb: {  	[smem:$0x3FA6] =	sst s3  }
0xc: {  	[smem:$0x3FA7] =	sst s4  }
0xd: {  	[smem:$0x3FA8] =	sst s5  }
0xe: {  	[smem:$0x3FA9] =	sst s6  }
0xf: {  	[smem:$0x3FAA] =	sst s7  }
0x10: {  	[smem:$0x3FAB] =	sst s8  }
0x11: {  	[smem:$0x3FAC] =	sst s9;
	s0 =	simm.s32 @!p0 $0x0  }
0x12: {  	s1 =	sld [smem:$0x3F92];
	s0 =	simm.s32 @p0 $0x1  }
0x13: {  	[smem:$0x3FAD] =	sst s0;
	s0 =	simm.s32 @!p1 $0x0  }
0x14: {  	s2 =	sld [smem:$0x3F91];
	s0 =	simm.s32 @p1 $0x1  }
0x15: {  	[smem:$0x3FAE] =	sst s0;
	s0 =	simm.s32 @!p2 $0x0  }
0x16: {  	s3 =	sld [smem:$0x3FDB];
	s0 =	simm.s32 @p2 $0x1  }
0x17: {  	s4 =	simm.s32 $0x1BF5;
	[smem:$0x3FB0] =	sst s0  }
0x18: {  	s0 =	sld [smem:$0x3F93];
	_ =	swait.ge [sflag:s4], $0x0  }
0x19: {  	s7 =	sld [smem:$0x3F94]  }
0x1a: {  	s8 =	sadd.s32 $0xFFFFE003, lr  }
0x1b: {  	s9 =	sadd.s32 $0xFFFFFEF7, lr;
	s5 =	simm.s32 $0xFFFFFFFF;
	p2 =	slt.u32 s8, $0xFFFFF086  }
0x1c: {  	p1 =	slt.u32 s9, $0xF7A;
	s5 =	simm.s32 @!p2 $0x0  }
0x1d: {  	s5 =	simm.s32 @p1 $0x1;
	p0 =	seq.s32 s7, s2  }
0x1e: {  	s7 =	smul.u32 @!p0 $0xF7A, s2;
	p2 =	seq.s32 @!p0 s5, $0x0  }
0x1f: {  	s9 =	smul.u32 $0xF7A, s1;
	s8 =	simm.s32 @!p0 $0x1BF5;
	p2 =	por !p2, p0  }
0x20: {  	[sflag:s8] =	ssyncset.s32 @!p0 $0xFFFFF086;
	s6 =	sadd.s32 @!p0 s3, s7;
	s7 =	simm.s32 @!p0 $0x108  }
0x21: {  	s3 =	sadd.s32 s3, s9;
	s6 =	sadd.s32 @!p0 $0x88, s6;
	s7 =	simm.s32 @p2 $0x1082  }
0x22: {  	[simem:s7], [sflag:s8] =	dma.local @!p0 [hbm:s6], $0xF7A  }
0x23: {  	s9 =	sor.u32 $0xD0000000, s2;
	s6 =	simm.s32 $0x108;
	_ =	swait.ge @!p0 [sflag:s8], $0x0  }
0x24: {  	s3 =	sadd.s32 $0x88, s3;
	s6 =	simm.s32 @!p1 $0x1082;
	[sflag:s4] =	ssyncset.s32 $0xFFFFF086  }
0x25: {  	[simem:s6], [sflag:s4] =	dma.local [hbm:s3], $0xF7A  }
0x26: {  	[smem:$0x3F94] =	sst s1;
	(tag) =	ssettag s2;
	_ =	strace s9  }
0x27: {  	s1 =	sld [smem:$0x3FA4]  }
0x28: {  	s2 =	sld [smem:$0x3FA5]  }
0x29: {  	s4 =	sld [smem:$0x3FA7]  }
0x2a: {  	p0 =	seq.s32 s5, $0x0;
	s5 =	sld [smem:$0x3FA8]  }
0x2b: {  	s6 =	sld [smem:$0x3FA9]  }
0x2c: {  	s7 =	sld [smem:$0x3FAA]  }
0x2d: {  	s3 =	simm.s32 $0x108;
	s8 =	sld [smem:$0x3FAB]  }
0x2e: {  	s3 =	simm.s32 @!p0 $0x1082;
	s9 =	sld [smem:$0x3FAC]  }
0x2f: {  	lr =	sadd.s32 s0, s3;
	s0 =	sld [smem:$0x3FA3]  }
0x30: {  	s3 =	sld [smem:$0x3FA6]  }
0x31: {  	[smem:$0x3FAF] =	sst s10  }
0x32: {  	s10 =	sld [smem:$0x3FAD];
	_ =	sdelay $0x3  }
0x33: {  	p0 =	seq.s32 s10, $0x1;
	s10 =	sld [smem:$0x3FAF];
	_ =	sdelay $0x3  }
0x34: {  	[smem:$0x3FAF] =	sst s10  }
0x35: {  	s10 =	sld [smem:$0x3FAE];
	_ =	sdelay $0x3  }
0x36: {  	p1 =	seq.s32 s10, $0x1;
	s10 =	sld [smem:$0x3FAF];
	_ =	sdelay $0x3  }
0x37: {  	[smem:$0x3FAF] =	sst s10  }
0x38: {  	s10 =	sld [smem:$0x3FB0]  }
0x39: {  	_ = 	snop;
	(pc) =	sbr.ind lr, $3  }
0x3a: {  	_ = 	snop  }
0x3b: {  	_ = 	snop  }
0x3c: {  	p2 =	seq.s32 s10, $0x1;
	s10 =	sld [smem:$0x3FAF]  }
0x3d: {  	_ =	shalt  }
0x3e: {  	_ =	shalt  }
0x3f: {  	_ =	shalt  }
0x40: {  	_ =	shalt  }
0x41: {  	_ =	shalt  }
0x42: {  	_ =	shalt  }
0x43: {  	_ =	shalt  }
0x44: {  	_ =	shalt  }
0x45: {  	_ =	shalt  }
0x46: {  	_ =	shalt  }
0x47: {  	_ =	shalt  }
0x48: {  	_ =	shalt  }
0x49: {  	_ =	shalt  }
0x4a: {  	_ =	shalt  }
0x4b: {  	_ =	shalt  }
0x4c: {  	_ =	shalt  }
0x4d: {  	_ =	shalt  }
0x4e: {  	_ =	shalt  }
0x4f: {  	_ =	shalt  }
0x50: {  	_ =	shalt  }
0x51: {  	_ =	shalt  }
0x52: {  	_ =	shalt  }
0x53: {  	_ =	shalt  }
0x54: {  	_ =	shalt  }
0x55: {  	_ =	shalt  }
0x56: {  	_ =	shalt  }
0x57: {  	_ =	shalt  }
0x58: {  	_ =	shalt  }
0x59: {  	_ =	shalt  }
0x5a: {  	_ =	shalt  }
0x5b: {  	_ =	shalt  }
0x5c: {  	_ =	shalt  }
0x5d: {  	_ =	shalt  }
0x5e: {  	_ =	shalt  }
0x5f: {  	_ =	shalt  }
0x60: {  	_ =	shalt  }
0x61: {  	_ =	shalt  }
0x62: {  	_ =	shalt  }
0x63: {  	_ =	shalt  }
0x64: {  	_ =	shalt  }
0x65: {  	_ =	shalt  }
0x66: {  	_ =	shalt  }
0x67: {  	_ =	shalt  }
0x68: {  	_ =	shalt  }
0x69: {  	_ =	shalt  }
0x6a: {  	_ =	shalt  }
0x6b: {  	_ =	shalt  }
0x6c: {  	_ =	shalt  }
0x6d: {  	_ =	shalt  }
0x6e: {  	_ =	shalt  }
0x6f: {  	_ =	shalt  }
0x70: {  	_ =	shalt  }
0x71: {  	_ =	shalt  }
0x72: {  	_ =	shalt  }
0x73: {  	_ =	shalt  }
0x74: {  	_ =	shalt  }
0x75: {  	_ =	shalt  }
0x76: {  	_ =	shalt  }
0x77: {  	_ =	shalt  }
0x78: {  	_ =	shalt  }
0x79: {  	_ =	shalt  }
0x7a: {  	_ =	shalt  }
0x7b: {  	_ =	shalt  }
0x7c: {  	_ =	shalt  }
0x7d: {  	_ =	shalt  }
0x7e: {  	_ =	shalt  }
0x7f: {  	_ =	shalt  }
0x80: {  	_ =	shalt  }
0x81: {  	_ =	shalt  }
0x82: {  	_ =	shalt  }
0x83: {  	_ =	shalt  }
0x84: {  	_ =	shalt  }
0x85: {  	_ =	shalt  }
0x86: {  	_ =	shalt  }
0x87: {  	_ =	shalt  }
.Lfunc_end0:
.L_simem_size_0:
called_computation.4_lowered:
.L_overlay_start_0:
0x88: {  	s2 =	sld [smem:$0x3FD9]  }
0x89: {  	s3 =	sld [smem:$0x3FFE];
	_ =	sdelay $0x1  }
0x8a: {  	s1 =	srdreg.scid  }
0x8b: {  	s0 =	sand.u32 $0x1, s1  }
0x8c: {  	s16 =	sshll.u32 s0, $0xA;
	s2 =	sadd.s32 s3, s2  }
0x8d: {  	s2 =	sadd.s32 s2, s16  }
0x8e: {  	[smem:$0x3FBB] =	sst s2  }
0x8f: {  	_ = 	snop  }
0x90: {  	(tm) =	ssettm $0x1  }
0x91: {  	s17 =	sld [smem:$0x3FFB];
	_ =	sdelay $0x3  }
0x92: {  	_ =	strace s17  }
0x93: {  	s2 =	sld [smem:$0x3FFC];
	_ =	sdelay $0x3  }
0x94: {  	_ =	strace s2  }
0x95: {  	s2 =	sld [smem:$0x3FFD];
	_ =	sdelay $0x3  }
0x96: {  	_ =	strace s2  }
0x97: {  	_ =	strace $0x8FFFFFFF  }
0x98: {  	s18 =	sld [smem:$0x3FDB];
	_ =	sdelay $0x1  }
0x99: {  	s19 =	simm.s32 $_scs_section_size  }
0x9a: {  	s4 =	simm.s32 $_size__tile_overlayer_lowered;
	s5 =	simm.s32 $_tile_overlayer_lowered  }
0x9b: {  	s22 =	simm.s32 $0x1BFF;
	s21 =	sshll.u32 s5, $0x1;
	s2 =	sadd.s32 s19, s18  }
0x9c: {  	s6 =	simm.s32 $0x0;
	s20 =	sshll.u32 s4, $0x1;
	s4 =	sadd.s32 s21, s2  }
0x9d: {  	[timem:s6], [sflag:s22] =	dma.local [hbm:s4], s20  }
0x9e: {  	_ =	swait.ge [sflag:s22], s20  }
0x9f: {  	s3 =	ssub.s32 $0x0, s20;
	[sflag:s22] =	ssyncset.done $0x0  }
0xa0: {  	[sflag:s22] =	ssyncadd.s32 s3;
	_ =	sdelay $0x1  }
0xa1: {  	s23 =	simm.s32 $0x1B8B  }
0xa2: {  	_ =	swait.ge [sflag:s23], $0x1  }
0xa3: {  	[sflag:s23] =	ssyncset.done $0x0  }
0xa4: {  	s25 =	simm.s32 $0x1B8E;
	s24 =	sld [smem:$0x3FFE];
	[sflag:s23] =	ssyncadd.s32 $0xFFFFFFFF  }
0xa5: {  	s26 =	simm.s32 $execute0_lowered;
	[smem:$0x3FD2] =	sst s25  }
0xa6: {  	s4 =	sshll.u32 s26, $0x1;
	_ =	strace $0x80000052;
	[dreg:$0x1] =	wrdreg $0xFFFFFFFF  }
0xa7: {  	s28 =	simm.s32 $_size_execute0_lowered;
	s2 =	sadd.s32 s2, s4;
	[dreg:$0x0] =	wrdreg $0x0  }
0xa8: {  	s4 =	sshll.u32 s28, $0x1;
	[dreg:$0x2] =	wrdreg s2  }
0xa9: {  	[dreg:$0x3] =	wrdreg s4  }
0xaa: {  	[dreg:$0x4] =	wrdreg $0xC0  }
0xab: {  	_ =	task [dreg:s6], $0x5FFFF  }
0xac: {  	[dreg:$0x1] =	wrdreg $0xFFFFFFFF  }
0xad: {  	[dreg:$0x0] =	wrdreg $0x60  }
0xae: {  	[dreg:$0x2] =	wrdreg s24  }
0xaf: {  	[dreg:$0x3] =	wrdreg $0xC7100  }
0xb0: {  	[dreg:$0x4] =	wrdreg $0xCB200  }
0xb1: {  	[dreg:$0x5] =	wrdreg $0x9  }
0xb2: {  	_ =	task.clear_ibuf [dreg:s6], $0x6FFFF;
	_ =	strace $0x90000052  }
0xb3: {  	s29 =	simm.s32 $0x9;
	_ =	strace $0x80000054  }
0xb4: {  	_ =	swait.ge [sflag:s29], $0x1  }
0xb5: {  	[sflag:s29] =	ssyncadd.s32 $0xFFFFFFFF  }
0xb6: {  	_ =	strace $0x90000054  }
0xb7: {  	_ =	sfence  }
0xb8: {  	s30 =	sld [smem:$0x0];
	_ =	sdelay $0x2  }
0xb9: {  	s31 =	sshll.u32 s1, $0xD;
	s1 =	sshrl.u32 s1, $0x2  }
0xba: {  	s3 =	sand.u32 $0x4000, s31;
	s1 =	sadd.s32 s1, s30  }
0xbb: {  	s0 =	sor.u32 s3, s0;
	s1 =	sshll.u32 s1, $0x11  }
0xbc: {  	s0 =	sor.u32 s1, s0  }
0xbd: {  	s0 =	sadd.s32 $0x8F2B, s0  }
0xbe: {  	[sflag:s0] =	ssyncadd.remote.s32 $0x1  }
0xbf: {  	_ =	sfence.sel $0xFFFF  }
0xc0: {  	[dreg:$0x0] =	wrdreg $0xFFFFFFFF;
	(pc) =	sbr.abs _section_cstart, $3  }
0xc1: {  	[dreg:$0x1] =	wrdreg $0xFFFFFFFF  }
0xc2: {  	_ =	task.clear_ibuf [dreg:s6], $0x2FFFF;
	_ =	strace $0x9FFFFFFF  }
0xc3: {  	(tm) =	ssettm $0x7FFFFFFF  }
tec
execute0_lowered:
.L_overlay_start_1:
0x0: {  	(tag) =	ssettag $0x1  }
0x1: {  	s8 =	rddreg [dreg:$0x0]  }
0x2: {  	s1 =	rddreg [dreg:$0x1]  }
0x3: {  	s2 =	rddreg [dreg:$0x2]  }
0x4: {  	s0 =	rddreg [dreg:$0x3];
	s3 =	simm.s32 $0x0;
	s6 =	srdreg.scid  }
0x5: {  	s24 =	stileid.u32;
	[smem:$0x7FF] =	sst s3;
	s21 =	sadd.s32 $0xCE400, s8  }
0x6: {  	s17 =	sadd.s32 $0xFF400, s8;
	s16 =	sadd.s32 $0x130400, s8;
	s4 =	sadd.s32 $0xCB200, s8  }
0x7: {  	s5 =	sadd.s32 $0x7400, s8;
	s22 =	sand.u32 $0x1, s6;
	s6 =	sadd.s32 $0x8200, s8  }
0x8: {  	s7 =	sadd.s32 $0x8A00, s8;
	s14 =	smul.u32 $0xC40, s24;
	s8 =	sadd.s32 $0x9200, s8  }
0x9: {  	s18 =	smul.u32 $0x3100, s24;
	p0 =	sne.s32 s24, $0x0;
	p2 =	seq.s32 s24, $0x0  }
0xa: {  	s24 =	simm.s32 $0x310;
	_ =	strace $0x80000053;
	s9 =	ssub.s32 $0x2, s22  }
0xb: {  	p1 =	seq.s32 s22, $0x0;
	s22 =	simm.s32 $0x6510;
	s10 =	sshrl.u32 s9, $0x1  }
0xc: {  	s30 =	sshrl.u32 s14, $0x3;
	s13 =	sadd.s32 $0x310, s14;
	s11 =	sadd.s32 s17, s18  }
0xd: {  	s15 =	sadd.s32 $0x620, s14;
	s23 =	sadd.s32 $0x930, s14;
	s18 =	sadd.s32 s21, s18  }
0xe: {  	s9 =	ssub.s32 s9, s10;
	s10 =	sadd.s32 s16, s30;
	s12 =	sshrl.u32 s13, $0x3  }
0xf: {  	s19 =	sshll.u32 s13, $0x2;
	s20 =	sshrl.u32 s15, $0x3;
	s31 =	sshll.u32 s15, $0x2  }
.Ltmp0:
0x10: {  	s25 =	sshrl.u32 s23, $0x3;
	s23 =	sshll.u32 s23, $0x2;
	(pc) =	sbr.rel .LBB2_1-.Ltmp0, $4  }
0x11: {  	s9 =	smax.u32 s9, $0x1;
	s12 =	sadd.s32 s16, s12;
	s13 =	sadd.s32 s17, s19  }
0x12: {  	s14 =	sadd.s32 s16, s20;
	s15 =	sadd.s32 s17, s31;
	s16 =	sadd.s32 s16, s25  }
0x13: {  	s17 =	sadd.s32 s17, s23;
	s19 =	sadd.s32 s21, s19;
	s20 =	sadd.s32 s21, s31  }
0x14: {  	s21 =	sadd.s32 s21, s23;
	s23 =	simm.s32 $0x1;
	s25 =	simm.s32 $0x1C01  }
.LBB2_6:
0x15: {  	_ =	swait.ge [sflag:s23], $0x800  }
0x16: {  	[sflag:s23] =	ssyncset.done $0x0  }
0x17: {  	[sflag:s23] =	ssyncadd.s32 $0xFFFFF800  }
.LBB2_7:
0x18: {  	s9 =	sadd.s32 $0xFFFFFFFF, s9  }
0x19: {  	p3 =	sne.s32 s9, $0x0  }
.Ltmp1:
0x1a: {  	_ = 	snop;
	(pc) =	sbr.rel @!p3 .LBB2_8-.Ltmp1, $1  }
0x1b: {  	_ =	sdelay $0x3  }
.LBB2_1:
0x1c: {  	s26 =	sshrl.u32 @!p0 s1, $0x3;
	s28 =	simm.s32 @!p0 $0x1C01  }
0x1d: {  	[spmem:s26], [sflag:s28] =	dma.local @!p0 [hbm:s4], $0x820  }
0x1e: {  	s26 =	simm.s32 @!p0 $0x1  }
0x1f: {  	_ =	swait.ge @!p0 [sflag:s26], $0x820  }
0x20: {  	[sflag:s26] =	ssyncset.done @!p0 $0x0  }
0x21: {  	s29 =	sshrl.u32 @!p0 s2, $0x3;
	[sflag:s26] =	ssyncadd.s32 @!p0 $0xFFFFF7E0  }
0x22: {  	[spmem:s29], [sflag:s28] =	dma.local @!p0 [hbm:s4], $0x820  }
0x23: {  	_ =	swait.ge @!p0 [sflag:s26], $0x820  }
0x24: {  	[sflag:s26] =	ssyncset.done @!p0 $0x0  }
0x25: {  	[sflag:s26] =	ssyncadd.s32 @!p0 $0xFFFFF7E0  }
0x26: {  	[tilespmem:s22], [sflag:$0x1] =	stream.linear.gather [hbm4b:s5+s3], $0x6200, $0x38;
	[tilespmem:$0xCF30] =	vst v63  }
.Ltmp2:
0x27: {  	_ =	swait.ge [sflag:s23], $0x6200;
	(pc) =	sbr.rel @!p1 .LBB2_2-.Ltmp2, $3  }
0x28: {  	[sflag:s23] =	ssyncset.done $0x0  }
0x29: {  	[sflag:s23] =	ssyncadd.s32 $0xFFFF9E00  }
0x2a: {  	[bflag:$0x0] =	sbarrier.arrive $0xFFFF;
	_ =	sdelay $0x1  }
0x2b: {  	[tilespmem:s3], [sflag:$0x1] =	stream.linear.gather [hbm4b:s10+s3], $0x310, $0x38;
	[tilespmem:$0xCF30] =	vst v63  }
0x2c: {  	_ =	swait.ge [sflag:s23], $0x310  }
0x2d: {  	[sflag:s23] =	ssyncset.done $0x0  }
0x2e: {  	[sflag:s23] =	ssyncadd.s32 $0xFFFFFCF0  }
0x2f: {  	[tilespmem:s24], [sflag:$0x1] =	stream.linear.gather [hbm4b:s18+s3], $0x6200, $0x38;
	[tilespmem:$0xCF30] =	vst v63  }
0x30: {  	_ =	swait.ge [sflag:s23], $0x6200  }
0x31: {  	[sflag:s23] =	ssyncset.done $0x0  }
0x32: {  	[sflag:s23] =	ssyncadd.s32 $0xFFFF9E00  }
0x33: {  	[spmem:s1] =	stream.indirect.scatter.add.f32 [tilespmem:s24], [sflag:$0x1], $0x20, s3, s24, $0xb8;
	[tilespmem:$0xCF30] =	vst v63  }
0x34: {  	_ =	swait.ge [sflag:s23], $0x6200  }
0x35: {  	[sflag:s23] =	ssyncset.done $0x0  }
0x36: {  	[sflag:s23] =	ssyncadd.s32 $0xFFFF9E00  }
0x37: {  	[spmem:s2] =	stream.indirect.scatter.add.f32 [tilespmem:s22], [sflag:$0x1], $0x20, s3, s24, $0xb8;
	[tilespmem:$0xCF30] =	vst v63  }
0x38: {  	_ =	swait.ge [sflag:s23], $0x6200  }
0x39: {  	[sflag:s23] =	ssyncset.done $0x0  }
0x3a: {  	[sflag:s23] =	ssyncadd.s32 $0xFFFF9E00  }
0x3b: {  	[tilespmem:s3], [sflag:$0x1] =	stream.linear.gather [hbm4b:s12+s3], $0x310, $0x38;
	[tilespmem:$0xCF30] =	vst v63  }
0x3c: {  	_ =	swait.ge [sflag:s23], $0x310  }
0x3d: {  	[sflag:s23] =	ssyncset.done $0x0  }
0x3e: {  	[sflag:s23] =	ssyncadd.s32 $0xFFFFFCF0  }
0x3f: {  	[tilespmem:s24], [sflag:$0x1] =	stream.linear.gather [hbm4b:s19+s3], $0x6200, $0x38;
	[tilespmem:$0xCF30] =	vst v63  }
0x40: {  	_ =	swait.ge [sflag:s23], $0x6200  }
0x41: {  	[sflag:s23] =	ssyncset.done $0x0  }
0x42: {  	[sflag:s23] =	ssyncadd.s32 $0xFFFF9E00  }
0x43: {  	[spmem:s1] =	stream.indirect.scatter.add.f32 [tilespmem:s24], [sflag:$0x1], $0x20, s3, s24, $0xb8;
	[tilespmem:$0xCF30] =	vst v63  }
0x44: {  	_ =	swait.ge [sflag:s23], $0x6200  }
0x45: {  	[sflag:s23] =	ssyncset.done $0x0  }
0x46: {  	[sflag:s23] =	ssyncadd.s32 $0xFFFF9E00  }
0x47: {  	[spmem:s2] =	stream.indirect.scatter.add.f32 [tilespmem:s22], [sflag:$0x1], $0x20, s3, s24, $0xb8;
	[tilespmem:$0xCF30] =	vst v63  }
0x48: {  	_ =	swait.ge [sflag:s23], $0x6200  }
0x49: {  	[sflag:s23] =	ssyncset.done $0x0  }
0x4a: {  	[sflag:s23] =	ssyncadd.s32 $0xFFFF9E00  }
0x4b: {  	[tilespmem:s3], [sflag:$0x1] =	stream.linear.gather [hbm4b:s14+s3], $0x310, $0x38;
	[tilespmem:$0xCF30] =	vst v63  }
0x4c: {  	_ =	swait.ge [sflag:s23], $0x310  }
0x4d: {  	[sflag:s23] =	ssyncset.done $0x0  }
0x4e: {  	[sflag:s23] =	ssyncadd.s32 $0xFFFFFCF0  }
0x4f: {  	[tilespmem:s24], [sflag:$0x1] =	stream.linear.gather [hbm4b:s20+s3], $0x6200, $0x38;
	[tilespmem:$0xCF30] =	vst v63  }
0x50: {  	_ =	swait.ge [sflag:s23], $0x6200  }
0x51: {  	[sflag:s23] =	ssyncset.done $0x0  }
0x52: {  	[sflag:s23] =	ssyncadd.s32 $0xFFFF9E00  }
0x53: {  	[spmem:s1] =	stream.indirect.scatter.add.f32 [tilespmem:s24], [sflag:$0x1], $0x20, s3, s24, $0xb8;
	[tilespmem:$0xCF30] =	vst v63  }
0x54: {  	_ =	swait.ge [sflag:s23], $0x6200  }
0x55: {  	[sflag:s23] =	ssyncset.done $0x0  }
0x56: {  	[sflag:s23] =	ssyncadd.s32 $0xFFFF9E00  }
0x57: {  	[spmem:s2] =	stream.indirect.scatter.add.f32 [tilespmem:s22], [sflag:$0x1], $0x20, s3, s24, $0xb8;
	[tilespmem:$0xCF30] =	vst v63  }
0x58: {  	_ =	swait.ge [sflag:s23], $0x6200  }
0x59: {  	[sflag:s23] =	ssyncset.done $0x0  }
0x5a: {  	[sflag:s23] =	ssyncadd.s32 $0xFFFF9E00  }
0x5b: {  	[tilespmem:s3], [sflag:$0x1] =	stream.linear.gather [hbm4b:s16+s3], $0x310, $0x38;
	[tilespmem:$0xCF30] =	vst v63  }
0x5c: {  	_ =	swait.ge [sflag:s23], $0x310  }
0x5d: {  	[sflag:s23] =	ssyncset.done $0x0  }
0x5e: {  	[sflag:s23] =	ssyncadd.s32 $0xFFFFFCF0  }
0x5f: {  	[tilespmem:s24], [sflag:$0x1] =	stream.linear.gather [hbm4b:s21+s3], $0x6200, $0x38;
	[tilespmem:$0xCF30] =	vst v63  }
0x60: {  	_ =	swait.ge [sflag:s23], $0x6200  }
0x61: {  	[sflag:s23] =	ssyncset.done $0x0  }
0x62: {  	[sflag:s23] =	ssyncadd.s32 $0xFFFF9E00  }
0x63: {  	[spmem:s1] =	stream.indirect.scatter.add.f32 [tilespmem:s24], [sflag:$0x1], $0x20, s3, s24, $0xb8;
	[tilespmem:$0xCF30] =	vst v63  }
0x64: {  	_ =	swait.ge [sflag:s23], $0x6200  }
0x65: {  	[sflag:s23] =	ssyncset.done $0x0  }
0x66: {  	[sflag:s23] =	ssyncadd.s32 $0xFFFF9E00  }
0x67: {  	[spmem:s2] =	stream.indirect.scatter.add.f32 [tilespmem:s22], [sflag:$0x1], $0x20, s3, s24, $0xb8;
	[tilespmem:$0xCF30] =	vst v63  }
.Ltmp3:
0x68: {  	_ =	swait.ge [sflag:s23], $0x6200;
	(pc) =	sbr.rel @!p2 .LBB2_7-.Ltmp3, $3  }
0x69: {  	[sflag:s23] =	ssyncset.done $0x0  }
0x6a: {  	[sflag:s23] =	ssyncadd.s32 $0xFFFF9E00  }
0x6b: {  	[bflag:$0x0] =	sbarrier.arrive $0xFFFF;
	_ =	sdelay $0x1  }
0x6c: {  	s26 =	sshrl.u32 s1, $0x3  }
0x6d: {  	[hbm:s6], [sflag:s25] =	dma.local [spmem:s26], $0x800  }
.Ltmp4:
0x6e: {  	_ = 	snop;
	(pc) =	sbr.rel .LBB2_6-.Ltmp4, $4  }
0x6f: {  	_ =	swait.ge [sflag:s23], $0x800  }
0x70: {  	[sflag:s23] =	ssyncset.done $0x0  }
0x71: {  	s31 =	sshrl.u32 s2, $0x3;
	[sflag:s23] =	ssyncadd.s32 $0xFFFFF800  }
0x72: {  	[hbm:s8], [sflag:s25] =	dma.local [spmem:s31], $0x800  }
.LBB2_2:
0x73: {  	[tilespmem:s3], [sflag:$0x1] =	stream.linear.gather [hbm4b:s10+s3], $0x310, $0x38;
	[tilespmem:$0xCF30] =	vst v63  }
0x74: {  	_ =	swait.ge [sflag:s23], $0x310  }
0x75: {  	[sflag:s23] =	ssyncset.done $0x0  }
0x76: {  	[sflag:s23] =	ssyncadd.s32 $0xFFFFFCF0  }
0x77: {  	[tilespmem:s24], [sflag:$0x1] =	stream.linear.gather [hbm4b:s11+s3], $0x6200, $0x38;
	[tilespmem:$0xCF30] =	vst v63  }
0x78: {  	_ =	swait.ge [sflag:s23], $0x6200  }
0x79: {  	[sflag:s23] =	ssyncset.done $0x0  }
0x7a: {  	[sflag:s23] =	ssyncadd.s32 $0xFFFF9E00  }
0x7b: {  	[spmem:s1] =	stream.indirect.scatter.add.f32 [tilespmem:s24], [sflag:$0x1], $0x20, s3, s24, $0xb8;
	[tilespmem:$0xCF30] =	vst v63  }
0x7c: {  	_ =	swait.ge [sflag:s23], $0x6200  }
0x7d: {  	[sflag:s23] =	ssyncset.done $0x0  }
0x7e: {  	[sflag:s23] =	ssyncadd.s32 $0xFFFF9E00  }
0x7f: {  	[tilespmem:s3], [sflag:$0x1] =	stream.linear.gather [hbm4b:s12+s3], $0x310, $0x38;
	[tilespmem:$0xCF30] =	vst v63  }
0x80: {  	_ =	swait.ge [sflag:s23], $0x310  }
0x81: {  	[sflag:s23] =	ssyncset.done $0x0  }
0x82: {  	[sflag:s23] =	ssyncadd.s32 $0xFFFFFCF0  }
0x83: {  	[tilespmem:s24], [sflag:$0x1] =	stream.linear.gather [hbm4b:s13+s3], $0x6200, $0x38;
	[tilespmem:$0xCF30] =	vst v63  }
0x84: {  	_ =	swait.ge [sflag:s23], $0x6200  }
0x85: {  	[sflag:s23] =	ssyncset.done $0x0  }
0x86: {  	[sflag:s23] =	ssyncadd.s32 $0xFFFF9E00  }
0x87: {  	[spmem:s1] =	stream.indirect.scatter.add.f32 [tilespmem:s24], [sflag:$0x1], $0x20, s3, s24, $0xb8;
	[tilespmem:$0xCF30] =	vst v63  }
0x88: {  	_ =	swait.ge [sflag:s23], $0x6200  }
0x89: {  	[sflag:s23] =	ssyncset.done $0x0  }
0x8a: {  	[sflag:s23] =	ssyncadd.s32 $0xFFFF9E00  }
0x8b: {  	[tilespmem:s3], [sflag:$0x1] =	stream.linear.gather [hbm4b:s14+s3], $0x310, $0x38;
	[tilespmem:$0xCF30] =	vst v63  }
0x8c: {  	_ =	swait.ge [sflag:s23], $0x310  }
0x8d: {  	[sflag:s23] =	ssyncset.done $0x0  }
0x8e: {  	[sflag:s23] =	ssyncadd.s32 $0xFFFFFCF0  }
0x8f: {  	[tilespmem:s24], [sflag:$0x1] =	stream.linear.gather [hbm4b:s15+s3], $0x6200, $0x38;
	[tilespmem:$0xCF30] =	vst v63  }
0x90: {  	_ =	swait.ge [sflag:s23], $0x6200  }
0x91: {  	[sflag:s23] =	ssyncset.done $0x0  }
0x92: {  	[sflag:s23] =	ssyncadd.s32 $0xFFFF9E00  }
0x93: {  	[spmem:s1] =	stream.indirect.scatter.add.f32 [tilespmem:s24], [sflag:$0x1], $0x20, s3, s24, $0xb8;
	[tilespmem:$0xCF30] =	vst v63  }
0x94: {  	_ =	swait.ge [sflag:s23], $0x6200  }
0x95: {  	[sflag:s23] =	ssyncset.done $0x0  }
0x96: {  	[sflag:s23] =	ssyncadd.s32 $0xFFFF9E00  }
0x97: {  	[tilespmem:s3], [sflag:$0x1] =	stream.linear.gather [hbm4b:s16+s3], $0x310, $0x38;
	[tilespmem:$0xCF30] =	vst v63  }
0x98: {  	_ =	swait.ge [sflag:s23], $0x310  }
0x99: {  	[sflag:s23] =	ssyncset.done $0x0  }
0x9a: {  	[sflag:s23] =	ssyncadd.s32 $0xFFFFFCF0  }
0x9b: {  	[tilespmem:s24], [sflag:$0x1] =	stream.linear.gather [hbm4b:s17+s3], $0x6200, $0x38;
	[tilespmem:$0xCF30] =	vst v63  }
0x9c: {  	_ =	swait.ge [sflag:s23], $0x6200  }
0x9d: {  	[sflag:s23] =	ssyncset.done $0x0  }
0x9e: {  	[sflag:s23] =	ssyncadd.s32 $0xFFFF9E00  }
0x9f: {  	[spmem:s1] =	stream.indirect.scatter.add.f32 [tilespmem:s24], [sflag:$0x1], $0x20, s3, s24, $0xb8;
	[tilespmem:$0xCF30] =	vst v63  }
.Ltmp5:
0xa0: {  	_ =	swait.ge [sflag:s23], $0x6200;
	(pc) =	sbr.rel @!p2 .LBB2_7-.Ltmp5, $3  }
0xa1: {  	[sflag:s23] =	ssyncset.done $0x0  }
0xa2: {  	[sflag:s23] =	ssyncadd.s32 $0xFFFF9E00  }
0xa3: {  	[bflag:$0x0] =	sbarrier.arrive $0xFFFF;
	_ =	sdelay $0x1  }
.Ltmp6:
0xa4: {  	(pc) =	sbr.rel .LBB2_6-.Ltmp6, $3  }
0xa5: {  	_ =	sdelay $0x1  }
0xa6: {  	s26 =	sshrl.u32 s1, $0x3  }
0xa7: {  	[hbm:s7], [sflag:s25] =	dma.local [spmem:s26], $0x800  }
.LBB2_8:
0xa8: {  	_ =	sfence.sel $0x180000  }
0xa9: {  	[bflag:$0x0] =	sbarrier.arrive $0xFFFF  }
0xaa: {  	_ =	strace $0x90000053  }
0xab: {  	s0 =	sadd.s32 @!p0 $0x100000, s0;
	[bflag:$0x2] =	sbarrier.arrive $0xFFFF  }
0xac: {  	[sflag:s0] =	ssyncadd.tile.s32 @!p0 $0x1;
	_ =	shalt  }
.Lfunc_end2:
_tile_overlayer_lowered:
.L_overlay_start_2:
0xad: {  	(tag) =	ssettag $0x2  }
0xae: {  	s0 =	rddreg [dreg:$0x0];
	s2 =	stileid.u32  }
0xaf: {  	s1 =	rddreg [dreg:$0x1];
	p0 =	sne.s32 s2, $0x0  }
0xb0: {  	s3 =	rddreg [dreg:$0x2];
	[bflag:$0x3] =	sbarrier.arrive $0xFFFF;
	s2 =	simm.s32 @!p0 $0x1C01  }
0xb1: {  	[timem:s3], [sflag:s2] =	dma.local @!p0 [hbm:s0], s1  }
0xb2: {  	s0 =	simm.s32 @!p0 $0x1  }
0xb3: {  	_ =	swait.ge @!p0 [sflag:s0], s1  }
0xb4: {  	s1 =	ssub.s32 @!p0 $0x0, s1;
	[sflag:s0] =	ssyncset.done @!p0 $0x0  }
0xb5: {  	[sflag:s0] =	ssyncadd.s32 @!p0 s1  }
0xb6: {  	[bflag:$0x3] =	sbarrier.arrive $0xFFFF  }
0xb7: {  	_ =	shalt  }

</sc_bundles>
